<compile_context>
chip_gen: v7x
topology: tpu7x:2x2x1
jax: 0.10.2.dev20260603
libtpu: 0.0.44.dev20260713+nightly
codegen_flags: <defaults>
</compile_context>

<pallas_src>
import jax
import jax.numpy as jnp
from jax import lax
from jax.experimental import pallas as pl
from jax.experimental.pallas import tpu as pltpu
from jax.experimental.pallas import tpu_sc as plsc

N = 50000
E = 800000
GC = 64
HGC = GC // 2
NC, NS, LANES = 2, 16, 16
HALF = N // NC
TPT = 1568
ACC = NS * TPT
CH = 400
K = 2
EPT = E // NS
NCH = EPT // CH
NBLK = (NCH - 1) // K
DCH = 2000
DNCH = EPT // DCH
DNBLK = (DNCH - 1) // K
ROWB = 2000

_MESH = plsc.VectorSubcoreMesh(
    core_axis_name="c", subcore_axis_name="s", num_cores=NC, num_subcores=NS)


def _remap_dst(dst_v, base, ch):
    iota16 = lax.iota(jnp.int32, 16)

    def body(j, carry):
        d = dst_v[pl.ds(j * LANES, LANES)]
        t = d - base
        ok = plsc.bitcast(t, jnp.uint32) < jnp.uint32(HALF)
        dst_v[pl.ds(j * LANES, LANES)] = jnp.where(ok, t, HALF + iota16)
        return carry

    lax.fori_loop(0, ch // LANES, body, 0)


def _sc_pipeline(src_hbm, dst_hbm, ebase, base, dstv, srcv, isem,
                 ssem, fire_body, wait_fire_body, tail_body, ch, nblk):

    def fire_idx(b, q):
        off = ebase + b * (K * ch)
        for k in range(K):
            pltpu.async_copy(dst_hbm.at[pl.ds(off + k * ch, ch)], dstv[q][k],
                             isem[q])
            if srcv is not None:
                pltpu.async_copy(src_hbm.at[pl.ds(off + k * ch, ch)],
                                 srcv[q][k], isem[q])

    def wait_idx(b, q):
        off = ebase + b * (K * ch)
        for k in range(K):
            pltpu.make_async_copy(dst_hbm.at[pl.ds(off + k * ch, ch)],
                                  dstv[q][k], isem[q]).wait()
            if srcv is not None:
                pltpu.make_async_copy(src_hbm.at[pl.ds(off + k * ch, ch)],
                                      srcv[q][k], isem[q]).wait()

    def drain_scatters(q):
        for k in range(K):
            ssem[q][k].wait()

    def block(b, q, drain_prev, prefetch_next):
        wait_idx(b, q)
        for k in range(K):
            _remap_dst(dstv[q][k], base, ch)
        for k in range(K):
            fire_body(q, k)
        if drain_prev:
            drain_scatters(1 - q)
        if prefetch_next:
            fire_idx(b + 1, 1 - q)
        for k in range(K):
            wait_fire_body(q, k)

    assert nblk % 2 == 0
    fire_idx(0, 0)
    block(0, 0, drain_prev=False, prefetch_next=True)
    block(1, 1, drain_prev=True, prefetch_next=True)

    def steady(i2, carry):
        b = 2 + 2 * i2
        block(b, 0, drain_prev=True, prefetch_next=True)
        block(b + 1, 1, drain_prev=True, prefetch_next=True)
        return carry

    lax.fori_loop(0, (nblk - 4) // 2, steady, 0)
    block(nblk - 2, 0, drain_prev=True, prefetch_next=True)
    block(nblk - 1, 1, drain_prev=True, prefetch_next=False)
    drain_scatters(1)
    tail_body()


def _sc_deg_body(dst_hbm, zdeg_hbm, deg_out, *refs):
    it = iter(refs)
    dstv = [[next(it) for _ in range(K)] for _ in range(2)]
    ones_v = next(it)
    stage_v = next(it)
    deg_sp = next(it)
    isem = [next(it) for _ in range(2)]
    ssem = [[next(it) for _ in range(K)] for _ in range(2)]

    c = lax.axis_index("c")
    s = lax.axis_index("s")
    base = c * HALF
    ebase = s * EPT

    def ones_body(j, carry):
        ones_v[pl.ds(j * LANES, LANES)] = jnp.ones((LANES,), jnp.float32)
        return carry

    lax.fori_loop(0, DCH // LANES, ones_body, 0)
    pltpu.sync_copy(zdeg_hbm, stage_v)
    pltpu.sync_copy(stage_v, deg_sp.at[pl.ds(s * TPT, TPT)])
    plsc.subcore_barrier()

    def fire_body(q, k):
        pass

    def wait_fire_body(q, k):
        pltpu.async_copy(ones_v, deg_sp.at[dstv[q][k]], ssem[q][k], add=True)

    def tail_body():
        off = ebase + (DNCH - 1) * DCH
        pltpu.sync_copy(dst_hbm.at[pl.ds(off, DCH)], dstv[1][0])
        _remap_dst(dstv[1][0], base, DCH)
        pltpu.sync_copy(ones_v, deg_sp.at[dstv[1][0]], add=True)

    class _SemWrap:
        def __init__(self, sem, src, dst):
            self._sem, self._src, self._dst = sem, src, dst

        def wait(self):
            pltpu.make_async_copy(self._src, self._dst, self._sem).wait()

    wsem = [[_SemWrap(ssem[q][k], ones_v, deg_sp.at[dstv[q][k]])
             for k in range(K)] for q in range(2)]

    _sc_pipeline(None, dst_hbm, ebase, base, dstv, None, isem, wsem,
                 fire_body, wait_fire_body, tail_body, DCH, DNBLK)

    plsc.subcore_barrier()
    pltpu.sync_copy(deg_sp.at[pl.ds(s * TPT, TPT)], stage_v)
    pltpu.sync_copy(stage_v, deg_out.at[c, s])


_sc_deg = pl.kernel(
    _sc_deg_body,
    out_type=jax.ShapeDtypeStruct((NC, NS, TPT), jnp.float32),
    mesh=_MESH,
    scratch_types=(
        [pltpu.VMEM((DCH,), jnp.int32) for _ in range(2 * K)] +
        [pltpu.VMEM((DCH,), jnp.float32),
         pltpu.VMEM((TPT,), jnp.float32),
         pltpu.VMEM_SHARED((ACC,), jnp.float32)] +
        [pltpu.SemaphoreType.DMA for _ in range(2 + 2 * K)]
    ),
    compiler_params=pltpu.CompilerParams(use_tc_tiling_on_sc=False),
)


def _sc_scatter_body(src_hbm, dst_hbm, ya_hbm, yb_hbm, zrows_hbm, out2a,
                     out2b, *refs):
    it = iter(refs)
    dstv = [[next(it) for _ in range(K)] for _ in range(2)]
    srcv = [[next(it) for _ in range(K)] for _ in range(2)]
    rowsv = [[next(it) for _ in range(K)] for _ in range(2)]
    stage_v = next(it)
    acc_sp = next(it)
    isem = [next(it) for _ in range(2)]
    gsem = [[next(it) for _ in range(K)] for _ in range(2)]
    ssem = [[next(it) for _ in range(K)] for _ in range(2)]

    c = lax.axis_index("c")
    s = lax.axis_index("s")
    base = c * HALF
    ebase = s * EPT
    Q4 = TPT // 4

    class _SemWrap:
        def __init__(self, sem, src, dst):
            self._sem, self._src, self._dst = sem, src, dst

        def wait(self):
            pltpu.make_async_copy(self._src, self._dst, self._sem).wait()

    for y_hbm, out2 in ((ya_hbm, out2a), (yb_hbm, out2b)):
        for q in range(4):
            pltpu.sync_copy(zrows_hbm.at[pl.ds(q * Q4, Q4), :], stage_v)
            pltpu.sync_copy(
                stage_v,
                acc_sp.at[pl.ds(s * TPT + q * Q4, Q4), :])
        plsc.subcore_barrier()

        def fire_body(q, k):
            pltpu.async_copy(y_hbm.at[srcv[q][k]], rowsv[q][k], gsem[q][k])

        def wait_fire_body(q, k):
            pltpu.make_async_copy(y_hbm.at[srcv[q][k]], rowsv[q][k],
                                  gsem[q][k]).wait()
            pltpu.async_copy(rowsv[q][k], acc_sp.at[dstv[q][k]], ssem[q][k],
                             add=True)

        def tail_body():
            off = ebase + (NCH - 1) * CH
            pltpu.sync_copy(dst_hbm.at[pl.ds(off, CH)], dstv[1][0])
            pltpu.sync_copy(src_hbm.at[pl.ds(off, CH)], srcv[1][0])
            _remap_dst(dstv[1][0], base, CH)
            pltpu.sync_copy(y_hbm.at[srcv[1][0]], rowsv[1][0])
            pltpu.sync_copy(rowsv[1][0], acc_sp.at[dstv[1][0]], add=True)

        wsem = [[_SemWrap(ssem[q][k], rowsv[q][k], acc_sp.at[dstv[q][k]])
                 for k in range(K)] for q in range(2)]

        _sc_pipeline(src_hbm, dst_hbm, ebase, base, dstv, srcv, isem, wsem,
                     fire_body, wait_fire_body, tail_body, CH, NBLK)

        plsc.subcore_barrier()
        for q in range(4):
            pltpu.sync_copy(
                acc_sp.at[pl.ds(s * TPT + q * Q4, Q4), :],
                stage_v)
            pltpu.sync_copy(stage_v, out2.at[c, s, pl.ds(q * Q4, Q4), :])
        plsc.subcore_barrier()


_sc_scatter = pl.kernel(
    _sc_scatter_body,
    out_type=[
        jax.ShapeDtypeStruct((NC, NS, TPT, HGC), jnp.float32),
        jax.ShapeDtypeStruct((NC, NS, TPT, HGC), jnp.float32),
    ],
    mesh=_MESH,
    scratch_types=(
        [pltpu.VMEM((CH,), jnp.int32) for _ in range(2 * K)] +
        [pltpu.VMEM((CH,), jnp.int32) for _ in range(2 * K)] +
        [pltpu.VMEM((CH, HGC), jnp.float32) for _ in range(2 * K)] +
        [pltpu.VMEM((TPT // 4, HGC), jnp.float32),
         pltpu.VMEM_SHARED((ACC, HGC), jnp.float32)] +
        [pltpu.SemaphoreType.DMA for _ in range(2 + 4 * K)]
    ),
    compiler_params=pltpu.CompilerParams(use_tc_tiling_on_sc=False),
)


def _dot_t(a, w):
    return lax.dot_general(a, w, (((1,), (1,)), ((), ())),
                           preferred_element_type=jnp.float32)


def _tc1a_body(feats, W1, b1, W2, b2, Wgc, nf_out, xw_out):
    t1 = _dot_t(feats[...], W1[...]) + b1[...]
    nf = _dot_t(t1, W2[...]) + b2[...]
    nf_out[...] = nf
    xw_out[...] = _dot_t(nf, Wgc[...])


def _tc1b_body(xw, deg, y_out):
    y_out[...] = xw[...] * lax.rsqrt(deg[...] + 1.0)


def _tc2_body(nf, y, out2, deg, Wc1, Wc2, bc, bgc, out):
    dinv = lax.rsqrt(deg[...] + 1.0)
    gc = dinv * (out2[...] + y[...]) + bgc[...]
    out[...] = _dot_t(nf[...], Wc1[...]) + _dot_t(gc, Wc2[...]) + bc[...]


def _row_spec(cols):
    return pl.BlockSpec((ROWB, cols), lambda i: (i, 0))


def _full_spec(r, c):
    return pl.BlockSpec((r, c), lambda i: (0, 0))


_GRID = N // ROWB

_tc1a = pl.pallas_call(
    _tc1a_body,
    grid=(_GRID,),
    in_specs=[
        _row_spec(128),
        _full_spec(128, 128), _full_spec(1, 128),
        _full_spec(64, 128), _full_spec(1, 64),
        _full_spec(64, 64),
    ],
    out_specs=[_row_spec(GC), _row_spec(GC)],
    out_shape=[
        jax.ShapeDtypeStruct((N, GC), jnp.float32),
        jax.ShapeDtypeStruct((N, GC), jnp.float32),
    ],
    compiler_params=pltpu.CompilerParams(
        dimension_semantics=("arbitrary",)),
)

_tc1b = pl.pallas_call(
    _tc1b_body,
    grid=(_GRID,),
    in_specs=[_row_spec(GC), _row_spec(1)],
    out_specs=[_row_spec(GC)],
    out_shape=[jax.ShapeDtypeStruct((N, GC), jnp.float32)],
    compiler_params=pltpu.CompilerParams(
        dimension_semantics=("arbitrary",)),
)

_tc2 = pl.pallas_call(
    _tc2_body,
    grid=(_GRID,),
    in_specs=[
        _row_spec(GC), _row_spec(GC), _row_spec(GC), _row_spec(1),
        _full_spec(128, 64), _full_spec(128, 64),
        _full_spec(1, 128), _full_spec(1, 64),
    ],
    out_specs=[_row_spec(128)],
    out_shape=[jax.ShapeDtypeStruct((N, 128), jnp.float32)],
    compiler_params=pltpu.CompilerParams(
        dimension_semantics=("arbitrary",)),
)


@jax.jit
def kernel(feats, edges, batch, W1, b1, W2, b2, Wgc, bgc, Wc, bc):
    src = edges[0]
    dst = edges[1]
    zdeg = jnp.zeros((TPT,), jnp.float32)
    zrows = jnp.zeros((TPT, HGC), jnp.float32)

    deg_raw = _sc_deg(dst, zdeg)
    deg = jnp.concatenate([
        deg_raw[0].reshape(ACC)[:HALF],
        deg_raw[1].reshape(ACC)[:HALF],
    ]).reshape(N, 1)

    nf, xw = _tc1a(feats, W1, b1.reshape(1, -1), W2, b2.reshape(1, -1), Wgc)
    y, = _tc1b(xw, deg)

    out2a_raw, out2b_raw = _sc_scatter(src, dst, y[:, :HGC], y[:, HGC:],
                                       zrows)
    out2 = jnp.concatenate([
        jnp.concatenate([out2a_raw[i].reshape(ACC, HGC)[:HALF],
                         out2b_raw[i].reshape(ACC, HGC)[:HALF]], axis=1)
        for i in range(NC)
    ], axis=0)

    comb, = _tc2(nf, y, out2, deg, Wc[:, :GC], Wc[:, GC:],
                 bc.reshape(1, -1), bgc.reshape(1, -1))
    return (comb, edges, batch)

# --- scband reference (transcript-rebuilt; emitter-appended) ---
"""Pipeline reference for scband-chem-gclayer-61907658604753 (READ-ONLY COPY).

The authoritative reference and input builder live on the scoring server;
editing this copy changes nothing except your own understanding.
"""

import jax, jax.numpy as jnp
import numpy as np

N = 50000
E = 800000
D_IN = 128
H = 64
GC_OUT = 64
F_OUT = 128


def _gcn_conv(x, edge_index, Wgc, bgc):
    # PyG GCNConv: x' = W x, add self-loops, symmetric normalization, scatter-add
    n = x.shape[0]
    xw = x @ Wgc.T
    loop = jnp.arange(n, dtype=edge_index.dtype)
    src = jnp.concatenate([edge_index[0], loop])
    dst = jnp.concatenate([edge_index[1], loop])
    deg = jnp.zeros((n,), dtype=x.dtype).at[dst].add(1.0)
    dinv = jnp.where(deg > 0, jax.lax.rsqrt(deg), 0.0)
    norm = dinv[src] * dinv[dst]
    msg = xw[src] * norm[:, None]
    out = jnp.zeros((n, xw.shape[1]), dtype=x.dtype).at[dst].add(msg)
    return out + bgc


def setup_inputs(seed: int = 0):
    key = jax.random.key(seed)
    ks = jax.random.split(key, 12)
    feats = jax.random.normal(ks[0], (N, D_IN), dtype=jnp.float32)
    edges = jax.random.randint(ks[1], (2, E), 0, N, dtype=jnp.int32)
    batch = jnp.sort(jax.random.randint(ks[2], (N,), 0, 1024, dtype=jnp.int32))
    W1 = jax.random.normal(ks[3], (128, D_IN), dtype=jnp.float32) * 0.05
    b1 = jax.random.normal(ks[4], (128,), dtype=jnp.float32) * 0.05
    W2 = jax.random.normal(ks[5], (H, 128), dtype=jnp.float32) * 0.05
    b2 = jax.random.normal(ks[6], (H,), dtype=jnp.float32) * 0.05
    Wgc = jax.random.normal(ks[7], (GC_OUT, H), dtype=jnp.float32) * 0.05
    bgc = jax.random.normal(ks[8], (GC_OUT,), dtype=jnp.float32) * 0.05
    Wc = jax.random.normal(ks[9], (F_OUT, H + GC_OUT), dtype=jnp.float32) * 0.05
    bc = jax.random.normal(ks[10], (F_OUT,), dtype=jnp.float32) * 0.05
    return {"feats": feats, "edges": edges, "batch": batch,
            "W1": W1, "b1": b1, "W2": W2, "b2": b2,
            "Wgc": Wgc, "bgc": bgc, "Wc": Wc, "bc": bc}


def reference(feats, edges, batch, W1, b1, W2, b2, Wgc, bgc, Wc, bc):
    # fcnn: Linear(128->128) then Linear(128->64), no activation
    nfeats = feats @ W1.T + b1
    nfeats = nfeats @ W2.T + b2
    gc_feats = _gcn_conv(nfeats, edges, Wgc, bgc)
    combined = jnp.concatenate([nfeats, gc_feats], axis=1) @ Wc.T + bc
    return (combined, edges, batch)

if __name__ == "__main__":
    import jax
    _d = setup_inputs()
    print(jax.jit(kernel)(*tuple(_d.values())))

</pallas_src>

<mosaic_0001>
#map = affine_map<(d0, d1) -> (0)>
#map1 = affine_map<(d0, d1) -> (0, 0)>
#map2 = affine_map<(d0, d1) -> (0, 0, 0, 0)>
module attributes {stable_mosaic.version = 14 : i64} {
  func.func @_sc_scatter_body(%arg0: i32, %arg1: i32, %arg2: memref<800000xi32, #tpu.memory_space<hbm>>, %arg3: memref<800000xi32, #tpu.memory_space<hbm>>, %arg4: memref<50000x32xf32, #tpu.memory_space<hbm>>, %arg5: memref<50000x32xf32, #tpu.memory_space<hbm>>, %arg6: memref<1568x32xf32, #tpu.memory_space<hbm>>, %arg7: memref<2x16x1568x32xf32, #tpu.memory_space<hbm>>, %arg8: memref<2x16x1568x32xf32, #tpu.memory_space<hbm>>, %arg9: memref<400xi32, #tpu.memory_space<vmem>>, %arg10: memref<400xi32, #tpu.memory_space<vmem>>, %arg11: memref<400xi32, #tpu.memory_space<vmem>>, %arg12: memref<400xi32, #tpu.memory_space<vmem>>, %arg13: memref<400xi32, #tpu.memory_space<vmem>>, %arg14: memref<400xi32, #tpu.memory_space<vmem>>, %arg15: memref<400xi32, #tpu.memory_space<vmem>>, %arg16: memref<400xi32, #tpu.memory_space<vmem>>, %arg17: memref<400x32xf32, #tpu.memory_space<vmem>>, %arg18: memref<400x32xf32, #tpu.memory_space<vmem>>, %arg19: memref<400x32xf32, #tpu.memory_space<vmem>>, %arg20: memref<400x32xf32, #tpu.memory_space<vmem>>, %arg21: memref<392x32xf32, #tpu.memory_space<vmem>>, %arg22: memref<25088x32xf32, #tpu.memory_space<vmem_shared>>, %arg23: memref<!tpu.dma_semaphore, #tpu.memory_space<semaphore_mem>>, %arg24: memref<!tpu.dma_semaphore, #tpu.memory_space<semaphore_mem>>, %arg25: memref<!tpu.dma_semaphore, #tpu.memory_space<semaphore_mem>>, %arg26: memref<!tpu.dma_semaphore, #tpu.memory_space<semaphore_mem>>, %arg27: memref<!tpu.dma_semaphore, #tpu.memory_space<semaphore_mem>>, %arg28: memref<!tpu.dma_semaphore, #tpu.memory_space<semaphore_mem>>, %arg29: memref<!tpu.dma_semaphore, #tpu.memory_space<semaphore_mem>>, %arg30: memref<!tpu.dma_semaphore, #tpu.memory_space<semaphore_mem>>, %arg31: memref<!tpu.dma_semaphore, #tpu.memory_space<semaphore_mem>>, %arg32: memref<!tpu.dma_semaphore, #tpu.memory_space<semaphore_mem>>) attributes {dimension_semantics = [#tpu.dimension_semantics<core_parallel>, #tpu.dimension_semantics<subcore_parallel>], iteration_bounds = array<i64: 2, 16>, scalar_prefetch = 0 : i64, scratch_operands = 24 : i64, tpu.core_type = #tpu.core_type<sc_vector_subcore>, window_params = [{transform_indices = #map}, {transform_indices = #map}, {transform_indices = #map1}, {transform_indices = #map1}, {transform_indices = #map1}, {transform_indices = #map2}, {transform_indices = #map2}]} {
    %mul3A = arith.constant 25000 : i32
    %mul3A_0 = arith.muli %arg0, %mul3A : i32
    %mul3A_1 = arith.constant 50000 : i32
    %mul3A_2 = arith.muli %arg1, %mul3A_1 : i32
    "tpu.region"() ({
      %run_scoped3A = tpu.sem_alloc : memref<!tpu.dma_semaphore, #tpu.memory_space<semaphore_mem>>
      %dma_start3A_689 = arith.constant 0 : i32
      %dma_start3A_690 = arith.constant 0 : i32
      %dma_start3A_691 = tpu.memref_slice %arg6[%dma_start3A_689, %dma_start3A_690] : memref<1568x32xf32, #tpu.memory_space<hbm>> -> memref<392x32xf32, #tpu.memory_space<hbm>>
      %dma_start3A_692 = arith.constant 0 : i32
      %dma_start3A_693 = arith.constant 0 : i32
      %dma_start3A_694 = tpu.memref_slice %arg6[%dma_start3A_692, %dma_start3A_693] : memref<1568x32xf32, #tpu.memory_space<hbm>> -> memref<392x32xf32, #tpu.memory_space<hbm>>
      tpu.enqueue_dma source(%dma_start3A_694 : memref<392x32xf32, #tpu.memory_space<hbm>>) target(%arg21 : memref<392x32xf32, #tpu.memory_space<vmem>>) target_semaphore(%run_scoped3A : memref<!tpu.dma_semaphore, #tpu.memory_space<semaphore_mem>>)
      %dma_wait3A_695 = arith.constant 0 : i32
      %dma_wait3A_696 = arith.constant 0 : i32
      %dma_wait3A_697 = tpu.memref_slice %arg6[%dma_wait3A_695, %dma_wait3A_696] : memref<1568x32xf32, #tpu.memory_space<hbm>> -> memref<392x32xf32, #tpu.memory_space<hbm>>
      %dma_wait3A_698 = arith.constant 0 : i32
      %dma_wait3A_699 = arith.constant 0 : i32
      %dma_wait3A_700 = tpu.memref_slice %arg6[%dma_wait3A_698, %dma_wait3A_699] : memref<1568x32xf32, #tpu.memory_space<hbm>> -> memref<392x32xf32, #tpu.memory_space<hbm>>
      tpu.wait_dma2 semaphore(%run_scoped3A : memref<!tpu.dma_semaphore, #tpu.memory_space<semaphore_mem>>) src(%dma_wait3A_700 : memref<392x32xf32, #tpu.memory_space<hbm>>) dst(%arg21 : memref<392x32xf32, #tpu.memory_space<vmem>>)
      tpu.yield
    }) : () -> ()
    %mul3A_3 = arith.constant 1568 : i32
    %mul3A_4 = arith.muli %arg1, %mul3A_3 : i32
    %add3A = arith.constant 0 : i32
    %add3A_5 = arith.addi %mul3A_4, %add3A : i32
    "tpu.region"() ({
      %run_scoped3A = tpu.sem_alloc : memref<!tpu.dma_semaphore, #tpu.memory_space<semaphore_mem>>
      %dma_start3A_689 = arith.constant 0 : i32
      %dma_start3A_690 = tpu.memref_slice %arg22[%add3A_5, %dma_start3A_689] : memref<25088x32xf32, #tpu.memory_space<vmem_shared>> -> memref<392x32xf32, #tpu.memory_space<vmem_shared>>
      %dma_start3A_691 = arith.constant 0 : i32
      %dma_start3A_692 = tpu.memref_slice %arg22[%add3A_5, %dma_start3A_691] : memref<25088x32xf32, #tpu.memory_space<vmem_shared>> -> memref<392x32xf32, #tpu.memory_space<vmem_shared>>
      tpu.enqueue_dma source(%arg21 : memref<392x32xf32, #tpu.memory_space<vmem>>) target(%dma_start3A_692 : memref<392x32xf32, #tpu.memory_space<vmem_shared>>) target_semaphore(%run_scoped3A : memref<!tpu.dma_semaphore, #tpu.memory_space<semaphore_mem>>)
      %dma_wait3A_693 = arith.constant 0 : i32
      %dma_wait3A_694 = tpu.memref_slice %arg22[%add3A_5, %dma_wait3A_693] : memref<25088x32xf32, #tpu.memory_space<vmem_shared>> -> memref<392x32xf32, #tpu.memory_space<vmem_shared>>
      %dma_wait3A_695 = arith.constant 0 : i32
      %dma_wait3A_696 = tpu.memref_slice %arg22[%add3A_5, %dma_wait3A_695] : memref<25088x32xf32, #tpu.memory_space<vmem_shared>> -> memref<392x32xf32, #tpu.memory_space<vmem_shared>>
      tpu.wait_dma2 semaphore(%run_scoped3A : memref<!tpu.dma_semaphore, #tpu.memory_space<semaphore_mem>>) src(%arg21 : memref<392x32xf32, #tpu.memory_space<vmem>>) dst(%dma_wait3A_696 : memref<392x32xf32, #tpu.memory_space<vmem_shared>>)
      tpu.yield
    }) : () -> ()
    "tpu.region"() ({
      %run_scoped3A = tpu.sem_alloc : memref<!tpu.dma_semaphore, #tpu.memory_space<semaphore_mem>>
      %dma_start3A_689 = arith.constant 392 : i32
      %dma_start3A_690 = arith.constant 0 : i32
      %dma_start3A_691 = tpu.memref_slice %arg6[%dma_start3A_689, %dma_start3A_690] : memref<1568x32xf32, #tpu.memory_space<hbm>> -> memref<392x32xf32, #tpu.memory_space<hbm>>
      %dma_start3A_692 = arith.constant 392 : i32
      %dma_start3A_693 = arith.constant 0 : i32
      %dma_start3A_694 = tpu.memref_slice %arg6[%dma_start3A_692, %dma_start3A_693] : memref<1568x32xf32, #tpu.memory_space<hbm>> -> memref<392x32xf32, #tpu.memory_space<hbm>>
      tpu.enqueue_dma source(%dma_start3A_694 : memref<392x32xf32, #tpu.memory_space<hbm>>) target(%arg21 : memref<392x32xf32, #tpu.memory_space<vmem>>) target_semaphore(%run_scoped3A : memref<!tpu.dma_semaphore, #tpu.memory_space<semaphore_mem>>)
      %dma_wait3A_695 = arith.constant 392 : i32
      %dma_wait3A_696 = arith.constant 0 : i32
      %dma_wait3A_697 = tpu.memref_slice %arg6[%dma_wait3A_695, %dma_wait3A_696] : memref<1568x32xf32, #tpu.memory_space<hbm>> -> memref<392x32xf32, #tpu.memory_space<hbm>>
      %dma_wait3A_698 = arith.constant 392 : i32
      %dma_wait3A_699 = arith.constant 0 : i32
      %dma_wait3A_700 = tpu.memref_slice %arg6[%dma_wait3A_698, %dma_wait3A_699] : memref<1568x32xf32, #tpu.memory_space<hbm>> -> memref<392x32xf32, #tpu.memory_space<hbm>>
      tpu.wait_dma2 semaphore(%run_scoped3A : memref<!tpu.dma_semaphore, #tpu.memory_space<semaphore_mem>>) src(%dma_wait3A_700 : memref<392x32xf32, #tpu.memory_space<hbm>>) dst(%arg21 : memref<392x32xf32, #tpu.memory_space<vmem>>)
      tpu.yield
    }) : () -> ()
    %mul3A_6 = arith.constant 1568 : i32
    %mul3A_7 = arith.muli %arg1, %mul3A_6 : i32
    %add3A_8 = arith.constant 392 : i32
    %add3A_9 = arith.addi %mul3A_7, %add3A_8 : i32
    "tpu.region"() ({
      %run_scoped3A = tpu.sem_alloc : memref<!tpu.dma_semaphore, #tpu.memory_space<semaphore_mem>>
      %dma_start3A_689 = arith.constant 0 : i32
      %dma_start3A_690 = tpu.memref_slice %arg22[%add3A_9, %dma_start3A_689] : memref<25088x32xf32, #tpu.memory_space<vmem_shared>> -> memref<392x32xf32, #tpu.memory_space<vmem_shared>>
      %dma_start3A_691 = arith.constant 0 : i32
      %dma_start3A_692 = tpu.memref_slice %arg22[%add3A_9, %dma_start3A_691] : memref<25088x32xf32, #tpu.memory_space<vmem_shared>> -> memref<392x32xf32, #tpu.memory_space<vmem_shared>>
      tpu.enqueue_dma source(%arg21 : memref<392x32xf32, #tpu.memory_space<vmem>>) target(%dma_start3A_692 : memref<392x32xf32, #tpu.memory_space<vmem_shared>>) target_semaphore(%run_scoped3A : memref<!tpu.dma_semaphore, #tpu.memory_space<semaphore_mem>>)
      %dma_wait3A_693 = arith.constant 0 : i32
      %dma_wait3A_694 = tpu.memref_slice %arg22[%add3A_9, %dma_wait3A_693] : memref<25088x32xf32, #tpu.memory_space<vmem_shared>> -> memref<392x32xf32, #tpu.memory_space<vmem_shared>>
      %dma_wait3A_695 = arith.constant 0 : i32
      %dma_wait3A_696 = tpu.memref_slice %arg22[%add3A_9, %dma_wait3A_695] : memref<25088x32xf32, #tpu.memory_space<vmem_shared>> -> memref<392x32xf32, #tpu.memory_space<vmem_shared>>
      tpu.wait_dma2 semaphore(%run_scoped3A : memref<!tpu.dma_semaphore, #tpu.memory_space<semaphore_mem>>) src(%arg21 : memref<392x32xf32, #tpu.memory_space<vmem>>) dst(%dma_wait3A_696 : memref<392x32xf32, #tpu.memory_space<vmem_shared>>)
      tpu.yield
    }) : () -> ()
    "tpu.region"() ({
      %run_scoped3A = tpu.sem_alloc : memref<!tpu.dma_semaphore, #tpu.memory_space<semaphore_mem>>
      %dma_start3A_689 = arith.constant 784 : i32
      %dma_start3A_690 = arith.constant 0 : i32
      %dma_start3A_691 = tpu.memref_slice %arg6[%dma_start3A_689, %dma_start3A_690] : memref<1568x32xf32, #tpu.memory_space<hbm>> -> memref<392x32xf32, #tpu.memory_space<hbm>>
      %dma_start3A_692 = arith.constant 784 : i32
      %dma_start3A_693 = arith.constant 0 : i32
      %dma_start3A_694 = tpu.memref_slice %arg6[%dma_start3A_692, %dma_start3A_693] : memref<1568x32xf32, #tpu.memory_space<hbm>> -> memref<392x32xf32, #tpu.memory_space<hbm>>
      tpu.enqueue_dma source(%dma_start3A_694 : memref<392x32xf32, #tpu.memory_space<hbm>>) target(%arg21 : memref<392x32xf32, #tpu.memory_space<vmem>>) target_semaphore(%run_scoped3A : memref<!tpu.dma_semaphore, #tpu.memory_space<semaphore_mem>>)
      %dma_wait3A_695 = arith.constant 784 : i32
      %dma_wait3A_696 = arith.constant 0 : i32
      %dma_wait3A_697 = tpu.memref_slice %arg6[%dma_wait3A_695, %dma_wait3A_696] : memref<1568x32xf32, #tpu.memory_space<hbm>> -> memref<392x32xf32, #tpu.memory_space<hbm>>
      %dma_wait3A_698 = arith.constant 784 : i32
      %dma_wait3A_699 = arith.constant 0 : i32
      %dma_wait3A_700 = tpu.memref_slice %arg6[%dma_wait3A_698, %dma_wait3A_699] : memref<1568x32xf32, #tpu.memory_space<hbm>> -> memref<392x32xf32, #tpu.memory_space<hbm>>
      tpu.wait_dma2 semaphore(%run_scoped3A : memref<!tpu.dma_semaphore, #tpu.memory_space<semaphore_mem>>) src(%dma_wait3A_700 : memref<392x32xf32, #tpu.memory_space<hbm>>) dst(%arg21 : memref<392x32xf32, #tpu.memory_space<vmem>>)
      tpu.yield
    }) : () -> ()
    %mul3A_10 = arith.constant 1568 : i32
    %mul3A_11 = arith.muli %arg1, %mul3A_10 : i32
    %add3A_12 = arith.constant 784 : i32
    %add3A_13 = arith.addi %mul3A_11, %add3A_12 : i32
    "tpu.region"() ({
      %run_scoped3A = tpu.sem_alloc : memref<!tpu.dma_semaphore, #tpu.memory_space<semaphore_mem>>
      %dma_start3A_689 = arith.constant 0 : i32
      %dma_start3A_690 = tpu.memref_slice %arg22[%add3A_13, %dma_start3A_689] : memref<25088x32xf32, #tpu.memory_space<vmem_shared>> -> memref<392x32xf32, #tpu.memory_space<vmem_shared>>
      %dma_start3A_691 = arith.constant 0 : i32
      %dma_start3A_692 = tpu.memref_slice %arg22[%add3A_13, %dma_start3A_691] : memref<25088x32xf32, #tpu.memory_space<vmem_shared>> -> memref<392x32xf32, #tpu.memory_space<vmem_shared>>
      tpu.enqueue_dma source(%arg21 : memref<392x32xf32, #tpu.memory_space<vmem>>) target(%dma_start3A_692 : memref<392x32xf32, #tpu.memory_space<vmem_shared>>) target_semaphore(%run_scoped3A : memref<!tpu.dma_semaphore, #tpu.memory_space<semaphore_mem>>)
      %dma_wait3A_693 = arith.constant 0 : i32
      %dma_wait3A_694 = tpu.memref_slice %arg22[%add3A_13, %dma_wait3A_693] : memref<25088x32xf32, #tpu.memory_space<vmem_shared>> -> memref<392x32xf32, #tpu.memory_space<vmem_shared>>
      %dma_wait3A_695 = arith.constant 0 : i32
      %dma_wait3A_696 = tpu.memref_slice %arg22[%add3A_13, %dma_wait3A_695] : memref<25088x32xf32, #tpu.memory_space<vmem_shared>> -> memref<392x32xf32, #tpu.memory_space<vmem_shared>>
      tpu.wait_dma2 semaphore(%run_scoped3A : memref<!tpu.dma_semaphore, #tpu.memory_space<semaphore_mem>>) src(%arg21 : memref<392x32xf32, #tpu.memory_space<vmem>>) dst(%dma_wait3A_696 : memref<392x32xf32, #tpu.memory_space<vmem_shared>>)
      tpu.yield
    }) : () -> ()
    "tpu.region"() ({
      %run_scoped3A = tpu.sem_alloc : memref<!tpu.dma_semaphore, #tpu.memory_space<semaphore_mem>>
      %dma_start3A_689 = arith.constant 1176 : i32
      %dma_start3A_690 = arith.constant 0 : i32
      %dma_start3A_691 = tpu.memref_slice %arg6[%dma_start3A_689, %dma_start3A_690] : memref<1568x32xf32, #tpu.memory_space<hbm>> -> memref<392x32xf32, #tpu.memory_space<hbm>>
      %dma_start3A_692 = arith.constant 1176 : i32
      %dma_start3A_693 = arith.constant 0 : i32
      %dma_start3A_694 = tpu.memref_slice %arg6[%dma_start3A_692, %dma_start3A_693] : memref<1568x32xf32, #tpu.memory_space<hbm>> -> memref<392x32xf32, #tpu.memory_space<hbm>>
      tpu.enqueue_dma source(%dma_start3A_694 : memref<392x32xf32, #tpu.memory_space<hbm>>) target(%arg21 : memref<392x32xf32, #tpu.memory_space<vmem>>) target_semaphore(%run_scoped3A : memref<!tpu.dma_semaphore, #tpu.memory_space<semaphore_mem>>)
      %dma_wait3A_695 = arith.constant 1176 : i32
      %dma_wait3A_696 = arith.constant 0 : i32
      %dma_wait3A_697 = tpu.memref_slice %arg6[%dma_wait3A_695, %dma_wait3A_696] : memref<1568x32xf32, #tpu.memory_space<hbm>> -> memref<392x32xf32, #tpu.memory_space<hbm>>
      %dma_wait3A_698 = arith.constant 1176 : i32
      %dma_wait3A_699 = arith.constant 0 : i32
      %dma_wait3A_700 = tpu.memref_slice %arg6[%dma_wait3A_698, %dma_wait3A_699] : memref<1568x32xf32, #tpu.memory_space<hbm>> -> memref<392x32xf32, #tpu.memory_space<hbm>>
      tpu.wait_dma2 semaphore(%run_scoped3A : memref<!tpu.dma_semaphore, #tpu.memory_space<semaphore_mem>>) src(%dma_wait3A_700 : memref<392x32xf32, #tpu.memory_space<hbm>>) dst(%arg21 : memref<392x32xf32, #tpu.memory_space<vmem>>)
      tpu.yield
    }) : () -> ()
    %mul3A_14 = arith.constant 1568 : i32
    %mul3A_15 = arith.muli %arg1, %mul3A_14 : i32
    %add3A_16 = arith.constant 1176 : i32
    %add3A_17 = arith.addi %mul3A_15, %add3A_16 : i32
    "tpu.region"() ({
      %run_scoped3A = tpu.sem_alloc : memref<!tpu.dma_semaphore, #tpu.memory_space<semaphore_mem>>
      %dma_start3A_689 = arith.constant 0 : i32
      %dma_start3A_690 = tpu.memref_slice %arg22[%add3A_17, %dma_start3A_689] : memref<25088x32xf32, #tpu.memory_space<vmem_shared>> -> memref<392x32xf32, #tpu.memory_space<vmem_shared>>
      %dma_start3A_691 = arith.constant 0 : i32
      %dma_start3A_692 = tpu.memref_slice %arg22[%add3A_17, %dma_start3A_691] : memref<25088x32xf32, #tpu.memory_space<vmem_shared>> -> memref<392x32xf32, #tpu.memory_space<vmem_shared>>
      tpu.enqueue_dma source(%arg21 : memref<392x32xf32, #tpu.memory_space<vmem>>) target(%dma_start3A_692 : memref<392x32xf32, #tpu.memory_space<vmem_shared>>) target_semaphore(%run_scoped3A : memref<!tpu.dma_semaphore, #tpu.memory_space<semaphore_mem>>)
      %dma_wait3A_693 = arith.constant 0 : i32
      %dma_wait3A_694 = tpu.memref_slice %arg22[%add3A_17, %dma_wait3A_693] : memref<25088x32xf32, #tpu.memory_space<vmem_shared>> -> memref<392x32xf32, #tpu.memory_space<vmem_shared>>
      %dma_wait3A_695 = arith.constant 0 : i32
      %dma_wait3A_696 = tpu.memref_slice %arg22[%add3A_17, %dma_wait3A_695] : memref<25088x32xf32, #tpu.memory_space<vmem_shared>> -> memref<392x32xf32, #tpu.memory_space<vmem_shared>>
      tpu.wait_dma2 semaphore(%run_scoped3A : memref<!tpu.dma_semaphore, #tpu.memory_space<semaphore_mem>>) src(%arg21 : memref<392x32xf32, #tpu.memory_space<vmem>>) dst(%dma_wait3A_696 : memref<392x32xf32, #tpu.memory_space<vmem_shared>>)
      tpu.yield
    }) : () -> ()
    %barrier3A = arith.constant 0 : index
    tpu.barrier barrier_id(%barrier3A)
    %add3A_18 = arith.constant 0 : i32
    %add3A_19 = arith.addi %mul3A_2, %add3A_18 : i32
    %add3A_20 = arith.constant 0 : i32
    %add3A_21 = arith.addi %add3A_19, %add3A_20 : i32
    %dma_start3A = tpu.memref_slice %arg3[%add3A_21] : memref<800000xi32, #tpu.memory_space<hbm>> -> memref<400xi32, #tpu.memory_space<hbm>>
    %dma_start3A_22 = tpu.memref_slice %arg3[%add3A_21] : memref<800000xi32, #tpu.memory_space<hbm>> -> memref<400xi32, #tpu.memory_space<hbm>>
    tpu.enqueue_dma source(%dma_start3A_22 : memref<400xi32, #tpu.memory_space<hbm>>) target(%arg9 : memref<400xi32, #tpu.memory_space<vmem>>) target_semaphore(%arg23 : memref<!tpu.dma_semaphore, #tpu.memory_space<semaphore_mem>>)
    %add3A_23 = arith.constant 0 : i32
    %add3A_24 = arith.addi %add3A_19, %add3A_23 : i32
    %dma_start3A_25 = tpu.memref_slice %arg2[%add3A_24] : memref<800000xi32, #tpu.memory_space<hbm>> -> memref<400xi32, #tpu.memory_space<hbm>>
    %dma_start3A_26 = tpu.memref_slice %arg2[%add3A_24] : memref<800000xi32, #tpu.memory_space<hbm>> -> memref<400xi32, #tpu.memory_space<hbm>>
    tpu.enqueue_dma source(%dma_start3A_26 : memref<400xi32, #tpu.memory_space<hbm>>) target(%arg13 : memref<400xi32, #tpu.memory_space<vmem>>) target_semaphore(%arg23 : memref<!tpu.dma_semaphore, #tpu.memory_space<semaphore_mem>>)
    %add3A_27 = arith.constant 400 : i32
    %add3A_28 = arith.addi %add3A_19, %add3A_27 : i32
    %dma_start3A_29 = tpu.memref_slice %arg3[%add3A_28] : memref<800000xi32, #tpu.memory_space<hbm>> -> memref<400xi32, #tpu.memory_space<hbm>>
    %dma_start3A_30 = tpu.memref_slice %arg3[%add3A_28] : memref<800000xi32, #tpu.memory_space<hbm>> -> memref<400xi32, #tpu.memory_space<hbm>>
    tpu.enqueue_dma source(%dma_start3A_30 : memref<400xi32, #tpu.memory_space<hbm>>) target(%arg10 : memref<400xi32, #tpu.memory_space<vmem>>) target_semaphore(%arg23 : memref<!tpu.dma_semaphore, #tpu.memory_space<semaphore_mem>>)
    %add3A_31 = arith.constant 400 : i32
    %add3A_32 = arith.addi %add3A_19, %add3A_31 : i32
    %dma_start3A_33 = tpu.memref_slice %arg2[%add3A_32] : memref<800000xi32, #tpu.memory_space<hbm>> -> memref<400xi32, #tpu.memory_space<hbm>>
    %dma_start3A_34 = tpu.memref_slice %arg2[%add3A_32] : memref<800000xi32, #tpu.memory_space<hbm>> -> memref<400xi32, #tpu.memory_space<hbm>>
    tpu.enqueue_dma source(%dma_start3A_34 : memref<400xi32, #tpu.memory_space<hbm>>) target(%arg14 : memref<400xi32, #tpu.memory_space<vmem>>) target_semaphore(%arg23 : memref<!tpu.dma_semaphore, #tpu.memory_space<semaphore_mem>>)
    %add3A_35 = arith.constant 0 : i32
    %add3A_36 = arith.addi %mul3A_2, %add3A_35 : i32
    %add3A_37 = arith.constant 0 : i32
    %add3A_38 = arith.addi %add3A_36, %add3A_37 : i32
    %dma_wait3A = tpu.memref_slice %arg3[%add3A_38] : memref<800000xi32, #tpu.memory_space<hbm>> -> memref<400xi32, #tpu.memory_space<hbm>>
    %dma_wait3A_39 = tpu.memref_slice %arg3[%add3A_38] : memref<800000xi32, #tpu.memory_space<hbm>> -> memref<400xi32, #tpu.memory_space<hbm>>
    tpu.wait_dma2 semaphore(%arg23 : memref<!tpu.dma_semaphore, #tpu.memory_space<semaphore_mem>>) src(%dma_wait3A_39 : memref<400xi32, #tpu.memory_space<hbm>>) dst(%arg9 : memref<400xi32, #tpu.memory_space<vmem>>)
    %add3A_40 = arith.constant 0 : i32
    %add3A_41 = arith.addi %add3A_36, %add3A_40 : i32
    %dma_wait3A_42 = tpu.memref_slice %arg2[%add3A_41] : memref<800000xi32, #tpu.memory_space<hbm>> -> memref<400xi32, #tpu.memory_space<hbm>>
    %dma_wait3A_43 = tpu.memref_slice %arg2[%add3A_41] : memref<800000xi32, #tpu.memory_space<hbm>> -> memref<400xi32, #tpu.memory_space<hbm>>
    tpu.wait_dma2 semaphore(%arg23 : memref<!tpu.dma_semaphore, #tpu.memory_space<semaphore_mem>>) src(%dma_wait3A_43 : memref<400xi32, #tpu.memory_space<hbm>>) dst(%arg13 : memref<400xi32, #tpu.memory_space<vmem>>)
    %add3A_44 = arith.constant 400 : i32
    %add3A_45 = arith.addi %add3A_36, %add3A_44 : i32
    %dma_wait3A_46 = tpu.memref_slice %arg3[%add3A_45] : memref<800000xi32, #tpu.memory_space<hbm>> -> memref<400xi32, #tpu.memory_space<hbm>>
    %dma_wait3A_47 = tpu.memref_slice %arg3[%add3A_45] : memref<800000xi32, #tpu.memory_space<hbm>> -> memref<400xi32, #tpu.memory_space<hbm>>
    tpu.wait_dma2 semaphore(%arg23 : memref<!tpu.dma_semaphore, #tpu.memory_space<semaphore_mem>>) src(%dma_wait3A_47 : memref<400xi32, #tpu.memory_space<hbm>>) dst(%arg10 : memref<400xi32, #tpu.memory_space<vmem>>)
    %add3A_48 = arith.constant 400 : i32
    %add3A_49 = arith.addi %add3A_36, %add3A_48 : i32
    %dma_wait3A_50 = tpu.memref_slice %arg2[%add3A_49] : memref<800000xi32, #tpu.memory_space<hbm>> -> memref<400xi32, #tpu.memory_space<hbm>>
    %dma_wait3A_51 = tpu.memref_slice %arg2[%add3A_49] : memref<800000xi32, #tpu.memory_space<hbm>> -> memref<400xi32, #tpu.memory_space<hbm>>
    tpu.wait_dma2 semaphore(%arg23 : memref<!tpu.dma_semaphore, #tpu.memory_space<semaphore_mem>>) src(%dma_wait3A_51 : memref<400xi32, #tpu.memory_space<hbm>>) dst(%arg14 : memref<400xi32, #tpu.memory_space<vmem>>)
    %iota3A = tpu.iota {dimensions = array<i32: 0>} : vector<16xi32>
    %scan3A = arith.constant 0 : i32
    %scan3A_52 = arith.constant 0 : i32
    %scan3A_53 = arith.constant 25 : i32
    %scan3A_54 = arith.addi %scan3A_52, %scan3A_53 : i32
    %scan3A_55 = arith.constant 1 : i32
    scf.for %scan3A_689 = %scan3A_52 to %scan3A_54 step %scan3A_55  : i32 {
      %mul3A_690 = arith.constant 16 : i32
      %mul3A_691 = arith.muli %scan3A_689, %mul3A_690 : i32
      %get3A = arith.index_cast %mul3A_691 : i32 to index
      %get3A_692 = tpu.vector_load %arg9[%get3A] {strides = array<i32>} : memref<400xi32, #tpu.memory_space<vmem>>, vector<16xi32>,
      %get3A_693 = vector.shape_cast %get3A_692 : vector<16xi32> to vector<16xi32>
      %sub3A = vector.broadcast %mul3A_0 : i32 to vector<16xi32>
      %sub3A_694 = arith.subi %get3A_693, %sub3A : vector<16xi32>
      %bitcast3A = vector.bitcast %sub3A_694 : vector<16xi32> to vector<16xi32>
      %lt3A = arith.constant 25000 : i32
      %lt3A_695 = vector.broadcast %lt3A : i32 to vector<16xi32>
      %lt3A_696 = arith.cmpi ult, %bitcast3A, %lt3A_695 : vector<16xi32>
      %add3A_697 = arith.constant 25000 : i32
      %add3A_698 = vector.broadcast %add3A_697 : i32 to vector<16xi32>
      %add3A_699 = arith.addi %add3A_698, %iota3A : vector<16xi32>
      %select_n3A = arith.select %lt3A_696, %sub3A_694, %add3A_699 : vector<16xi1>, vector<16xi32>
      %mul3A_700 = arith.constant 16 : i32
      %mul3A_701 = arith.muli %scan3A_689, %mul3A_700 : i32
      %swap3A = arith.index_cast %mul3A_701 : i32 to index
      %swap3A_702 = tpu.vector_load %arg9[%swap3A] {strides = array<i32>} : memref<400xi32, #tpu.memory_space<vmem>>, vector<16xi32>,
      %swap3A_703 = vector.shape_cast %swap3A_702 : vector<16xi32> to vector<16xi32>
      %swap3A_704 = vector.shape_cast %select_n3A : vector<16xi32> to vector<16xi32>
      tpu.vector_store %arg9[%swap3A], %swap3A_704 {strides = array<i32>} : memref<400xi32, #tpu.memory_space<vmem>>, vector<16xi32>,
    }
    %scan3A_56 = arith.constant 25 : i32
    %iota3A_57 = tpu.iota {dimensions = array<i32: 0>} : vector<16xi32>
    %scan3A_58 = arith.constant 0 : i32
    %scan3A_59 = arith.constant 0 : i32
    %scan3A_60 = arith.constant 25 : i32
    %scan3A_61 = arith.addi %scan3A_59, %scan3A_60 : i32
    %scan3A_62 = arith.constant 1 : i32
    scf.for %scan3A_689 = %scan3A_59 to %scan3A_61 step %scan3A_62  : i32 {
      %mul3A_690 = arith.constant 16 : i32
      %mul3A_691 = arith.muli %scan3A_689, %mul3A_690 : i32
      %get3A = arith.index_cast %mul3A_691 : i32 to index
      %get3A_692 = tpu.vector_load %arg10[%get3A] {strides = array<i32>} : memref<400xi32, #tpu.memory_space<vmem>>, vector<16xi32>,
      %get3A_693 = vector.shape_cast %get3A_692 : vector<16xi32> to vector<16xi32>
      %sub3A = vector.broadcast %mul3A_0 : i32 to vector<16xi32>
      %sub3A_694 = arith.subi %get3A_693, %sub3A : vector<16xi32>
      %bitcast3A = vector.bitcast %sub3A_694 : vector<16xi32> to vector<16xi32>
      %lt3A = arith.constant 25000 : i32
      %lt3A_695 = vector.broadcast %lt3A : i32 to vector<16xi32>
      %lt3A_696 = arith.cmpi ult, %bitcast3A, %lt3A_695 : vector<16xi32>
      %add3A_697 = arith.constant 25000 : i32
      %add3A_698 = vector.broadcast %add3A_697 : i32 to vector<16xi32>
      %add3A_699 = arith.addi %add3A_698, %iota3A_57 : vector<16xi32>
      %select_n3A = arith.select %lt3A_696, %sub3A_694, %add3A_699 : vector<16xi1>, vector<16xi32>
      %mul3A_700 = arith.constant 16 : i32
      %mul3A_701 = arith.muli %scan3A_689, %mul3A_700 : i32
      %swap3A = arith.index_cast %mul3A_701 : i32 to index
      %swap3A_702 = tpu.vector_load %arg10[%swap3A] {strides = array<i32>} : memref<400xi32, #tpu.memory_space<vmem>>, vector<16xi32>,
      %swap3A_703 = vector.shape_cast %swap3A_702 : vector<16xi32> to vector<16xi32>
      %swap3A_704 = vector.shape_cast %select_n3A : vector<16xi32> to vector<16xi32>
      tpu.vector_store %arg10[%swap3A], %swap3A_704 {strides = array<i32>} : memref<400xi32, #tpu.memory_space<vmem>>, vector<16xi32>,
    }
    %scan3A_63 = arith.constant 25 : i32
    %dma_start3A_64 = arith.constant 0 : i32
    %dma_start3A_65 = arith.constant 0 : i32
    %dma_start3A_66 = tpu.memref_slice %arg4[%dma_start3A_64, %dma_start3A_65] : memref<50000x32xf32, #tpu.memory_space<hbm>> -> memref<50000x32xf32, #tpu.memory_space<hbm>>
    tpu.enqueue_indirect_dma source(%dma_start3A_66 : memref<50000x32xf32, #tpu.memory_space<hbm>>) target(%arg17 : memref<400x32xf32, #tpu.memory_space<vmem>>) offsets(%arg13 : memref<400xi32, #tpu.memory_space<vmem>>) semaphore(%arg25 : memref<!tpu.dma_semaphore, #tpu.memory_space<semaphore_mem>>)
    %dma_start3A_67 = arith.constant 0 : i32
    %dma_start3A_68 = arith.constant 0 : i32
    %dma_start3A_69 = tpu.memref_slice %arg4[%dma_start3A_67, %dma_start3A_68] : memref<50000x32xf32, #tpu.memory_space<hbm>> -> memref<50000x32xf32, #tpu.memory_space<hbm>>
    tpu.enqueue_indirect_dma source(%dma_start3A_69 : memref<50000x32xf32, #tpu.memory_space<hbm>>) target(%arg18 : memref<400x32xf32, #tpu.memory_space<vmem>>) offsets(%arg14 : memref<400xi32, #tpu.memory_space<vmem>>) semaphore(%arg26 : memref<!tpu.dma_semaphore, #tpu.memory_space<semaphore_mem>>)
    %add3A_70 = arith.constant 800 : i32
    %add3A_71 = arith.addi %mul3A_2, %add3A_70 : i32
    %add3A_72 = arith.constant 0 : i32
    %add3A_73 = arith.addi %add3A_71, %add3A_72 : i32
    %dma_start3A_74 = tpu.memref_slice %arg3[%add3A_73] : memref<800000xi32, #tpu.memory_space<hbm>> -> memref<400xi32, #tpu.memory_space<hbm>>
    %dma_start3A_75 = tpu.memref_slice %arg3[%add3A_73] : memref<800000xi32, #tpu.memory_space<hbm>> -> memref<400xi32, #tpu.memory_space<hbm>>
    tpu.enqueue_dma source(%dma_start3A_75 : memref<400xi32, #tpu.memory_space<hbm>>) target(%arg11 : memref<400xi32, #tpu.memory_space<vmem>>) target_semaphore(%arg24 : memref<!tpu.dma_semaphore, #tpu.memory_space<semaphore_mem>>)
    %add3A_76 = arith.constant 0 : i32
    %add3A_77 = arith.addi %add3A_71, %add3A_76 : i32
    %dma_start3A_78 = tpu.memref_slice %arg2[%add3A_77] : memref<800000xi32, #tpu.memory_space<hbm>> -> memref<400xi32, #tpu.memory_space<hbm>>
    %dma_start3A_79 = tpu.memref_slice %arg2[%add3A_77] : memref<800000xi32, #tpu.memory_space<hbm>> -> memref<400xi32, #tpu.memory_space<hbm>>
    tpu.enqueue_dma source(%dma_start3A_79 : memref<400xi32, #tpu.memory_space<hbm>>) target(%arg15 : memref<400xi32, #tpu.memory_space<vmem>>) target_semaphore(%arg24 : memref<!tpu.dma_semaphore, #tpu.memory_space<semaphore_mem>>)
    %add3A_80 = arith.constant 400 : i32
    %add3A_81 = arith.addi %add3A_71, %add3A_80 : i32
    %dma_start3A_82 = tpu.memref_slice %arg3[%add3A_81] : memref<800000xi32, #tpu.memory_space<hbm>> -> memref<400xi32, #tpu.memory_space<hbm>>
    %dma_start3A_83 = tpu.memref_slice %arg3[%add3A_81] : memref<800000xi32, #tpu.memory_space<hbm>> -> memref<400xi32, #tpu.memory_space<hbm>>
    tpu.enqueue_dma source(%dma_start3A_83 : memref<400xi32, #tpu.memory_space<hbm>>) target(%arg12 : memref<400xi32, #tpu.memory_space<vmem>>) target_semaphore(%arg24 : memref<!tpu.dma_semaphore, #tpu.memory_space<semaphore_mem>>)
    %add3A_84 = arith.constant 400 : i32
    %add3A_85 = arith.addi %add3A_71, %add3A_84 : i32
    %dma_start3A_86 = tpu.memref_slice %arg2[%add3A_85] : memref<800000xi32, #tpu.memory_space<hbm>> -> memref<400xi32, #tpu.memory_space<hbm>>
    %dma_start3A_87 = tpu.memref_slice %arg2[%add3A_85] : memref<800000xi32, #tpu.memory_space<hbm>> -> memref<400xi32, #tpu.memory_space<hbm>>
    tpu.enqueue_dma source(%dma_start3A_87 : memref<400xi32, #tpu.memory_space<hbm>>) target(%arg16 : memref<400xi32, #tpu.memory_space<vmem>>) target_semaphore(%arg24 : memref<!tpu.dma_semaphore, #tpu.memory_space<semaphore_mem>>)
    %dma_wait3A_88 = arith.constant 0 : i32
    %dma_wait3A_89 = arith.constant 0 : i32
    %dma_wait3A_90 = tpu.memref_slice %arg4[%dma_wait3A_88, %dma_wait3A_89] : memref<50000x32xf32, #tpu.memory_space<hbm>> -> memref<50000x32xf32, #tpu.memory_space<hbm>>
    tpu.wait_indirect_dma semaphore(%arg25 : memref<!tpu.dma_semaphore, #tpu.memory_space<semaphore_mem>>) src(%dma_wait3A_90 : memref<50000x32xf32, #tpu.memory_space<hbm>>) dst(%arg17 : memref<400x32xf32, #tpu.memory_space<vmem>>)
    %dma_start3A_91 = arith.constant 0 : i32
    %dma_start3A_92 = arith.constant 0 : i32
    %dma_start3A_93 = tpu.memref_slice %arg22[%dma_start3A_91, %dma_start3A_92] : memref<25088x32xf32, #tpu.memory_space<vmem_shared>> -> memref<25088x32xf32, #tpu.memory_space<vmem_shared>>
    tpu.enqueue_indirect_dma source(%arg17 : memref<400x32xf32, #tpu.memory_space<vmem>>) target(%dma_start3A_93 : memref<25088x32xf32, #tpu.memory_space<vmem_shared>>) offsets(%arg9 : memref<400xi32, #tpu.memory_space<vmem>>) semaphore(%arg29 : memref<!tpu.dma_semaphore, #tpu.memory_space<semaphore_mem>>) {add = true}
    %dma_wait3A_94 = arith.constant 0 : i32
    %dma_wait3A_95 = arith.constant 0 : i32
    %dma_wait3A_96 = tpu.memref_slice %arg4[%dma_wait3A_94, %dma_wait3A_95] : memref<50000x32xf32, #tpu.memory_space<hbm>> -> memref<50000x32xf32, #tpu.memory_space<hbm>>
    tpu.wait_indirect_dma semaphore(%arg26 : memref<!tpu.dma_semaphore, #tpu.memory_space<semaphore_mem>>) src(%dma_wait3A_96 : memref<50000x32xf32, #tpu.memory_space<hbm>>) dst(%arg18 : memref<400x32xf32, #tpu.memory_space<vmem>>)
    %dma_start3A_97 = arith.constant 0 : i32
    %dma_start3A_98 = arith.constant 0 : i32
    %dma_start3A_99 = tpu.memref_slice %arg22[%dma_start3A_97, %dma_start3A_98] : memref<25088x32xf32, #tpu.memory_space<vmem_shared>> -> memref<25088x32xf32, #tpu.memory_space<vmem_shared>>
    tpu.enqueue_indirect_dma source(%arg18 : memref<400x32xf32, #tpu.memory_space<vmem>>) target(%dma_start3A_99 : memref<25088x32xf32, #tpu.memory_space<vmem_shared>>) offsets(%arg10 : memref<400xi32, #tpu.memory_space<vmem>>) semaphore(%arg30 : memref<!tpu.dma_semaphore, #tpu.memory_space<semaphore_mem>>) {add = true}
    %add3A_100 = arith.constant 800 : i32
    %add3A_101 = arith.addi %mul3A_2, %add3A_100 : i32
    %add3A_102 = arith.constant 0 : i32
    %add3A_103 = arith.addi %add3A_101, %add3A_102 : i32
    %dma_wait3A_104 = tpu.memref_slice %arg3[%add3A_103] : memref<800000xi32, #tpu.memory_space<hbm>> -> memref<400xi32, #tpu.memory_space<hbm>>
    %dma_wait3A_105 = tpu.memref_slice %arg3[%add3A_103] : memref<800000xi32, #tpu.memory_space<hbm>> -> memref<400xi32, #tpu.memory_space<hbm>>
    tpu.wait_dma2 semaphore(%arg24 : memref<!tpu.dma_semaphore, #tpu.memory_space<semaphore_mem>>) src(%dma_wait3A_105 : memref<400xi32, #tpu.memory_space<hbm>>) dst(%arg11 : memref<400xi32, #tpu.memory_space<vmem>>)
    %add3A_106 = arith.constant 0 : i32
    %add3A_107 = arith.addi %add3A_101, %add3A_106 : i32
    %dma_wait3A_108 = tpu.memref_slice %arg2[%add3A_107] : memref<800000xi32, #tpu.memory_space<hbm>> -> memref<400xi32, #tpu.memory_space<hbm>>
    %dma_wait3A_109 = tpu.memref_slice %arg2[%add3A_107] : memref<800000xi32, #tpu.memory_space<hbm>> -> memref<400xi32, #tpu.memory_space<hbm>>
    tpu.wait_dma2 semaphore(%arg24 : memref<!tpu.dma_semaphore, #tpu.memory_space<semaphore_mem>>) src(%dma_wait3A_109 : memref<400xi32, #tpu.memory_space<hbm>>) dst(%arg15 : memref<400xi32, #tpu.memory_space<vmem>>)
    %add3A_110 = arith.constant 400 : i32
    %add3A_111 = arith.addi %add3A_101, %add3A_110 : i32
    %dma_wait3A_112 = tpu.memref_slice %arg3[%add3A_111] : memref<800000xi32, #tpu.memory_space<hbm>> -> memref<400xi32, #tpu.memory_space<hbm>>
    %dma_wait3A_113 = tpu.memref_slice %arg3[%add3A_111] : memref<800000xi32, #tpu.memory_space<hbm>> -> memref<400xi32, #tpu.memory_space<hbm>>
    tpu.wait_dma2 semaphore(%arg24 : memref<!tpu.dma_semaphore, #tpu.memory_space<semaphore_mem>>) src(%dma_wait3A_113 : memref<400xi32, #tpu.memory_space<hbm>>) dst(%arg12 : memref<400xi32, #tpu.memory_space<vmem>>)
    %add3A_114 = arith.constant 400 : i32
    %add3A_115 = arith.addi %add3A_101, %add3A_114 : i32
    %dma_wait3A_116 = tpu.memref_slice %arg2[%add3A_115] : memref<800000xi32, #tpu.memory_space<hbm>> -> memref<400xi32, #tpu.memory_space<hbm>>
    %dma_wait3A_117 = tpu.memref_slice %arg2[%add3A_115] : memref<800000xi32, #tpu.memory_space<hbm>> -> memref<400xi32, #tpu.memory_space<hbm>>
    tpu.wait_dma2 semaphore(%arg24 : memref<!tpu.dma_semaphore, #tpu.memory_space<semaphore_mem>>) src(%dma_wait3A_117 : memref<400xi32, #tpu.memory_space<hbm>>) dst(%arg16 : memref<400xi32, #tpu.memory_space<vmem>>)
    %iota3A_118 = tpu.iota {dimensions = array<i32: 0>} : vector<16xi32>
    %scan3A_119 = arith.constant 0 : i32
    %scan3A_120 = arith.constant 0 : i32
    %scan3A_121 = arith.constant 25 : i32
    %scan3A_122 = arith.addi %scan3A_120, %scan3A_121 : i32
    %scan3A_123 = arith.constant 1 : i32
    scf.for %scan3A_689 = %scan3A_120 to %scan3A_122 step %scan3A_123  : i32 {
      %mul3A_690 = arith.constant 16 : i32
      %mul3A_691 = arith.muli %scan3A_689, %mul3A_690 : i32
      %get3A = arith.index_cast %mul3A_691 : i32 to index
      %get3A_692 = tpu.vector_load %arg11[%get3A] {strides = array<i32>} : memref<400xi32, #tpu.memory_space<vmem>>, vector<16xi32>,
      %get3A_693 = vector.shape_cast %get3A_692 : vector<16xi32> to vector<16xi32>
      %sub3A = vector.broadcast %mul3A_0 : i32 to vector<16xi32>
      %sub3A_694 = arith.subi %get3A_693, %sub3A : vector<16xi32>
      %bitcast3A = vector.bitcast %sub3A_694 : vector<16xi32> to vector<16xi32>
      %lt3A = arith.constant 25000 : i32
      %lt3A_695 = vector.broadcast %lt3A : i32 to vector<16xi32>
      %lt3A_696 = arith.cmpi ult, %bitcast3A, %lt3A_695 : vector<16xi32>
      %add3A_697 = arith.constant 25000 : i32
      %add3A_698 = vector.broadcast %add3A_697 : i32 to vector<16xi32>
      %add3A_699 = arith.addi %add3A_698, %iota3A_118 : vector<16xi32>
      %select_n3A = arith.select %lt3A_696, %sub3A_694, %add3A_699 : vector<16xi1>, vector<16xi32>
      %mul3A_700 = arith.constant 16 : i32
      %mul3A_701 = arith.muli %scan3A_689, %mul3A_700 : i32
      %swap3A = arith.index_cast %mul3A_701 : i32 to index
      %swap3A_702 = tpu.vector_load %arg11[%swap3A] {strides = array<i32>} : memref<400xi32, #tpu.memory_space<vmem>>, vector<16xi32>,
      %swap3A_703 = vector.shape_cast %swap3A_702 : vector<16xi32> to vector<16xi32>
      %swap3A_704 = vector.shape_cast %select_n3A : vector<16xi32> to vector<16xi32>
      tpu.vector_store %arg11[%swap3A], %swap3A_704 {strides = array<i32>} : memref<400xi32, #tpu.memory_space<vmem>>, vector<16xi32>,
    }
    %scan3A_124 = arith.constant 25 : i32
    %iota3A_125 = tpu.iota {dimensions = array<i32: 0>} : vector<16xi32>
    %scan3A_126 = arith.constant 0 : i32
    %scan3A_127 = arith.constant 0 : i32
    %scan3A_128 = arith.constant 25 : i32
    %scan3A_129 = arith.addi %scan3A_127, %scan3A_128 : i32
    %scan3A_130 = arith.constant 1 : i32
    scf.for %scan3A_689 = %scan3A_127 to %scan3A_129 step %scan3A_130  : i32 {
      %mul3A_690 = arith.constant 16 : i32
      %mul3A_691 = arith.muli %scan3A_689, %mul3A_690 : i32
      %get3A = arith.index_cast %mul3A_691 : i32 to index
      %get3A_692 = tpu.vector_load %arg12[%get3A] {strides = array<i32>} : memref<400xi32, #tpu.memory_space<vmem>>, vector<16xi32>,
      %get3A_693 = vector.shape_cast %get3A_692 : vector<16xi32> to vector<16xi32>
      %sub3A = vector.broadcast %mul3A_0 : i32 to vector<16xi32>
      %sub3A_694 = arith.subi %get3A_693, %sub3A : vector<16xi32>
      %bitcast3A = vector.bitcast %sub3A_694 : vector<16xi32> to vector<16xi32>
      %lt3A = arith.constant 25000 : i32
      %lt3A_695 = vector.broadcast %lt3A : i32 to vector<16xi32>
      %lt3A_696 = arith.cmpi ult, %bitcast3A, %lt3A_695 : vector<16xi32>
      %add3A_697 = arith.constant 25000 : i32
      %add3A_698 = vector.broadcast %add3A_697 : i32 to vector<16xi32>
      %add3A_699 = arith.addi %add3A_698, %iota3A_125 : vector<16xi32>
      %select_n3A = arith.select %lt3A_696, %sub3A_694, %add3A_699 : vector<16xi1>, vector<16xi32>
      %mul3A_700 = arith.constant 16 : i32
      %mul3A_701 = arith.muli %scan3A_689, %mul3A_700 : i32
      %swap3A = arith.index_cast %mul3A_701 : i32 to index
      %swap3A_702 = tpu.vector_load %arg12[%swap3A] {strides = array<i32>} : memref<400xi32, #tpu.memory_space<vmem>>, vector<16xi32>,
      %swap3A_703 = vector.shape_cast %swap3A_702 : vector<16xi32> to vector<16xi32>
      %swap3A_704 = vector.shape_cast %select_n3A : vector<16xi32> to vector<16xi32>
      tpu.vector_store %arg12[%swap3A], %swap3A_704 {strides = array<i32>} : memref<400xi32, #tpu.memory_space<vmem>>, vector<16xi32>,
    }
    %scan3A_131 = arith.constant 25 : i32
    %dma_start3A_132 = arith.constant 0 : i32
    %dma_start3A_133 = arith.constant 0 : i32
    %dma_start3A_134 = tpu.memref_slice %arg4[%dma_start3A_132, %dma_start3A_133] : memref<50000x32xf32, #tpu.memory_space<hbm>> -> memref<50000x32xf32, #tpu.memory_space<hbm>>
    tpu.enqueue_indirect_dma source(%dma_start3A_134 : memref<50000x32xf32, #tpu.memory_space<hbm>>) target(%arg19 : memref<400x32xf32, #tpu.memory_space<vmem>>) offsets(%arg15 : memref<400xi32, #tpu.memory_space<vmem>>) semaphore(%arg27 : memref<!tpu.dma_semaphore, #tpu.memory_space<semaphore_mem>>)
    %dma_start3A_135 = arith.constant 0 : i32
    %dma_start3A_136 = arith.constant 0 : i32
    %dma_start3A_137 = tpu.memref_slice %arg4[%dma_start3A_135, %dma_start3A_136] : memref<50000x32xf32, #tpu.memory_space<hbm>> -> memref<50000x32xf32, #tpu.memory_space<hbm>>
    tpu.enqueue_indirect_dma source(%dma_start3A_137 : memref<50000x32xf32, #tpu.memory_space<hbm>>) target(%arg20 : memref<400x32xf32, #tpu.memory_space<vmem>>) offsets(%arg16 : memref<400xi32, #tpu.memory_space<vmem>>) semaphore(%arg28 : memref<!tpu.dma_semaphore, #tpu.memory_space<semaphore_mem>>)
    %dma_wait3A_138 = arith.constant 0 : i32
    %dma_wait3A_139 = arith.constant 0 : i32
    %dma_wait3A_140 = tpu.memref_slice %arg22[%dma_wait3A_138, %dma_wait3A_139] : memref<25088x32xf32, #tpu.memory_space<vmem_shared>> -> memref<25088x32xf32, #tpu.memory_space<vmem_shared>>
    tpu.wait_indirect_dma semaphore(%arg29 : memref<!tpu.dma_semaphore, #tpu.memory_space<semaphore_mem>>) src(%arg17 : memref<400x32xf32, #tpu.memory_space<vmem>>) dst(%dma_wait3A_140 : memref<25088x32xf32, #tpu.memory_space<vmem_shared>>)
    %dma_wait3A_141 = arith.constant 0 : i32
    %dma_wait3A_142 = arith.constant 0 : i32
    %dma_wait3A_143 = tpu.memref_slice %arg22[%dma_wait3A_141, %dma_wait3A_142] : memref<25088x32xf32, #tpu.memory_space<vmem_shared>> -> memref<25088x32xf32, #tpu.memory_space<vmem_shared>>
    tpu.wait_indirect_dma semaphore(%arg30 : memref<!tpu.dma_semaphore, #tpu.memory_space<semaphore_mem>>) src(%arg18 : memref<400x32xf32, #tpu.memory_space<vmem>>) dst(%dma_wait3A_143 : memref<25088x32xf32, #tpu.memory_space<vmem_shared>>)
    %add3A_144 = arith.constant 1600 : i32
    %add3A_145 = arith.addi %mul3A_2, %add3A_144 : i32
    %add3A_146 = arith.constant 0 : i32
    %add3A_147 = arith.addi %add3A_145, %add3A_146 : i32
    %dma_start3A_148 = tpu.memref_slice %arg3[%add3A_147] : memref<800000xi32, #tpu.memory_space<hbm>> -> memref<400xi32, #tpu.memory_space<hbm>>
    %dma_start3A_149 = tpu.memref_slice %arg3[%add3A_147] : memref<800000xi32, #tpu.memory_space<hbm>> -> memref<400xi32, #tpu.memory_space<hbm>>
    tpu.enqueue_dma source(%dma_start3A_149 : memref<400xi32, #tpu.memory_space<hbm>>) target(%arg9 : memref<400xi32, #tpu.memory_space<vmem>>) target_semaphore(%arg23 : memref<!tpu.dma_semaphore, #tpu.memory_space<semaphore_mem>>)
    %add3A_150 = arith.constant 0 : i32
    %add3A_151 = arith.addi %add3A_145, %add3A_150 : i32
    %dma_start3A_152 = tpu.memref_slice %arg2[%add3A_151] : memref<800000xi32, #tpu.memory_space<hbm>> -> memref<400xi32, #tpu.memory_space<hbm>>
    %dma_start3A_153 = tpu.memref_slice %arg2[%add3A_151] : memref<800000xi32, #tpu.memory_space<hbm>> -> memref<400xi32, #tpu.memory_space<hbm>>
    tpu.enqueue_dma source(%dma_start3A_153 : memref<400xi32, #tpu.memory_space<hbm>>) target(%arg13 : memref<400xi32, #tpu.memory_space<vmem>>) target_semaphore(%arg23 : memref<!tpu.dma_semaphore, #tpu.memory_space<semaphore_mem>>)
    %add3A_154 = arith.constant 400 : i32
    %add3A_155 = arith.addi %add3A_145, %add3A_154 : i32
    %dma_start3A_156 = tpu.memref_slice %arg3[%add3A_155] : memref<800000xi32, #tpu.memory_space<hbm>> -> memref<400xi32, #tpu.memory_space<hbm>>
    %dma_start3A_157 = tpu.memref_slice %arg3[%add3A_155] : memref<800000xi32, #tpu.memory_space<hbm>> -> memref<400xi32, #tpu.memory_space<hbm>>
    tpu.enqueue_dma source(%dma_start3A_157 : memref<400xi32, #tpu.memory_space<hbm>>) target(%arg10 : memref<400xi32, #tpu.memory_space<vmem>>) target_semaphore(%arg23 : memref<!tpu.dma_semaphore, #tpu.memory_space<semaphore_mem>>)
    %add3A_158 = arith.constant 400 : i32
    %add3A_159 = arith.addi %add3A_145, %add3A_158 : i32
    %dma_start3A_160 = tpu.memref_slice %arg2[%add3A_159] : memref<800000xi32, #tpu.memory_space<hbm>> -> memref<400xi32, #tpu.memory_space<hbm>>
    %dma_start3A_161 = tpu.memref_slice %arg2[%add3A_159] : memref<800000xi32, #tpu.memory_space<hbm>> -> memref<400xi32, #tpu.memory_space<hbm>>
    tpu.enqueue_dma source(%dma_start3A_161 : memref<400xi32, #tpu.memory_space<hbm>>) target(%arg14 : memref<400xi32, #tpu.memory_space<vmem>>) target_semaphore(%arg23 : memref<!tpu.dma_semaphore, #tpu.memory_space<semaphore_mem>>)
    %dma_wait3A_162 = arith.constant 0 : i32
    %dma_wait3A_163 = arith.constant 0 : i32
    %dma_wait3A_164 = tpu.memref_slice %arg4[%dma_wait3A_162, %dma_wait3A_163] : memref<50000x32xf32, #tpu.memory_space<hbm>> -> memref<50000x32xf32, #tpu.memory_space<hbm>>
    tpu.wait_indirect_dma semaphore(%arg27 : memref<!tpu.dma_semaphore, #tpu.memory_space<semaphore_mem>>) src(%dma_wait3A_164 : memref<50000x32xf32, #tpu.memory_space<hbm>>) dst(%arg19 : memref<400x32xf32, #tpu.memory_space<vmem>>)
    %dma_start3A_165 = arith.constant 0 : i32
    %dma_start3A_166 = arith.constant 0 : i32
    %dma_start3A_167 = tpu.memref_slice %arg22[%dma_start3A_165, %dma_start3A_166] : memref<25088x32xf32, #tpu.memory_space<vmem_shared>> -> memref<25088x32xf32, #tpu.memory_space<vmem_shared>>
    tpu.enqueue_indirect_dma source(%arg19 : memref<400x32xf32, #tpu.memory_space<vmem>>) target(%dma_start3A_167 : memref<25088x32xf32, #tpu.memory_space<vmem_shared>>) offsets(%arg11 : memref<400xi32, #tpu.memory_space<vmem>>) semaphore(%arg31 : memref<!tpu.dma_semaphore, #tpu.memory_space<semaphore_mem>>) {add = true}
    %dma_wait3A_168 = arith.constant 0 : i32
    %dma_wait3A_169 = arith.constant 0 : i32
    %dma_wait3A_170 = tpu.memref_slice %arg4[%dma_wait3A_168, %dma_wait3A_169] : memref<50000x32xf32, #tpu.memory_space<hbm>> -> memref<50000x32xf32, #tpu.memory_space<hbm>>
    tpu.wait_indirect_dma semaphore(%arg28 : memref<!tpu.dma_semaphore, #tpu.memory_space<semaphore_mem>>) src(%dma_wait3A_170 : memref<50000x32xf32, #tpu.memory_space<hbm>>) dst(%arg20 : memref<400x32xf32, #tpu.memory_space<vmem>>)
    %dma_start3A_171 = arith.constant 0 : i32
    %dma_start3A_172 = arith.constant 0 : i32
    %dma_start3A_173 = tpu.memref_slice %arg22[%dma_start3A_171, %dma_start3A_172] : memref<25088x32xf32, #tpu.memory_space<vmem_shared>> -> memref<25088x32xf32, #tpu.memory_space<vmem_shared>>
    tpu.enqueue_indirect_dma source(%arg20 : memref<400x32xf32, #tpu.memory_space<vmem>>) target(%dma_start3A_173 : memref<25088x32xf32, #tpu.memory_space<vmem_shared>>) offsets(%arg12 : memref<400xi32, #tpu.memory_space<vmem>>) semaphore(%arg32 : memref<!tpu.dma_semaphore, #tpu.memory_space<semaphore_mem>>) {add = true}
    %scan3A_174 = arith.constant 0 : i32
    %scan3A_175 = arith.constant 0 : i32
    %scan3A_176 = arith.constant 29 : i32
    %scan3A_177 = arith.addi %scan3A_175, %scan3A_176 : i32
    %scan3A_178 = arith.constant 1 : i32
    scf.for %scan3A_689 = %scan3A_175 to %scan3A_177 step %scan3A_178  : i32 {
      %mul3A_690 = arith.constant 2 : i32
      %mul3A_691 = arith.muli %mul3A_690, %scan3A_689 : i32
      %add3A_692 = arith.constant 2 : i32
      %add3A_693 = arith.addi %add3A_692, %mul3A_691 : i32
      %mul3A_694 = arith.constant 800 : i32
      %mul3A_695 = arith.muli %add3A_693, %mul3A_694 : i32
      %add3A_696 = arith.addi %mul3A_2, %mul3A_695 : i32
      %add3A_697 = arith.constant 0 : i32
      %add3A_698 = arith.addi %add3A_696, %add3A_697 : i32
      %dma_wait3A_699 = tpu.memref_slice %arg3[%add3A_698] : memref<800000xi32, #tpu.memory_space<hbm>> -> memref<400xi32, #tpu.memory_space<hbm>>
      %dma_wait3A_700 = tpu.memref_slice %arg3[%add3A_698] : memref<800000xi32, #tpu.memory_space<hbm>> -> memref<400xi32, #tpu.memory_space<hbm>>
      tpu.wait_dma2 semaphore(%arg23 : memref<!tpu.dma_semaphore, #tpu.memory_space<semaphore_mem>>) src(%dma_wait3A_700 : memref<400xi32, #tpu.memory_space<hbm>>) dst(%arg9 : memref<400xi32, #tpu.memory_space<vmem>>)
      %add3A_701 = arith.constant 0 : i32
      %add3A_702 = arith.addi %add3A_696, %add3A_701 : i32
      %dma_wait3A_703 = tpu.memref_slice %arg2[%add3A_702] : memref<800000xi32, #tpu.memory_space<hbm>> -> memref<400xi32, #tpu.memory_space<hbm>>
      %dma_wait3A_704 = tpu.memref_slice %arg2[%add3A_702] : memref<800000xi32, #tpu.memory_space<hbm>> -> memref<400xi32, #tpu.memory_space<hbm>>
      tpu.wait_dma2 semaphore(%arg23 : memref<!tpu.dma_semaphore, #tpu.memory_space<semaphore_mem>>) src(%dma_wait3A_704 : memref<400xi32, #tpu.memory_space<hbm>>) dst(%arg13 : memref<400xi32, #tpu.memory_space<vmem>>)
      %add3A_705 = arith.constant 400 : i32
      %add3A_706 = arith.addi %add3A_696, %add3A_705 : i32
      %dma_wait3A_707 = tpu.memref_slice %arg3[%add3A_706] : memref<800000xi32, #tpu.memory_space<hbm>> -> memref<400xi32, #tpu.memory_space<hbm>>
      %dma_wait3A_708 = tpu.memref_slice %arg3[%add3A_706] : memref<800000xi32, #tpu.memory_space<hbm>> -> memref<400xi32, #tpu.memory_space<hbm>>
      tpu.wait_dma2 semaphore(%arg23 : memref<!tpu.dma_semaphore, #tpu.memory_space<semaphore_mem>>) src(%dma_wait3A_708 : memref<400xi32, #tpu.memory_space<hbm>>) dst(%arg10 : memref<400xi32, #tpu.memory_space<vmem>>)
      %add3A_709 = arith.constant 400 : i32
      %add3A_710 = arith.addi %add3A_696, %add3A_709 : i32
      %dma_wait3A_711 = tpu.memref_slice %arg2[%add3A_710] : memref<800000xi32, #tpu.memory_space<hbm>> -> memref<400xi32, #tpu.memory_space<hbm>>
      %dma_wait3A_712 = tpu.memref_slice %arg2[%add3A_710] : memref<800000xi32, #tpu.memory_space<hbm>> -> memref<400xi32, #tpu.memory_space<hbm>>
      tpu.wait_dma2 semaphore(%arg23 : memref<!tpu.dma_semaphore, #tpu.memory_space<semaphore_mem>>) src(%dma_wait3A_712 : memref<400xi32, #tpu.memory_space<hbm>>) dst(%arg14 : memref<400xi32, #tpu.memory_space<vmem>>)
      %iota3A_713 = tpu.iota {dimensions = array<i32: 0>} : vector<16xi32>
      %scan3A_714 = arith.constant 0 : i32
      %scan3A_715 = arith.constant 0 : i32
      %scan3A_716 = arith.constant 25 : i32
      %scan3A_717 = arith.addi %scan3A_715, %scan3A_716 : i32
      %scan3A_718 = arith.constant 1 : i32
      scf.for %scan3A_852 = %scan3A_715 to %scan3A_717 step %scan3A_718  : i32 {
        %mul3A_853 = arith.constant 16 : i32
        %mul3A_854 = arith.muli %scan3A_852, %mul3A_853 : i32
        %get3A = arith.index_cast %mul3A_854 : i32 to index
        %get3A_855 = tpu.vector_load %arg9[%get3A] {strides = array<i32>} : memref<400xi32, #tpu.memory_space<vmem>>, vector<16xi32>,
        %get3A_856 = vector.shape_cast %get3A_855 : vector<16xi32> to vector<16xi32>
        %sub3A = vector.broadcast %mul3A_0 : i32 to vector<16xi32>
        %sub3A_857 = arith.subi %get3A_856, %sub3A : vector<16xi32>
        %bitcast3A = vector.bitcast %sub3A_857 : vector<16xi32> to vector<16xi32>
        %lt3A = arith.constant 25000 : i32
        %lt3A_858 = vector.broadcast %lt3A : i32 to vector<16xi32>
        %lt3A_859 = arith.cmpi ult, %bitcast3A, %lt3A_858 : vector<16xi32>
        %add3A_860 = arith.constant 25000 : i32
        %add3A_861 = vector.broadcast %add3A_860 : i32 to vector<16xi32>
        %add3A_862 = arith.addi %add3A_861, %iota3A_713 : vector<16xi32>
        %select_n3A = arith.select %lt3A_859, %sub3A_857, %add3A_862 : vector<16xi1>, vector<16xi32>
        %mul3A_863 = arith.constant 16 : i32
        %mul3A_864 = arith.muli %scan3A_852, %mul3A_863 : i32
        %swap3A = arith.index_cast %mul3A_864 : i32 to index
        %swap3A_865 = tpu.vector_load %arg9[%swap3A] {strides = array<i32>} : memref<400xi32, #tpu.memory_space<vmem>>, vector<16xi32>,
        %swap3A_866 = vector.shape_cast %swap3A_865 : vector<16xi32> to vector<16xi32>
        %swap3A_867 = vector.shape_cast %select_n3A : vector<16xi32> to vector<16xi32>
        tpu.vector_store %arg9[%swap3A], %swap3A_867 {strides = array<i32>} : memref<400xi32, #tpu.memory_space<vmem>>, vector<16xi32>,
      }
      %scan3A_719 = arith.constant 25 : i32
      %iota3A_720 = tpu.iota {dimensions = array<i32: 0>} : vector<16xi32>
      %scan3A_721 = arith.constant 0 : i32
      %scan3A_722 = arith.constant 0 : i32
      %scan3A_723 = arith.constant 25 : i32
      %scan3A_724 = arith.addi %scan3A_722, %scan3A_723 : i32
      %scan3A_725 = arith.constant 1 : i32
      scf.for %scan3A_852 = %scan3A_722 to %scan3A_724 step %scan3A_725  : i32 {
        %mul3A_853 = arith.constant 16 : i32
        %mul3A_854 = arith.muli %scan3A_852, %mul3A_853 : i32
        %get3A = arith.index_cast %mul3A_854 : i32 to index
        %get3A_855 = tpu.vector_load %arg10[%get3A] {strides = array<i32>} : memref<400xi32, #tpu.memory_space<vmem>>, vector<16xi32>,
        %get3A_856 = vector.shape_cast %get3A_855 : vector<16xi32> to vector<16xi32>
        %sub3A = vector.broadcast %mul3A_0 : i32 to vector<16xi32>
        %sub3A_857 = arith.subi %get3A_856, %sub3A : vector<16xi32>
        %bitcast3A = vector.bitcast %sub3A_857 : vector<16xi32> to vector<16xi32>
        %lt3A = arith.constant 25000 : i32
        %lt3A_858 = vector.broadcast %lt3A : i32 to vector<16xi32>
        %lt3A_859 = arith.cmpi ult, %bitcast3A, %lt3A_858 : vector<16xi32>
        %add3A_860 = arith.constant 25000 : i32
        %add3A_861 = vector.broadcast %add3A_860 : i32 to vector<16xi32>
        %add3A_862 = arith.addi %add3A_861, %iota3A_720 : vector<16xi32>
        %select_n3A = arith.select %lt3A_859, %sub3A_857, %add3A_862 : vector<16xi1>, vector<16xi32>
        %mul3A_863 = arith.constant 16 : i32
        %mul3A_864 = arith.muli %scan3A_852, %mul3A_863 : i32
        %swap3A = arith.index_cast %mul3A_864 : i32 to index
        %swap3A_865 = tpu.vector_load %arg10[%swap3A] {strides = array<i32>} : memref<400xi32, #tpu.memory_space<vmem>>, vector<16xi32>,
        %swap3A_866 = vector.shape_cast %swap3A_865 : vector<16xi32> to vector<16xi32>
        %swap3A_867 = vector.shape_cast %select_n3A : vector<16xi32> to vector<16xi32>
        tpu.vector_store %arg10[%swap3A], %swap3A_867 {strides = array<i32>} : memref<400xi32, #tpu.memory_space<vmem>>, vector<16xi32>,
      }
      %scan3A_726 = arith.constant 25 : i32
      %dma_start3A_727 = arith.constant 0 : i32
      %dma_start3A_728 = arith.constant 0 : i32
      %dma_start3A_729 = tpu.memref_slice %arg4[%dma_start3A_727, %dma_start3A_728] : memref<50000x32xf32, #tpu.memory_space<hbm>> -> memref<50000x32xf32, #tpu.memory_space<hbm>>
      tpu.enqueue_indirect_dma source(%dma_start3A_729 : memref<50000x32xf32, #tpu.memory_space<hbm>>) target(%arg17 : memref<400x32xf32, #tpu.memory_space<vmem>>) offsets(%arg13 : memref<400xi32, #tpu.memory_space<vmem>>) semaphore(%arg25 : memref<!tpu.dma_semaphore, #tpu.memory_space<semaphore_mem>>)
      %dma_start3A_730 = arith.constant 0 : i32
      %dma_start3A_731 = arith.constant 0 : i32
      %dma_start3A_732 = tpu.memref_slice %arg4[%dma_start3A_730, %dma_start3A_731] : memref<50000x32xf32, #tpu.memory_space<hbm>> -> memref<50000x32xf32, #tpu.memory_space<hbm>>
      tpu.enqueue_indirect_dma source(%dma_start3A_732 : memref<50000x32xf32, #tpu.memory_space<hbm>>) target(%arg18 : memref<400x32xf32, #tpu.memory_space<vmem>>) offsets(%arg14 : memref<400xi32, #tpu.memory_space<vmem>>) semaphore(%arg26 : memref<!tpu.dma_semaphore, #tpu.memory_space<semaphore_mem>>)
      %dma_wait3A_733 = arith.constant 0 : i32
      %dma_wait3A_734 = arith.constant 0 : i32
      %dma_wait3A_735 = tpu.memref_slice %arg22[%dma_wait3A_733, %dma_wait3A_734] : memref<25088x32xf32, #tpu.memory_space<vmem_shared>> -> memref<25088x32xf32, #tpu.memory_space<vmem_shared>>
      tpu.wait_indirect_dma semaphore(%arg31 : memref<!tpu.dma_semaphore, #tpu.memory_space<semaphore_mem>>) src(%arg19 : memref<400x32xf32, #tpu.memory_space<vmem>>) dst(%dma_wait3A_735 : memref<25088x32xf32, #tpu.memory_space<vmem_shared>>)
      %dma_wait3A_736 = arith.constant 0 : i32
      %dma_wait3A_737 = arith.constant 0 : i32
      %dma_wait3A_738 = tpu.memref_slice %arg22[%dma_wait3A_736, %dma_wait3A_737] : memref<25088x32xf32, #tpu.memory_space<vmem_shared>> -> memref<25088x32xf32, #tpu.memory_space<vmem_shared>>
      tpu.wait_indirect_dma semaphore(%arg32 : memref<!tpu.dma_semaphore, #tpu.memory_space<semaphore_mem>>) src(%arg20 : memref<400x32xf32, #tpu.memory_space<vmem>>) dst(%dma_wait3A_738 : memref<25088x32xf32, #tpu.memory_space<vmem_shared>>)
      %add3A_739 = arith.constant 1 : i32
      %add3A_740 = arith.addi %add3A_693, %add3A_739 : i32
      %mul3A_741 = arith.constant 800 : i32
      %mul3A_742 = arith.muli %add3A_740, %mul3A_741 : i32
      %add3A_743 = arith.addi %mul3A_2, %mul3A_742 : i32
      %add3A_744 = arith.constant 0 : i32
      %add3A_745 = arith.addi %add3A_743, %add3A_744 : i32
      %dma_start3A_746 = tpu.memref_slice %arg3[%add3A_745] : memref<800000xi32, #tpu.memory_space<hbm>> -> memref<400xi32, #tpu.memory_space<hbm>>
      %dma_start3A_747 = tpu.memref_slice %arg3[%add3A_745] : memref<800000xi32, #tpu.memory_space<hbm>> -> memref<400xi32, #tpu.memory_space<hbm>>
      tpu.enqueue_dma source(%dma_start3A_747 : memref<400xi32, #tpu.memory_space<hbm>>) target(%arg11 : memref<400xi32, #tpu.memory_space<vmem>>) target_semaphore(%arg24 : memref<!tpu.dma_semaphore, #tpu.memory_space<semaphore_mem>>)
      %add3A_748 = arith.constant 0 : i32
      %add3A_749 = arith.addi %add3A_743, %add3A_748 : i32
      %dma_start3A_750 = tpu.memref_slice %arg2[%add3A_749] : memref<800000xi32, #tpu.memory_space<hbm>> -> memref<400xi32, #tpu.memory_space<hbm>>
      %dma_start3A_751 = tpu.memref_slice %arg2[%add3A_749] : memref<800000xi32, #tpu.memory_space<hbm>> -> memref<400xi32, #tpu.memory_space<hbm>>
      tpu.enqueue_dma source(%dma_start3A_751 : memref<400xi32, #tpu.memory_space<hbm>>) target(%arg15 : memref<400xi32, #tpu.memory_space<vmem>>) target_semaphore(%arg24 : memref<!tpu.dma_semaphore, #tpu.memory_space<semaphore_mem>>)
      %add3A_752 = arith.constant 400 : i32
      %add3A_753 = arith.addi %add3A_743, %add3A_752 : i32
      %dma_start3A_754 = tpu.memref_slice %arg3[%add3A_753] : memref<800000xi32, #tpu.memory_space<hbm>> -> memref<400xi32, #tpu.memory_space<hbm>>
      %dma_start3A_755 = tpu.memref_slice %arg3[%add3A_753] : memref<800000xi32, #tpu.memory_space<hbm>> -> memref<400xi32, #tpu.memory_space<hbm>>
      tpu.enqueue_dma source(%dma_start3A_755 : memref<400xi32, #tpu.memory_space<hbm>>) target(%arg12 : memref<400xi32, #tpu.memory_space<vmem>>) target_semaphore(%arg24 : memref<!tpu.dma_semaphore, #tpu.memory_space<semaphore_mem>>)
      %add3A_756 = arith.constant 400 : i32
      %add3A_757 = arith.addi %add3A_743, %add3A_756 : i32
      %dma_start3A_758 = tpu.memref_slice %arg2[%add3A_757] : memref<800000xi32, #tpu.memory_space<hbm>> -> memref<400xi32, #tpu.memory_space<hbm>>
      %dma_start3A_759 = tpu.memref_slice %arg2[%add3A_757] : memref<800000xi32, #tpu.memory_space<hbm>> -> memref<400xi32, #tpu.memory_space<hbm>>
      tpu.enqueue_dma source(%dma_start3A_759 : memref<400xi32, #tpu.memory_space<hbm>>) target(%arg16 : memref<400xi32, #tpu.memory_space<vmem>>) target_semaphore(%arg24 : memref<!tpu.dma_semaphore, #tpu.memory_space<semaphore_mem>>)
      %dma_wait3A_760 = arith.constant 0 : i32
      %dma_wait3A_761 = arith.constant 0 : i32
      %dma_wait3A_762 = tpu.memref_slice %arg4[%dma_wait3A_760, %dma_wait3A_761] : memref<50000x32xf32, #tpu.memory_space<hbm>> -> memref<50000x32xf32, #tpu.memory_space<hbm>>
      tpu.wait_indirect_dma semaphore(%arg25 : memref<!tpu.dma_semaphore, #tpu.memory_space<semaphore_mem>>) src(%dma_wait3A_762 : memref<50000x32xf32, #tpu.memory_space<hbm>>) dst(%arg17 : memref<400x32xf32, #tpu.memory_space<vmem>>)
      %dma_start3A_763 = arith.constant 0 : i32
      %dma_start3A_764 = arith.constant 0 : i32
      %dma_start3A_765 = tpu.memref_slice %arg22[%dma_start3A_763, %dma_start3A_764] : memref<25088x32xf32, #tpu.memory_space<vmem_shared>> -> memref<25088x32xf32, #tpu.memory_space<vmem_shared>>
      tpu.enqueue_indirect_dma source(%arg17 : memref<400x32xf32, #tpu.memory_space<vmem>>) target(%dma_start3A_765 : memref<25088x32xf32, #tpu.memory_space<vmem_shared>>) offsets(%arg9 : memref<400xi32, #tpu.memory_space<vmem>>) semaphore(%arg29 : memref<!tpu.dma_semaphore, #tpu.memory_space<semaphore_mem>>) {add = true}
      %dma_wait3A_766 = arith.constant 0 : i32
      %dma_wait3A_767 = arith.constant 0 : i32
      %dma_wait3A_768 = tpu.memref_slice %arg4[%dma_wait3A_766, %dma_wait3A_767] : memref<50000x32xf32, #tpu.memory_space<hbm>> -> memref<50000x32xf32, #tpu.memory_space<hbm>>
      tpu.wait_indirect_dma semaphore(%arg26 : memref<!tpu.dma_semaphore, #tpu.memory_space<semaphore_mem>>) src(%dma_wait3A_768 : memref<50000x32xf32, #tpu.memory_space<hbm>>) dst(%arg18 : memref<400x32xf32, #tpu.memory_space<vmem>>)
      %dma_start3A_769 = arith.constant 0 : i32
      %dma_start3A_770 = arith.constant 0 : i32
      %dma_start3A_771 = tpu.memref_slice %arg22[%dma_start3A_769, %dma_start3A_770] : memref<25088x32xf32, #tpu.memory_space<vmem_shared>> -> memref<25088x32xf32, #tpu.memory_space<vmem_shared>>
      tpu.enqueue_indirect_dma source(%arg18 : memref<400x32xf32, #tpu.memory_space<vmem>>) target(%dma_start3A_771 : memref<25088x32xf32, #tpu.memory_space<vmem_shared>>) offsets(%arg10 : memref<400xi32, #tpu.memory_space<vmem>>) semaphore(%arg30 : memref<!tpu.dma_semaphore, #tpu.memory_space<semaphore_mem>>) {add = true}
      %add3A_772 = arith.constant 1 : i32
      %add3A_773 = arith.addi %add3A_693, %add3A_772 : i32
      %mul3A_774 = arith.constant 800 : i32
      %mul3A_775 = arith.muli %add3A_773, %mul3A_774 : i32
      %add3A_776 = arith.addi %mul3A_2, %mul3A_775 : i32
      %add3A_777 = arith.constant 0 : i32
      %add3A_778 = arith.addi %add3A_776, %add3A_777 : i32
      %dma_wait3A_779 = tpu.memref_slice %arg3[%add3A_778] : memref<800000xi32, #tpu.memory_space<hbm>> -> memref<400xi32, #tpu.memory_space<hbm>>
      %dma_wait3A_780 = tpu.memref_slice %arg3[%add3A_778] : memref<800000xi32, #tpu.memory_space<hbm>> -> memref<400xi32, #tpu.memory_space<hbm>>
      tpu.wait_dma2 semaphore(%arg24 : memref<!tpu.dma_semaphore, #tpu.memory_space<semaphore_mem>>) src(%dma_wait3A_780 : memref<400xi32, #tpu.memory_space<hbm>>) dst(%arg11 : memref<400xi32, #tpu.memory_space<vmem>>)
      %add3A_781 = arith.constant 0 : i32
      %add3A_782 = arith.addi %add3A_776, %add3A_781 : i32
      %dma_wait3A_783 = tpu.memref_slice %arg2[%add3A_782] : memref<800000xi32, #tpu.memory_space<hbm>> -> memref<400xi32, #tpu.memory_space<hbm>>
      %dma_wait3A_784 = tpu.memref_slice %arg2[%add3A_782] : memref<800000xi32, #tpu.memory_space<hbm>> -> memref<400xi32, #tpu.memory_space<hbm>>
      tpu.wait_dma2 semaphore(%arg24 : memref<!tpu.dma_semaphore, #tpu.memory_space<semaphore_mem>>) src(%dma_wait3A_784 : memref<400xi32, #tpu.memory_space<hbm>>) dst(%arg15 : memref<400xi32, #tpu.memory_space<vmem>>)
      %add3A_785 = arith.constant 400 : i32
      %add3A_786 = arith.addi %add3A_776, %add3A_785 : i32
      %dma_wait3A_787 = tpu.memref_slice %arg3[%add3A_786] : memref<800000xi32, #tpu.memory_space<hbm>> -> memref<400xi32, #tpu.memory_space<hbm>>
      %dma_wait3A_788 = tpu.memref_slice %arg3[%add3A_786] : memref<800000xi32, #tpu.memory_space<hbm>> -> memref<400xi32, #tpu.memory_space<hbm>>
      tpu.wait_dma2 semaphore(%arg24 : memref<!tpu.dma_semaphore, #tpu.memory_space<semaphore_mem>>) src(%dma_wait3A_788 : memref<400xi32, #tpu.memory_space<hbm>>) dst(%arg12 : memref<400xi32, #tpu.memory_space<vmem>>)
      %add3A_789 = arith.constant 400 : i32
      %add3A_790 = arith.addi %add3A_776, %add3A_789 : i32
      %dma_wait3A_791 = tpu.memref_slice %arg2[%add3A_790] : memref<800000xi32, #tpu.memory_space<hbm>> -> memref<400xi32, #tpu.memory_space<hbm>>
      %dma_wait3A_792 = tpu.memref_slice %arg2[%add3A_790] : memref<800000xi32, #tpu.memory_space<hbm>> -> memref<400xi32, #tpu.memory_space<hbm>>
      tpu.wait_dma2 semaphore(%arg24 : memref<!tpu.dma_semaphore, #tpu.memory_space<semaphore_mem>>) src(%dma_wait3A_792 : memref<400xi32, #tpu.memory_space<hbm>>) dst(%arg16 : memref<400xi32, #tpu.memory_space<vmem>>)
      %iota3A_793 = tpu.iota {dimensions = array<i32: 0>} : vector<16xi32>
      %scan3A_794 = arith.constant 0 : i32
      %scan3A_795 = arith.constant 0 : i32
      %scan3A_796 = arith.constant 25 : i32
      %scan3A_797 = arith.addi %scan3A_795, %scan3A_796 : i32
      %scan3A_798 = arith.constant 1 : i32
      scf.for %scan3A_852 = %scan3A_795 to %scan3A_797 step %scan3A_798  : i32 {
        %mul3A_853 = arith.constant 16 : i32
        %mul3A_854 = arith.muli %scan3A_852, %mul3A_853 : i32
        %get3A = arith.index_cast %mul3A_854 : i32 to index
        %get3A_855 = tpu.vector_load %arg11[%get3A] {strides = array<i32>} : memref<400xi32, #tpu.memory_space<vmem>>, vector<16xi32>,
        %get3A_856 = vector.shape_cast %get3A_855 : vector<16xi32> to vector<16xi32>
        %sub3A = vector.broadcast %mul3A_0 : i32 to vector<16xi32>
        %sub3A_857 = arith.subi %get3A_856, %sub3A : vector<16xi32>
        %bitcast3A = vector.bitcast %sub3A_857 : vector<16xi32> to vector<16xi32>
        %lt3A = arith.constant 25000 : i32
        %lt3A_858 = vector.broadcast %lt3A : i32 to vector<16xi32>
        %lt3A_859 = arith.cmpi ult, %bitcast3A, %lt3A_858 : vector<16xi32>
        %add3A_860 = arith.constant 25000 : i32
        %add3A_861 = vector.broadcast %add3A_860 : i32 to vector<16xi32>
        %add3A_862 = arith.addi %add3A_861, %iota3A_793 : vector<16xi32>
        %select_n3A = arith.select %lt3A_859, %sub3A_857, %add3A_862 : vector<16xi1>, vector<16xi32>
        %mul3A_863 = arith.constant 16 : i32
        %mul3A_864 = arith.muli %scan3A_852, %mul3A_863 : i32
        %swap3A = arith.index_cast %mul3A_864 : i32 to index
        %swap3A_865 = tpu.vector_load %arg11[%swap3A] {strides = array<i32>} : memref<400xi32, #tpu.memory_space<vmem>>, vector<16xi32>,
        %swap3A_866 = vector.shape_cast %swap3A_865 : vector<16xi32> to vector<16xi32>
        %swap3A_867 = vector.shape_cast %select_n3A : vector<16xi32> to vector<16xi32>
        tpu.vector_store %arg11[%swap3A], %swap3A_867 {strides = array<i32>} : memref<400xi32, #tpu.memory_space<vmem>>, vector<16xi32>,
      }
      %scan3A_799 = arith.constant 25 : i32
      %iota3A_800 = tpu.iota {dimensions = array<i32: 0>} : vector<16xi32>
      %scan3A_801 = arith.constant 0 : i32
      %scan3A_802 = arith.constant 0 : i32
      %scan3A_803 = arith.constant 25 : i32
      %scan3A_804 = arith.addi %scan3A_802, %scan3A_803 : i32
      %scan3A_805 = arith.constant 1 : i32
      scf.for %scan3A_852 = %scan3A_802 to %scan3A_804 step %scan3A_805  : i32 {
        %mul3A_853 = arith.constant 16 : i32
        %mul3A_854 = arith.muli %scan3A_852, %mul3A_853 : i32
        %get3A = arith.index_cast %mul3A_854 : i32 to index
        %get3A_855 = tpu.vector_load %arg12[%get3A] {strides = array<i32>} : memref<400xi32, #tpu.memory_space<vmem>>, vector<16xi32>,
        %get3A_856 = vector.shape_cast %get3A_855 : vector<16xi32> to vector<16xi32>
        %sub3A = vector.broadcast %mul3A_0 : i32 to vector<16xi32>
        %sub3A_857 = arith.subi %get3A_856, %sub3A : vector<16xi32>
        %bitcast3A = vector.bitcast %sub3A_857 : vector<16xi32> to vector<16xi32>
        %lt3A = arith.constant 25000 : i32
        %lt3A_858 = vector.broadcast %lt3A : i32 to vector<16xi32>
        %lt3A_859 = arith.cmpi ult, %bitcast3A, %lt3A_858 : vector<16xi32>
        %add3A_860 = arith.constant 25000 : i32
        %add3A_861 = vector.broadcast %add3A_860 : i32 to vector<16xi32>
        %add3A_862 = arith.addi %add3A_861, %iota3A_800 : vector<16xi32>
        %select_n3A = arith.select %lt3A_859, %sub3A_857, %add3A_862 : vector<16xi1>, vector<16xi32>
        %mul3A_863 = arith.constant 16 : i32
        %mul3A_864 = arith.muli %scan3A_852, %mul3A_863 : i32
        %swap3A = arith.index_cast %mul3A_864 : i32 to index
        %swap3A_865 = tpu.vector_load %arg12[%swap3A] {strides = array<i32>} : memref<400xi32, #tpu.memory_space<vmem>>, vector<16xi32>,
        %swap3A_866 = vector.shape_cast %swap3A_865 : vector<16xi32> to vector<16xi32>
        %swap3A_867 = vector.shape_cast %select_n3A : vector<16xi32> to vector<16xi32>
        tpu.vector_store %arg12[%swap3A], %swap3A_867 {strides = array<i32>} : memref<400xi32, #tpu.memory_space<vmem>>, vector<16xi32>,
      }
      %scan3A_806 = arith.constant 25 : i32
      %dma_start3A_807 = arith.constant 0 : i32
      %dma_start3A_808 = arith.constant 0 : i32
      %dma_start3A_809 = tpu.memref_slice %arg4[%dma_start3A_807, %dma_start3A_808] : memref<50000x32xf32, #tpu.memory_space<hbm>> -> memref<50000x32xf32, #tpu.memory_space<hbm>>
      tpu.enqueue_indirect_dma source(%dma_start3A_809 : memref<50000x32xf32, #tpu.memory_space<hbm>>) target(%arg19 : memref<400x32xf32, #tpu.memory_space<vmem>>) offsets(%arg15 : memref<400xi32, #tpu.memory_space<vmem>>) semaphore(%arg27 : memref<!tpu.dma_semaphore, #tpu.memory_space<semaphore_mem>>)
      %dma_start3A_810 = arith.constant 0 : i32
      %dma_start3A_811 = arith.constant 0 : i32
      %dma_start3A_812 = tpu.memref_slice %arg4[%dma_start3A_810, %dma_start3A_811] : memref<50000x32xf32, #tpu.memory_space<hbm>> -> memref<50000x32xf32, #tpu.memory_space<hbm>>
      tpu.enqueue_indirect_dma source(%dma_start3A_812 : memref<50000x32xf32, #tpu.memory_space<hbm>>) target(%arg20 : memref<400x32xf32, #tpu.memory_space<vmem>>) offsets(%arg16 : memref<400xi32, #tpu.memory_space<vmem>>) semaphore(%arg28 : memref<!tpu.dma_semaphore, #tpu.memory_space<semaphore_mem>>)
      %dma_wait3A_813 = arith.constant 0 : i32
      %dma_wait3A_814 = arith.constant 0 : i32
      %dma_wait3A_815 = tpu.memref_slice %arg22[%dma_wait3A_813, %dma_wait3A_814] : memref<25088x32xf32, #tpu.memory_space<vmem_shared>> -> memref<25088x32xf32, #tpu.memory_space<vmem_shared>>
      tpu.wait_indirect_dma semaphore(%arg29 : memref<!tpu.dma_semaphore, #tpu.memory_space<semaphore_mem>>) src(%arg17 : memref<400x32xf32, #tpu.memory_space<vmem>>) dst(%dma_wait3A_815 : memref<25088x32xf32, #tpu.memory_space<vmem_shared>>)
      %dma_wait3A_816 = arith.constant 0 : i32
      %dma_wait3A_817 = arith.constant 0 : i32
      %dma_wait3A_818 = tpu.memref_slice %arg22[%dma_wait3A_816, %dma_wait3A_817] : memref<25088x32xf32, #tpu.memory_space<vmem_shared>> -> memref<25088x32xf32, #tpu.memory_space<vmem_shared>>
      tpu.wait_indirect_dma semaphore(%arg30 : memref<!tpu.dma_semaphore, #tpu.memory_space<semaphore_mem>>) src(%arg18 : memref<400x32xf32, #tpu.memory_space<vmem>>) dst(%dma_wait3A_818 : memref<25088x32xf32, #tpu.memory_space<vmem_shared>>)
      %add3A_819 = arith.constant 1 : i32
      %add3A_820 = arith.addi %add3A_773, %add3A_819 : i32
      %mul3A_821 = arith.constant 800 : i32
      %mul3A_822 = arith.muli %add3A_820, %mul3A_821 : i32
      %add3A_823 = arith.addi %mul3A_2, %mul3A_822 : i32
      %add3A_824 = arith.constant 0 : i32
      %add3A_825 = arith.addi %add3A_823, %add3A_824 : i32
      %dma_start3A_826 = tpu.memref_slice %arg3[%add3A_825] : memref<800000xi32, #tpu.memory_space<hbm>> -> memref<400xi32, #tpu.memory_space<hbm>>
      %dma_start3A_827 = tpu.memref_slice %arg3[%add3A_825] : memref<800000xi32, #tpu.memory_space<hbm>> -> memref<400xi32, #tpu.memory_space<hbm>>
      tpu.enqueue_dma source(%dma_start3A_827 : memref<400xi32, #tpu.memory_space<hbm>>) target(%arg9 : memref<400xi32, #tpu.memory_space<vmem>>) target_semaphore(%arg23 : memref<!tpu.dma_semaphore, #tpu.memory_space<semaphore_mem>>)
      %add3A_828 = arith.constant 0 : i32
      %add3A_829 = arith.addi %add3A_823, %add3A_828 : i32
      %dma_start3A_830 = tpu.memref_slice %arg2[%add3A_829] : memref<800000xi32, #tpu.memory_space<hbm>> -> memref<400xi32, #tpu.memory_space<hbm>>
      %dma_start3A_831 = tpu.memref_slice %arg2[%add3A_829] : memref<800000xi32, #tpu.memory_space<hbm>> -> memref<400xi32, #tpu.memory_space<hbm>>
      tpu.enqueue_dma source(%dma_start3A_831 : memref<400xi32, #tpu.memory_space<hbm>>) target(%arg13 : memref<400xi32, #tpu.memory_space<vmem>>) target_semaphore(%arg23 : memref<!tpu.dma_semaphore, #tpu.memory_space<semaphore_mem>>)
      %add3A_832 = arith.constant 400 : i32
      %add3A_833 = arith.addi %add3A_823, %add3A_832 : i32
      %dma_start3A_834 = tpu.memref_slice %arg3[%add3A_833] : memref<800000xi32, #tpu.memory_space<hbm>> -> memref<400xi32, #tpu.memory_space<hbm>>
      %dma_start3A_835 = tpu.memref_slice %arg3[%add3A_833] : memref<800000xi32, #tpu.memory_space<hbm>> -> memref<400xi32, #tpu.memory_space<hbm>>
      tpu.enqueue_dma source(%dma_start3A_835 : memref<400xi32, #tpu.memory_space<hbm>>) target(%arg10 : memref<400xi32, #tpu.memory_space<vmem>>) target_semaphore(%arg23 : memref<!tpu.dma_semaphore, #tpu.memory_space<semaphore_mem>>)
      %add3A_836 = arith.constant 400 : i32
      %add3A_837 = arith.addi %add3A_823, %add3A_836 : i32
      %dma_start3A_838 = tpu.memref_slice %arg2[%add3A_837] : memref<800000xi32, #tpu.memory_space<hbm>> -> memref<400xi32, #tpu.memory_space<hbm>>
      %dma_start3A_839 = tpu.memref_slice %arg2[%add3A_837] : memref<800000xi32, #tpu.memory_space<hbm>> -> memref<400xi32, #tpu.memory_space<hbm>>
      tpu.enqueue_dma source(%dma_start3A_839 : memref<400xi32, #tpu.memory_space<hbm>>) target(%arg14 : memref<400xi32, #tpu.memory_space<vmem>>) target_semaphore(%arg23 : memref<!tpu.dma_semaphore, #tpu.memory_space<semaphore_mem>>)
      %dma_wait3A_840 = arith.constant 0 : i32
      %dma_wait3A_841 = arith.constant 0 : i32
      %dma_wait3A_842 = tpu.memref_slice %arg4[%dma_wait3A_840, %dma_wait3A_841] : memref<50000x32xf32, #tpu.memory_space<hbm>> -> memref<50000x32xf32, #tpu.memory_space<hbm>>
      tpu.wait_indirect_dma semaphore(%arg27 : memref<!tpu.dma_semaphore, #tpu.memory_space<semaphore_mem>>) src(%dma_wait3A_842 : memref<50000x32xf32, #tpu.memory_space<hbm>>) dst(%arg19 : memref<400x32xf32, #tpu.memory_space<vmem>>)
      %dma_start3A_843 = arith.constant 0 : i32
      %dma_start3A_844 = arith.constant 0 : i32
      %dma_start3A_845 = tpu.memref_slice %arg22[%dma_start3A_843, %dma_start3A_844] : memref<25088x32xf32, #tpu.memory_space<vmem_shared>> -> memref<25088x32xf32, #tpu.memory_space<vmem_shared>>
      tpu.enqueue_indirect_dma source(%arg19 : memref<400x32xf32, #tpu.memory_space<vmem>>) target(%dma_start3A_845 : memref<25088x32xf32, #tpu.memory_space<vmem_shared>>) offsets(%arg11 : memref<400xi32, #tpu.memory_space<vmem>>) semaphore(%arg31 : memref<!tpu.dma_semaphore, #tpu.memory_space<semaphore_mem>>) {add = true}
      %dma_wait3A_846 = arith.constant 0 : i32
      %dma_wait3A_847 = arith.constant 0 : i32
      %dma_wait3A_848 = tpu.memref_slice %arg4[%dma_wait3A_846, %dma_wait3A_847] : memref<50000x32xf32, #tpu.memory_space<hbm>> -> memref<50000x32xf32, #tpu.memory_space<hbm>>
      tpu.wait_indirect_dma semaphore(%arg28 : memref<!tpu.dma_semaphore, #tpu.memory_space<semaphore_mem>>) src(%dma_wait3A_848 : memref<50000x32xf32, #tpu.memory_space<hbm>>) dst(%arg20 : memref<400x32xf32, #tpu.memory_space<vmem>>)
      %dma_start3A_849 = arith.constant 0 : i32
      %dma_start3A_850 = arith.constant 0 : i32
      %dma_start3A_851 = tpu.memref_slice %arg22[%dma_start3A_849, %dma_start3A_850] : memref<25088x32xf32, #tpu.memory_space<vmem_shared>> -> memref<25088x32xf32, #tpu.memory_space<vmem_shared>>
      tpu.enqueue_indirect_dma source(%arg20 : memref<400x32xf32, #tpu.memory_space<vmem>>) target(%dma_start3A_851 : memref<25088x32xf32, #tpu.memory_space<vmem_shared>>) offsets(%arg12 : memref<400xi32, #tpu.memory_space<vmem>>) semaphore(%arg32 : memref<!tpu.dma_semaphore, #tpu.memory_space<semaphore_mem>>) {add = true}
    }
    %scan3A_179 = arith.constant 29 : i32
    %add3A_180 = arith.constant 48000 : i32
    %add3A_181 = arith.addi %mul3A_2, %add3A_180 : i32
    %add3A_182 = arith.constant 0 : i32
    %add3A_183 = arith.addi %add3A_181, %add3A_182 : i32
    %dma_wait3A_184 = tpu.memref_slice %arg3[%add3A_183] : memref<800000xi32, #tpu.memory_space<hbm>> -> memref<400xi32, #tpu.memory_space<hbm>>
    %dma_wait3A_185 = tpu.memref_slice %arg3[%add3A_183] : memref<800000xi32, #tpu.memory_space<hbm>> -> memref<400xi32, #tpu.memory_space<hbm>>
    tpu.wait_dma2 semaphore(%arg23 : memref<!tpu.dma_semaphore, #tpu.memory_space<semaphore_mem>>) src(%dma_wait3A_185 : memref<400xi32, #tpu.memory_space<hbm>>) dst(%arg9 : memref<400xi32, #tpu.memory_space<vmem>>)
    %add3A_186 = arith.constant 0 : i32
    %add3A_187 = arith.addi %add3A_181, %add3A_186 : i32
    %dma_wait3A_188 = tpu.memref_slice %arg2[%add3A_187] : memref<800000xi32, #tpu.memory_space<hbm>> -> memref<400xi32, #tpu.memory_space<hbm>>
    %dma_wait3A_189 = tpu.memref_slice %arg2[%add3A_187] : memref<800000xi32, #tpu.memory_space<hbm>> -> memref<400xi32, #tpu.memory_space<hbm>>
    tpu.wait_dma2 semaphore(%arg23 : memref<!tpu.dma_semaphore, #tpu.memory_space<semaphore_mem>>) src(%dma_wait3A_189 : memref<400xi32, #tpu.memory_space<hbm>>) dst(%arg13 : memref<400xi32, #tpu.memory_space<vmem>>)
    %add3A_190 = arith.constant 400 : i32
    %add3A_191 = arith.addi %add3A_181, %add3A_190 : i32
    %dma_wait3A_192 = tpu.memref_slice %arg3[%add3A_191] : memref<800000xi32, #tpu.memory_space<hbm>> -> memref<400xi32, #tpu.memory_space<hbm>>
    %dma_wait3A_193 = tpu.memref_slice %arg3[%add3A_191] : memref<800000xi32, #tpu.memory_space<hbm>> -> memref<400xi32, #tpu.memory_space<hbm>>
    tpu.wait_dma2 semaphore(%arg23 : memref<!tpu.dma_semaphore, #tpu.memory_space<semaphore_mem>>) src(%dma_wait3A_193 : memref<400xi32, #tpu.memory_space<hbm>>) dst(%arg10 : memref<400xi32, #tpu.memory_space<vmem>>)
    %add3A_194 = arith.constant 400 : i32
    %add3A_195 = arith.addi %add3A_181, %add3A_194 : i32
    %dma_wait3A_196 = tpu.memref_slice %arg2[%add3A_195] : memref<800000xi32, #tpu.memory_space<hbm>> -> memref<400xi32, #tpu.memory_space<hbm>>
    %dma_wait3A_197 = tpu.memref_slice %arg2[%add3A_195] : memref<800000xi32, #tpu.memory_space<hbm>> -> memref<400xi32, #tpu.memory_space<hbm>>
    tpu.wait_dma2 semaphore(%arg23 : memref<!tpu.dma_semaphore, #tpu.memory_space<semaphore_mem>>) src(%dma_wait3A_197 : memref<400xi32, #tpu.memory_space<hbm>>) dst(%arg14 : memref<400xi32, #tpu.memory_space<vmem>>)
    %iota3A_198 = tpu.iota {dimensions = array<i32: 0>} : vector<16xi32>
    %scan3A_199 = arith.constant 0 : i32
    %scan3A_200 = arith.constant 0 : i32
    %scan3A_201 = arith.constant 25 : i32
    %scan3A_202 = arith.addi %scan3A_200, %scan3A_201 : i32
    %scan3A_203 = arith.constant 1 : i32
    scf.for %scan3A_689 = %scan3A_200 to %scan3A_202 step %scan3A_203  : i32 {
      %mul3A_690 = arith.constant 16 : i32
      %mul3A_691 = arith.muli %scan3A_689, %mul3A_690 : i32
      %get3A = arith.index_cast %mul3A_691 : i32 to index
      %get3A_692 = tpu.vector_load %arg9[%get3A] {strides = array<i32>} : memref<400xi32, #tpu.memory_space<vmem>>, vector<16xi32>,
      %get3A_693 = vector.shape_cast %get3A_692 : vector<16xi32> to vector<16xi32>
      %sub3A = vector.broadcast %mul3A_0 : i32 to vector<16xi32>
      %sub3A_694 = arith.subi %get3A_693, %sub3A : vector<16xi32>
      %bitcast3A = vector.bitcast %sub3A_694 : vector<16xi32> to vector<16xi32>
      %lt3A = arith.constant 25000 : i32
      %lt3A_695 = vector.broadcast %lt3A : i32 to vector<16xi32>
      %lt3A_696 = arith.cmpi ult, %bitcast3A, %lt3A_695 : vector<16xi32>
      %add3A_697 = arith.constant 25000 : i32
      %add3A_698 = vector.broadcast %add3A_697 : i32 to vector<16xi32>
      %add3A_699 = arith.addi %add3A_698, %iota3A_198 : vector<16xi32>
      %select_n3A = arith.select %lt3A_696, %sub3A_694, %add3A_699 : vector<16xi1>, vector<16xi32>
      %mul3A_700 = arith.constant 16 : i32
      %mul3A_701 = arith.muli %scan3A_689, %mul3A_700 : i32
      %swap3A = arith.index_cast %mul3A_701 : i32 to index
      %swap3A_702 = tpu.vector_load %arg9[%swap3A] {strides = array<i32>} : memref<400xi32, #tpu.memory_space<vmem>>, vector<16xi32>,
      %swap3A_703 = vector.shape_cast %swap3A_702 : vector<16xi32> to vector<16xi32>
      %swap3A_704 = vector.shape_cast %select_n3A : vector<16xi32> to vector<16xi32>
      tpu.vector_store %arg9[%swap3A], %swap3A_704 {strides = array<i32>} : memref<400xi32, #tpu.memory_space<vmem>>, vector<16xi32>,
    }
    %scan3A_204 = arith.constant 25 : i32
    %iota3A_205 = tpu.iota {dimensions = array<i32: 0>} : vector<16xi32>
    %scan3A_206 = arith.constant 0 : i32
    %scan3A_207 = arith.constant 0 : i32
    %scan3A_208 = arith.constant 25 : i32
    %scan3A_209 = arith.addi %scan3A_207, %scan3A_208 : i32
    %scan3A_210 = arith.constant 1 : i32
    scf.for %scan3A_689 = %scan3A_207 to %scan3A_209 step %scan3A_210  : i32 {
      %mul3A_690 = arith.constant 16 : i32
      %mul3A_691 = arith.muli %scan3A_689, %mul3A_690 : i32
      %get3A = arith.index_cast %mul3A_691 : i32 to index
      %get3A_692 = tpu.vector_load %arg10[%get3A] {strides = array<i32>} : memref<400xi32, #tpu.memory_space<vmem>>, vector<16xi32>,
      %get3A_693 = vector.shape_cast %get3A_692 : vector<16xi32> to vector<16xi32>
      %sub3A = vector.broadcast %mul3A_0 : i32 to vector<16xi32>
      %sub3A_694 = arith.subi %get3A_693, %sub3A : vector<16xi32>
      %bitcast3A = vector.bitcast %sub3A_694 : vector<16xi32> to vector<16xi32>
      %lt3A = arith.constant 25000 : i32
      %lt3A_695 = vector.broadcast %lt3A : i32 to vector<16xi32>
      %lt3A_696 = arith.cmpi ult, %bitcast3A, %lt3A_695 : vector<16xi32>
      %add3A_697 = arith.constant 25000 : i32
      %add3A_698 = vector.broadcast %add3A_697 : i32 to vector<16xi32>
      %add3A_699 = arith.addi %add3A_698, %iota3A_205 : vector<16xi32>
      %select_n3A = arith.select %lt3A_696, %sub3A_694, %add3A_699 : vector<16xi1>, vector<16xi32>
      %mul3A_700 = arith.constant 16 : i32
      %mul3A_701 = arith.muli %scan3A_689, %mul3A_700 : i32
      %swap3A = arith.index_cast %mul3A_701 : i32 to index
      %swap3A_702 = tpu.vector_load %arg10[%swap3A] {strides = array<i32>} : memref<400xi32, #tpu.memory_space<vmem>>, vector<16xi32>,
      %swap3A_703 = vector.shape_cast %swap3A_702 : vector<16xi32> to vector<16xi32>
      %swap3A_704 = vector.shape_cast %select_n3A : vector<16xi32> to vector<16xi32>
      tpu.vector_store %arg10[%swap3A], %swap3A_704 {strides = array<i32>} : memref<400xi32, #tpu.memory_space<vmem>>, vector<16xi32>,
    }
    %scan3A_211 = arith.constant 25 : i32
    %dma_start3A_212 = arith.constant 0 : i32
    %dma_start3A_213 = arith.constant 0 : i32
    %dma_start3A_214 = tpu.memref_slice %arg4[%dma_start3A_212, %dma_start3A_213] : memref<50000x32xf32, #tpu.memory_space<hbm>> -> memref<50000x32xf32, #tpu.memory_space<hbm>>
    tpu.enqueue_indirect_dma source(%dma_start3A_214 : memref<50000x32xf32, #tpu.memory_space<hbm>>) target(%arg17 : memref<400x32xf32, #tpu.memory_space<vmem>>) offsets(%arg13 : memref<400xi32, #tpu.memory_space<vmem>>) semaphore(%arg25 : memref<!tpu.dma_semaphore, #tpu.memory_space<semaphore_mem>>)
    %dma_start3A_215 = arith.constant 0 : i32
    %dma_start3A_216 = arith.constant 0 : i32
    %dma_start3A_217 = tpu.memref_slice %arg4[%dma_start3A_215, %dma_start3A_216] : memref<50000x32xf32, #tpu.memory_space<hbm>> -> memref<50000x32xf32, #tpu.memory_space<hbm>>
    tpu.enqueue_indirect_dma source(%dma_start3A_217 : memref<50000x32xf32, #tpu.memory_space<hbm>>) target(%arg18 : memref<400x32xf32, #tpu.memory_space<vmem>>) offsets(%arg14 : memref<400xi32, #tpu.memory_space<vmem>>) semaphore(%arg26 : memref<!tpu.dma_semaphore, #tpu.memory_space<semaphore_mem>>)
    %dma_wait3A_218 = arith.constant 0 : i32
    %dma_wait3A_219 = arith.constant 0 : i32
    %dma_wait3A_220 = tpu.memref_slice %arg22[%dma_wait3A_218, %dma_wait3A_219] : memref<25088x32xf32, #tpu.memory_space<vmem_shared>> -> memref<25088x32xf32, #tpu.memory_space<vmem_shared>>
    tpu.wait_indirect_dma semaphore(%arg31 : memref<!tpu.dma_semaphore, #tpu.memory_space<semaphore_mem>>) src(%arg19 : memref<400x32xf32, #tpu.memory_space<vmem>>) dst(%dma_wait3A_220 : memref<25088x32xf32, #tpu.memory_space<vmem_shared>>)
    %dma_wait3A_221 = arith.constant 0 : i32
    %dma_wait3A_222 = arith.constant 0 : i32
    %dma_wait3A_223 = tpu.memref_slice %arg22[%dma_wait3A_221, %dma_wait3A_222] : memref<25088x32xf32, #tpu.memory_space<vmem_shared>> -> memref<25088x32xf32, #tpu.memory_space<vmem_shared>>
    tpu.wait_indirect_dma semaphore(%arg32 : memref<!tpu.dma_semaphore, #tpu.memory_space<semaphore_mem>>) src(%arg20 : memref<400x32xf32, #tpu.memory_space<vmem>>) dst(%dma_wait3A_223 : memref<25088x32xf32, #tpu.memory_space<vmem_shared>>)
    %add3A_224 = arith.constant 48800 : i32
    %add3A_225 = arith.addi %mul3A_2, %add3A_224 : i32
    %add3A_226 = arith.constant 0 : i32
    %add3A_227 = arith.addi %add3A_225, %add3A_226 : i32
    %dma_start3A_228 = tpu.memref_slice %arg3[%add3A_227] : memref<800000xi32, #tpu.memory_space<hbm>> -> memref<400xi32, #tpu.memory_space<hbm>>
    %dma_start3A_229 = tpu.memref_slice %arg3[%add3A_227] : memref<800000xi32, #tpu.memory_space<hbm>> -> memref<400xi32, #tpu.memory_space<hbm>>
    tpu.enqueue_dma source(%dma_start3A_229 : memref<400xi32, #tpu.memory_space<hbm>>) target(%arg11 : memref<400xi32, #tpu.memory_space<vmem>>) target_semaphore(%arg24 : memref<!tpu.dma_semaphore, #tpu.memory_space<semaphore_mem>>)
    %add3A_230 = arith.constant 0 : i32
    %add3A_231 = arith.addi %add3A_225, %add3A_230 : i32
    %dma_start3A_232 = tpu.memref_slice %arg2[%add3A_231] : memref<800000xi32, #tpu.memory_space<hbm>> -> memref<400xi32, #tpu.memory_space<hbm>>
    %dma_start3A_233 = tpu.memref_slice %arg2[%add3A_231] : memref<800000xi32, #tpu.memory_space<hbm>> -> memref<400xi32, #tpu.memory_space<hbm>>
    tpu.enqueue_dma source(%dma_start3A_233 : memref<400xi32, #tpu.memory_space<hbm>>) target(%arg15 : memref<400xi32, #tpu.memory_space<vmem>>) target_semaphore(%arg24 : memref<!tpu.dma_semaphore, #tpu.memory_space<semaphore_mem>>)
    %add3A_234 = arith.constant 400 : i32
    %add3A_235 = arith.addi %add3A_225, %add3A_234 : i32
    %dma_start3A_236 = tpu.memref_slice %arg3[%add3A_235] : memref<800000xi32, #tpu.memory_space<hbm>> -> memref<400xi32, #tpu.memory_space<hbm>>
    %dma_start3A_237 = tpu.memref_slice %arg3[%add3A_235] : memref<800000xi32, #tpu.memory_space<hbm>> -> memref<400xi32, #tpu.memory_space<hbm>>
    tpu.enqueue_dma source(%dma_start3A_237 : memref<400xi32, #tpu.memory_space<hbm>>) target(%arg12 : memref<400xi32, #tpu.memory_space<vmem>>) target_semaphore(%arg24 : memref<!tpu.dma_semaphore, #tpu.memory_space<semaphore_mem>>)
    %add3A_238 = arith.constant 400 : i32
    %add3A_239 = arith.addi %add3A_225, %add3A_238 : i32
    %dma_start3A_240 = tpu.memref_slice %arg2[%add3A_239] : memref<800000xi32, #tpu.memory_space<hbm>> -> memref<400xi32, #tpu.memory_space<hbm>>
    %dma_start3A_241 = tpu.memref_slice %arg2[%add3A_239] : memref<800000xi32, #tpu.memory_space<hbm>> -> memref<400xi32, #tpu.memory_space<hbm>>
    tpu.enqueue_dma source(%dma_start3A_241 : memref<400xi32, #tpu.memory_space<hbm>>) target(%arg16 : memref<400xi32, #tpu.memory_space<vmem>>) target_semaphore(%arg24 : memref<!tpu.dma_semaphore, #tpu.memory_space<semaphore_mem>>)
    %dma_wait3A_242 = arith.constant 0 : i32
    %dma_wait3A_243 = arith.constant 0 : i32
    %dma_wait3A_244 = tpu.memref_slice %arg4[%dma_wait3A_242, %dma_wait3A_243] : memref<50000x32xf32, #tpu.memory_space<hbm>> -> memref<50000x32xf32, #tpu.memory_space<hbm>>
    tpu.wait_indirect_dma semaphore(%arg25 : memref<!tpu.dma_semaphore, #tpu.memory_space<semaphore_mem>>) src(%dma_wait3A_244 : memref<50000x32xf32, #tpu.memory_space<hbm>>) dst(%arg17 : memref<400x32xf32, #tpu.memory_space<vmem>>)
    %dma_start3A_245 = arith.constant 0 : i32
    %dma_start3A_246 = arith.constant 0 : i32
    %dma_start3A_247 = tpu.memref_slice %arg22[%dma_start3A_245, %dma_start3A_246] : memref<25088x32xf32, #tpu.memory_space<vmem_shared>> -> memref<25088x32xf32, #tpu.memory_space<vmem_shared>>
    tpu.enqueue_indirect_dma source(%arg17 : memref<400x32xf32, #tpu.memory_space<vmem>>) target(%dma_start3A_247 : memref<25088x32xf32, #tpu.memory_space<vmem_shared>>) offsets(%arg9 : memref<400xi32, #tpu.memory_space<vmem>>) semaphore(%arg29 : memref<!tpu.dma_semaphore, #tpu.memory_space<semaphore_mem>>) {add = true}
    %dma_wait3A_248 = arith.constant 0 : i32
    %dma_wait3A_249 = arith.constant 0 : i32
    %dma_wait3A_250 = tpu.memref_slice %arg4[%dma_wait3A_248, %dma_wait3A_249] : memref<50000x32xf32, #tpu.memory_space<hbm>> -> memref<50000x32xf32, #tpu.memory_space<hbm>>
    tpu.wait_indirect_dma semaphore(%arg26 : memref<!tpu.dma_semaphore, #tpu.memory_space<semaphore_mem>>) src(%dma_wait3A_250 : memref<50000x32xf32, #tpu.memory_space<hbm>>) dst(%arg18 : memref<400x32xf32, #tpu.memory_space<vmem>>)
    %dma_start3A_251 = arith.constant 0 : i32
    %dma_start3A_252 = arith.constant 0 : i32
    %dma_start3A_253 = tpu.memref_slice %arg22[%dma_start3A_251, %dma_start3A_252] : memref<25088x32xf32, #tpu.memory_space<vmem_shared>> -> memref<25088x32xf32, #tpu.memory_space<vmem_shared>>
    tpu.enqueue_indirect_dma source(%arg18 : memref<400x32xf32, #tpu.memory_space<vmem>>) target(%dma_start3A_253 : memref<25088x32xf32, #tpu.memory_space<vmem_shared>>) offsets(%arg10 : memref<400xi32, #tpu.memory_space<vmem>>) semaphore(%arg30 : memref<!tpu.dma_semaphore, #tpu.memory_space<semaphore_mem>>) {add = true}
    %add3A_254 = arith.constant 48800 : i32
    %add3A_255 = arith.addi %mul3A_2, %add3A_254 : i32
    %add3A_256 = arith.constant 0 : i32
    %add3A_257 = arith.addi %add3A_255, %add3A_256 : i32
    %dma_wait3A_258 = tpu.memref_slice %arg3[%add3A_257] : memref<800000xi32, #tpu.memory_space<hbm>> -> memref<400xi32, #tpu.memory_space<hbm>>
    %dma_wait3A_259 = tpu.memref_slice %arg3[%add3A_257] : memref<800000xi32, #tpu.memory_space<hbm>> -> memref<400xi32, #tpu.memory_space<hbm>>
    tpu.wait_dma2 semaphore(%arg24 : memref<!tpu.dma_semaphore, #tpu.memory_space<semaphore_mem>>) src(%dma_wait3A_259 : memref<400xi32, #tpu.memory_space<hbm>>) dst(%arg11 : memref<400xi32, #tpu.memory_space<vmem>>)
    %add3A_260 = arith.constant 0 : i32
    %add3A_261 = arith.addi %add3A_255, %add3A_260 : i32
    %dma_wait3A_262 = tpu.memref_slice %arg2[%add3A_261] : memref<800000xi32, #tpu.memory_space<hbm>> -> memref<400xi32, #tpu.memory_space<hbm>>
    %dma_wait3A_263 = tpu.memref_slice %arg2[%add3A_261] : memref<800000xi32, #tpu.memory_space<hbm>> -> memref<400xi32, #tpu.memory_space<hbm>>
    tpu.wait_dma2 semaphore(%arg24 : memref<!tpu.dma_semaphore, #tpu.memory_space<semaphore_mem>>) src(%dma_wait3A_263 : memref<400xi32, #tpu.memory_space<hbm>>) dst(%arg15 : memref<400xi32, #tpu.memory_space<vmem>>)
    %add3A_264 = arith.constant 400 : i32
    %add3A_265 = arith.addi %add3A_255, %add3A_264 : i32
    %dma_wait3A_266 = tpu.memref_slice %arg3[%add3A_265] : memref<800000xi32, #tpu.memory_space<hbm>> -> memref<400xi32, #tpu.memory_space<hbm>>
    %dma_wait3A_267 = tpu.memref_slice %arg3[%add3A_265] : memref<800000xi32, #tpu.memory_space<hbm>> -> memref<400xi32, #tpu.memory_space<hbm>>
    tpu.wait_dma2 semaphore(%arg24 : memref<!tpu.dma_semaphore, #tpu.memory_space<semaphore_mem>>) src(%dma_wait3A_267 : memref<400xi32, #tpu.memory_space<hbm>>) dst(%arg12 : memref<400xi32, #tpu.memory_space<vmem>>)
    %add3A_268 = arith.constant 400 : i32
    %add3A_269 = arith.addi %add3A_255, %add3A_268 : i32
    %dma_wait3A_270 = tpu.memref_slice %arg2[%add3A_269] : memref<800000xi32, #tpu.memory_space<hbm>> -> memref<400xi32, #tpu.memory_space<hbm>>
    %dma_wait3A_271 = tpu.memref_slice %arg2[%add3A_269] : memref<800000xi32, #tpu.memory_space<hbm>> -> memref<400xi32, #tpu.memory_space<hbm>>
    tpu.wait_dma2 semaphore(%arg24 : memref<!tpu.dma_semaphore, #tpu.memory_space<semaphore_mem>>) src(%dma_wait3A_271 : memref<400xi32, #tpu.memory_space<hbm>>) dst(%arg16 : memref<400xi32, #tpu.memory_space<vmem>>)
    %iota3A_272 = tpu.iota {dimensions = array<i32: 0>} : vector<16xi32>
    %scan3A_273 = arith.constant 0 : i32
    %scan3A_274 = arith.constant 0 : i32
    %scan3A_275 = arith.constant 25 : i32
    %scan3A_276 = arith.addi %scan3A_274, %scan3A_275 : i32
    %scan3A_277 = arith.constant 1 : i32
    scf.for %scan3A_689 = %scan3A_274 to %scan3A_276 step %scan3A_277  : i32 {
      %mul3A_690 = arith.constant 16 : i32
      %mul3A_691 = arith.muli %scan3A_689, %mul3A_690 : i32
      %get3A = arith.index_cast %mul3A_691 : i32 to index
      %get3A_692 = tpu.vector_load %arg11[%get3A] {strides = array<i32>} : memref<400xi32, #tpu.memory_space<vmem>>, vector<16xi32>,
      %get3A_693 = vector.shape_cast %get3A_692 : vector<16xi32> to vector<16xi32>
      %sub3A = vector.broadcast %mul3A_0 : i32 to vector<16xi32>
      %sub3A_694 = arith.subi %get3A_693, %sub3A : vector<16xi32>
      %bitcast3A = vector.bitcast %sub3A_694 : vector<16xi32> to vector<16xi32>
      %lt3A = arith.constant 25000 : i32
      %lt3A_695 = vector.broadcast %lt3A : i32 to vector<16xi32>
      %lt3A_696 = arith.cmpi ult, %bitcast3A, %lt3A_695 : vector<16xi32>
      %add3A_697 = arith.constant 25000 : i32
      %add3A_698 = vector.broadcast %add3A_697 : i32 to vector<16xi32>
      %add3A_699 = arith.addi %add3A_698, %iota3A_272 : vector<16xi32>
      %select_n3A = arith.select %lt3A_696, %sub3A_694, %add3A_699 : vector<16xi1>, vector<16xi32>
      %mul3A_700 = arith.constant 16 : i32
      %mul3A_701 = arith.muli %scan3A_689, %mul3A_700 : i32
      %swap3A = arith.index_cast %mul3A_701 : i32 to index
      %swap3A_702 = tpu.vector_load %arg11[%swap3A] {strides = array<i32>} : memref<400xi32, #tpu.memory_space<vmem>>, vector<16xi32>,
      %swap3A_703 = vector.shape_cast %swap3A_702 : vector<16xi32> to vector<16xi32>
      %swap3A_704 = vector.shape_cast %select_n3A : vector<16xi32> to vector<16xi32>
      tpu.vector_store %arg11[%swap3A], %swap3A_704 {strides = array<i32>} : memref<400xi32, #tpu.memory_space<vmem>>, vector<16xi32>,
    }
    %scan3A_278 = arith.constant 25 : i32
    %iota3A_279 = tpu.iota {dimensions = array<i32: 0>} : vector<16xi32>
    %scan3A_280 = arith.constant 0 : i32
    %scan3A_281 = arith.constant 0 : i32
    %scan3A_282 = arith.constant 25 : i32
    %scan3A_283 = arith.addi %scan3A_281, %scan3A_282 : i32
    %scan3A_284 = arith.constant 1 : i32
    scf.for %scan3A_689 = %scan3A_281 to %scan3A_283 step %scan3A_284  : i32 {
      %mul3A_690 = arith.constant 16 : i32
      %mul3A_691 = arith.muli %scan3A_689, %mul3A_690 : i32
      %get3A = arith.index_cast %mul3A_691 : i32 to index
      %get3A_692 = tpu.vector_load %arg12[%get3A] {strides = array<i32>} : memref<400xi32, #tpu.memory_space<vmem>>, vector<16xi32>,
      %get3A_693 = vector.shape_cast %get3A_692 : vector<16xi32> to vector<16xi32>
      %sub3A = vector.broadcast %mul3A_0 : i32 to vector<16xi32>
      %sub3A_694 = arith.subi %get3A_693, %sub3A : vector<16xi32>
      %bitcast3A = vector.bitcast %sub3A_694 : vector<16xi32> to vector<16xi32>
      %lt3A = arith.constant 25000 : i32
      %lt3A_695 = vector.broadcast %lt3A : i32 to vector<16xi32>
      %lt3A_696 = arith.cmpi ult, %bitcast3A, %lt3A_695 : vector<16xi32>
      %add3A_697 = arith.constant 25000 : i32
      %add3A_698 = vector.broadcast %add3A_697 : i32 to vector<16xi32>
      %add3A_699 = arith.addi %add3A_698, %iota3A_279 : vector<16xi32>
      %select_n3A = arith.select %lt3A_696, %sub3A_694, %add3A_699 : vector<16xi1>, vector<16xi32>
      %mul3A_700 = arith.constant 16 : i32
      %mul3A_701 = arith.muli %scan3A_689, %mul3A_700 : i32
      %swap3A = arith.index_cast %mul3A_701 : i32 to index
      %swap3A_702 = tpu.vector_load %arg12[%swap3A] {strides = array<i32>} : memref<400xi32, #tpu.memory_space<vmem>>, vector<16xi32>,
      %swap3A_703 = vector.shape_cast %swap3A_702 : vector<16xi32> to vector<16xi32>
      %swap3A_704 = vector.shape_cast %select_n3A : vector<16xi32> to vector<16xi32>
      tpu.vector_store %arg12[%swap3A], %swap3A_704 {strides = array<i32>} : memref<400xi32, #tpu.memory_space<vmem>>, vector<16xi32>,
    }
    %scan3A_285 = arith.constant 25 : i32
    %dma_start3A_286 = arith.constant 0 : i32
    %dma_start3A_287 = arith.constant 0 : i32
    %dma_start3A_288 = tpu.memref_slice %arg4[%dma_start3A_286, %dma_start3A_287] : memref<50000x32xf32, #tpu.memory_space<hbm>> -> memref<50000x32xf32, #tpu.memory_space<hbm>>
    tpu.enqueue_indirect_dma source(%dma_start3A_288 : memref<50000x32xf32, #tpu.memory_space<hbm>>) target(%arg19 : memref<400x32xf32, #tpu.memory_space<vmem>>) offsets(%arg15 : memref<400xi32, #tpu.memory_space<vmem>>) semaphore(%arg27 : memref<!tpu.dma_semaphore, #tpu.memory_space<semaphore_mem>>)
    %dma_start3A_289 = arith.constant 0 : i32
    %dma_start3A_290 = arith.constant 0 : i32
    %dma_start3A_291 = tpu.memref_slice %arg4[%dma_start3A_289, %dma_start3A_290] : memref<50000x32xf32, #tpu.memory_space<hbm>> -> memref<50000x32xf32, #tpu.memory_space<hbm>>
    tpu.enqueue_indirect_dma source(%dma_start3A_291 : memref<50000x32xf32, #tpu.memory_space<hbm>>) target(%arg20 : memref<400x32xf32, #tpu.memory_space<vmem>>) offsets(%arg16 : memref<400xi32, #tpu.memory_space<vmem>>) semaphore(%arg28 : memref<!tpu.dma_semaphore, #tpu.memory_space<semaphore_mem>>)
    %dma_wait3A_292 = arith.constant 0 : i32
    %dma_wait3A_293 = arith.constant 0 : i32
    %dma_wait3A_294 = tpu.memref_slice %arg22[%dma_wait3A_292, %dma_wait3A_293] : memref<25088x32xf32, #tpu.memory_space<vmem_shared>> -> memref<25088x32xf32, #tpu.memory_space<vmem_shared>>
    tpu.wait_indirect_dma semaphore(%arg29 : memref<!tpu.dma_semaphore, #tpu.memory_space<semaphore_mem>>) src(%arg17 : memref<400x32xf32, #tpu.memory_space<vmem>>) dst(%dma_wait3A_294 : memref<25088x32xf32, #tpu.memory_space<vmem_shared>>)
    %dma_wait3A_295 = arith.constant 0 : i32
    %dma_wait3A_296 = arith.constant 0 : i32
    %dma_wait3A_297 = tpu.memref_slice %arg22[%dma_wait3A_295, %dma_wait3A_296] : memref<25088x32xf32, #tpu.memory_space<vmem_shared>> -> memref<25088x32xf32, #tpu.memory_space<vmem_shared>>
    tpu.wait_indirect_dma semaphore(%arg30 : memref<!tpu.dma_semaphore, #tpu.memory_space<semaphore_mem>>) src(%arg18 : memref<400x32xf32, #tpu.memory_space<vmem>>) dst(%dma_wait3A_297 : memref<25088x32xf32, #tpu.memory_space<vmem_shared>>)
    %dma_wait3A_298 = arith.constant 0 : i32
    %dma_wait3A_299 = arith.constant 0 : i32
    %dma_wait3A_300 = tpu.memref_slice %arg4[%dma_wait3A_298, %dma_wait3A_299] : memref<50000x32xf32, #tpu.memory_space<hbm>> -> memref<50000x32xf32, #tpu.memory_space<hbm>>
    tpu.wait_indirect_dma semaphore(%arg27 : memref<!tpu.dma_semaphore, #tpu.memory_space<semaphore_mem>>) src(%dma_wait3A_300 : memref<50000x32xf32, #tpu.memory_space<hbm>>) dst(%arg19 : memref<400x32xf32, #tpu.memory_space<vmem>>)
    %dma_start3A_301 = arith.constant 0 : i32
    %dma_start3A_302 = arith.constant 0 : i32
    %dma_start3A_303 = tpu.memref_slice %arg22[%dma_start3A_301, %dma_start3A_302] : memref<25088x32xf32, #tpu.memory_space<vmem_shared>> -> memref<25088x32xf32, #tpu.memory_space<vmem_shared>>
    tpu.enqueue_indirect_dma source(%arg19 : memref<400x32xf32, #tpu.memory_space<vmem>>) target(%dma_start3A_303 : memref<25088x32xf32, #tpu.memory_space<vmem_shared>>) offsets(%arg11 : memref<400xi32, #tpu.memory_space<vmem>>) semaphore(%arg31 : memref<!tpu.dma_semaphore, #tpu.memory_space<semaphore_mem>>) {add = true}
    %dma_wait3A_304 = arith.constant 0 : i32
    %dma_wait3A_305 = arith.constant 0 : i32
    %dma_wait3A_306 = tpu.memref_slice %arg4[%dma_wait3A_304, %dma_wait3A_305] : memref<50000x32xf32, #tpu.memory_space<hbm>> -> memref<50000x32xf32, #tpu.memory_space<hbm>>
    tpu.wait_indirect_dma semaphore(%arg28 : memref<!tpu.dma_semaphore, #tpu.memory_space<semaphore_mem>>) src(%dma_wait3A_306 : memref<50000x32xf32, #tpu.memory_space<hbm>>) dst(%arg20 : memref<400x32xf32, #tpu.memory_space<vmem>>)
    %dma_start3A_307 = arith.constant 0 : i32
    %dma_start3A_308 = arith.constant 0 : i32
    %dma_start3A_309 = tpu.memref_slice %arg22[%dma_start3A_307, %dma_start3A_308] : memref<25088x32xf32, #tpu.memory_space<vmem_shared>> -> memref<25088x32xf32, #tpu.memory_space<vmem_shared>>
    tpu.enqueue_indirect_dma source(%arg20 : memref<400x32xf32, #tpu.memory_space<vmem>>) target(%dma_start3A_309 : memref<25088x32xf32, #tpu.memory_space<vmem_shared>>) offsets(%arg12 : memref<400xi32, #tpu.memory_space<vmem>>) semaphore(%arg32 : memref<!tpu.dma_semaphore, #tpu.memory_space<semaphore_mem>>) {add = true}
    %dma_wait3A_310 = arith.constant 0 : i32
    %dma_wait3A_311 = arith.constant 0 : i32
    %dma_wait3A_312 = tpu.memref_slice %arg22[%dma_wait3A_310, %dma_wait3A_311] : memref<25088x32xf32, #tpu.memory_space<vmem_shared>> -> memref<25088x32xf32, #tpu.memory_space<vmem_shared>>
    tpu.wait_indirect_dma semaphore(%arg31 : memref<!tpu.dma_semaphore, #tpu.memory_space<semaphore_mem>>) src(%arg19 : memref<400x32xf32, #tpu.memory_space<vmem>>) dst(%dma_wait3A_312 : memref<25088x32xf32, #tpu.memory_space<vmem_shared>>)
    %dma_wait3A_313 = arith.constant 0 : i32
    %dma_wait3A_314 = arith.constant 0 : i32
    %dma_wait3A_315 = tpu.memref_slice %arg22[%dma_wait3A_313, %dma_wait3A_314] : memref<25088x32xf32, #tpu.memory_space<vmem_shared>> -> memref<25088x32xf32, #tpu.memory_space<vmem_shared>>
    tpu.wait_indirect_dma semaphore(%arg32 : memref<!tpu.dma_semaphore, #tpu.memory_space<semaphore_mem>>) src(%arg20 : memref<400x32xf32, #tpu.memory_space<vmem>>) dst(%dma_wait3A_315 : memref<25088x32xf32, #tpu.memory_space<vmem_shared>>)
    %add3A_316 = arith.constant 49600 : i32
    %add3A_317 = arith.addi %mul3A_2, %add3A_316 : i32
    "tpu.region"() ({
      %run_scoped3A = tpu.sem_alloc : memref<!tpu.dma_semaphore, #tpu.memory_space<semaphore_mem>>
      %dma_start3A_689 = tpu.memref_slice %arg3[%add3A_317] : memref<800000xi32, #tpu.memory_space<hbm>> -> memref<400xi32, #tpu.memory_space<hbm>>
      %dma_start3A_690 = tpu.memref_slice %arg3[%add3A_317] : memref<800000xi32, #tpu.memory_space<hbm>> -> memref<400xi32, #tpu.memory_space<hbm>>
      tpu.enqueue_dma source(%dma_start3A_690 : memref<400xi32, #tpu.memory_space<hbm>>) target(%arg11 : memref<400xi32, #tpu.memory_space<vmem>>) target_semaphore(%run_scoped3A : memref<!tpu.dma_semaphore, #tpu.memory_space<semaphore_mem>>)
      %dma_wait3A_691 = tpu.memref_slice %arg3[%add3A_317] : memref<800000xi32, #tpu.memory_space<hbm>> -> memref<400xi32, #tpu.memory_space<hbm>>
      %dma_wait3A_692 = tpu.memref_slice %arg3[%add3A_317] : memref<800000xi32, #tpu.memory_space<hbm>> -> memref<400xi32, #tpu.memory_space<hbm>>
      tpu.wait_dma2 semaphore(%run_scoped3A : memref<!tpu.dma_semaphore, #tpu.memory_space<semaphore_mem>>) src(%dma_wait3A_692 : memref<400xi32, #tpu.memory_space<hbm>>) dst(%arg11 : memref<400xi32, #tpu.memory_space<vmem>>)
      tpu.yield
    }) : () -> ()
    "tpu.region"() ({
      %run_scoped3A = tpu.sem_alloc : memref<!tpu.dma_semaphore, #tpu.memory_space<semaphore_mem>>
      %dma_start3A_689 = tpu.memref_slice %arg2[%add3A_317] : memref<800000xi32, #tpu.memory_space<hbm>> -> memref<400xi32, #tpu.memory_space<hbm>>
      %dma_start3A_690 = tpu.memref_slice %arg2[%add3A_317] : memref<800000xi32, #tpu.memory_space<hbm>> -> memref<400xi32, #tpu.memory_space<hbm>>
      tpu.enqueue_dma source(%dma_start3A_690 : memref<400xi32, #tpu.memory_space<hbm>>) target(%arg15 : memref<400xi32, #tpu.memory_space<vmem>>) target_semaphore(%run_scoped3A : memref<!tpu.dma_semaphore, #tpu.memory_space<semaphore_mem>>)
      %dma_wait3A_691 = tpu.memref_slice %arg2[%add3A_317] : memref<800000xi32, #tpu.memory_space<hbm>> -> memref<400xi32, #tpu.memory_space<hbm>>
      %dma_wait3A_692 = tpu.memref_slice %arg2[%add3A_317] : memref<800000xi32, #tpu.memory_space<hbm>> -> memref<400xi32, #tpu.memory_space<hbm>>
      tpu.wait_dma2 semaphore(%run_scoped3A : memref<!tpu.dma_semaphore, #tpu.memory_space<semaphore_mem>>) src(%dma_wait3A_692 : memref<400xi32, #tpu.memory_space<hbm>>) dst(%arg15 : memref<400xi32, #tpu.memory_space<vmem>>)
      tpu.yield
    }) : () -> ()
    %iota3A_318 = tpu.iota {dimensions = array<i32: 0>} : vector<16xi32>
    %scan3A_319 = arith.constant 0 : i32
    %scan3A_320 = arith.constant 0 : i32
    %scan3A_321 = arith.constant 25 : i32
    %scan3A_322 = arith.addi %scan3A_320, %scan3A_321 : i32
    %scan3A_323 = arith.constant 1 : i32
    scf.for %scan3A_689 = %scan3A_320 to %scan3A_322 step %scan3A_323  : i32 {
      %mul3A_690 = arith.constant 16 : i32
      %mul3A_691 = arith.muli %scan3A_689, %mul3A_690 : i32
      %get3A = arith.index_cast %mul3A_691 : i32 to index
      %get3A_692 = tpu.vector_load %arg11[%get3A] {strides = array<i32>} : memref<400xi32, #tpu.memory_space<vmem>>, vector<16xi32>,
      %get3A_693 = vector.shape_cast %get3A_692 : vector<16xi32> to vector<16xi32>
      %sub3A = vector.broadcast %mul3A_0 : i32 to vector<16xi32>
      %sub3A_694 = arith.subi %get3A_693, %sub3A : vector<16xi32>
      %bitcast3A = vector.bitcast %sub3A_694 : vector<16xi32> to vector<16xi32>
      %lt3A = arith.constant 25000 : i32
      %lt3A_695 = vector.broadcast %lt3A : i32 to vector<16xi32>
      %lt3A_696 = arith.cmpi ult, %bitcast3A, %lt3A_695 : vector<16xi32>
      %add3A_697 = arith.constant 25000 : i32
      %add3A_698 = vector.broadcast %add3A_697 : i32 to vector<16xi32>
      %add3A_699 = arith.addi %add3A_698, %iota3A_318 : vector<16xi32>
      %select_n3A = arith.select %lt3A_696, %sub3A_694, %add3A_699 : vector<16xi1>, vector<16xi32>
      %mul3A_700 = arith.constant 16 : i32
      %mul3A_701 = arith.muli %scan3A_689, %mul3A_700 : i32
      %swap3A = arith.index_cast %mul3A_701 : i32 to index
      %swap3A_702 = tpu.vector_load %arg11[%swap3A] {strides = array<i32>} : memref<400xi32, #tpu.memory_space<vmem>>, vector<16xi32>,
      %swap3A_703 = vector.shape_cast %swap3A_702 : vector<16xi32> to vector<16xi32>
      %swap3A_704 = vector.shape_cast %select_n3A : vector<16xi32> to vector<16xi32>
      tpu.vector_store %arg11[%swap3A], %swap3A_704 {strides = array<i32>} : memref<400xi32, #tpu.memory_space<vmem>>, vector<16xi32>,
    }
    %scan3A_324 = arith.constant 25 : i32
    "tpu.region"() ({
      %run_scoped3A = tpu.sem_alloc : memref<!tpu.dma_semaphore, #tpu.memory_space<semaphore_mem>>
      %dma_start3A_689 = arith.constant 0 : i32
      %dma_start3A_690 = arith.constant 0 : i32
      %dma_start3A_691 = tpu.memref_slice %arg4[%dma_start3A_689, %dma_start3A_690] : memref<50000x32xf32, #tpu.memory_space<hbm>> -> memref<50000x32xf32, #tpu.memory_space<hbm>>
      tpu.enqueue_indirect_dma source(%dma_start3A_691 : memref<50000x32xf32, #tpu.memory_space<hbm>>) target(%arg19 : memref<400x32xf32, #tpu.memory_space<vmem>>) offsets(%arg15 : memref<400xi32, #tpu.memory_space<vmem>>) semaphore(%run_scoped3A : memref<!tpu.dma_semaphore, #tpu.memory_space<semaphore_mem>>)
      %dma_wait3A_692 = arith.constant 0 : i32
      %dma_wait3A_693 = arith.constant 0 : i32
      %dma_wait3A_694 = tpu.memref_slice %arg4[%dma_wait3A_692, %dma_wait3A_693] : memref<50000x32xf32, #tpu.memory_space<hbm>> -> memref<50000x32xf32, #tpu.memory_space<hbm>>
      tpu.wait_indirect_dma semaphore(%run_scoped3A : memref<!tpu.dma_semaphore, #tpu.memory_space<semaphore_mem>>) src(%dma_wait3A_694 : memref<50000x32xf32, #tpu.memory_space<hbm>>) dst(%arg19 : memref<400x32xf32, #tpu.memory_space<vmem>>)
      tpu.yield
    }) : () -> ()
    "tpu.region"() ({
      %run_scoped3A = tpu.sem_alloc : memref<!tpu.dma_semaphore, #tpu.memory_space<semaphore_mem>>
      %dma_start3A_689 = arith.constant 0 : i32
      %dma_start3A_690 = arith.constant 0 : i32
      %dma_start3A_691 = tpu.memref_slice %arg22[%dma_start3A_689, %dma_start3A_690] : memref<25088x32xf32, #tpu.memory_space<vmem_shared>> -> memref<25088x32xf32, #tpu.memory_space<vmem_shared>>
      tpu.enqueue_indirect_dma source(%arg19 : memref<400x32xf32, #tpu.memory_space<vmem>>) target(%dma_start3A_691 : memref<25088x32xf32, #tpu.memory_space<vmem_shared>>) offsets(%arg11 : memref<400xi32, #tpu.memory_space<vmem>>) semaphore(%run_scoped3A : memref<!tpu.dma_semaphore, #tpu.memory_space<semaphore_mem>>) {add = true}
      %dma_wait3A_692 = arith.constant 0 : i32
      %dma_wait3A_693 = arith.constant 0 : i32
      %dma_wait3A_694 = tpu.memref_slice %arg22[%dma_wait3A_692, %dma_wait3A_693] : memref<25088x32xf32, #tpu.memory_space<vmem_shared>> -> memref<25088x32xf32, #tpu.memory_space<vmem_shared>>
      tpu.wait_indirect_dma semaphore(%run_scoped3A : memref<!tpu.dma_semaphore, #tpu.memory_space<semaphore_mem>>) src(%arg19 : memref<400x32xf32, #tpu.memory_space<vmem>>) dst(%dma_wait3A_694 : memref<25088x32xf32, #tpu.memory_space<vmem_shared>>)
      tpu.yield
    }) : () -> ()
    %barrier3A_325 = arith.constant 0 : index
    tpu.barrier barrier_id(%barrier3A_325)
    %mul3A_326 = arith.constant 1568 : i32
    %mul3A_327 = arith.muli %arg1, %mul3A_326 : i32
    %add3A_328 = arith.constant 0 : i32
    %add3A_329 = arith.addi %mul3A_327, %add3A_328 : i32
    "tpu.region"() ({
      %run_scoped3A = tpu.sem_alloc : memref<!tpu.dma_semaphore, #tpu.memory_space<semaphore_mem>>
      %dma_start3A_689 = arith.constant 0 : i32
      %dma_start3A_690 = tpu.memref_slice %arg22[%add3A_329, %dma_start3A_689] : memref<25088x32xf32, #tpu.memory_space<vmem_shared>> -> memref<392x32xf32, #tpu.memory_space<vmem_shared>>
      %dma_start3A_691 = arith.constant 0 : i32
      %dma_start3A_692 = tpu.memref_slice %arg22[%add3A_329, %dma_start3A_691] : memref<25088x32xf32, #tpu.memory_space<vmem_shared>> -> memref<392x32xf32, #tpu.memory_space<vmem_shared>>
      tpu.enqueue_dma source(%dma_start3A_692 : memref<392x32xf32, #tpu.memory_space<vmem_shared>>) target(%arg21 : memref<392x32xf32, #tpu.memory_space<vmem>>) target_semaphore(%run_scoped3A : memref<!tpu.dma_semaphore, #tpu.memory_space<semaphore_mem>>)
      %dma_wait3A_693 = arith.constant 0 : i32
      %dma_wait3A_694 = tpu.memref_slice %arg22[%add3A_329, %dma_wait3A_693] : memref<25088x32xf32, #tpu.memory_space<vmem_shared>> -> memref<392x32xf32, #tpu.memory_space<vmem_shared>>
      %dma_wait3A_695 = arith.constant 0 : i32
      %dma_wait3A_696 = tpu.memref_slice %arg22[%add3A_329, %dma_wait3A_695] : memref<25088x32xf32, #tpu.memory_space<vmem_shared>> -> memref<392x32xf32, #tpu.memory_space<vmem_shared>>
      tpu.wait_dma2 semaphore(%run_scoped3A : memref<!tpu.dma_semaphore, #tpu.memory_space<semaphore_mem>>) src(%dma_wait3A_696 : memref<392x32xf32, #tpu.memory_space<vmem_shared>>) dst(%arg21 : memref<392x32xf32, #tpu.memory_space<vmem>>)
      tpu.yield
    }) : () -> ()
    "tpu.region"() ({
      %run_scoped3A = tpu.sem_alloc : memref<!tpu.dma_semaphore, #tpu.memory_space<semaphore_mem>>
      %dma_start3A_689 = arith.constant 0 : i32
      %dma_start3A_690 = arith.constant 0 : i32
      %dma_start3A_691 = tpu.memref_slice %arg7[%arg0, %arg1, %dma_start3A_689, %dma_start3A_690] : memref<2x16x1568x32xf32, #tpu.memory_space<hbm>> -> memref<1x1x392x32xf32, #tpu.memory_space<hbm>>
      %dma_start3A_692 = tpu.memref_squeeze %dma_start3A_691 : memref<1x1x392x32xf32, #tpu.memory_space<hbm>> -> memref<392x32xf32, #tpu.memory_space<hbm>>
      %dma_start3A_693 = arith.constant 0 : i32
      %dma_start3A_694 = arith.constant 0 : i32
      %dma_start3A_695 = tpu.memref_slice %arg7[%arg0, %arg1, %dma_start3A_693, %dma_start3A_694] : memref<2x16x1568x32xf32, #tpu.memory_space<hbm>> -> memref<1x1x392x32xf32, #tpu.memory_space<hbm>>
      %dma_start3A_696 = tpu.memref_squeeze %dma_start3A_695 : memref<1x1x392x32xf32, #tpu.memory_space<hbm>> -> memref<392x32xf32, #tpu.memory_space<hbm>>
      tpu.enqueue_dma source(%arg21 : memref<392x32xf32, #tpu.memory_space<vmem>>) target(%dma_start3A_696 : memref<392x32xf32, #tpu.memory_space<hbm>>) target_semaphore(%run_scoped3A : memref<!tpu.dma_semaphore, #tpu.memory_space<semaphore_mem>>)
      %dma_wait3A_697 = arith.constant 0 : i32
      %dma_wait3A_698 = arith.constant 0 : i32
      %dma_wait3A_699 = tpu.memref_slice %arg7[%arg0, %arg1, %dma_wait3A_697, %dma_wait3A_698] : memref<2x16x1568x32xf32, #tpu.memory_space<hbm>> -> memref<1x1x392x32xf32, #tpu.memory_space<hbm>>
      %dma_wait3A_700 = tpu.memref_squeeze %dma_wait3A_699 : memref<1x1x392x32xf32, #tpu.memory_space<hbm>> -> memref<392x32xf32, #tpu.memory_space<hbm>>
      %dma_wait3A_701 = arith.constant 0 : i32
      %dma_wait3A_702 = arith.constant 0 : i32
      %dma_wait3A_703 = tpu.memref_slice %arg7[%arg0, %arg1, %dma_wait3A_701, %dma_wait3A_702] : memref<2x16x1568x32xf32, #tpu.memory_space<hbm>> -> memref<1x1x392x32xf32, #tpu.memory_space<hbm>>
      %dma_wait3A_704 = tpu.memref_squeeze %dma_wait3A_703 : memref<1x1x392x32xf32, #tpu.memory_space<hbm>> -> memref<392x32xf32, #tpu.memory_space<hbm>>
      tpu.wait_dma2 semaphore(%run_scoped3A : memref<!tpu.dma_semaphore, #tpu.memory_space<semaphore_mem>>) src(%arg21 : memref<392x32xf32, #tpu.memory_space<vmem>>) dst(%dma_wait3A_704 : memref<392x32xf32, #tpu.memory_space<hbm>>)
      tpu.yield
    }) : () -> ()
    %mul3A_330 = arith.constant 1568 : i32
    %mul3A_331 = arith.muli %arg1, %mul3A_330 : i32
    %add3A_332 = arith.constant 392 : i32
    %add3A_333 = arith.addi %mul3A_331, %add3A_332 : i32
    "tpu.region"() ({
      %run_scoped3A = tpu.sem_alloc : memref<!tpu.dma_semaphore, #tpu.memory_space<semaphore_mem>>
      %dma_start3A_689 = arith.constant 0 : i32
      %dma_start3A_690 = tpu.memref_slice %arg22[%add3A_333, %dma_start3A_689] : memref<25088x32xf32, #tpu.memory_space<vmem_shared>> -> memref<392x32xf32, #tpu.memory_space<vmem_shared>>
      %dma_start3A_691 = arith.constant 0 : i32
      %dma_start3A_692 = tpu.memref_slice %arg22[%add3A_333, %dma_start3A_691] : memref<25088x32xf32, #tpu.memory_space<vmem_shared>> -> memref<392x32xf32, #tpu.memory_space<vmem_shared>>
      tpu.enqueue_dma source(%dma_start3A_692 : memref<392x32xf32, #tpu.memory_space<vmem_shared>>) target(%arg21 : memref<392x32xf32, #tpu.memory_space<vmem>>) target_semaphore(%run_scoped3A : memref<!tpu.dma_semaphore, #tpu.memory_space<semaphore_mem>>)
      %dma_wait3A_693 = arith.constant 0 : i32
      %dma_wait3A_694 = tpu.memref_slice %arg22[%add3A_333, %dma_wait3A_693] : memref<25088x32xf32, #tpu.memory_space<vmem_shared>> -> memref<392x32xf32, #tpu.memory_space<vmem_shared>>
      %dma_wait3A_695 = arith.constant 0 : i32
      %dma_wait3A_696 = tpu.memref_slice %arg22[%add3A_333, %dma_wait3A_695] : memref<25088x32xf32, #tpu.memory_space<vmem_shared>> -> memref<392x32xf32, #tpu.memory_space<vmem_shared>>
      tpu.wait_dma2 semaphore(%run_scoped3A : memref<!tpu.dma_semaphore, #tpu.memory_space<semaphore_mem>>) src(%dma_wait3A_696 : memref<392x32xf32, #tpu.memory_space<vmem_shared>>) dst(%arg21 : memref<392x32xf32, #tpu.memory_space<vmem>>)
      tpu.yield
    }) : () -> ()
    "tpu.region"() ({
      %run_scoped3A = tpu.sem_alloc : memref<!tpu.dma_semaphore, #tpu.memory_space<semaphore_mem>>
      %dma_start3A_689 = arith.constant 392 : i32
      %dma_start3A_690 = arith.constant 0 : i32
      %dma_start3A_691 = tpu.memref_slice %arg7[%arg0, %arg1, %dma_start3A_689, %dma_start3A_690] : memref<2x16x1568x32xf32, #tpu.memory_space<hbm>> -> memref<1x1x392x32xf32, #tpu.memory_space<hbm>>
      %dma_start3A_692 = tpu.memref_squeeze %dma_start3A_691 : memref<1x1x392x32xf32, #tpu.memory_space<hbm>> -> memref<392x32xf32, #tpu.memory_space<hbm>>
      %dma_start3A_693 = arith.constant 392 : i32
      %dma_start3A_694 = arith.constant 0 : i32
      %dma_start3A_695 = tpu.memref_slice %arg7[%arg0, %arg1, %dma_start3A_693, %dma_start3A_694] : memref<2x16x1568x32xf32, #tpu.memory_space<hbm>> -> memref<1x1x392x32xf32, #tpu.memory_space<hbm>>
      %dma_start3A_696 = tpu.memref_squeeze %dma_start3A_695 : memref<1x1x392x32xf32, #tpu.memory_space<hbm>> -> memref<392x32xf32, #tpu.memory_space<hbm>>
      tpu.enqueue_dma source(%arg21 : memref<392x32xf32, #tpu.memory_space<vmem>>) target(%dma_start3A_696 : memref<392x32xf32, #tpu.memory_space<hbm>>) target_semaphore(%run_scoped3A : memref<!tpu.dma_semaphore, #tpu.memory_space<semaphore_mem>>)
      %dma_wait3A_697 = arith.constant 392 : i32
      %dma_wait3A_698 = arith.constant 0 : i32
      %dma_wait3A_699 = tpu.memref_slice %arg7[%arg0, %arg1, %dma_wait3A_697, %dma_wait3A_698] : memref<2x16x1568x32xf32, #tpu.memory_space<hbm>> -> memref<1x1x392x32xf32, #tpu.memory_space<hbm>>
      %dma_wait3A_700 = tpu.memref_squeeze %dma_wait3A_699 : memref<1x1x392x32xf32, #tpu.memory_space<hbm>> -> memref<392x32xf32, #tpu.memory_space<hbm>>
      %dma_wait3A_701 = arith.constant 392 : i32
      %dma_wait3A_702 = arith.constant 0 : i32
      %dma_wait3A_703 = tpu.memref_slice %arg7[%arg0, %arg1, %dma_wait3A_701, %dma_wait3A_702] : memref<2x16x1568x32xf32, #tpu.memory_space<hbm>> -> memref<1x1x392x32xf32, #tpu.memory_space<hbm>>
      %dma_wait3A_704 = tpu.memref_squeeze %dma_wait3A_703 : memref<1x1x392x32xf32, #tpu.memory_space<hbm>> -> memref<392x32xf32, #tpu.memory_space<hbm>>
      tpu.wait_dma2 semaphore(%run_scoped3A : memref<!tpu.dma_semaphore, #tpu.memory_space<semaphore_mem>>) src(%arg21 : memref<392x32xf32, #tpu.memory_space<vmem>>) dst(%dma_wait3A_704 : memref<392x32xf32, #tpu.memory_space<hbm>>)
      tpu.yield
    }) : () -> ()
    %mul3A_334 = arith.constant 1568 : i32
    %mul3A_335 = arith.muli %arg1, %mul3A_334 : i32
    %add3A_336 = arith.constant 784 : i32
    %add3A_337 = arith.addi %mul3A_335, %add3A_336 : i32
    "tpu.region"() ({
      %run_scoped3A = tpu.sem_alloc : memref<!tpu.dma_semaphore, #tpu.memory_space<semaphore_mem>>
      %dma_start3A_689 = arith.constant 0 : i32
      %dma_start3A_690 = tpu.memref_slice %arg22[%add3A_337, %dma_start3A_689] : memref<25088x32xf32, #tpu.memory_space<vmem_shared>> -> memref<392x32xf32, #tpu.memory_space<vmem_shared>>
      %dma_start3A_691 = arith.constant 0 : i32
      %dma_start3A_692 = tpu.memref_slice %arg22[%add3A_337, %dma_start3A_691] : memref<25088x32xf32, #tpu.memory_space<vmem_shared>> -> memref<392x32xf32, #tpu.memory_space<vmem_shared>>
      tpu.enqueue_dma source(%dma_start3A_692 : memref<392x32xf32, #tpu.memory_space<vmem_shared>>) target(%arg21 : memref<392x32xf32, #tpu.memory_space<vmem>>) target_semaphore(%run_scoped3A : memref<!tpu.dma_semaphore, #tpu.memory_space<semaphore_mem>>)
      %dma_wait3A_693 = arith.constant 0 : i32
      %dma_wait3A_694 = tpu.memref_slice %arg22[%add3A_337, %dma_wait3A_693] : memref<25088x32xf32, #tpu.memory_space<vmem_shared>> -> memref<392x32xf32, #tpu.memory_space<vmem_shared>>
      %dma_wait3A_695 = arith.constant 0 : i32
      %dma_wait3A_696 = tpu.memref_slice %arg22[%add3A_337, %dma_wait3A_695] : memref<25088x32xf32, #tpu.memory_space<vmem_shared>> -> memref<392x32xf32, #tpu.memory_space<vmem_shared>>
      tpu.wait_dma2 semaphore(%run_scoped3A : memref<!tpu.dma_semaphore, #tpu.memory_space<semaphore_mem>>) src(%dma_wait3A_696 : memref<392x32xf32, #tpu.memory_space<vmem_shared>>) dst(%arg21 : memref<392x32xf32, #tpu.memory_space<vmem>>)
      tpu.yield
    }) : () -> ()
    "tpu.region"() ({
      %run_scoped3A = tpu.sem_alloc : memref<!tpu.dma_semaphore, #tpu.memory_space<semaphore_mem>>
      %dma_start3A_689 = arith.constant 784 : i32
      %dma_start3A_690 = arith.constant 0 : i32
      %dma_start3A_691 = tpu.memref_slice %arg7[%arg0, %arg1, %dma_start3A_689, %dma_start3A_690] : memref<2x16x1568x32xf32, #tpu.memory_space<hbm>> -> memref<1x1x392x32xf32, #tpu.memory_space<hbm>>
      %dma_start3A_692 = tpu.memref_squeeze %dma_start3A_691 : memref<1x1x392x32xf32, #tpu.memory_space<hbm>> -> memref<392x32xf32, #tpu.memory_space<hbm>>
      %dma_start3A_693 = arith.constant 784 : i32
      %dma_start3A_694 = arith.constant 0 : i32
      %dma_start3A_695 = tpu.memref_slice %arg7[%arg0, %arg1, %dma_start3A_693, %dma_start3A_694] : memref<2x16x1568x32xf32, #tpu.memory_space<hbm>> -> memref<1x1x392x32xf32, #tpu.memory_space<hbm>>
      %dma_start3A_696 = tpu.memref_squeeze %dma_start3A_695 : memref<1x1x392x32xf32, #tpu.memory_space<hbm>> -> memref<392x32xf32, #tpu.memory_space<hbm>>
      tpu.enqueue_dma source(%arg21 : memref<392x32xf32, #tpu.memory_space<vmem>>) target(%dma_start3A_696 : memref<392x32xf32, #tpu.memory_space<hbm>>) target_semaphore(%run_scoped3A : memref<!tpu.dma_semaphore, #tpu.memory_space<semaphore_mem>>)
      %dma_wait3A_697 = arith.constant 784 : i32
      %dma_wait3A_698 = arith.constant 0 : i32
      %dma_wait3A_699 = tpu.memref_slice %arg7[%arg0, %arg1, %dma_wait3A_697, %dma_wait3A_698] : memref<2x16x1568x32xf32, #tpu.memory_space<hbm>> -> memref<1x1x392x32xf32, #tpu.memory_space<hbm>>
      %dma_wait3A_700 = tpu.memref_squeeze %dma_wait3A_699 : memref<1x1x392x32xf32, #tpu.memory_space<hbm>> -> memref<392x32xf32, #tpu.memory_space<hbm>>
      %dma_wait3A_701 = arith.constant 784 : i32
      %dma_wait3A_702 = arith.constant 0 : i32
      %dma_wait3A_703 = tpu.memref_slice %arg7[%arg0, %arg1, %dma_wait3A_701, %dma_wait3A_702] : memref<2x16x1568x32xf32, #tpu.memory_space<hbm>> -> memref<1x1x392x32xf32, #tpu.memory_space<hbm>>
      %dma_wait3A_704 = tpu.memref_squeeze %dma_wait3A_703 : memref<1x1x392x32xf32, #tpu.memory_space<hbm>> -> memref<392x32xf32, #tpu.memory_space<hbm>>
      tpu.wait_dma2 semaphore(%run_scoped3A : memref<!tpu.dma_semaphore, #tpu.memory_space<semaphore_mem>>) src(%arg21 : memref<392x32xf32, #tpu.memory_space<vmem>>) dst(%dma_wait3A_704 : memref<392x32xf32, #tpu.memory_space<hbm>>)
      tpu.yield
    }) : () -> ()
    %mul3A_338 = arith.constant 1568 : i32
    %mul3A_339 = arith.muli %arg1, %mul3A_338 : i32
    %add3A_340 = arith.constant 1176 : i32
    %add3A_341 = arith.addi %mul3A_339, %add3A_340 : i32
    "tpu.region"() ({
      %run_scoped3A = tpu.sem_alloc : memref<!tpu.dma_semaphore, #tpu.memory_space<semaphore_mem>>
      %dma_start3A_689 = arith.constant 0 : i32
      %dma_start3A_690 = tpu.memref_slice %arg22[%add3A_341, %dma_start3A_689] : memref<25088x32xf32, #tpu.memory_space<vmem_shared>> -> memref<392x32xf32, #tpu.memory_space<vmem_shared>>
      %dma_start3A_691 = arith.constant 0 : i32
      %dma_start3A_692 = tpu.memref_slice %arg22[%add3A_341, %dma_start3A_691] : memref<25088x32xf32, #tpu.memory_space<vmem_shared>> -> memref<392x32xf32, #tpu.memory_space<vmem_shared>>
      tpu.enqueue_dma source(%dma_start3A_692 : memref<392x32xf32, #tpu.memory_space<vmem_shared>>) target(%arg21 : memref<392x32xf32, #tpu.memory_space<vmem>>) target_semaphore(%run_scoped3A : memref<!tpu.dma_semaphore, #tpu.memory_space<semaphore_mem>>)
      %dma_wait3A_693 = arith.constant 0 : i32
      %dma_wait3A_694 = tpu.memref_slice %arg22[%add3A_341, %dma_wait3A_693] : memref<25088x32xf32, #tpu.memory_space<vmem_shared>> -> memref<392x32xf32, #tpu.memory_space<vmem_shared>>
      %dma_wait3A_695 = arith.constant 0 : i32
      %dma_wait3A_696 = tpu.memref_slice %arg22[%add3A_341, %dma_wait3A_695] : memref<25088x32xf32, #tpu.memory_space<vmem_shared>> -> memref<392x32xf32, #tpu.memory_space<vmem_shared>>
      tpu.wait_dma2 semaphore(%run_scoped3A : memref<!tpu.dma_semaphore, #tpu.memory_space<semaphore_mem>>) src(%dma_wait3A_696 : memref<392x32xf32, #tpu.memory_space<vmem_shared>>) dst(%arg21 : memref<392x32xf32, #tpu.memory_space<vmem>>)
      tpu.yield
    }) : () -> ()
    "tpu.region"() ({
      %run_scoped3A = tpu.sem_alloc : memref<!tpu.dma_semaphore, #tpu.memory_space<semaphore_mem>>
      %dma_start3A_689 = arith.constant 1176 : i32
      %dma_start3A_690 = arith.constant 0 : i32
      %dma_start3A_691 = tpu.memref_slice %arg7[%arg0, %arg1, %dma_start3A_689, %dma_start3A_690] : memref<2x16x1568x32xf32, #tpu.memory_space<hbm>> -> memref<1x1x392x32xf32, #tpu.memory_space<hbm>>
      %dma_start3A_692 = tpu.memref_squeeze %dma_start3A_691 : memref<1x1x392x32xf32, #tpu.memory_space<hbm>> -> memref<392x32xf32, #tpu.memory_space<hbm>>
      %dma_start3A_693 = arith.constant 1176 : i32
      %dma_start3A_694 = arith.constant 0 : i32
      %dma_start3A_695 = tpu.memref_slice %arg7[%arg0, %arg1, %dma_start3A_693, %dma_start3A_694] : memref<2x16x1568x32xf32, #tpu.memory_space<hbm>> -> memref<1x1x392x32xf32, #tpu.memory_space<hbm>>
      %dma_start3A_696 = tpu.memref_squeeze %dma_start3A_695 : memref<1x1x392x32xf32, #tpu.memory_space<hbm>> -> memref<392x32xf32, #tpu.memory_space<hbm>>
      tpu.enqueue_dma source(%arg21 : memref<392x32xf32, #tpu.memory_space<vmem>>) target(%dma_start3A_696 : memref<392x32xf32, #tpu.memory_space<hbm>>) target_semaphore(%run_scoped3A : memref<!tpu.dma_semaphore, #tpu.memory_space<semaphore_mem>>)
      %dma_wait3A_697 = arith.constant 1176 : i32
      %dma_wait3A_698 = arith.constant 0 : i32
      %dma_wait3A_699 = tpu.memref_slice %arg7[%arg0, %arg1, %dma_wait3A_697, %dma_wait3A_698] : memref<2x16x1568x32xf32, #tpu.memory_space<hbm>> -> memref<1x1x392x32xf32, #tpu.memory_space<hbm>>
      %dma_wait3A_700 = tpu.memref_squeeze %dma_wait3A_699 : memref<1x1x392x32xf32, #tpu.memory_space<hbm>> -> memref<392x32xf32, #tpu.memory_space<hbm>>
      %dma_wait3A_701 = arith.constant 1176 : i32
      %dma_wait3A_702 = arith.constant 0 : i32
      %dma_wait3A_703 = tpu.memref_slice %arg7[%arg0, %arg1, %dma_wait3A_701, %dma_wait3A_702] : memref<2x16x1568x32xf32, #tpu.memory_space<hbm>> -> memref<1x1x392x32xf32, #tpu.memory_space<hbm>>
      %dma_wait3A_704 = tpu.memref_squeeze %dma_wait3A_703 : memref<1x1x392x32xf32, #tpu.memory_space<hbm>> -> memref<392x32xf32, #tpu.memory_space<hbm>>
      tpu.wait_dma2 semaphore(%run_scoped3A : memref<!tpu.dma_semaphore, #tpu.memory_space<semaphore_mem>>) src(%arg21 : memref<392x32xf32, #tpu.memory_space<vmem>>) dst(%dma_wait3A_704 : memref<392x32xf32, #tpu.memory_space<hbm>>)
      tpu.yield
    }) : () -> ()
    %barrier3A_342 = arith.constant 0 : index
    tpu.barrier barrier_id(%barrier3A_342)
    "tpu.region"() ({
      %run_scoped3A = tpu.sem_alloc : memref<!tpu.dma_semaphore, #tpu.memory_space<semaphore_mem>>
      %dma_start3A_689 = arith.constant 0 : i32
      %dma_start3A_690 = arith.constant 0 : i32
      %dma_start3A_691 = tpu.memref_slice %arg6[%dma_start3A_689, %dma_start3A_690] : memref<1568x32xf32, #tpu.memory_space<hbm>> -> memref<392x32xf32, #tpu.memory_space<hbm>>
      %dma_start3A_692 = arith.constant 0 : i32
      %dma_start3A_693 = arith.constant 0 : i32
      %dma_start3A_694 = tpu.memref_slice %arg6[%dma_start3A_692, %dma_start3A_693] : memref<1568x32xf32, #tpu.memory_space<hbm>> -> memref<392x32xf32, #tpu.memory_space<hbm>>
      tpu.enqueue_dma source(%dma_start3A_694 : memref<392x32xf32, #tpu.memory_space<hbm>>) target(%arg21 : memref<392x32xf32, #tpu.memory_space<vmem>>) target_semaphore(%run_scoped3A : memref<!tpu.dma_semaphore, #tpu.memory_space<semaphore_mem>>)
      %dma_wait3A_695 = arith.constant 0 : i32
      %dma_wait3A_696 = arith.constant 0 : i32
      %dma_wait3A_697 = tpu.memref_slice %arg6[%dma_wait3A_695, %dma_wait3A_696] : memref<1568x32xf32, #tpu.memory_space<hbm>> -> memref<392x32xf32, #tpu.memory_space<hbm>>
      %dma_wait3A_698 = arith.constant 0 : i32
      %dma_wait3A_699 = arith.constant 0 : i32
      %dma_wait3A_700 = tpu.memref_slice %arg6[%dma_wait3A_698, %dma_wait3A_699] : memref<1568x32xf32, #tpu.memory_space<hbm>> -> memref<392x32xf32, #tpu.memory_space<hbm>>
      tpu.wait_dma2 semaphore(%run_scoped3A : memref<!tpu.dma_semaphore, #tpu.memory_space<semaphore_mem>>) src(%dma_wait3A_700 : memref<392x32xf32, #tpu.memory_space<hbm>>) dst(%arg21 : memref<392x32xf32, #tpu.memory_space<vmem>>)
      tpu.yield
    }) : () -> ()
    %mul3A_343 = arith.constant 1568 : i32
    %mul3A_344 = arith.muli %arg1, %mul3A_343 : i32
    %add3A_345 = arith.constant 0 : i32
    %add3A_346 = arith.addi %mul3A_344, %add3A_345 : i32
    "tpu.region"() ({
      %run_scoped3A = tpu.sem_alloc : memref<!tpu.dma_semaphore, #tpu.memory_space<semaphore_mem>>
      %dma_start3A_689 = arith.constant 0 : i32
      %dma_start3A_690 = tpu.memref_slice %arg22[%add3A_346, %dma_start3A_689] : memref<25088x32xf32, #tpu.memory_space<vmem_shared>> -> memref<392x32xf32, #tpu.memory_space<vmem_shared>>
      %dma_start3A_691 = arith.constant 0 : i32
      %dma_start3A_692 = tpu.memref_slice %arg22[%add3A_346, %dma_start3A_691] : memref<25088x32xf32, #tpu.memory_space<vmem_shared>> -> memref<392x32xf32, #tpu.memory_space<vmem_shared>>
      tpu.enqueue_dma source(%arg21 : memref<392x32xf32, #tpu.memory_space<vmem>>) target(%dma_start3A_692 : memref<392x32xf32, #tpu.memory_space<vmem_shared>>) target_semaphore(%run_scoped3A : memref<!tpu.dma_semaphore, #tpu.memory_space<semaphore_mem>>)
      %dma_wait3A_693 = arith.constant 0 : i32
      %dma_wait3A_694 = tpu.memref_slice %arg22[%add3A_346, %dma_wait3A_693] : memref<25088x32xf32, #tpu.memory_space<vmem_shared>> -> memref<392x32xf32, #tpu.memory_space<vmem_shared>>
      %dma_wait3A_695 = arith.constant 0 : i32
      %dma_wait3A_696 = tpu.memref_slice %arg22[%add3A_346, %dma_wait3A_695] : memref<25088x32xf32, #tpu.memory_space<vmem_shared>> -> memref<392x32xf32, #tpu.memory_space<vmem_shared>>
      tpu.wait_dma2 semaphore(%run_scoped3A : memref<!tpu.dma_semaphore, #tpu.memory_space<semaphore_mem>>) src(%arg21 : memref<392x32xf32, #tpu.memory_space<vmem>>) dst(%dma_wait3A_696 : memref<392x32xf32, #tpu.memory_space<vmem_shared>>)
      tpu.yield
    }) : () -> ()
    "tpu.region"() ({
      %run_scoped3A = tpu.sem_alloc : memref<!tpu.dma_semaphore, #tpu.memory_space<semaphore_mem>>
      %dma_start3A_689 = arith.constant 392 : i32
      %dma_start3A_690 = arith.constant 0 : i32
      %dma_start3A_691 = tpu.memref_slice %arg6[%dma_start3A_689, %dma_start3A_690] : memref<1568x32xf32, #tpu.memory_space<hbm>> -> memref<392x32xf32, #tpu.memory_space<hbm>>
      %dma_start3A_692 = arith.constant 392 : i32
      %dma_start3A_693 = arith.constant 0 : i32
      %dma_start3A_694 = tpu.memref_slice %arg6[%dma_start3A_692, %dma_start3A_693] : memref<1568x32xf32, #tpu.memory_space<hbm>> -> memref<392x32xf32, #tpu.memory_space<hbm>>
      tpu.enqueue_dma source(%dma_start3A_694 : memref<392x32xf32, #tpu.memory_space<hbm>>) target(%arg21 : memref<392x32xf32, #tpu.memory_space<vmem>>) target_semaphore(%run_scoped3A : memref<!tpu.dma_semaphore, #tpu.memory_space<semaphore_mem>>)
      %dma_wait3A_695 = arith.constant 392 : i32
      %dma_wait3A_696 = arith.constant 0 : i32
      %dma_wait3A_697 = tpu.memref_slice %arg6[%dma_wait3A_695, %dma_wait3A_696] : memref<1568x32xf32, #tpu.memory_space<hbm>> -> memref<392x32xf32, #tpu.memory_space<hbm>>
      %dma_wait3A_698 = arith.constant 392 : i32
      %dma_wait3A_699 = arith.constant 0 : i32
      %dma_wait3A_700 = tpu.memref_slice %arg6[%dma_wait3A_698, %dma_wait3A_699] : memref<1568x32xf32, #tpu.memory_space<hbm>> -> memref<392x32xf32, #tpu.memory_space<hbm>>
      tpu.wait_dma2 semaphore(%run_scoped3A : memref<!tpu.dma_semaphore, #tpu.memory_space<semaphore_mem>>) src(%dma_wait3A_700 : memref<392x32xf32, #tpu.memory_space<hbm>>) dst(%arg21 : memref<392x32xf32, #tpu.memory_space<vmem>>)
      tpu.yield
    }) : () -> ()
    %mul3A_347 = arith.constant 1568 : i32
    %mul3A_348 = arith.muli %arg1, %mul3A_347 : i32
    %add3A_349 = arith.constant 392 : i32
    %add3A_350 = arith.addi %mul3A_348, %add3A_349 : i32
    "tpu.region"() ({
      %run_scoped3A = tpu.sem_alloc : memref<!tpu.dma_semaphore, #tpu.memory_space<semaphore_mem>>
      %dma_start3A_689 = arith.constant 0 : i32
      %dma_start3A_690 = tpu.memref_slice %arg22[%add3A_350, %dma_start3A_689] : memref<25088x32xf32, #tpu.memory_space<vmem_shared>> -> memref<392x32xf32, #tpu.memory_space<vmem_shared>>
      %dma_start3A_691 = arith.constant 0 : i32
      %dma_start3A_692 = tpu.memref_slice %arg22[%add3A_350, %dma_start3A_691] : memref<25088x32xf32, #tpu.memory_space<vmem_shared>> -> memref<392x32xf32, #tpu.memory_space<vmem_shared>>
      tpu.enqueue_dma source(%arg21 : memref<392x32xf32, #tpu.memory_space<vmem>>) target(%dma_start3A_692 : memref<392x32xf32, #tpu.memory_space<vmem_shared>>) target_semaphore(%run_scoped3A : memref<!tpu.dma_semaphore, #tpu.memory_space<semaphore_mem>>)
      %dma_wait3A_693 = arith.constant 0 : i32
      %dma_wait3A_694 = tpu.memref_slice %arg22[%add3A_350, %dma_wait3A_693] : memref<25088x32xf32, #tpu.memory_space<vmem_shared>> -> memref<392x32xf32, #tpu.memory_space<vmem_shared>>
      %dma_wait3A_695 = arith.constant 0 : i32
      %dma_wait3A_696 = tpu.memref_slice %arg22[%add3A_350, %dma_wait3A_695] : memref<25088x32xf32, #tpu.memory_space<vmem_shared>> -> memref<392x32xf32, #tpu.memory_space<vmem_shared>>
      tpu.wait_dma2 semaphore(%run_scoped3A : memref<!tpu.dma_semaphore, #tpu.memory_space<semaphore_mem>>) src(%arg21 : memref<392x32xf32, #tpu.memory_space<vmem>>) dst(%dma_wait3A_696 : memref<392x32xf32, #tpu.memory_space<vmem_shared>>)
      tpu.yield
    }) : () -> ()
    "tpu.region"() ({
      %run_scoped3A = tpu.sem_alloc : memref<!tpu.dma_semaphore, #tpu.memory_space<semaphore_mem>>
      %dma_start3A_689 = arith.constant 784 : i32
      %dma_start3A_690 = arith.constant 0 : i32
      %dma_start3A_691 = tpu.memref_slice %arg6[%dma_start3A_689, %dma_start3A_690] : memref<1568x32xf32, #tpu.memory_space<hbm>> -> memref<392x32xf32, #tpu.memory_space<hbm>>
      %dma_start3A_692 = arith.constant 784 : i32
      %dma_start3A_693 = arith.constant 0 : i32
      %dma_start3A_694 = tpu.memref_slice %arg6[%dma_start3A_692, %dma_start3A_693] : memref<1568x32xf32, #tpu.memory_space<hbm>> -> memref<392x32xf32, #tpu.memory_space<hbm>>
      tpu.enqueue_dma source(%dma_start3A_694 : memref<392x32xf32, #tpu.memory_space<hbm>>) target(%arg21 : memref<392x32xf32, #tpu.memory_space<vmem>>) target_semaphore(%run_scoped3A : memref<!tpu.dma_semaphore, #tpu.memory_space<semaphore_mem>>)
      %dma_wait3A_695 = arith.constant 784 : i32
      %dma_wait3A_696 = arith.constant 0 : i32
      %dma_wait3A_697 = tpu.memref_slice %arg6[%dma_wait3A_695, %dma_wait3A_696] : memref<1568x32xf32, #tpu.memory_space<hbm>> -> memref<392x32xf32, #tpu.memory_space<hbm>>
      %dma_wait3A_698 = arith.constant 784 : i32
      %dma_wait3A_699 = arith.constant 0 : i32
      %dma_wait3A_700 = tpu.memref_slice %arg6[%dma_wait3A_698, %dma_wait3A_699] : memref<1568x32xf32, #tpu.memory_space<hbm>> -> memref<392x32xf32, #tpu.memory_space<hbm>>
      tpu.wait_dma2 semaphore(%run_scoped3A : memref<!tpu.dma_semaphore, #tpu.memory_space<semaphore_mem>>) src(%dma_wait3A_700 : memref<392x32xf32, #tpu.memory_space<hbm>>) dst(%arg21 : memref<392x32xf32, #tpu.memory_space<vmem>>)
      tpu.yield
    }) : () -> ()
    %mul3A_351 = arith.constant 1568 : i32
    %mul3A_352 = arith.muli %arg1, %mul3A_351 : i32
    %add3A_353 = arith.constant 784 : i32
    %add3A_354 = arith.addi %mul3A_352, %add3A_353 : i32
    "tpu.region"() ({
      %run_scoped3A = tpu.sem_alloc : memref<!tpu.dma_semaphore, #tpu.memory_space<semaphore_mem>>
      %dma_start3A_689 = arith.constant 0 : i32
      %dma_start3A_690 = tpu.memref_slice %arg22[%add3A_354, %dma_start3A_689] : memref<25088x32xf32, #tpu.memory_space<vmem_shared>> -> memref<392x32xf32, #tpu.memory_space<vmem_shared>>
      %dma_start3A_691 = arith.constant 0 : i32
      %dma_start3A_692 = tpu.memref_slice %arg22[%add3A_354, %dma_start3A_691] : memref<25088x32xf32, #tpu.memory_space<vmem_shared>> -> memref<392x32xf32, #tpu.memory_space<vmem_shared>>
      tpu.enqueue_dma source(%arg21 : memref<392x32xf32, #tpu.memory_space<vmem>>) target(%dma_start3A_692 : memref<392x32xf32, #tpu.memory_space<vmem_shared>>) target_semaphore(%run_scoped3A : memref<!tpu.dma_semaphore, #tpu.memory_space<semaphore_mem>>)
      %dma_wait3A_693 = arith.constant 0 : i32
      %dma_wait3A_694 = tpu.memref_slice %arg22[%add3A_354, %dma_wait3A_693] : memref<25088x32xf32, #tpu.memory_space<vmem_shared>> -> memref<392x32xf32, #tpu.memory_space<vmem_shared>>
      %dma_wait3A_695 = arith.constant 0 : i32
      %dma_wait3A_696 = tpu.memref_slice %arg22[%add3A_354, %dma_wait3A_695] : memref<25088x32xf32, #tpu.memory_space<vmem_shared>> -> memref<392x32xf32, #tpu.memory_space<vmem_shared>>
      tpu.wait_dma2 semaphore(%run_scoped3A : memref<!tpu.dma_semaphore, #tpu.memory_space<semaphore_mem>>) src(%arg21 : memref<392x32xf32, #tpu.memory_space<vmem>>) dst(%dma_wait3A_696 : memref<392x32xf32, #tpu.memory_space<vmem_shared>>)
      tpu.yield
    }) : () -> ()
    "tpu.region"() ({
      %run_scoped3A = tpu.sem_alloc : memref<!tpu.dma_semaphore, #tpu.memory_space<semaphore_mem>>
      %dma_start3A_689 = arith.constant 1176 : i32
      %dma_start3A_690 = arith.constant 0 : i32
      %dma_start3A_691 = tpu.memref_slice %arg6[%dma_start3A_689, %dma_start3A_690] : memref<1568x32xf32, #tpu.memory_space<hbm>> -> memref<392x32xf32, #tpu.memory_space<hbm>>
      %dma_start3A_692 = arith.constant 1176 : i32
      %dma_start3A_693 = arith.constant 0 : i32
      %dma_start3A_694 = tpu.memref_slice %arg6[%dma_start3A_692, %dma_start3A_693] : memref<1568x32xf32, #tpu.memory_space<hbm>> -> memref<392x32xf32, #tpu.memory_space<hbm>>
      tpu.enqueue_dma source(%dma_start3A_694 : memref<392x32xf32, #tpu.memory_space<hbm>>) target(%arg21 : memref<392x32xf32, #tpu.memory_space<vmem>>) target_semaphore(%run_scoped3A : memref<!tpu.dma_semaphore, #tpu.memory_space<semaphore_mem>>)
      %dma_wait3A_695 = arith.constant 1176 : i32
      %dma_wait3A_696 = arith.constant 0 : i32
      %dma_wait3A_697 = tpu.memref_slice %arg6[%dma_wait3A_695, %dma_wait3A_696] : memref<1568x32xf32, #tpu.memory_space<hbm>> -> memref<392x32xf32, #tpu.memory_space<hbm>>
      %dma_wait3A_698 = arith.constant 1176 : i32
      %dma_wait3A_699 = arith.constant 0 : i32
      %dma_wait3A_700 = tpu.memref_slice %arg6[%dma_wait3A_698, %dma_wait3A_699] : memref<1568x32xf32, #tpu.memory_space<hbm>> -> memref<392x32xf32, #tpu.memory_space<hbm>>
      tpu.wait_dma2 semaphore(%run_scoped3A : memref<!tpu.dma_semaphore, #tpu.memory_space<semaphore_mem>>) src(%dma_wait3A_700 : memref<392x32xf32, #tpu.memory_space<hbm>>) dst(%arg21 : memref<392x32xf32, #tpu.memory_space<vmem>>)
      tpu.yield
    }) : () -> ()
    %mul3A_355 = arith.constant 1568 : i32
    %mul3A_356 = arith.muli %arg1, %mul3A_355 : i32
    %add3A_357 = arith.constant 1176 : i32
    %add3A_358 = arith.addi %mul3A_356, %add3A_357 : i32
    "tpu.region"() ({
      %run_scoped3A = tpu.sem_alloc : memref<!tpu.dma_semaphore, #tpu.memory_space<semaphore_mem>>
      %dma_start3A_689 = arith.constant 0 : i32
      %dma_start3A_690 = tpu.memref_slice %arg22[%add3A_358, %dma_start3A_689] : memref<25088x32xf32, #tpu.memory_space<vmem_shared>> -> memref<392x32xf32, #tpu.memory_space<vmem_shared>>
      %dma_start3A_691 = arith.constant 0 : i32
      %dma_start3A_692 = tpu.memref_slice %arg22[%add3A_358, %dma_start3A_691] : memref<25088x32xf32, #tpu.memory_space<vmem_shared>> -> memref<392x32xf32, #tpu.memory_space<vmem_shared>>
      tpu.enqueue_dma source(%arg21 : memref<392x32xf32, #tpu.memory_space<vmem>>) target(%dma_start3A_692 : memref<392x32xf32, #tpu.memory_space<vmem_shared>>) target_semaphore(%run_scoped3A : memref<!tpu.dma_semaphore, #tpu.memory_space<semaphore_mem>>)
      %dma_wait3A_693 = arith.constant 0 : i32
      %dma_wait3A_694 = tpu.memref_slice %arg22[%add3A_358, %dma_wait3A_693] : memref<25088x32xf32, #tpu.memory_space<vmem_shared>> -> memref<392x32xf32, #tpu.memory_space<vmem_shared>>
      %dma_wait3A_695 = arith.constant 0 : i32
      %dma_wait3A_696 = tpu.memref_slice %arg22[%add3A_358, %dma_wait3A_695] : memref<25088x32xf32, #tpu.memory_space<vmem_shared>> -> memref<392x32xf32, #tpu.memory_space<vmem_shared>>
      tpu.wait_dma2 semaphore(%run_scoped3A : memref<!tpu.dma_semaphore, #tpu.memory_space<semaphore_mem>>) src(%arg21 : memref<392x32xf32, #tpu.memory_space<vmem>>) dst(%dma_wait3A_696 : memref<392x32xf32, #tpu.memory_space<vmem_shared>>)
      tpu.yield
    }) : () -> ()
    %barrier3A_359 = arith.constant 0 : index
    tpu.barrier barrier_id(%barrier3A_359)
    %add3A_360 = arith.constant 0 : i32
    %add3A_361 = arith.addi %mul3A_2, %add3A_360 : i32
    %add3A_362 = arith.constant 0 : i32
    %add3A_363 = arith.addi %add3A_361, %add3A_362 : i32
    %dma_start3A_364 = tpu.memref_slice %arg3[%add3A_363] : memref<800000xi32, #tpu.memory_space<hbm>> -> memref<400xi32, #tpu.memory_space<hbm>>
    %dma_start3A_365 = tpu.memref_slice %arg3[%add3A_363] : memref<800000xi32, #tpu.memory_space<hbm>> -> memref<400xi32, #tpu.memory_space<hbm>>
    tpu.enqueue_dma source(%dma_start3A_365 : memref<400xi32, #tpu.memory_space<hbm>>) target(%arg9 : memref<400xi32, #tpu.memory_space<vmem>>) target_semaphore(%arg23 : memref<!tpu.dma_semaphore, #tpu.memory_space<semaphore_mem>>)
    %add3A_366 = arith.constant 0 : i32
    %add3A_367 = arith.addi %add3A_361, %add3A_366 : i32
    %dma_start3A_368 = tpu.memref_slice %arg2[%add3A_367] : memref<800000xi32, #tpu.memory_space<hbm>> -> memref<400xi32, #tpu.memory_space<hbm>>
    %dma_start3A_369 = tpu.memref_slice %arg2[%add3A_367] : memref<800000xi32, #tpu.memory_space<hbm>> -> memref<400xi32, #tpu.memory_space<hbm>>
    tpu.enqueue_dma source(%dma_start3A_369 : memref<400xi32, #tpu.memory_space<hbm>>) target(%arg13 : memref<400xi32, #tpu.memory_space<vmem>>) target_semaphore(%arg23 : memref<!tpu.dma_semaphore, #tpu.memory_space<semaphore_mem>>)
    %add3A_370 = arith.constant 400 : i32
    %add3A_371 = arith.addi %add3A_361, %add3A_370 : i32
    %dma_start3A_372 = tpu.memref_slice %arg3[%add3A_371] : memref<800000xi32, #tpu.memory_space<hbm>> -> memref<400xi32, #tpu.memory_space<hbm>>
    %dma_start3A_373 = tpu.memref_slice %arg3[%add3A_371] : memref<800000xi32, #tpu.memory_space<hbm>> -> memref<400xi32, #tpu.memory_space<hbm>>
    tpu.enqueue_dma source(%dma_start3A_373 : memref<400xi32, #tpu.memory_space<hbm>>) target(%arg10 : memref<400xi32, #tpu.memory_space<vmem>>) target_semaphore(%arg23 : memref<!tpu.dma_semaphore, #tpu.memory_space<semaphore_mem>>)
    %add3A_374 = arith.constant 400 : i32
    %add3A_375 = arith.addi %add3A_361, %add3A_374 : i32
    %dma_start3A_376 = tpu.memref_slice %arg2[%add3A_375] : memref<800000xi32, #tpu.memory_space<hbm>> -> memref<400xi32, #tpu.memory_space<hbm>>
    %dma_start3A_377 = tpu.memref_slice %arg2[%add3A_375] : memref<800000xi32, #tpu.memory_space<hbm>> -> memref<400xi32, #tpu.memory_space<hbm>>
    tpu.enqueue_dma source(%dma_start3A_377 : memref<400xi32, #tpu.memory_space<hbm>>) target(%arg14 : memref<400xi32, #tpu.memory_space<vmem>>) target_semaphore(%arg23 : memref<!tpu.dma_semaphore, #tpu.memory_space<semaphore_mem>>)
    %add3A_378 = arith.constant 0 : i32
    %add3A_379 = arith.addi %mul3A_2, %add3A_378 : i32
    %add3A_380 = arith.constant 0 : i32
    %add3A_381 = arith.addi %add3A_379, %add3A_380 : i32
    %dma_wait3A_382 = tpu.memref_slice %arg3[%add3A_381] : memref<800000xi32, #tpu.memory_space<hbm>> -> memref<400xi32, #tpu.memory_space<hbm>>
    %dma_wait3A_383 = tpu.memref_slice %arg3[%add3A_381] : memref<800000xi32, #tpu.memory_space<hbm>> -> memref<400xi32, #tpu.memory_space<hbm>>
    tpu.wait_dma2 semaphore(%arg23 : memref<!tpu.dma_semaphore, #tpu.memory_space<semaphore_mem>>) src(%dma_wait3A_383 : memref<400xi32, #tpu.memory_space<hbm>>) dst(%arg9 : memref<400xi32, #tpu.memory_space<vmem>>)
    %add3A_384 = arith.constant 0 : i32
    %add3A_385 = arith.addi %add3A_379, %add3A_384 : i32
    %dma_wait3A_386 = tpu.memref_slice %arg2[%add3A_385] : memref<800000xi32, #tpu.memory_space<hbm>> -> memref<400xi32, #tpu.memory_space<hbm>>
    %dma_wait3A_387 = tpu.memref_slice %arg2[%add3A_385] : memref<800000xi32, #tpu.memory_space<hbm>> -> memref<400xi32, #tpu.memory_space<hbm>>
    tpu.wait_dma2 semaphore(%arg23 : memref<!tpu.dma_semaphore, #tpu.memory_space<semaphore_mem>>) src(%dma_wait3A_387 : memref<400xi32, #tpu.memory_space<hbm>>) dst(%arg13 : memref<400xi32, #tpu.memory_space<vmem>>)
    %add3A_388 = arith.constant 400 : i32
    %add3A_389 = arith.addi %add3A_379, %add3A_388 : i32
    %dma_wait3A_390 = tpu.memref_slice %arg3[%add3A_389] : memref<800000xi32, #tpu.memory_space<hbm>> -> memref<400xi32, #tpu.memory_space<hbm>>
    %dma_wait3A_391 = tpu.memref_slice %arg3[%add3A_389] : memref<800000xi32, #tpu.memory_space<hbm>> -> memref<400xi32, #tpu.memory_space<hbm>>
    tpu.wait_dma2 semaphore(%arg23 : memref<!tpu.dma_semaphore, #tpu.memory_space<semaphore_mem>>) src(%dma_wait3A_391 : memref<400xi32, #tpu.memory_space<hbm>>) dst(%arg10 : memref<400xi32, #tpu.memory_space<vmem>>)
    %add3A_392 = arith.constant 400 : i32
    %add3A_393 = arith.addi %add3A_379, %add3A_392 : i32
    %dma_wait3A_394 = tpu.memref_slice %arg2[%add3A_393] : memref<800000xi32, #tpu.memory_space<hbm>> -> memref<400xi32, #tpu.memory_space<hbm>>
    %dma_wait3A_395 = tpu.memref_slice %arg2[%add3A_393] : memref<800000xi32, #tpu.memory_space<hbm>> -> memref<400xi32, #tpu.memory_space<hbm>>
    tpu.wait_dma2 semaphore(%arg23 : memref<!tpu.dma_semaphore, #tpu.memory_space<semaphore_mem>>) src(%dma_wait3A_395 : memref<400xi32, #tpu.memory_space<hbm>>) dst(%arg14 : memref<400xi32, #tpu.memory_space<vmem>>)
    %iota3A_396 = tpu.iota {dimensions = array<i32: 0>} : vector<16xi32>
    %scan3A_397 = arith.constant 0 : i32
    %scan3A_398 = arith.constant 0 : i32
    %scan3A_399 = arith.constant 25 : i32
    %scan3A_400 = arith.addi %scan3A_398, %scan3A_399 : i32
    %scan3A_401 = arith.constant 1 : i32
    scf.for %scan3A_689 = %scan3A_398 to %scan3A_400 step %scan3A_401  : i32 {
      %mul3A_690 = arith.constant 16 : i32
      %mul3A_691 = arith.muli %scan3A_689, %mul3A_690 : i32
      %get3A = arith.index_cast %mul3A_691 : i32 to index
      %get3A_692 = tpu.vector_load %arg9[%get3A] {strides = array<i32>} : memref<400xi32, #tpu.memory_space<vmem>>, vector<16xi32>,
      %get3A_693 = vector.shape_cast %get3A_692 : vector<16xi32> to vector<16xi32>
      %sub3A = vector.broadcast %mul3A_0 : i32 to vector<16xi32>
      %sub3A_694 = arith.subi %get3A_693, %sub3A : vector<16xi32>
      %bitcast3A = vector.bitcast %sub3A_694 : vector<16xi32> to vector<16xi32>
      %lt3A = arith.constant 25000 : i32
      %lt3A_695 = vector.broadcast %lt3A : i32 to vector<16xi32>
      %lt3A_696 = arith.cmpi ult, %bitcast3A, %lt3A_695 : vector<16xi32>
      %add3A_697 = arith.constant 25000 : i32
      %add3A_698 = vector.broadcast %add3A_697 : i32 to vector<16xi32>
      %add3A_699 = arith.addi %add3A_698, %iota3A_396 : vector<16xi32>
      %select_n3A = arith.select %lt3A_696, %sub3A_694, %add3A_699 : vector<16xi1>, vector<16xi32>
      %mul3A_700 = arith.constant 16 : i32
      %mul3A_701 = arith.muli %scan3A_689, %mul3A_700 : i32
      %swap3A = arith.index_cast %mul3A_701 : i32 to index
      %swap3A_702 = tpu.vector_load %arg9[%swap3A] {strides = array<i32>} : memref<400xi32, #tpu.memory_space<vmem>>, vector<16xi32>,
      %swap3A_703 = vector.shape_cast %swap3A_702 : vector<16xi32> to vector<16xi32>
      %swap3A_704 = vector.shape_cast %select_n3A : vector<16xi32> to vector<16xi32>
      tpu.vector_store %arg9[%swap3A], %swap3A_704 {strides = array<i32>} : memref<400xi32, #tpu.memory_space<vmem>>, vector<16xi32>,
    }
    %scan3A_402 = arith.constant 25 : i32
    %iota3A_403 = tpu.iota {dimensions = array<i32: 0>} : vector<16xi32>
    %scan3A_404 = arith.constant 0 : i32
    %scan3A_405 = arith.constant 0 : i32
    %scan3A_406 = arith.constant 25 : i32
    %scan3A_407 = arith.addi %scan3A_405, %scan3A_406 : i32
    %scan3A_408 = arith.constant 1 : i32
    scf.for %scan3A_689 = %scan3A_405 to %scan3A_407 step %scan3A_408  : i32 {
      %mul3A_690 = arith.constant 16 : i32
      %mul3A_691 = arith.muli %scan3A_689, %mul3A_690 : i32
      %get3A = arith.index_cast %mul3A_691 : i32 to index
      %get3A_692 = tpu.vector_load %arg10[%get3A] {strides = array<i32>} : memref<400xi32, #tpu.memory_space<vmem>>, vector<16xi32>,
      %get3A_693 = vector.shape_cast %get3A_692 : vector<16xi32> to vector<16xi32>
      %sub3A = vector.broadcast %mul3A_0 : i32 to vector<16xi32>
      %sub3A_694 = arith.subi %get3A_693, %sub3A : vector<16xi32>
      %bitcast3A = vector.bitcast %sub3A_694 : vector<16xi32> to vector<16xi32>
      %lt3A = arith.constant 25000 : i32
      %lt3A_695 = vector.broadcast %lt3A : i32 to vector<16xi32>
      %lt3A_696 = arith.cmpi ult, %bitcast3A, %lt3A_695 : vector<16xi32>
      %add3A_697 = arith.constant 25000 : i32
      %add3A_698 = vector.broadcast %add3A_697 : i32 to vector<16xi32>
      %add3A_699 = arith.addi %add3A_698, %iota3A_403 : vector<16xi32>
      %select_n3A = arith.select %lt3A_696, %sub3A_694, %add3A_699 : vector<16xi1>, vector<16xi32>
      %mul3A_700 = arith.constant 16 : i32
      %mul3A_701 = arith.muli %scan3A_689, %mul3A_700 : i32
      %swap3A = arith.index_cast %mul3A_701 : i32 to index
      %swap3A_702 = tpu.vector_load %arg10[%swap3A] {strides = array<i32>} : memref<400xi32, #tpu.memory_space<vmem>>, vector<16xi32>,
      %swap3A_703 = vector.shape_cast %swap3A_702 : vector<16xi32> to vector<16xi32>
      %swap3A_704 = vector.shape_cast %select_n3A : vector<16xi32> to vector<16xi32>
      tpu.vector_store %arg10[%swap3A], %swap3A_704 {strides = array<i32>} : memref<400xi32, #tpu.memory_space<vmem>>, vector<16xi32>,
    }
    %scan3A_409 = arith.constant 25 : i32
    %dma_start3A_410 = arith.constant 0 : i32
    %dma_start3A_411 = arith.constant 0 : i32
    %dma_start3A_412 = tpu.memref_slice %arg5[%dma_start3A_410, %dma_start3A_411] : memref<50000x32xf32, #tpu.memory_space<hbm>> -> memref<50000x32xf32, #tpu.memory_space<hbm>>
    tpu.enqueue_indirect_dma source(%dma_start3A_412 : memref<50000x32xf32, #tpu.memory_space<hbm>>) target(%arg17 : memref<400x32xf32, #tpu.memory_space<vmem>>) offsets(%arg13 : memref<400xi32, #tpu.memory_space<vmem>>) semaphore(%arg25 : memref<!tpu.dma_semaphore, #tpu.memory_space<semaphore_mem>>)
    %dma_start3A_413 = arith.constant 0 : i32
    %dma_start3A_414 = arith.constant 0 : i32
    %dma_start3A_415 = tpu.memref_slice %arg5[%dma_start3A_413, %dma_start3A_414] : memref<50000x32xf32, #tpu.memory_space<hbm>> -> memref<50000x32xf32, #tpu.memory_space<hbm>>
    tpu.enqueue_indirect_dma source(%dma_start3A_415 : memref<50000x32xf32, #tpu.memory_space<hbm>>) target(%arg18 : memref<400x32xf32, #tpu.memory_space<vmem>>) offsets(%arg14 : memref<400xi32, #tpu.memory_space<vmem>>) semaphore(%arg26 : memref<!tpu.dma_semaphore, #tpu.memory_space<semaphore_mem>>)
    %add3A_416 = arith.constant 800 : i32
    %add3A_417 = arith.addi %mul3A_2, %add3A_416 : i32
    %add3A_418 = arith.constant 0 : i32
    %add3A_419 = arith.addi %add3A_417, %add3A_418 : i32
    %dma_start3A_420 = tpu.memref_slice %arg3[%add3A_419] : memref<800000xi32, #tpu.memory_space<hbm>> -> memref<400xi32, #tpu.memory_space<hbm>>
    %dma_start3A_421 = tpu.memref_slice %arg3[%add3A_419] : memref<800000xi32, #tpu.memory_space<hbm>> -> memref<400xi32, #tpu.memory_space<hbm>>
    tpu.enqueue_dma source(%dma_start3A_421 : memref<400xi32, #tpu.memory_space<hbm>>) target(%arg11 : memref<400xi32, #tpu.memory_space<vmem>>) target_semaphore(%arg24 : memref<!tpu.dma_semaphore, #tpu.memory_space<semaphore_mem>>)
    %add3A_422 = arith.constant 0 : i32
    %add3A_423 = arith.addi %add3A_417, %add3A_422 : i32
    %dma_start3A_424 = tpu.memref_slice %arg2[%add3A_423] : memref<800000xi32, #tpu.memory_space<hbm>> -> memref<400xi32, #tpu.memory_space<hbm>>
    %dma_start3A_425 = tpu.memref_slice %arg2[%add3A_423] : memref<800000xi32, #tpu.memory_space<hbm>> -> memref<400xi32, #tpu.memory_space<hbm>>
    tpu.enqueue_dma source(%dma_start3A_425 : memref<400xi32, #tpu.memory_space<hbm>>) target(%arg15 : memref<400xi32, #tpu.memory_space<vmem>>) target_semaphore(%arg24 : memref<!tpu.dma_semaphore, #tpu.memory_space<semaphore_mem>>)
    %add3A_426 = arith.constant 400 : i32
    %add3A_427 = arith.addi %add3A_417, %add3A_426 : i32
    %dma_start3A_428 = tpu.memref_slice %arg3[%add3A_427] : memref<800000xi32, #tpu.memory_space<hbm>> -> memref<400xi32, #tpu.memory_space<hbm>>
    %dma_start3A_429 = tpu.memref_slice %arg3[%add3A_427] : memref<800000xi32, #tpu.memory_space<hbm>> -> memref<400xi32, #tpu.memory_space<hbm>>
    tpu.enqueue_dma source(%dma_start3A_429 : memref<400xi32, #tpu.memory_space<hbm>>) target(%arg12 : memref<400xi32, #tpu.memory_space<vmem>>) target_semaphore(%arg24 : memref<!tpu.dma_semaphore, #tpu.memory_space<semaphore_mem>>)
    %add3A_430 = arith.constant 400 : i32
    %add3A_431 = arith.addi %add3A_417, %add3A_430 : i32
    %dma_start3A_432 = tpu.memref_slice %arg2[%add3A_431] : memref<800000xi32, #tpu.memory_space<hbm>> -> memref<400xi32, #tpu.memory_space<hbm>>
    %dma_start3A_433 = tpu.memref_slice %arg2[%add3A_431] : memref<800000xi32, #tpu.memory_space<hbm>> -> memref<400xi32, #tpu.memory_space<hbm>>
    tpu.enqueue_dma source(%dma_start3A_433 : memref<400xi32, #tpu.memory_space<hbm>>) target(%arg16 : memref<400xi32, #tpu.memory_space<vmem>>) target_semaphore(%arg24 : memref<!tpu.dma_semaphore, #tpu.memory_space<semaphore_mem>>)
    %dma_wait3A_434 = arith.constant 0 : i32
    %dma_wait3A_435 = arith.constant 0 : i32
    %dma_wait3A_436 = tpu.memref_slice %arg5[%dma_wait3A_434, %dma_wait3A_435] : memref<50000x32xf32, #tpu.memory_space<hbm>> -> memref<50000x32xf32, #tpu.memory_space<hbm>>
    tpu.wait_indirect_dma semaphore(%arg25 : memref<!tpu.dma_semaphore, #tpu.memory_space<semaphore_mem>>) src(%dma_wait3A_436 : memref<50000x32xf32, #tpu.memory_space<hbm>>) dst(%arg17 : memref<400x32xf32, #tpu.memory_space<vmem>>)
    %dma_start3A_437 = arith.constant 0 : i32
    %dma_start3A_438 = arith.constant 0 : i32
    %dma_start3A_439 = tpu.memref_slice %arg22[%dma_start3A_437, %dma_start3A_438] : memref<25088x32xf32, #tpu.memory_space<vmem_shared>> -> memref<25088x32xf32, #tpu.memory_space<vmem_shared>>
    tpu.enqueue_indirect_dma source(%arg17 : memref<400x32xf32, #tpu.memory_space<vmem>>) target(%dma_start3A_439 : memref<25088x32xf32, #tpu.memory_space<vmem_shared>>) offsets(%arg9 : memref<400xi32, #tpu.memory_space<vmem>>) semaphore(%arg29 : memref<!tpu.dma_semaphore, #tpu.memory_space<semaphore_mem>>) {add = true}
    %dma_wait3A_440 = arith.constant 0 : i32
    %dma_wait3A_441 = arith.constant 0 : i32
    %dma_wait3A_442 = tpu.memref_slice %arg5[%dma_wait3A_440, %dma_wait3A_441] : memref<50000x32xf32, #tpu.memory_space<hbm>> -> memref<50000x32xf32, #tpu.memory_space<hbm>>
    tpu.wait_indirect_dma semaphore(%arg26 : memref<!tpu.dma_semaphore, #tpu.memory_space<semaphore_mem>>) src(%dma_wait3A_442 : memref<50000x32xf32, #tpu.memory_space<hbm>>) dst(%arg18 : memref<400x32xf32, #tpu.memory_space<vmem>>)
    %dma_start3A_443 = arith.constant 0 : i32
    %dma_start3A_444 = arith.constant 0 : i32
    %dma_start3A_445 = tpu.memref_slice %arg22[%dma_start3A_443, %dma_start3A_444] : memref<25088x32xf32, #tpu.memory_space<vmem_shared>> -> memref<25088x32xf32, #tpu.memory_space<vmem_shared>>
    tpu.enqueue_indirect_dma source(%arg18 : memref<400x32xf32, #tpu.memory_space<vmem>>) target(%dma_start3A_445 : memref<25088x32xf32, #tpu.memory_space<vmem_shared>>) offsets(%arg10 : memref<400xi32, #tpu.memory_space<vmem>>) semaphore(%arg30 : memref<!tpu.dma_semaphore, #tpu.memory_space<semaphore_mem>>) {add = true}
    %add3A_446 = arith.constant 800 : i32
    %add3A_447 = arith.addi %mul3A_2, %add3A_446 : i32
    %add3A_448 = arith.constant 0 : i32
    %add3A_449 = arith.addi %add3A_447, %add3A_448 : i32
    %dma_wait3A_450 = tpu.memref_slice %arg3[%add3A_449] : memref<800000xi32, #tpu.memory_space<hbm>> -> memref<400xi32, #tpu.memory_space<hbm>>
    %dma_wait3A_451 = tpu.memref_slice %arg3[%add3A_449] : memref<800000xi32, #tpu.memory_space<hbm>> -> memref<400xi32, #tpu.memory_space<hbm>>
    tpu.wait_dma2 semaphore(%arg24 : memref<!tpu.dma_semaphore, #tpu.memory_space<semaphore_mem>>) src(%dma_wait3A_451 : memref<400xi32, #tpu.memory_space<hbm>>) dst(%arg11 : memref<400xi32, #tpu.memory_space<vmem>>)
    %add3A_452 = arith.constant 0 : i32
    %add3A_453 = arith.addi %add3A_447, %add3A_452 : i32
    %dma_wait3A_454 = tpu.memref_slice %arg2[%add3A_453] : memref<800000xi32, #tpu.memory_space<hbm>> -> memref<400xi32, #tpu.memory_space<hbm>>
    %dma_wait3A_455 = tpu.memref_slice %arg2[%add3A_453] : memref<800000xi32, #tpu.memory_space<hbm>> -> memref<400xi32, #tpu.memory_space<hbm>>
    tpu.wait_dma2 semaphore(%arg24 : memref<!tpu.dma_semaphore, #tpu.memory_space<semaphore_mem>>) src(%dma_wait3A_455 : memref<400xi32, #tpu.memory_space<hbm>>) dst(%arg15 : memref<400xi32, #tpu.memory_space<vmem>>)
    %add3A_456 = arith.constant 400 : i32
    %add3A_457 = arith.addi %add3A_447, %add3A_456 : i32
    %dma_wait3A_458 = tpu.memref_slice %arg3[%add3A_457] : memref<800000xi32, #tpu.memory_space<hbm>> -> memref<400xi32, #tpu.memory_space<hbm>>
    %dma_wait3A_459 = tpu.memref_slice %arg3[%add3A_457] : memref<800000xi32, #tpu.memory_space<hbm>> -> memref<400xi32, #tpu.memory_space<hbm>>
    tpu.wait_dma2 semaphore(%arg24 : memref<!tpu.dma_semaphore, #tpu.memory_space<semaphore_mem>>) src(%dma_wait3A_459 : memref<400xi32, #tpu.memory_space<hbm>>) dst(%arg12 : memref<400xi32, #tpu.memory_space<vmem>>)
    %add3A_460 = arith.constant 400 : i32
    %add3A_461 = arith.addi %add3A_447, %add3A_460 : i32
    %dma_wait3A_462 = tpu.memref_slice %arg2[%add3A_461] : memref<800000xi32, #tpu.memory_space<hbm>> -> memref<400xi32, #tpu.memory_space<hbm>>
    %dma_wait3A_463 = tpu.memref_slice %arg2[%add3A_461] : memref<800000xi32, #tpu.memory_space<hbm>> -> memref<400xi32, #tpu.memory_space<hbm>>
    tpu.wait_dma2 semaphore(%arg24 : memref<!tpu.dma_semaphore, #tpu.memory_space<semaphore_mem>>) src(%dma_wait3A_463 : memref<400xi32, #tpu.memory_space<hbm>>) dst(%arg16 : memref<400xi32, #tpu.memory_space<vmem>>)
    %iota3A_464 = tpu.iota {dimensions = array<i32: 0>} : vector<16xi32>
    %scan3A_465 = arith.constant 0 : i32
    %scan3A_466 = arith.constant 0 : i32
    %scan3A_467 = arith.constant 25 : i32
    %scan3A_468 = arith.addi %scan3A_466, %scan3A_467 : i32
    %scan3A_469 = arith.constant 1 : i32
    scf.for %scan3A_689 = %scan3A_466 to %scan3A_468 step %scan3A_469  : i32 {
      %mul3A_690 = arith.constant 16 : i32
      %mul3A_691 = arith.muli %scan3A_689, %mul3A_690 : i32
      %get3A = arith.index_cast %mul3A_691 : i32 to index
      %get3A_692 = tpu.vector_load %arg11[%get3A] {strides = array<i32>} : memref<400xi32, #tpu.memory_space<vmem>>, vector<16xi32>,
      %get3A_693 = vector.shape_cast %get3A_692 : vector<16xi32> to vector<16xi32>
      %sub3A = vector.broadcast %mul3A_0 : i32 to vector<16xi32>
      %sub3A_694 = arith.subi %get3A_693, %sub3A : vector<16xi32>
      %bitcast3A = vector.bitcast %sub3A_694 : vector<16xi32> to vector<16xi32>
      %lt3A = arith.constant 25000 : i32
      %lt3A_695 = vector.broadcast %lt3A : i32 to vector<16xi32>
      %lt3A_696 = arith.cmpi ult, %bitcast3A, %lt3A_695 : vector<16xi32>
      %add3A_697 = arith.constant 25000 : i32
      %add3A_698 = vector.broadcast %add3A_697 : i32 to vector<16xi32>
      %add3A_699 = arith.addi %add3A_698, %iota3A_464 : vector<16xi32>
      %select_n3A = arith.select %lt3A_696, %sub3A_694, %add3A_699 : vector<16xi1>, vector<16xi32>
      %mul3A_700 = arith.constant 16 : i32
      %mul3A_701 = arith.muli %scan3A_689, %mul3A_700 : i32
      %swap3A = arith.index_cast %mul3A_701 : i32 to index
      %swap3A_702 = tpu.vector_load %arg11[%swap3A] {strides = array<i32>} : memref<400xi32, #tpu.memory_space<vmem>>, vector<16xi32>,
      %swap3A_703 = vector.shape_cast %swap3A_702 : vector<16xi32> to vector<16xi32>
      %swap3A_704 = vector.shape_cast %select_n3A : vector<16xi32> to vector<16xi32>
      tpu.vector_store %arg11[%swap3A], %swap3A_704 {strides = array<i32>} : memref<400xi32, #tpu.memory_space<vmem>>, vector<16xi32>,
    }
    %scan3A_470 = arith.constant 25 : i32
    %iota3A_471 = tpu.iota {dimensions = array<i32: 0>} : vector<16xi32>
    %scan3A_472 = arith.constant 0 : i32
    %scan3A_473 = arith.constant 0 : i32
    %scan3A_474 = arith.constant 25 : i32
    %scan3A_475 = arith.addi %scan3A_473, %scan3A_474 : i32
    %scan3A_476 = arith.constant 1 : i32
    scf.for %scan3A_689 = %scan3A_473 to %scan3A_475 step %scan3A_476  : i32 {
      %mul3A_690 = arith.constant 16 : i32
      %mul3A_691 = arith.muli %scan3A_689, %mul3A_690 : i32
      %get3A = arith.index_cast %mul3A_691 : i32 to index
      %get3A_692 = tpu.vector_load %arg12[%get3A] {strides = array<i32>} : memref<400xi32, #tpu.memory_space<vmem>>, vector<16xi32>,
      %get3A_693 = vector.shape_cast %get3A_692 : vector<16xi32> to vector<16xi32>
      %sub3A = vector.broadcast %mul3A_0 : i32 to vector<16xi32>
      %sub3A_694 = arith.subi %get3A_693, %sub3A : vector<16xi32>
      %bitcast3A = vector.bitcast %sub3A_694 : vector<16xi32> to vector<16xi32>
      %lt3A = arith.constant 25000 : i32
      %lt3A_695 = vector.broadcast %lt3A : i32 to vector<16xi32>
      %lt3A_696 = arith.cmpi ult, %bitcast3A, %lt3A_695 : vector<16xi32>
      %add3A_697 = arith.constant 25000 : i32
      %add3A_698 = vector.broadcast %add3A_697 : i32 to vector<16xi32>
      %add3A_699 = arith.addi %add3A_698, %iota3A_471 : vector<16xi32>
      %select_n3A = arith.select %lt3A_696, %sub3A_694, %add3A_699 : vector<16xi1>, vector<16xi32>
      %mul3A_700 = arith.constant 16 : i32
      %mul3A_701 = arith.muli %scan3A_689, %mul3A_700 : i32
      %swap3A = arith.index_cast %mul3A_701 : i32 to index
      %swap3A_702 = tpu.vector_load %arg12[%swap3A] {strides = array<i32>} : memref<400xi32, #tpu.memory_space<vmem>>, vector<16xi32>,
      %swap3A_703 = vector.shape_cast %swap3A_702 : vector<16xi32> to vector<16xi32>
      %swap3A_704 = vector.shape_cast %select_n3A : vector<16xi32> to vector<16xi32>
      tpu.vector_store %arg12[%swap3A], %swap3A_704 {strides = array<i32>} : memref<400xi32, #tpu.memory_space<vmem>>, vector<16xi32>,
    }
    %scan3A_477 = arith.constant 25 : i32
    %dma_start3A_478 = arith.constant 0 : i32
    %dma_start3A_479 = arith.constant 0 : i32
    %dma_start3A_480 = tpu.memref_slice %arg5[%dma_start3A_478, %dma_start3A_479] : memref<50000x32xf32, #tpu.memory_space<hbm>> -> memref<50000x32xf32, #tpu.memory_space<hbm>>
    tpu.enqueue_indirect_dma source(%dma_start3A_480 : memref<50000x32xf32, #tpu.memory_space<hbm>>) target(%arg19 : memref<400x32xf32, #tpu.memory_space<vmem>>) offsets(%arg15 : memref<400xi32, #tpu.memory_space<vmem>>) semaphore(%arg27 : memref<!tpu.dma_semaphore, #tpu.memory_space<semaphore_mem>>)
    %dma_start3A_481 = arith.constant 0 : i32
    %dma_start3A_482 = arith.constant 0 : i32
    %dma_start3A_483 = tpu.memref_slice %arg5[%dma_start3A_481, %dma_start3A_482] : memref<50000x32xf32, #tpu.memory_space<hbm>> -> memref<50000x32xf32, #tpu.memory_space<hbm>>
    tpu.enqueue_indirect_dma source(%dma_start3A_483 : memref<50000x32xf32, #tpu.memory_space<hbm>>) target(%arg20 : memref<400x32xf32, #tpu.memory_space<vmem>>) offsets(%arg16 : memref<400xi32, #tpu.memory_space<vmem>>) semaphore(%arg28 : memref<!tpu.dma_semaphore, #tpu.memory_space<semaphore_mem>>)
    %dma_wait3A_484 = arith.constant 0 : i32
    %dma_wait3A_485 = arith.constant 0 : i32
    %dma_wait3A_486 = tpu.memref_slice %arg22[%dma_wait3A_484, %dma_wait3A_485] : memref<25088x32xf32, #tpu.memory_space<vmem_shared>> -> memref<25088x32xf32, #tpu.memory_space<vmem_shared>>
    tpu.wait_indirect_dma semaphore(%arg29 : memref<!tpu.dma_semaphore, #tpu.memory_space<semaphore_mem>>) src(%arg17 : memref<400x32xf32, #tpu.memory_space<vmem>>) dst(%dma_wait3A_486 : memref<25088x32xf32, #tpu.memory_space<vmem_shared>>)
    %dma_wait3A_487 = arith.constant 0 : i32
    %dma_wait3A_488 = arith.constant 0 : i32
    %dma_wait3A_489 = tpu.memref_slice %arg22[%dma_wait3A_487, %dma_wait3A_488] : memref<25088x32xf32, #tpu.memory_space<vmem_shared>> -> memref<25088x32xf32, #tpu.memory_space<vmem_shared>>
    tpu.wait_indirect_dma semaphore(%arg30 : memref<!tpu.dma_semaphore, #tpu.memory_space<semaphore_mem>>) src(%arg18 : memref<400x32xf32, #tpu.memory_space<vmem>>) dst(%dma_wait3A_489 : memref<25088x32xf32, #tpu.memory_space<vmem_shared>>)
    %add3A_490 = arith.constant 1600 : i32
    %add3A_491 = arith.addi %mul3A_2, %add3A_490 : i32
    %add3A_492 = arith.constant 0 : i32
    %add3A_493 = arith.addi %add3A_491, %add3A_492 : i32
    %dma_start3A_494 = tpu.memref_slice %arg3[%add3A_493] : memref<800000xi32, #tpu.memory_space<hbm>> -> memref<400xi32, #tpu.memory_space<hbm>>
    %dma_start3A_495 = tpu.memref_slice %arg3[%add3A_493] : memref<800000xi32, #tpu.memory_space<hbm>> -> memref<400xi32, #tpu.memory_space<hbm>>
    tpu.enqueue_dma source(%dma_start3A_495 : memref<400xi32, #tpu.memory_space<hbm>>) target(%arg9 : memref<400xi32, #tpu.memory_space<vmem>>) target_semaphore(%arg23 : memref<!tpu.dma_semaphore, #tpu.memory_space<semaphore_mem>>)
    %add3A_496 = arith.constant 0 : i32
    %add3A_497 = arith.addi %add3A_491, %add3A_496 : i32
    %dma_start3A_498 = tpu.memref_slice %arg2[%add3A_497] : memref<800000xi32, #tpu.memory_space<hbm>> -> memref<400xi32, #tpu.memory_space<hbm>>
    %dma_start3A_499 = tpu.memref_slice %arg2[%add3A_497] : memref<800000xi32, #tpu.memory_space<hbm>> -> memref<400xi32, #tpu.memory_space<hbm>>
    tpu.enqueue_dma source(%dma_start3A_499 : memref<400xi32, #tpu.memory_space<hbm>>) target(%arg13 : memref<400xi32, #tpu.memory_space<vmem>>) target_semaphore(%arg23 : memref<!tpu.dma_semaphore, #tpu.memory_space<semaphore_mem>>)
    %add3A_500 = arith.constant 400 : i32
    %add3A_501 = arith.addi %add3A_491, %add3A_500 : i32
    %dma_start3A_502 = tpu.memref_slice %arg3[%add3A_501] : memref<800000xi32, #tpu.memory_space<hbm>> -> memref<400xi32, #tpu.memory_space<hbm>>
    %dma_start3A_503 = tpu.memref_slice %arg3[%add3A_501] : memref<800000xi32, #tpu.memory_space<hbm>> -> memref<400xi32, #tpu.memory_space<hbm>>
    tpu.enqueue_dma source(%dma_start3A_503 : memref<400xi32, #tpu.memory_space<hbm>>) target(%arg10 : memref<400xi32, #tpu.memory_space<vmem>>) target_semaphore(%arg23 : memref<!tpu.dma_semaphore, #tpu.memory_space<semaphore_mem>>)
    %add3A_504 = arith.constant 400 : i32
    %add3A_505 = arith.addi %add3A_491, %add3A_504 : i32
    %dma_start3A_506 = tpu.memref_slice %arg2[%add3A_505] : memref<800000xi32, #tpu.memory_space<hbm>> -> memref<400xi32, #tpu.memory_space<hbm>>
    %dma_start3A_507 = tpu.memref_slice %arg2[%add3A_505] : memref<800000xi32, #tpu.memory_space<hbm>> -> memref<400xi32, #tpu.memory_space<hbm>>
    tpu.enqueue_dma source(%dma_start3A_507 : memref<400xi32, #tpu.memory_space<hbm>>) target(%arg14 : memref<400xi32, #tpu.memory_space<vmem>>) target_semaphore(%arg23 : memref<!tpu.dma_semaphore, #tpu.memory_space<semaphore_mem>>)
    %dma_wait3A_508 = arith.constant 0 : i32
    %dma_wait3A_509 = arith.constant 0 : i32
    %dma_wait3A_510 = tpu.memref_slice %arg5[%dma_wait3A_508, %dma_wait3A_509] : memref<50000x32xf32, #tpu.memory_space<hbm>> -> memref<50000x32xf32, #tpu.memory_space<hbm>>
    tpu.wait_indirect_dma semaphore(%arg27 : memref<!tpu.dma_semaphore, #tpu.memory_space<semaphore_mem>>) src(%dma_wait3A_510 : memref<50000x32xf32, #tpu.memory_space<hbm>>) dst(%arg19 : memref<400x32xf32, #tpu.memory_space<vmem>>)
    %dma_start3A_511 = arith.constant 0 : i32
    %dma_start3A_512 = arith.constant 0 : i32
    %dma_start3A_513 = tpu.memref_slice %arg22[%dma_start3A_511, %dma_start3A_512] : memref<25088x32xf32, #tpu.memory_space<vmem_shared>> -> memref<25088x32xf32, #tpu.memory_space<vmem_shared>>
    tpu.enqueue_indirect_dma source(%arg19 : memref<400x32xf32, #tpu.memory_space<vmem>>) target(%dma_start3A_513 : memref<25088x32xf32, #tpu.memory_space<vmem_shared>>) offsets(%arg11 : memref<400xi32, #tpu.memory_space<vmem>>) semaphore(%arg31 : memref<!tpu.dma_semaphore, #tpu.memory_space<semaphore_mem>>) {add = true}
    %dma_wait3A_514 = arith.constant 0 : i32
    %dma_wait3A_515 = arith.constant 0 : i32
    %dma_wait3A_516 = tpu.memref_slice %arg5[%dma_wait3A_514, %dma_wait3A_515] : memref<50000x32xf32, #tpu.memory_space<hbm>> -> memref<50000x32xf32, #tpu.memory_space<hbm>>
    tpu.wait_indirect_dma semaphore(%arg28 : memref<!tpu.dma_semaphore, #tpu.memory_space<semaphore_mem>>) src(%dma_wait3A_516 : memref<50000x32xf32, #tpu.memory_space<hbm>>) dst(%arg20 : memref<400x32xf32, #tpu.memory_space<vmem>>)
    %dma_start3A_517 = arith.constant 0 : i32
    %dma_start3A_518 = arith.constant 0 : i32
    %dma_start3A_519 = tpu.memref_slice %arg22[%dma_start3A_517, %dma_start3A_518] : memref<25088x32xf32, #tpu.memory_space<vmem_shared>> -> memref<25088x32xf32, #tpu.memory_space<vmem_shared>>
    tpu.enqueue_indirect_dma source(%arg20 : memref<400x32xf32, #tpu.memory_space<vmem>>) target(%dma_start3A_519 : memref<25088x32xf32, #tpu.memory_space<vmem_shared>>) offsets(%arg12 : memref<400xi32, #tpu.memory_space<vmem>>) semaphore(%arg32 : memref<!tpu.dma_semaphore, #tpu.memory_space<semaphore_mem>>) {add = true}
    %scan3A_520 = arith.constant 0 : i32
    %scan3A_521 = arith.constant 0 : i32
    %scan3A_522 = arith.constant 29 : i32
    %scan3A_523 = arith.addi %scan3A_521, %scan3A_522 : i32
    %scan3A_524 = arith.constant 1 : i32
    scf.for %scan3A_689 = %scan3A_521 to %scan3A_523 step %scan3A_524  : i32 {
      %mul3A_690 = arith.constant 2 : i32
      %mul3A_691 = arith.muli %mul3A_690, %scan3A_689 : i32
      %add3A_692 = arith.constant 2 : i32
      %add3A_693 = arith.addi %add3A_692, %mul3A_691 : i32
      %mul3A_694 = arith.constant 800 : i32
      %mul3A_695 = arith.muli %add3A_693, %mul3A_694 : i32
      %add3A_696 = arith.addi %mul3A_2, %mul3A_695 : i32
      %add3A_697 = arith.constant 0 : i32
      %add3A_698 = arith.addi %add3A_696, %add3A_697 : i32
      %dma_wait3A_699 = tpu.memref_slice %arg3[%add3A_698] : memref<800000xi32, #tpu.memory_space<hbm>> -> memref<400xi32, #tpu.memory_space<hbm>>
      %dma_wait3A_700 = tpu.memref_slice %arg3[%add3A_698] : memref<800000xi32, #tpu.memory_space<hbm>> -> memref<400xi32, #tpu.memory_space<hbm>>
      tpu.wait_dma2 semaphore(%arg23 : memref<!tpu.dma_semaphore, #tpu.memory_space<semaphore_mem>>) src(%dma_wait3A_700 : memref<400xi32, #tpu.memory_space<hbm>>) dst(%arg9 : memref<400xi32, #tpu.memory_space<vmem>>)
      %add3A_701 = arith.constant 0 : i32
      %add3A_702 = arith.addi %add3A_696, %add3A_701 : i32
      %dma_wait3A_703 = tpu.memref_slice %arg2[%add3A_702] : memref<800000xi32, #tpu.memory_space<hbm>> -> memref<400xi32, #tpu.memory_space<hbm>>
      %dma_wait3A_704 = tpu.memref_slice %arg2[%add3A_702] : memref<800000xi32, #tpu.memory_space<hbm>> -> memref<400xi32, #tpu.memory_space<hbm>>
      tpu.wait_dma2 semaphore(%arg23 : memref<!tpu.dma_semaphore, #tpu.memory_space<semaphore_mem>>) src(%dma_wait3A_704 : memref<400xi32, #tpu.memory_space<hbm>>) dst(%arg13 : memref<400xi32, #tpu.memory_space<vmem>>)
      %add3A_705 = arith.constant 400 : i32
      %add3A_706 = arith.addi %add3A_696, %add3A_705 : i32
      %dma_wait3A_707 = tpu.memref_slice %arg3[%add3A_706] : memref<800000xi32, #tpu.memory_space<hbm>> -> memref<400xi32, #tpu.memory_space<hbm>>
      %dma_wait3A_708 = tpu.memref_slice %arg3[%add3A_706] : memref<800000xi32, #tpu.memory_space<hbm>> -> memref<400xi32, #tpu.memory_space<hbm>>
      tpu.wait_dma2 semaphore(%arg23 : memref<!tpu.dma_semaphore, #tpu.memory_space<semaphore_mem>>) src(%dma_wait3A_708 : memref<400xi32, #tpu.memory_space<hbm>>) dst(%arg10 : memref<400xi32, #tpu.memory_space<vmem>>)
      %add3A_709 = arith.constant 400 : i32
      %add3A_710 = arith.addi %add3A_696, %add3A_709 : i32
      %dma_wait3A_711 = tpu.memref_slice %arg2[%add3A_710] : memref<800000xi32, #tpu.memory_space<hbm>> -> memref<400xi32, #tpu.memory_space<hbm>>
      %dma_wait3A_712 = tpu.memref_slice %arg2[%add3A_710] : memref<800000xi32, #tpu.memory_space<hbm>> -> memref<400xi32, #tpu.memory_space<hbm>>
      tpu.wait_dma2 semaphore(%arg23 : memref<!tpu.dma_semaphore, #tpu.memory_space<semaphore_mem>>) src(%dma_wait3A_712 : memref<400xi32, #tpu.memory_space<hbm>>) dst(%arg14 : memref<400xi32, #tpu.memory_space<vmem>>)
      %iota3A_713 = tpu.iota {dimensions = array<i32: 0>} : vector<16xi32>
      %scan3A_714 = arith.constant 0 : i32
      %scan3A_715 = arith.constant 0 : i32
      %scan3A_716 = arith.constant 25 : i32
      %scan3A_717 = arith.addi %scan3A_715, %scan3A_716 : i32
      %scan3A_718 = arith.constant 1 : i32
      scf.for %scan3A_852 = %scan3A_715 to %scan3A_717 step %scan3A_718  : i32 {
        %mul3A_853 = arith.constant 16 : i32
        %mul3A_854 = arith.muli %scan3A_852, %mul3A_853 : i32
        %get3A = arith.index_cast %mul3A_854 : i32 to index
        %get3A_855 = tpu.vector_load %arg9[%get3A] {strides = array<i32>} : memref<400xi32, #tpu.memory_space<vmem>>, vector<16xi32>,
        %get3A_856 = vector.shape_cast %get3A_855 : vector<16xi32> to vector<16xi32>
        %sub3A = vector.broadcast %mul3A_0 : i32 to vector<16xi32>
        %sub3A_857 = arith.subi %get3A_856, %sub3A : vector<16xi32>
        %bitcast3A = vector.bitcast %sub3A_857 : vector<16xi32> to vector<16xi32>
        %lt3A = arith.constant 25000 : i32
        %lt3A_858 = vector.broadcast %lt3A : i32 to vector<16xi32>
        %lt3A_859 = arith.cmpi ult, %bitcast3A, %lt3A_858 : vector<16xi32>
        %add3A_860 = arith.constant 25000 : i32
        %add3A_861 = vector.broadcast %add3A_860 : i32 to vector<16xi32>
        %add3A_862 = arith.addi %add3A_861, %iota3A_713 : vector<16xi32>
        %select_n3A = arith.select %lt3A_859, %sub3A_857, %add3A_862 : vector<16xi1>, vector<16xi32>
        %mul3A_863 = arith.constant 16 : i32
        %mul3A_864 = arith.muli %scan3A_852, %mul3A_863 : i32
        %swap3A = arith.index_cast %mul3A_864 : i32 to index
        %swap3A_865 = tpu.vector_load %arg9[%swap3A] {strides = array<i32>} : memref<400xi32, #tpu.memory_space<vmem>>, vector<16xi32>,
        %swap3A_866 = vector.shape_cast %swap3A_865 : vector<16xi32> to vector<16xi32>
        %swap3A_867 = vector.shape_cast %select_n3A : vector<16xi32> to vector<16xi32>
        tpu.vector_store %arg9[%swap3A], %swap3A_867 {strides = array<i32>} : memref<400xi32, #tpu.memory_space<vmem>>, vector<16xi32>,
      }
      %scan3A_719 = arith.constant 25 : i32
      %iota3A_720 = tpu.iota {dimensions = array<i32: 0>} : vector<16xi32>
      %scan3A_721 = arith.constant 0 : i32
      %scan3A_722 = arith.constant 0 : i32
      %scan3A_723 = arith.constant 25 : i32
      %scan3A_724 = arith.addi %scan3A_722, %scan3A_723 : i32
      %scan3A_725 = arith.constant 1 : i32
      scf.for %scan3A_852 = %scan3A_722 to %scan3A_724 step %scan3A_725  : i32 {
        %mul3A_853 = arith.constant 16 : i32
        %mul3A_854 = arith.muli %scan3A_852, %mul3A_853 : i32
        %get3A = arith.index_cast %mul3A_854 : i32 to index
        %get3A_855 = tpu.vector_load %arg10[%get3A] {strides = array<i32>} : memref<400xi32, #tpu.memory_space<vmem>>, vector<16xi32>,
        %get3A_856 = vector.shape_cast %get3A_855 : vector<16xi32> to vector<16xi32>
        %sub3A = vector.broadcast %mul3A_0 : i32 to vector<16xi32>
        %sub3A_857 = arith.subi %get3A_856, %sub3A : vector<16xi32>
        %bitcast3A = vector.bitcast %sub3A_857 : vector<16xi32> to vector<16xi32>
        %lt3A = arith.constant 25000 : i32
        %lt3A_858 = vector.broadcast %lt3A : i32 to vector<16xi32>
        %lt3A_859 = arith.cmpi ult, %bitcast3A, %lt3A_858 : vector<16xi32>
        %add3A_860 = arith.constant 25000 : i32
        %add3A_861 = vector.broadcast %add3A_860 : i32 to vector<16xi32>
        %add3A_862 = arith.addi %add3A_861, %iota3A_720 : vector<16xi32>
        %select_n3A = arith.select %lt3A_859, %sub3A_857, %add3A_862 : vector<16xi1>, vector<16xi32>
        %mul3A_863 = arith.constant 16 : i32
        %mul3A_864 = arith.muli %scan3A_852, %mul3A_863 : i32
        %swap3A = arith.index_cast %mul3A_864 : i32 to index
        %swap3A_865 = tpu.vector_load %arg10[%swap3A] {strides = array<i32>} : memref<400xi32, #tpu.memory_space<vmem>>, vector<16xi32>,
        %swap3A_866 = vector.shape_cast %swap3A_865 : vector<16xi32> to vector<16xi32>
        %swap3A_867 = vector.shape_cast %select_n3A : vector<16xi32> to vector<16xi32>
        tpu.vector_store %arg10[%swap3A], %swap3A_867 {strides = array<i32>} : memref<400xi32, #tpu.memory_space<vmem>>, vector<16xi32>,
      }
      %scan3A_726 = arith.constant 25 : i32
      %dma_start3A_727 = arith.constant 0 : i32
      %dma_start3A_728 = arith.constant 0 : i32
      %dma_start3A_729 = tpu.memref_slice %arg5[%dma_start3A_727, %dma_start3A_728] : memref<50000x32xf32, #tpu.memory_space<hbm>> -> memref<50000x32xf32, #tpu.memory_space<hbm>>
      tpu.enqueue_indirect_dma source(%dma_start3A_729 : memref<50000x32xf32, #tpu.memory_space<hbm>>) target(%arg17 : memref<400x32xf32, #tpu.memory_space<vmem>>) offsets(%arg13 : memref<400xi32, #tpu.memory_space<vmem>>) semaphore(%arg25 : memref<!tpu.dma_semaphore, #tpu.memory_space<semaphore_mem>>)
      %dma_start3A_730 = arith.constant 0 : i32
      %dma_start3A_731 = arith.constant 0 : i32
      %dma_start3A_732 = tpu.memref_slice %arg5[%dma_start3A_730, %dma_start3A_731] : memref<50000x32xf32, #tpu.memory_space<hbm>> -> memref<50000x32xf32, #tpu.memory_space<hbm>>
      tpu.enqueue_indirect_dma source(%dma_start3A_732 : memref<50000x32xf32, #tpu.memory_space<hbm>>) target(%arg18 : memref<400x32xf32, #tpu.memory_space<vmem>>) offsets(%arg14 : memref<400xi32, #tpu.memory_space<vmem>>) semaphore(%arg26 : memref<!tpu.dma_semaphore, #tpu.memory_space<semaphore_mem>>)
      %dma_wait3A_733 = arith.constant 0 : i32
      %dma_wait3A_734 = arith.constant 0 : i32
      %dma_wait3A_735 = tpu.memref_slice %arg22[%dma_wait3A_733, %dma_wait3A_734] : memref<25088x32xf32, #tpu.memory_space<vmem_shared>> -> memref<25088x32xf32, #tpu.memory_space<vmem_shared>>
      tpu.wait_indirect_dma semaphore(%arg31 : memref<!tpu.dma_semaphore, #tpu.memory_space<semaphore_mem>>) src(%arg19 : memref<400x32xf32, #tpu.memory_space<vmem>>) dst(%dma_wait3A_735 : memref<25088x32xf32, #tpu.memory_space<vmem_shared>>)
      %dma_wait3A_736 = arith.constant 0 : i32
      %dma_wait3A_737 = arith.constant 0 : i32
      %dma_wait3A_738 = tpu.memref_slice %arg22[%dma_wait3A_736, %dma_wait3A_737] : memref<25088x32xf32, #tpu.memory_space<vmem_shared>> -> memref<25088x32xf32, #tpu.memory_space<vmem_shared>>
      tpu.wait_indirect_dma semaphore(%arg32 : memref<!tpu.dma_semaphore, #tpu.memory_space<semaphore_mem>>) src(%arg20 : memref<400x32xf32, #tpu.memory_space<vmem>>) dst(%dma_wait3A_738 : memref<25088x32xf32, #tpu.memory_space<vmem_shared>>)
      %add3A_739 = arith.constant 1 : i32
      %add3A_740 = arith.addi %add3A_693, %add3A_739 : i32
      %mul3A_741 = arith.constant 800 : i32
      %mul3A_742 = arith.muli %add3A_740, %mul3A_741 : i32
      %add3A_743 = arith.addi %mul3A_2, %mul3A_742 : i32
      %add3A_744 = arith.constant 0 : i32
      %add3A_745 = arith.addi %add3A_743, %add3A_744 : i32
      %dma_start3A_746 = tpu.memref_slice %arg3[%add3A_745] : memref<800000xi32, #tpu.memory_space<hbm>> -> memref<400xi32, #tpu.memory_space<hbm>>
      %dma_start3A_747 = tpu.memref_slice %arg3[%add3A_745] : memref<800000xi32, #tpu.memory_space<hbm>> -> memref<400xi32, #tpu.memory_space<hbm>>
      tpu.enqueue_dma source(%dma_start3A_747 : memref<400xi32, #tpu.memory_space<hbm>>) target(%arg11 : memref<400xi32, #tpu.memory_space<vmem>>) target_semaphore(%arg24 : memref<!tpu.dma_semaphore, #tpu.memory_space<semaphore_mem>>)
      %add3A_748 = arith.constant 0 : i32
      %add3A_749 = arith.addi %add3A_743, %add3A_748 : i32
      %dma_start3A_750 = tpu.memref_slice %arg2[%add3A_749] : memref<800000xi32, #tpu.memory_space<hbm>> -> memref<400xi32, #tpu.memory_space<hbm>>
      %dma_start3A_751 = tpu.memref_slice %arg2[%add3A_749] : memref<800000xi32, #tpu.memory_space<hbm>> -> memref<400xi32, #tpu.memory_space<hbm>>
      tpu.enqueue_dma source(%dma_start3A_751 : memref<400xi32, #tpu.memory_space<hbm>>) target(%arg15 : memref<400xi32, #tpu.memory_space<vmem>>) target_semaphore(%arg24 : memref<!tpu.dma_semaphore, #tpu.memory_space<semaphore_mem>>)
      %add3A_752 = arith.constant 400 : i32
      %add3A_753 = arith.addi %add3A_743, %add3A_752 : i32
      %dma_start3A_754 = tpu.memref_slice %arg3[%add3A_753] : memref<800000xi32, #tpu.memory_space<hbm>> -> memref<400xi32, #tpu.memory_space<hbm>>
      %dma_start3A_755 = tpu.memref_slice %arg3[%add3A_753] : memref<800000xi32, #tpu.memory_space<hbm>> -> memref<400xi32, #tpu.memory_space<hbm>>
      tpu.enqueue_dma source(%dma_start3A_755 : memref<400xi32, #tpu.memory_space<hbm>>) target(%arg12 : memref<400xi32, #tpu.memory_space<vmem>>) target_semaphore(%arg24 : memref<!tpu.dma_semaphore, #tpu.memory_space<semaphore_mem>>)
      %add3A_756 = arith.constant 400 : i32
      %add3A_757 = arith.addi %add3A_743, %add3A_756 : i32
      %dma_start3A_758 = tpu.memref_slice %arg2[%add3A_757] : memref<800000xi32, #tpu.memory_space<hbm>> -> memref<400xi32, #tpu.memory_space<hbm>>
      %dma_start3A_759 = tpu.memref_slice %arg2[%add3A_757] : memref<800000xi32, #tpu.memory_space<hbm>> -> memref<400xi32, #tpu.memory_space<hbm>>
      tpu.enqueue_dma source(%dma_start3A_759 : memref<400xi32, #tpu.memory_space<hbm>>) target(%arg16 : memref<400xi32, #tpu.memory_space<vmem>>) target_semaphore(%arg24 : memref<!tpu.dma_semaphore, #tpu.memory_space<semaphore_mem>>)
      %dma_wait3A_760 = arith.constant 0 : i32
      %dma_wait3A_761 = arith.constant 0 : i32
      %dma_wait3A_762 = tpu.memref_slice %arg5[%dma_wait3A_760, %dma_wait3A_761] : memref<50000x32xf32, #tpu.memory_space<hbm>> -> memref<50000x32xf32, #tpu.memory_space<hbm>>
      tpu.wait_indirect_dma semaphore(%arg25 : memref<!tpu.dma_semaphore, #tpu.memory_space<semaphore_mem>>) src(%dma_wait3A_762 : memref<50000x32xf32, #tpu.memory_space<hbm>>) dst(%arg17 : memref<400x32xf32, #tpu.memory_space<vmem>>)
      %dma_start3A_763 = arith.constant 0 : i32
      %dma_start3A_764 = arith.constant 0 : i32
      %dma_start3A_765 = tpu.memref_slice %arg22[%dma_start3A_763, %dma_start3A_764] : memref<25088x32xf32, #tpu.memory_space<vmem_shared>> -> memref<25088x32xf32, #tpu.memory_space<vmem_shared>>
      tpu.enqueue_indirect_dma source(%arg17 : memref<400x32xf32, #tpu.memory_space<vmem>>) target(%dma_start3A_765 : memref<25088x32xf32, #tpu.memory_space<vmem_shared>>) offsets(%arg9 : memref<400xi32, #tpu.memory_space<vmem>>) semaphore(%arg29 : memref<!tpu.dma_semaphore, #tpu.memory_space<semaphore_mem>>) {add = true}
      %dma_wait3A_766 = arith.constant 0 : i32
      %dma_wait3A_767 = arith.constant 0 : i32
      %dma_wait3A_768 = tpu.memref_slice %arg5[%dma_wait3A_766, %dma_wait3A_767] : memref<50000x32xf32, #tpu.memory_space<hbm>> -> memref<50000x32xf32, #tpu.memory_space<hbm>>
      tpu.wait_indirect_dma semaphore(%arg26 : memref<!tpu.dma_semaphore, #tpu.memory_space<semaphore_mem>>) src(%dma_wait3A_768 : memref<50000x32xf32, #tpu.memory_space<hbm>>) dst(%arg18 : memref<400x32xf32, #tpu.memory_space<vmem>>)
      %dma_start3A_769 = arith.constant 0 : i32
      %dma_start3A_770 = arith.constant 0 : i32
      %dma_start3A_771 = tpu.memref_slice %arg22[%dma_start3A_769, %dma_start3A_770] : memref<25088x32xf32, #tpu.memory_space<vmem_shared>> -> memref<25088x32xf32, #tpu.memory_space<vmem_shared>>
      tpu.enqueue_indirect_dma source(%arg18 : memref<400x32xf32, #tpu.memory_space<vmem>>) target(%dma_start3A_771 : memref<25088x32xf32, #tpu.memory_space<vmem_shared>>) offsets(%arg10 : memref<400xi32, #tpu.memory_space<vmem>>) semaphore(%arg30 : memref<!tpu.dma_semaphore, #tpu.memory_space<semaphore_mem>>) {add = true}
      %add3A_772 = arith.constant 1 : i32
      %add3A_773 = arith.addi %add3A_693, %add3A_772 : i32
      %mul3A_774 = arith.constant 800 : i32
      %mul3A_775 = arith.muli %add3A_773, %mul3A_774 : i32
      %add3A_776 = arith.addi %mul3A_2, %mul3A_775 : i32
      %add3A_777 = arith.constant 0 : i32
      %add3A_778 = arith.addi %add3A_776, %add3A_777 : i32
      %dma_wait3A_779 = tpu.memref_slice %arg3[%add3A_778] : memref<800000xi32, #tpu.memory_space<hbm>> -> memref<400xi32, #tpu.memory_space<hbm>>
      %dma_wait3A_780 = tpu.memref_slice %arg3[%add3A_778] : memref<800000xi32, #tpu.memory_space<hbm>> -> memref<400xi32, #tpu.memory_space<hbm>>
      tpu.wait_dma2 semaphore(%arg24 : memref<!tpu.dma_semaphore, #tpu.memory_space<semaphore_mem>>) src(%dma_wait3A_780 : memref<400xi32, #tpu.memory_space<hbm>>) dst(%arg11 : memref<400xi32, #tpu.memory_space<vmem>>)
      %add3A_781 = arith.constant 0 : i32
      %add3A_782 = arith.addi %add3A_776, %add3A_781 : i32
      %dma_wait3A_783 = tpu.memref_slice %arg2[%add3A_782] : memref<800000xi32, #tpu.memory_space<hbm>> -> memref<400xi32, #tpu.memory_space<hbm>>
      %dma_wait3A_784 = tpu.memref_slice %arg2[%add3A_782] : memref<800000xi32, #tpu.memory_space<hbm>> -> memref<400xi32, #tpu.memory_space<hbm>>
      tpu.wait_dma2 semaphore(%arg24 : memref<!tpu.dma_semaphore, #tpu.memory_space<semaphore_mem>>) src(%dma_wait3A_784 : memref<400xi32, #tpu.memory_space<hbm>>) dst(%arg15 : memref<400xi32, #tpu.memory_space<vmem>>)
      %add3A_785 = arith.constant 400 : i32
      %add3A_786 = arith.addi %add3A_776, %add3A_785 : i32
      %dma_wait3A_787 = tpu.memref_slice %arg3[%add3A_786] : memref<800000xi32, #tpu.memory_space<hbm>> -> memref<400xi32, #tpu.memory_space<hbm>>
      %dma_wait3A_788 = tpu.memref_slice %arg3[%add3A_786] : memref<800000xi32, #tpu.memory_space<hbm>> -> memref<400xi32, #tpu.memory_space<hbm>>
      tpu.wait_dma2 semaphore(%arg24 : memref<!tpu.dma_semaphore, #tpu.memory_space<semaphore_mem>>) src(%dma_wait3A_788 : memref<400xi32, #tpu.memory_space<hbm>>) dst(%arg12 : memref<400xi32, #tpu.memory_space<vmem>>)
      %add3A_789 = arith.constant 400 : i32
      %add3A_790 = arith.addi %add3A_776, %add3A_789 : i32
      %dma_wait3A_791 = tpu.memref_slice %arg2[%add3A_790] : memref<800000xi32, #tpu.memory_space<hbm>> -> memref<400xi32, #tpu.memory_space<hbm>>
      %dma_wait3A_792 = tpu.memref_slice %arg2[%add3A_790] : memref<800000xi32, #tpu.memory_space<hbm>> -> memref<400xi32, #tpu.memory_space<hbm>>
      tpu.wait_dma2 semaphore(%arg24 : memref<!tpu.dma_semaphore, #tpu.memory_space<semaphore_mem>>) src(%dma_wait3A_792 : memref<400xi32, #tpu.memory_space<hbm>>) dst(%arg16 : memref<400xi32, #tpu.memory_space<vmem>>)
      %iota3A_793 = tpu.iota {dimensions = array<i32: 0>} : vector<16xi32>
      %scan3A_794 = arith.constant 0 : i32
      %scan3A_795 = arith.constant 0 : i32
      %scan3A_796 = arith.constant 25 : i32
      %scan3A_797 = arith.addi %scan3A_795, %scan3A_796 : i32
      %scan3A_798 = arith.constant 1 : i32
      scf.for %scan3A_852 = %scan3A_795 to %scan3A_797 step %scan3A_798  : i32 {
        %mul3A_853 = arith.constant 16 : i32
        %mul3A_854 = arith.muli %scan3A_852, %mul3A_853 : i32
        %get3A = arith.index_cast %mul3A_854 : i32 to index
        %get3A_855 = tpu.vector_load %arg11[%get3A] {strides = array<i32>} : memref<400xi32, #tpu.memory_space<vmem>>, vector<16xi32>,
        %get3A_856 = vector.shape_cast %get3A_855 : vector<16xi32> to vector<16xi32>
        %sub3A = vector.broadcast %mul3A_0 : i32 to vector<16xi32>
        %sub3A_857 = arith.subi %get3A_856, %sub3A : vector<16xi32>
        %bitcast3A = vector.bitcast %sub3A_857 : vector<16xi32> to vector<16xi32>
        %lt3A = arith.constant 25000 : i32
        %lt3A_858 = vector.broadcast %lt3A : i32 to vector<16xi32>
        %lt3A_859 = arith.cmpi ult, %bitcast3A, %lt3A_858 : vector<16xi32>
        %add3A_860 = arith.constant 25000 : i32
        %add3A_861 = vector.broadcast %add3A_860 : i32 to vector<16xi32>
        %add3A_862 = arith.addi %add3A_861, %iota3A_793 : vector<16xi32>
        %select_n3A = arith.select %lt3A_859, %sub3A_857, %add3A_862 : vector<16xi1>, vector<16xi32>
        %mul3A_863 = arith.constant 16 : i32
        %mul3A_864 = arith.muli %scan3A_852, %mul3A_863 : i32
        %swap3A = arith.index_cast %mul3A_864 : i32 to index
        %swap3A_865 = tpu.vector_load %arg11[%swap3A] {strides = array<i32>} : memref<400xi32, #tpu.memory_space<vmem>>, vector<16xi32>,
        %swap3A_866 = vector.shape_cast %swap3A_865 : vector<16xi32> to vector<16xi32>
        %swap3A_867 = vector.shape_cast %select_n3A : vector<16xi32> to vector<16xi32>
        tpu.vector_store %arg11[%swap3A], %swap3A_867 {strides = array<i32>} : memref<400xi32, #tpu.memory_space<vmem>>, vector<16xi32>,
      }
      %scan3A_799 = arith.constant 25 : i32
      %iota3A_800 = tpu.iota {dimensions = array<i32: 0>} : vector<16xi32>
      %scan3A_801 = arith.constant 0 : i32
      %scan3A_802 = arith.constant 0 : i32
      %scan3A_803 = arith.constant 25 : i32
      %scan3A_804 = arith.addi %scan3A_802, %scan3A_803 : i32
      %scan3A_805 = arith.constant 1 : i32
      scf.for %scan3A_852 = %scan3A_802 to %scan3A_804 step %scan3A_805  : i32 {
        %mul3A_853 = arith.constant 16 : i32
        %mul3A_854 = arith.muli %scan3A_852, %mul3A_853 : i32
        %get3A = arith.index_cast %mul3A_854 : i32 to index
        %get3A_855 = tpu.vector_load %arg12[%get3A] {strides = array<i32>} : memref<400xi32, #tpu.memory_space<vmem>>, vector<16xi32>,
        %get3A_856 = vector.shape_cast %get3A_855 : vector<16xi32> to vector<16xi32>
        %sub3A = vector.broadcast %mul3A_0 : i32 to vector<16xi32>
        %sub3A_857 = arith.subi %get3A_856, %sub3A : vector<16xi32>
        %bitcast3A = vector.bitcast %sub3A_857 : vector<16xi32> to vector<16xi32>
        %lt3A = arith.constant 25000 : i32
        %lt3A_858 = vector.broadcast %lt3A : i32 to vector<16xi32>
        %lt3A_859 = arith.cmpi ult, %bitcast3A, %lt3A_858 : vector<16xi32>
        %add3A_860 = arith.constant 25000 : i32
        %add3A_861 = vector.broadcast %add3A_860 : i32 to vector<16xi32>
        %add3A_862 = arith.addi %add3A_861, %iota3A_800 : vector<16xi32>
        %select_n3A = arith.select %lt3A_859, %sub3A_857, %add3A_862 : vector<16xi1>, vector<16xi32>
        %mul3A_863 = arith.constant 16 : i32
        %mul3A_864 = arith.muli %scan3A_852, %mul3A_863 : i32
        %swap3A = arith.index_cast %mul3A_864 : i32 to index
        %swap3A_865 = tpu.vector_load %arg12[%swap3A] {strides = array<i32>} : memref<400xi32, #tpu.memory_space<vmem>>, vector<16xi32>,
        %swap3A_866 = vector.shape_cast %swap3A_865 : vector<16xi32> to vector<16xi32>
        %swap3A_867 = vector.shape_cast %select_n3A : vector<16xi32> to vector<16xi32>
        tpu.vector_store %arg12[%swap3A], %swap3A_867 {strides = array<i32>} : memref<400xi32, #tpu.memory_space<vmem>>, vector<16xi32>,
      }
      %scan3A_806 = arith.constant 25 : i32
      %dma_start3A_807 = arith.constant 0 : i32
      %dma_start3A_808 = arith.constant 0 : i32
      %dma_start3A_809 = tpu.memref_slice %arg5[%dma_start3A_807, %dma_start3A_808] : memref<50000x32xf32, #tpu.memory_space<hbm>> -> memref<50000x32xf32, #tpu.memory_space<hbm>>
      tpu.enqueue_indirect_dma source(%dma_start3A_809 : memref<50000x32xf32, #tpu.memory_space<hbm>>) target(%arg19 : memref<400x32xf32, #tpu.memory_space<vmem>>) offsets(%arg15 : memref<400xi32, #tpu.memory_space<vmem>>) semaphore(%arg27 : memref<!tpu.dma_semaphore, #tpu.memory_space<semaphore_mem>>)
      %dma_start3A_810 = arith.constant 0 : i32
      %dma_start3A_811 = arith.constant 0 : i32
      %dma_start3A_812 = tpu.memref_slice %arg5[%dma_start3A_810, %dma_start3A_811] : memref<50000x32xf32, #tpu.memory_space<hbm>> -> memref<50000x32xf32, #tpu.memory_space<hbm>>
      tpu.enqueue_indirect_dma source(%dma_start3A_812 : memref<50000x32xf32, #tpu.memory_space<hbm>>) target(%arg20 : memref<400x32xf32, #tpu.memory_space<vmem>>) offsets(%arg16 : memref<400xi32, #tpu.memory_space<vmem>>) semaphore(%arg28 : memref<!tpu.dma_semaphore, #tpu.memory_space<semaphore_mem>>)
      %dma_wait3A_813 = arith.constant 0 : i32
      %dma_wait3A_814 = arith.constant 0 : i32
      %dma_wait3A_815 = tpu.memref_slice %arg22[%dma_wait3A_813, %dma_wait3A_814] : memref<25088x32xf32, #tpu.memory_space<vmem_shared>> -> memref<25088x32xf32, #tpu.memory_space<vmem_shared>>
      tpu.wait_indirect_dma semaphore(%arg29 : memref<!tpu.dma_semaphore, #tpu.memory_space<semaphore_mem>>) src(%arg17 : memref<400x32xf32, #tpu.memory_space<vmem>>) dst(%dma_wait3A_815 : memref<25088x32xf32, #tpu.memory_space<vmem_shared>>)
      %dma_wait3A_816 = arith.constant 0 : i32
      %dma_wait3A_817 = arith.constant 0 : i32
      %dma_wait3A_818 = tpu.memref_slice %arg22[%dma_wait3A_816, %dma_wait3A_817] : memref<25088x32xf32, #tpu.memory_space<vmem_shared>> -> memref<25088x32xf32, #tpu.memory_space<vmem_shared>>
      tpu.wait_indirect_dma semaphore(%arg30 : memref<!tpu.dma_semaphore, #tpu.memory_space<semaphore_mem>>) src(%arg18 : memref<400x32xf32, #tpu.memory_space<vmem>>) dst(%dma_wait3A_818 : memref<25088x32xf32, #tpu.memory_space<vmem_shared>>)
      %add3A_819 = arith.constant 1 : i32
      %add3A_820 = arith.addi %add3A_773, %add3A_819 : i32
      %mul3A_821 = arith.constant 800 : i32
      %mul3A_822 = arith.muli %add3A_820, %mul3A_821 : i32
      %add3A_823 = arith.addi %mul3A_2, %mul3A_822 : i32
      %add3A_824 = arith.constant 0 : i32
      %add3A_825 = arith.addi %add3A_823, %add3A_824 : i32
      %dma_start3A_826 = tpu.memref_slice %arg3[%add3A_825] : memref<800000xi32, #tpu.memory_space<hbm>> -> memref<400xi32, #tpu.memory_space<hbm>>
      %dma_start3A_827 = tpu.memref_slice %arg3[%add3A_825] : memref<800000xi32, #tpu.memory_space<hbm>> -> memref<400xi32, #tpu.memory_space<hbm>>
      tpu.enqueue_dma source(%dma_start3A_827 : memref<400xi32, #tpu.memory_space<hbm>>) target(%arg9 : memref<400xi32, #tpu.memory_space<vmem>>) target_semaphore(%arg23 : memref<!tpu.dma_semaphore, #tpu.memory_space<semaphore_mem>>)
      %add3A_828 = arith.constant 0 : i32
      %add3A_829 = arith.addi %add3A_823, %add3A_828 : i32
      %dma_start3A_830 = tpu.memref_slice %arg2[%add3A_829] : memref<800000xi32, #tpu.memory_space<hbm>> -> memref<400xi32, #tpu.memory_space<hbm>>
      %dma_start3A_831 = tpu.memref_slice %arg2[%add3A_829] : memref<800000xi32, #tpu.memory_space<hbm>> -> memref<400xi32, #tpu.memory_space<hbm>>
      tpu.enqueue_dma source(%dma_start3A_831 : memref<400xi32, #tpu.memory_space<hbm>>) target(%arg13 : memref<400xi32, #tpu.memory_space<vmem>>) target_semaphore(%arg23 : memref<!tpu.dma_semaphore, #tpu.memory_space<semaphore_mem>>)
      %add3A_832 = arith.constant 400 : i32
      %add3A_833 = arith.addi %add3A_823, %add3A_832 : i32
      %dma_start3A_834 = tpu.memref_slice %arg3[%add3A_833] : memref<800000xi32, #tpu.memory_space<hbm>> -> memref<400xi32, #tpu.memory_space<hbm>>
      %dma_start3A_835 = tpu.memref_slice %arg3[%add3A_833] : memref<800000xi32, #tpu.memory_space<hbm>> -> memref<400xi32, #tpu.memory_space<hbm>>
      tpu.enqueue_dma source(%dma_start3A_835 : memref<400xi32, #tpu.memory_space<hbm>>) target(%arg10 : memref<400xi32, #tpu.memory_space<vmem>>) target_semaphore(%arg23 : memref<!tpu.dma_semaphore, #tpu.memory_space<semaphore_mem>>)
      %add3A_836 = arith.constant 400 : i32
      %add3A_837 = arith.addi %add3A_823, %add3A_836 : i32
      %dma_start3A_838 = tpu.memref_slice %arg2[%add3A_837] : memref<800000xi32, #tpu.memory_space<hbm>> -> memref<400xi32, #tpu.memory_space<hbm>>
      %dma_start3A_839 = tpu.memref_slice %arg2[%add3A_837] : memref<800000xi32, #tpu.memory_space<hbm>> -> memref<400xi32, #tpu.memory_space<hbm>>
      tpu.enqueue_dma source(%dma_start3A_839 : memref<400xi32, #tpu.memory_space<hbm>>) target(%arg14 : memref<400xi32, #tpu.memory_space<vmem>>) target_semaphore(%arg23 : memref<!tpu.dma_semaphore, #tpu.memory_space<semaphore_mem>>)
      %dma_wait3A_840 = arith.constant 0 : i32
      %dma_wait3A_841 = arith.constant 0 : i32
      %dma_wait3A_842 = tpu.memref_slice %arg5[%dma_wait3A_840, %dma_wait3A_841] : memref<50000x32xf32, #tpu.memory_space<hbm>> -> memref<50000x32xf32, #tpu.memory_space<hbm>>
      tpu.wait_indirect_dma semaphore(%arg27 : memref<!tpu.dma_semaphore, #tpu.memory_space<semaphore_mem>>) src(%dma_wait3A_842 : memref<50000x32xf32, #tpu.memory_space<hbm>>) dst(%arg19 : memref<400x32xf32, #tpu.memory_space<vmem>>)
      %dma_start3A_843 = arith.constant 0 : i32
      %dma_start3A_844 = arith.constant 0 : i32
      %dma_start3A_845 = tpu.memref_slice %arg22[%dma_start3A_843, %dma_start3A_844] : memref<25088x32xf32, #tpu.memory_space<vmem_shared>> -> memref<25088x32xf32, #tpu.memory_space<vmem_shared>>
      tpu.enqueue_indirect_dma source(%arg19 : memref<400x32xf32, #tpu.memory_space<vmem>>) target(%dma_start3A_845 : memref<25088x32xf32, #tpu.memory_space<vmem_shared>>) offsets(%arg11 : memref<400xi32, #tpu.memory_space<vmem>>) semaphore(%arg31 : memref<!tpu.dma_semaphore, #tpu.memory_space<semaphore_mem>>) {add = true}
      %dma_wait3A_846 = arith.constant 0 : i32
      %dma_wait3A_847 = arith.constant 0 : i32
      %dma_wait3A_848 = tpu.memref_slice %arg5[%dma_wait3A_846, %dma_wait3A_847] : memref<50000x32xf32, #tpu.memory_space<hbm>> -> memref<50000x32xf32, #tpu.memory_space<hbm>>
      tpu.wait_indirect_dma semaphore(%arg28 : memref<!tpu.dma_semaphore, #tpu.memory_space<semaphore_mem>>) src(%dma_wait3A_848 : memref<50000x32xf32, #tpu.memory_space<hbm>>) dst(%arg20 : memref<400x32xf32, #tpu.memory_space<vmem>>)
      %dma_start3A_849 = arith.constant 0 : i32
      %dma_start3A_850 = arith.constant 0 : i32
      %dma_start3A_851 = tpu.memref_slice %arg22[%dma_start3A_849, %dma_start3A_850] : memref<25088x32xf32, #tpu.memory_space<vmem_shared>> -> memref<25088x32xf32, #tpu.memory_space<vmem_shared>>
      tpu.enqueue_indirect_dma source(%arg20 : memref<400x32xf32, #tpu.memory_space<vmem>>) target(%dma_start3A_851 : memref<25088x32xf32, #tpu.memory_space<vmem_shared>>) offsets(%arg12 : memref<400xi32, #tpu.memory_space<vmem>>) semaphore(%arg32 : memref<!tpu.dma_semaphore, #tpu.memory_space<semaphore_mem>>) {add = true}
    }
    %scan3A_525 = arith.constant 29 : i32
    %add3A_526 = arith.constant 48000 : i32
    %add3A_527 = arith.addi %mul3A_2, %add3A_526 : i32
    %add3A_528 = arith.constant 0 : i32
    %add3A_529 = arith.addi %add3A_527, %add3A_528 : i32
    %dma_wait3A_530 = tpu.memref_slice %arg3[%add3A_529] : memref<800000xi32, #tpu.memory_space<hbm>> -> memref<400xi32, #tpu.memory_space<hbm>>
    %dma_wait3A_531 = tpu.memref_slice %arg3[%add3A_529] : memref<800000xi32, #tpu.memory_space<hbm>> -> memref<400xi32, #tpu.memory_space<hbm>>
    tpu.wait_dma2 semaphore(%arg23 : memref<!tpu.dma_semaphore, #tpu.memory_space<semaphore_mem>>) src(%dma_wait3A_531 : memref<400xi32, #tpu.memory_space<hbm>>) dst(%arg9 : memref<400xi32, #tpu.memory_space<vmem>>)
    %add3A_532 = arith.constant 0 : i32
    %add3A_533 = arith.addi %add3A_527, %add3A_532 : i32
    %dma_wait3A_534 = tpu.memref_slice %arg2[%add3A_533] : memref<800000xi32, #tpu.memory_space<hbm>> -> memref<400xi32, #tpu.memory_space<hbm>>
    %dma_wait3A_535 = tpu.memref_slice %arg2[%add3A_533] : memref<800000xi32, #tpu.memory_space<hbm>> -> memref<400xi32, #tpu.memory_space<hbm>>
    tpu.wait_dma2 semaphore(%arg23 : memref<!tpu.dma_semaphore, #tpu.memory_space<semaphore_mem>>) src(%dma_wait3A_535 : memref<400xi32, #tpu.memory_space<hbm>>) dst(%arg13 : memref<400xi32, #tpu.memory_space<vmem>>)
    %add3A_536 = arith.constant 400 : i32
    %add3A_537 = arith.addi %add3A_527, %add3A_536 : i32
    %dma_wait3A_538 = tpu.memref_slice %arg3[%add3A_537] : memref<800000xi32, #tpu.memory_space<hbm>> -> memref<400xi32, #tpu.memory_space<hbm>>
    %dma_wait3A_539 = tpu.memref_slice %arg3[%add3A_537] : memref<800000xi32, #tpu.memory_space<hbm>> -> memref<400xi32, #tpu.memory_space<hbm>>
    tpu.wait_dma2 semaphore(%arg23 : memref<!tpu.dma_semaphore, #tpu.memory_space<semaphore_mem>>) src(%dma_wait3A_539 : memref<400xi32, #tpu.memory_space<hbm>>) dst(%arg10 : memref<400xi32, #tpu.memory_space<vmem>>)
    %add3A_540 = arith.constant 400 : i32
    %add3A_541 = arith.addi %add3A_527, %add3A_540 : i32
    %dma_wait3A_542 = tpu.memref_slice %arg2[%add3A_541] : memref<800000xi32, #tpu.memory_space<hbm>> -> memref<400xi32, #tpu.memory_space<hbm>>
    %dma_wait3A_543 = tpu.memref_slice %arg2[%add3A_541] : memref<800000xi32, #tpu.memory_space<hbm>> -> memref<400xi32, #tpu.memory_space<hbm>>
    tpu.wait_dma2 semaphore(%arg23 : memref<!tpu.dma_semaphore, #tpu.memory_space<semaphore_mem>>) src(%dma_wait3A_543 : memref<400xi32, #tpu.memory_space<hbm>>) dst(%arg14 : memref<400xi32, #tpu.memory_space<vmem>>)
    %iota3A_544 = tpu.iota {dimensions = array<i32: 0>} : vector<16xi32>
    %scan3A_545 = arith.constant 0 : i32
    %scan3A_546 = arith.constant 0 : i32
    %scan3A_547 = arith.constant 25 : i32
    %scan3A_548 = arith.addi %scan3A_546, %scan3A_547 : i32
    %scan3A_549 = arith.constant 1 : i32
    scf.for %scan3A_689 = %scan3A_546 to %scan3A_548 step %scan3A_549  : i32 {
      %mul3A_690 = arith.constant 16 : i32
      %mul3A_691 = arith.muli %scan3A_689, %mul3A_690 : i32
      %get3A = arith.index_cast %mul3A_691 : i32 to index
      %get3A_692 = tpu.vector_load %arg9[%get3A] {strides = array<i32>} : memref<400xi32, #tpu.memory_space<vmem>>, vector<16xi32>,
      %get3A_693 = vector.shape_cast %get3A_692 : vector<16xi32> to vector<16xi32>
      %sub3A = vector.broadcast %mul3A_0 : i32 to vector<16xi32>
      %sub3A_694 = arith.subi %get3A_693, %sub3A : vector<16xi32>
      %bitcast3A = vector.bitcast %sub3A_694 : vector<16xi32> to vector<16xi32>
      %lt3A = arith.constant 25000 : i32
      %lt3A_695 = vector.broadcast %lt3A : i32 to vector<16xi32>
      %lt3A_696 = arith.cmpi ult, %bitcast3A, %lt3A_695 : vector<16xi32>
      %add3A_697 = arith.constant 25000 : i32
      %add3A_698 = vector.broadcast %add3A_697 : i32 to vector<16xi32>
      %add3A_699 = arith.addi %add3A_698, %iota3A_544 : vector<16xi32>
      %select_n3A = arith.select %lt3A_696, %sub3A_694, %add3A_699 : vector<16xi1>, vector<16xi32>
      %mul3A_700 = arith.constant 16 : i32
      %mul3A_701 = arith.muli %scan3A_689, %mul3A_700 : i32
      %swap3A = arith.index_cast %mul3A_701 : i32 to index
      %swap3A_702 = tpu.vector_load %arg9[%swap3A] {strides = array<i32>} : memref<400xi32, #tpu.memory_space<vmem>>, vector<16xi32>,
      %swap3A_703 = vector.shape_cast %swap3A_702 : vector<16xi32> to vector<16xi32>
      %swap3A_704 = vector.shape_cast %select_n3A : vector<16xi32> to vector<16xi32>
      tpu.vector_store %arg9[%swap3A], %swap3A_704 {strides = array<i32>} : memref<400xi32, #tpu.memory_space<vmem>>, vector<16xi32>,
    }
    %scan3A_550 = arith.constant 25 : i32
    %iota3A_551 = tpu.iota {dimensions = array<i32: 0>} : vector<16xi32>
    %scan3A_552 = arith.constant 0 : i32
    %scan3A_553 = arith.constant 0 : i32
    %scan3A_554 = arith.constant 25 : i32
    %scan3A_555 = arith.addi %scan3A_553, %scan3A_554 : i32
    %scan3A_556 = arith.constant 1 : i32
    scf.for %scan3A_689 = %scan3A_553 to %scan3A_555 step %scan3A_556  : i32 {
      %mul3A_690 = arith.constant 16 : i32
      %mul3A_691 = arith.muli %scan3A_689, %mul3A_690 : i32
      %get3A = arith.index_cast %mul3A_691 : i32 to index
      %get3A_692 = tpu.vector_load %arg10[%get3A] {strides = array<i32>} : memref<400xi32, #tpu.memory_space<vmem>>, vector<16xi32>,
      %get3A_693 = vector.shape_cast %get3A_692 : vector<16xi32> to vector<16xi32>
      %sub3A = vector.broadcast %mul3A_0 : i32 to vector<16xi32>
      %sub3A_694 = arith.subi %get3A_693, %sub3A : vector<16xi32>
      %bitcast3A = vector.bitcast %sub3A_694 : vector<16xi32> to vector<16xi32>
      %lt3A = arith.constant 25000 : i32
      %lt3A_695 = vector.broadcast %lt3A : i32 to vector<16xi32>
      %lt3A_696 = arith.cmpi ult, %bitcast3A, %lt3A_695 : vector<16xi32>
      %add3A_697 = arith.constant 25000 : i32
      %add3A_698 = vector.broadcast %add3A_697 : i32 to vector<16xi32>
      %add3A_699 = arith.addi %add3A_698, %iota3A_551 : vector<16xi32>
      %select_n3A = arith.select %lt3A_696, %sub3A_694, %add3A_699 : vector<16xi1>, vector<16xi32>
      %mul3A_700 = arith.constant 16 : i32
      %mul3A_701 = arith.muli %scan3A_689, %mul3A_700 : i32
      %swap3A = arith.index_cast %mul3A_701 : i32 to index
      %swap3A_702 = tpu.vector_load %arg10[%swap3A] {strides = array<i32>} : memref<400xi32, #tpu.memory_space<vmem>>, vector<16xi32>,
      %swap3A_703 = vector.shape_cast %swap3A_702 : vector<16xi32> to vector<16xi32>
      %swap3A_704 = vector.shape_cast %select_n3A : vector<16xi32> to vector<16xi32>
      tpu.vector_store %arg10[%swap3A], %swap3A_704 {strides = array<i32>} : memref<400xi32, #tpu.memory_space<vmem>>, vector<16xi32>,
    }
    %scan3A_557 = arith.constant 25 : i32
    %dma_start3A_558 = arith.constant 0 : i32
    %dma_start3A_559 = arith.constant 0 : i32
    %dma_start3A_560 = tpu.memref_slice %arg5[%dma_start3A_558, %dma_start3A_559] : memref<50000x32xf32, #tpu.memory_space<hbm>> -> memref<50000x32xf32, #tpu.memory_space<hbm>>
    tpu.enqueue_indirect_dma source(%dma_start3A_560 : memref<50000x32xf32, #tpu.memory_space<hbm>>) target(%arg17 : memref<400x32xf32, #tpu.memory_space<vmem>>) offsets(%arg13 : memref<400xi32, #tpu.memory_space<vmem>>) semaphore(%arg25 : memref<!tpu.dma_semaphore, #tpu.memory_space<semaphore_mem>>)
    %dma_start3A_561 = arith.constant 0 : i32
    %dma_start3A_562 = arith.constant 0 : i32
    %dma_start3A_563 = tpu.memref_slice %arg5[%dma_start3A_561, %dma_start3A_562] : memref<50000x32xf32, #tpu.memory_space<hbm>> -> memref<50000x32xf32, #tpu.memory_space<hbm>>
    tpu.enqueue_indirect_dma source(%dma_start3A_563 : memref<50000x32xf32, #tpu.memory_space<hbm>>) target(%arg18 : memref<400x32xf32, #tpu.memory_space<vmem>>) offsets(%arg14 : memref<400xi32, #tpu.memory_space<vmem>>) semaphore(%arg26 : memref<!tpu.dma_semaphore, #tpu.memory_space<semaphore_mem>>)
    %dma_wait3A_564 = arith.constant 0 : i32
    %dma_wait3A_565 = arith.constant 0 : i32
    %dma_wait3A_566 = tpu.memref_slice %arg22[%dma_wait3A_564, %dma_wait3A_565] : memref<25088x32xf32, #tpu.memory_space<vmem_shared>> -> memref<25088x32xf32, #tpu.memory_space<vmem_shared>>
    tpu.wait_indirect_dma semaphore(%arg31 : memref<!tpu.dma_semaphore, #tpu.memory_space<semaphore_mem>>) src(%arg19 : memref<400x32xf32, #tpu.memory_space<vmem>>) dst(%dma_wait3A_566 : memref<25088x32xf32, #tpu.memory_space<vmem_shared>>)
    %dma_wait3A_567 = arith.constant 0 : i32
    %dma_wait3A_568 = arith.constant 0 : i32
    %dma_wait3A_569 = tpu.memref_slice %arg22[%dma_wait3A_567, %dma_wait3A_568] : memref<25088x32xf32, #tpu.memory_space<vmem_shared>> -> memref<25088x32xf32, #tpu.memory_space<vmem_shared>>
    tpu.wait_indirect_dma semaphore(%arg32 : memref<!tpu.dma_semaphore, #tpu.memory_space<semaphore_mem>>) src(%arg20 : memref<400x32xf32, #tpu.memory_space<vmem>>) dst(%dma_wait3A_569 : memref<25088x32xf32, #tpu.memory_space<vmem_shared>>)
    %add3A_570 = arith.constant 48800 : i32
    %add3A_571 = arith.addi %mul3A_2, %add3A_570 : i32
    %add3A_572 = arith.constant 0 : i32
    %add3A_573 = arith.addi %add3A_571, %add3A_572 : i32
    %dma_start3A_574 = tpu.memref_slice %arg3[%add3A_573] : memref<800000xi32, #tpu.memory_space<hbm>> -> memref<400xi32, #tpu.memory_space<hbm>>
    %dma_start3A_575 = tpu.memref_slice %arg3[%add3A_573] : memref<800000xi32, #tpu.memory_space<hbm>> -> memref<400xi32, #tpu.memory_space<hbm>>
    tpu.enqueue_dma source(%dma_start3A_575 : memref<400xi32, #tpu.memory_space<hbm>>) target(%arg11 : memref<400xi32, #tpu.memory_space<vmem>>) target_semaphore(%arg24 : memref<!tpu.dma_semaphore, #tpu.memory_space<semaphore_mem>>)
    %add3A_576 = arith.constant 0 : i32
    %add3A_577 = arith.addi %add3A_571, %add3A_576 : i32
    %dma_start3A_578 = tpu.memref_slice %arg2[%add3A_577] : memref<800000xi32, #tpu.memory_space<hbm>> -> memref<400xi32, #tpu.memory_space<hbm>>
    %dma_start3A_579 = tpu.memref_slice %arg2[%add3A_577] : memref<800000xi32, #tpu.memory_space<hbm>> -> memref<400xi32, #tpu.memory_space<hbm>>
    tpu.enqueue_dma source(%dma_start3A_579 : memref<400xi32, #tpu.memory_space<hbm>>) target(%arg15 : memref<400xi32, #tpu.memory_space<vmem>>) target_semaphore(%arg24 : memref<!tpu.dma_semaphore, #tpu.memory_space<semaphore_mem>>)
    %add3A_580 = arith.constant 400 : i32
    %add3A_581 = arith.addi %add3A_571, %add3A_580 : i32
    %dma_start3A_582 = tpu.memref_slice %arg3[%add3A_581] : memref<800000xi32, #tpu.memory_space<hbm>> -> memref<400xi32, #tpu.memory_space<hbm>>
    %dma_start3A_583 = tpu.memref_slice %arg3[%add3A_581] : memref<800000xi32, #tpu.memory_space<hbm>> -> memref<400xi32, #tpu.memory_space<hbm>>
    tpu.enqueue_dma source(%dma_start3A_583 : memref<400xi32, #tpu.memory_space<hbm>>) target(%arg12 : memref<400xi32, #tpu.memory_space<vmem>>) target_semaphore(%arg24 : memref<!tpu.dma_semaphore, #tpu.memory_space<semaphore_mem>>)
    %add3A_584 = arith.constant 400 : i32
    %add3A_585 = arith.addi %add3A_571, %add3A_584 : i32
    %dma_start3A_586 = tpu.memref_slice %arg2[%add3A_585] : memref<800000xi32, #tpu.memory_space<hbm>> -> memref<400xi32, #tpu.memory_space<hbm>>
    %dma_start3A_587 = tpu.memref_slice %arg2[%add3A_585] : memref<800000xi32, #tpu.memory_space<hbm>> -> memref<400xi32, #tpu.memory_space<hbm>>
    tpu.enqueue_dma source(%dma_start3A_587 : memref<400xi32, #tpu.memory_space<hbm>>) target(%arg16 : memref<400xi32, #tpu.memory_space<vmem>>) target_semaphore(%arg24 : memref<!tpu.dma_semaphore, #tpu.memory_space<semaphore_mem>>)
    %dma_wait3A_588 = arith.constant 0 : i32
    %dma_wait3A_589 = arith.constant 0 : i32
    %dma_wait3A_590 = tpu.memref_slice %arg5[%dma_wait3A_588, %dma_wait3A_589] : memref<50000x32xf32, #tpu.memory_space<hbm>> -> memref<50000x32xf32, #tpu.memory_space<hbm>>
    tpu.wait_indirect_dma semaphore(%arg25 : memref<!tpu.dma_semaphore, #tpu.memory_space<semaphore_mem>>) src(%dma_wait3A_590 : memref<50000x32xf32, #tpu.memory_space<hbm>>) dst(%arg17 : memref<400x32xf32, #tpu.memory_space<vmem>>)
    %dma_start3A_591 = arith.constant 0 : i32
    %dma_start3A_592 = arith.constant 0 : i32
    %dma_start3A_593 = tpu.memref_slice %arg22[%dma_start3A_591, %dma_start3A_592] : memref<25088x32xf32, #tpu.memory_space<vmem_shared>> -> memref<25088x32xf32, #tpu.memory_space<vmem_shared>>
    tpu.enqueue_indirect_dma source(%arg17 : memref<400x32xf32, #tpu.memory_space<vmem>>) target(%dma_start3A_593 : memref<25088x32xf32, #tpu.memory_space<vmem_shared>>) offsets(%arg9 : memref<400xi32, #tpu.memory_space<vmem>>) semaphore(%arg29 : memref<!tpu.dma_semaphore, #tpu.memory_space<semaphore_mem>>) {add = true}
    %dma_wait3A_594 = arith.constant 0 : i32
    %dma_wait3A_595 = arith.constant 0 : i32
    %dma_wait3A_596 = tpu.memref_slice %arg5[%dma_wait3A_594, %dma_wait3A_595] : memref<50000x32xf32, #tpu.memory_space<hbm>> -> memref<50000x32xf32, #tpu.memory_space<hbm>>
    tpu.wait_indirect_dma semaphore(%arg26 : memref<!tpu.dma_semaphore, #tpu.memory_space<semaphore_mem>>) src(%dma_wait3A_596 : memref<50000x32xf32, #tpu.memory_space<hbm>>) dst(%arg18 : memref<400x32xf32, #tpu.memory_space<vmem>>)
    %dma_start3A_597 = arith.constant 0 : i32
    %dma_start3A_598 = arith.constant 0 : i32
    %dma_start3A_599 = tpu.memref_slice %arg22[%dma_start3A_597, %dma_start3A_598] : memref<25088x32xf32, #tpu.memory_space<vmem_shared>> -> memref<25088x32xf32, #tpu.memory_space<vmem_shared>>
    tpu.enqueue_indirect_dma source(%arg18 : memref<400x32xf32, #tpu.memory_space<vmem>>) target(%dma_start3A_599 : memref<25088x32xf32, #tpu.memory_space<vmem_shared>>) offsets(%arg10 : memref<400xi32, #tpu.memory_space<vmem>>) semaphore(%arg30 : memref<!tpu.dma_semaphore, #tpu.memory_space<semaphore_mem>>) {add = true}
    %add3A_600 = arith.constant 48800 : i32
    %add3A_601 = arith.addi %mul3A_2, %add3A_600 : i32
    %add3A_602 = arith.constant 0 : i32
    %add3A_603 = arith.addi %add3A_601, %add3A_602 : i32
    %dma_wait3A_604 = tpu.memref_slice %arg3[%add3A_603] : memref<800000xi32, #tpu.memory_space<hbm>> -> memref<400xi32, #tpu.memory_space<hbm>>
    %dma_wait3A_605 = tpu.memref_slice %arg3[%add3A_603] : memref<800000xi32, #tpu.memory_space<hbm>> -> memref<400xi32, #tpu.memory_space<hbm>>
    tpu.wait_dma2 semaphore(%arg24 : memref<!tpu.dma_semaphore, #tpu.memory_space<semaphore_mem>>) src(%dma_wait3A_605 : memref<400xi32, #tpu.memory_space<hbm>>) dst(%arg11 : memref<400xi32, #tpu.memory_space<vmem>>)
    %add3A_606 = arith.constant 0 : i32
    %add3A_607 = arith.addi %add3A_601, %add3A_606 : i32
    %dma_wait3A_608 = tpu.memref_slice %arg2[%add3A_607] : memref<800000xi32, #tpu.memory_space<hbm>> -> memref<400xi32, #tpu.memory_space<hbm>>
    %dma_wait3A_609 = tpu.memref_slice %arg2[%add3A_607] : memref<800000xi32, #tpu.memory_space<hbm>> -> memref<400xi32, #tpu.memory_space<hbm>>
    tpu.wait_dma2 semaphore(%arg24 : memref<!tpu.dma_semaphore, #tpu.memory_space<semaphore_mem>>) src(%dma_wait3A_609 : memref<400xi32, #tpu.memory_space<hbm>>) dst(%arg15 : memref<400xi32, #tpu.memory_space<vmem>>)
    %add3A_610 = arith.constant 400 : i32
    %add3A_611 = arith.addi %add3A_601, %add3A_610 : i32
    %dma_wait3A_612 = tpu.memref_slice %arg3[%add3A_611] : memref<800000xi32, #tpu.memory_space<hbm>> -> memref<400xi32, #tpu.memory_space<hbm>>
    %dma_wait3A_613 = tpu.memref_slice %arg3[%add3A_611] : memref<800000xi32, #tpu.memory_space<hbm>> -> memref<400xi32, #tpu.memory_space<hbm>>
    tpu.wait_dma2 semaphore(%arg24 : memref<!tpu.dma_semaphore, #tpu.memory_space<semaphore_mem>>) src(%dma_wait3A_613 : memref<400xi32, #tpu.memory_space<hbm>>) dst(%arg12 : memref<400xi32, #tpu.memory_space<vmem>>)
    %add3A_614 = arith.constant 400 : i32
    %add3A_615 = arith.addi %add3A_601, %add3A_614 : i32
    %dma_wait3A_616 = tpu.memref_slice %arg2[%add3A_615] : memref<800000xi32, #tpu.memory_space<hbm>> -> memref<400xi32, #tpu.memory_space<hbm>>
    %dma_wait3A_617 = tpu.memref_slice %arg2[%add3A_615] : memref<800000xi32, #tpu.memory_space<hbm>> -> memref<400xi32, #tpu.memory_space<hbm>>
    tpu.wait_dma2 semaphore(%arg24 : memref<!tpu.dma_semaphore, #tpu.memory_space<semaphore_mem>>) src(%dma_wait3A_617 : memref<400xi32, #tpu.memory_space<hbm>>) dst(%arg16 : memref<400xi32, #tpu.memory_space<vmem>>)
    %iota3A_618 = tpu.iota {dimensions = array<i32: 0>} : vector<16xi32>
    %scan3A_619 = arith.constant 0 : i32
    %scan3A_620 = arith.constant 0 : i32
    %scan3A_621 = arith.constant 25 : i32
    %scan3A_622 = arith.addi %scan3A_620, %scan3A_621 : i32
    %scan3A_623 = arith.constant 1 : i32
    scf.for %scan3A_689 = %scan3A_620 to %scan3A_622 step %scan3A_623  : i32 {
      %mul3A_690 = arith.constant 16 : i32
      %mul3A_691 = arith.muli %scan3A_689, %mul3A_690 : i32
      %get3A = arith.index_cast %mul3A_691 : i32 to index
      %get3A_692 = tpu.vector_load %arg11[%get3A] {strides = array<i32>} : memref<400xi32, #tpu.memory_space<vmem>>, vector<16xi32>,
      %get3A_693 = vector.shape_cast %get3A_692 : vector<16xi32> to vector<16xi32>
      %sub3A = vector.broadcast %mul3A_0 : i32 to vector<16xi32>
      %sub3A_694 = arith.subi %get3A_693, %sub3A : vector<16xi32>
      %bitcast3A = vector.bitcast %sub3A_694 : vector<16xi32> to vector<16xi32>
      %lt3A = arith.constant 25000 : i32
      %lt3A_695 = vector.broadcast %lt3A : i32 to vector<16xi32>
      %lt3A_696 = arith.cmpi ult, %bitcast3A, %lt3A_695 : vector<16xi32>
      %add3A_697 = arith.constant 25000 : i32
      %add3A_698 = vector.broadcast %add3A_697 : i32 to vector<16xi32>
      %add3A_699 = arith.addi %add3A_698, %iota3A_618 : vector<16xi32>
      %select_n3A = arith.select %lt3A_696, %sub3A_694, %add3A_699 : vector<16xi1>, vector<16xi32>
      %mul3A_700 = arith.constant 16 : i32
      %mul3A_701 = arith.muli %scan3A_689, %mul3A_700 : i32
      %swap3A = arith.index_cast %mul3A_701 : i32 to index
      %swap3A_702 = tpu.vector_load %arg11[%swap3A] {strides = array<i32>} : memref<400xi32, #tpu.memory_space<vmem>>, vector<16xi32>,
      %swap3A_703 = vector.shape_cast %swap3A_702 : vector<16xi32> to vector<16xi32>
      %swap3A_704 = vector.shape_cast %select_n3A : vector<16xi32> to vector<16xi32>
      tpu.vector_store %arg11[%swap3A], %swap3A_704 {strides = array<i32>} : memref<400xi32, #tpu.memory_space<vmem>>, vector<16xi32>,
    }
    %scan3A_624 = arith.constant 25 : i32
    %iota3A_625 = tpu.iota {dimensions = array<i32: 0>} : vector<16xi32>
    %scan3A_626 = arith.constant 0 : i32
    %scan3A_627 = arith.constant 0 : i32
    %scan3A_628 = arith.constant 25 : i32
    %scan3A_629 = arith.addi %scan3A_627, %scan3A_628 : i32
    %scan3A_630 = arith.constant 1 : i32
    scf.for %scan3A_689 = %scan3A_627 to %scan3A_629 step %scan3A_630  : i32 {
      %mul3A_690 = arith.constant 16 : i32
      %mul3A_691 = arith.muli %scan3A_689, %mul3A_690 : i32
      %get3A = arith.index_cast %mul3A_691 : i32 to index
      %get3A_692 = tpu.vector_load %arg12[%get3A] {strides = array<i32>} : memref<400xi32, #tpu.memory_space<vmem>>, vector<16xi32>,
      %get3A_693 = vector.shape_cast %get3A_692 : vector<16xi32> to vector<16xi32>
      %sub3A = vector.broadcast %mul3A_0 : i32 to vector<16xi32>
      %sub3A_694 = arith.subi %get3A_693, %sub3A : vector<16xi32>
      %bitcast3A = vector.bitcast %sub3A_694 : vector<16xi32> to vector<16xi32>
      %lt3A = arith.constant 25000 : i32
      %lt3A_695 = vector.broadcast %lt3A : i32 to vector<16xi32>
      %lt3A_696 = arith.cmpi ult, %bitcast3A, %lt3A_695 : vector<16xi32>
      %add3A_697 = arith.constant 25000 : i32
      %add3A_698 = vector.broadcast %add3A_697 : i32 to vector<16xi32>
      %add3A_699 = arith.addi %add3A_698, %iota3A_625 : vector<16xi32>
      %select_n3A = arith.select %lt3A_696, %sub3A_694, %add3A_699 : vector<16xi1>, vector<16xi32>
      %mul3A_700 = arith.constant 16 : i32
      %mul3A_701 = arith.muli %scan3A_689, %mul3A_700 : i32
      %swap3A = arith.index_cast %mul3A_701 : i32 to index
      %swap3A_702 = tpu.vector_load %arg12[%swap3A] {strides = array<i32>} : memref<400xi32, #tpu.memory_space<vmem>>, vector<16xi32>,
      %swap3A_703 = vector.shape_cast %swap3A_702 : vector<16xi32> to vector<16xi32>
      %swap3A_704 = vector.shape_cast %select_n3A : vector<16xi32> to vector<16xi32>
      tpu.vector_store %arg12[%swap3A], %swap3A_704 {strides = array<i32>} : memref<400xi32, #tpu.memory_space<vmem>>, vector<16xi32>,
    }
    %scan3A_631 = arith.constant 25 : i32
    %dma_start3A_632 = arith.constant 0 : i32
    %dma_start3A_633 = arith.constant 0 : i32
    %dma_start3A_634 = tpu.memref_slice %arg5[%dma_start3A_632, %dma_start3A_633] : memref<50000x32xf32, #tpu.memory_space<hbm>> -> memref<50000x32xf32, #tpu.memory_space<hbm>>
    tpu.enqueue_indirect_dma source(%dma_start3A_634 : memref<50000x32xf32, #tpu.memory_space<hbm>>) target(%arg19 : memref<400x32xf32, #tpu.memory_space<vmem>>) offsets(%arg15 : memref<400xi32, #tpu.memory_space<vmem>>) semaphore(%arg27 : memref<!tpu.dma_semaphore, #tpu.memory_space<semaphore_mem>>)
    %dma_start3A_635 = arith.constant 0 : i32
    %dma_start3A_636 = arith.constant 0 : i32
    %dma_start3A_637 = tpu.memref_slice %arg5[%dma_start3A_635, %dma_start3A_636] : memref<50000x32xf32, #tpu.memory_space<hbm>> -> memref<50000x32xf32, #tpu.memory_space<hbm>>
    tpu.enqueue_indirect_dma source(%dma_start3A_637 : memref<50000x32xf32, #tpu.memory_space<hbm>>) target(%arg20 : memref<400x32xf32, #tpu.memory_space<vmem>>) offsets(%arg16 : memref<400xi32, #tpu.memory_space<vmem>>) semaphore(%arg28 : memref<!tpu.dma_semaphore, #tpu.memory_space<semaphore_mem>>)
    %dma_wait3A_638 = arith.constant 0 : i32
    %dma_wait3A_639 = arith.constant 0 : i32
    %dma_wait3A_640 = tpu.memref_slice %arg22[%dma_wait3A_638, %dma_wait3A_639] : memref<25088x32xf32, #tpu.memory_space<vmem_shared>> -> memref<25088x32xf32, #tpu.memory_space<vmem_shared>>
    tpu.wait_indirect_dma semaphore(%arg29 : memref<!tpu.dma_semaphore, #tpu.memory_space<semaphore_mem>>) src(%arg17 : memref<400x32xf32, #tpu.memory_space<vmem>>) dst(%dma_wait3A_640 : memref<25088x32xf32, #tpu.memory_space<vmem_shared>>)
    %dma_wait3A_641 = arith.constant 0 : i32
    %dma_wait3A_642 = arith.constant 0 : i32
    %dma_wait3A_643 = tpu.memref_slice %arg22[%dma_wait3A_641, %dma_wait3A_642] : memref<25088x32xf32, #tpu.memory_space<vmem_shared>> -> memref<25088x32xf32, #tpu.memory_space<vmem_shared>>
    tpu.wait_indirect_dma semaphore(%arg30 : memref<!tpu.dma_semaphore, #tpu.memory_space<semaphore_mem>>) src(%arg18 : memref<400x32xf32, #tpu.memory_space<vmem>>) dst(%dma_wait3A_643 : memref<25088x32xf32, #tpu.memory_space<vmem_shared>>)
    %dma_wait3A_644 = arith.constant 0 : i32
    %dma_wait3A_645 = arith.constant 0 : i32
    %dma_wait3A_646 = tpu.memref_slice %arg5[%dma_wait3A_644, %dma_wait3A_645] : memref<50000x32xf32, #tpu.memory_space<hbm>> -> memref<50000x32xf32, #tpu.memory_space<hbm>>
    tpu.wait_indirect_dma semaphore(%arg27 : memref<!tpu.dma_semaphore, #tpu.memory_space<semaphore_mem>>) src(%dma_wait3A_646 : memref<50000x32xf32, #tpu.memory_space<hbm>>) dst(%arg19 : memref<400x32xf32, #tpu.memory_space<vmem>>)
    %dma_start3A_647 = arith.constant 0 : i32
    %dma_start3A_648 = arith.constant 0 : i32
    %dma_start3A_649 = tpu.memref_slice %arg22[%dma_start3A_647, %dma_start3A_648] : memref<25088x32xf32, #tpu.memory_space<vmem_shared>> -> memref<25088x32xf32, #tpu.memory_space<vmem_shared>>
    tpu.enqueue_indirect_dma source(%arg19 : memref<400x32xf32, #tpu.memory_space<vmem>>) target(%dma_start3A_649 : memref<25088x32xf32, #tpu.memory_space<vmem_shared>>) offsets(%arg11 : memref<400xi32, #tpu.memory_space<vmem>>) semaphore(%arg31 : memref<!tpu.dma_semaphore, #tpu.memory_space<semaphore_mem>>) {add = true}
    %dma_wait3A_650 = arith.constant 0 : i32
    %dma_wait3A_651 = arith.constant 0 : i32
    %dma_wait3A_652 = tpu.memref_slice %arg5[%dma_wait3A_650, %dma_wait3A_651] : memref<50000x32xf32, #tpu.memory_space<hbm>> -> memref<50000x32xf32, #tpu.memory_space<hbm>>
    tpu.wait_indirect_dma semaphore(%arg28 : memref<!tpu.dma_semaphore, #tpu.memory_space<semaphore_mem>>) src(%dma_wait3A_652 : memref<50000x32xf32, #tpu.memory_space<hbm>>) dst(%arg20 : memref<400x32xf32, #tpu.memory_space<vmem>>)
    %dma_start3A_653 = arith.constant 0 : i32
    %dma_start3A_654 = arith.constant 0 : i32
    %dma_start3A_655 = tpu.memref_slice %arg22[%dma_start3A_653, %dma_start3A_654] : memref<25088x32xf32, #tpu.memory_space<vmem_shared>> -> memref<25088x32xf32, #tpu.memory_space<vmem_shared>>
    tpu.enqueue_indirect_dma source(%arg20 : memref<400x32xf32, #tpu.memory_space<vmem>>) target(%dma_start3A_655 : memref<25088x32xf32, #tpu.memory_space<vmem_shared>>) offsets(%arg12 : memref<400xi32, #tpu.memory_space<vmem>>) semaphore(%arg32 : memref<!tpu.dma_semaphore, #tpu.memory_space<semaphore_mem>>) {add = true}
    %dma_wait3A_656 = arith.constant 0 : i32
    %dma_wait3A_657 = arith.constant 0 : i32
    %dma_wait3A_658 = tpu.memref_slice %arg22[%dma_wait3A_656, %dma_wait3A_657] : memref<25088x32xf32, #tpu.memory_space<vmem_shared>> -> memref<25088x32xf32, #tpu.memory_space<vmem_shared>>
    tpu.wait_indirect_dma semaphore(%arg31 : memref<!tpu.dma_semaphore, #tpu.memory_space<semaphore_mem>>) src(%arg19 : memref<400x32xf32, #tpu.memory_space<vmem>>) dst(%dma_wait3A_658 : memref<25088x32xf32, #tpu.memory_space<vmem_shared>>)
    %dma_wait3A_659 = arith.constant 0 : i32
    %dma_wait3A_660 = arith.constant 0 : i32
    %dma_wait3A_661 = tpu.memref_slice %arg22[%dma_wait3A_659, %dma_wait3A_660] : memref<25088x32xf32, #tpu.memory_space<vmem_shared>> -> memref<25088x32xf32, #tpu.memory_space<vmem_shared>>
    tpu.wait_indirect_dma semaphore(%arg32 : memref<!tpu.dma_semaphore, #tpu.memory_space<semaphore_mem>>) src(%arg20 : memref<400x32xf32, #tpu.memory_space<vmem>>) dst(%dma_wait3A_661 : memref<25088x32xf32, #tpu.memory_space<vmem_shared>>)
    %add3A_662 = arith.constant 49600 : i32
    %add3A_663 = arith.addi %mul3A_2, %add3A_662 : i32
    "tpu.region"() ({
      %run_scoped3A = tpu.sem_alloc : memref<!tpu.dma_semaphore, #tpu.memory_space<semaphore_mem>>
      %dma_start3A_689 = tpu.memref_slice %arg3[%add3A_663] : memref<800000xi32, #tpu.memory_space<hbm>> -> memref<400xi32, #tpu.memory_space<hbm>>
      %dma_start3A_690 = tpu.memref_slice %arg3[%add3A_663] : memref<800000xi32, #tpu.memory_space<hbm>> -> memref<400xi32, #tpu.memory_space<hbm>>
      tpu.enqueue_dma source(%dma_start3A_690 : memref<400xi32, #tpu.memory_space<hbm>>) target(%arg11 : memref<400xi32, #tpu.memory_space<vmem>>) target_semaphore(%run_scoped3A : memref<!tpu.dma_semaphore, #tpu.memory_space<semaphore_mem>>)
      %dma_wait3A_691 = tpu.memref_slice %arg3[%add3A_663] : memref<800000xi32, #tpu.memory_space<hbm>> -> memref<400xi32, #tpu.memory_space<hbm>>
      %dma_wait3A_692 = tpu.memref_slice %arg3[%add3A_663] : memref<800000xi32, #tpu.memory_space<hbm>> -> memref<400xi32, #tpu.memory_space<hbm>>
      tpu.wait_dma2 semaphore(%run_scoped3A : memref<!tpu.dma_semaphore, #tpu.memory_space<semaphore_mem>>) src(%dma_wait3A_692 : memref<400xi32, #tpu.memory_space<hbm>>) dst(%arg11 : memref<400xi32, #tpu.memory_space<vmem>>)
      tpu.yield
    }) : () -> ()
    "tpu.region"() ({
      %run_scoped3A = tpu.sem_alloc : memref<!tpu.dma_semaphore, #tpu.memory_space<semaphore_mem>>
      %dma_start3A_689 = tpu.memref_slice %arg2[%add3A_663] : memref<800000xi32, #tpu.memory_space<hbm>> -> memref<400xi32, #tpu.memory_space<hbm>>
      %dma_start3A_690 = tpu.memref_slice %arg2[%add3A_663] : memref<800000xi32, #tpu.memory_space<hbm>> -> memref<400xi32, #tpu.memory_space<hbm>>
      tpu.enqueue_dma source(%dma_start3A_690 : memref<400xi32, #tpu.memory_space<hbm>>) target(%arg15 : memref<400xi32, #tpu.memory_space<vmem>>) target_semaphore(%run_scoped3A : memref<!tpu.dma_semaphore, #tpu.memory_space<semaphore_mem>>)
      %dma_wait3A_691 = tpu.memref_slice %arg2[%add3A_663] : memref<800000xi32, #tpu.memory_space<hbm>> -> memref<400xi32, #tpu.memory_space<hbm>>
      %dma_wait3A_692 = tpu.memref_slice %arg2[%add3A_663] : memref<800000xi32, #tpu.memory_space<hbm>> -> memref<400xi32, #tpu.memory_space<hbm>>
      tpu.wait_dma2 semaphore(%run_scoped3A : memref<!tpu.dma_semaphore, #tpu.memory_space<semaphore_mem>>) src(%dma_wait3A_692 : memref<400xi32, #tpu.memory_space<hbm>>) dst(%arg15 : memref<400xi32, #tpu.memory_space<vmem>>)
      tpu.yield
    }) : () -> ()
    %iota3A_664 = tpu.iota {dimensions = array<i32: 0>} : vector<16xi32>
    %scan3A_665 = arith.constant 0 : i32
    %scan3A_666 = arith.constant 0 : i32
    %scan3A_667 = arith.constant 25 : i32
    %scan3A_668 = arith.addi %scan3A_666, %scan3A_667 : i32
    %scan3A_669 = arith.constant 1 : i32
    scf.for %scan3A_689 = %scan3A_666 to %scan3A_668 step %scan3A_669  : i32 {
      %mul3A_690 = arith.constant 16 : i32
      %mul3A_691 = arith.muli %scan3A_689, %mul3A_690 : i32
      %get3A = arith.index_cast %mul3A_691 : i32 to index
      %get3A_692 = tpu.vector_load %arg11[%get3A] {strides = array<i32>} : memref<400xi32, #tpu.memory_space<vmem>>, vector<16xi32>,
      %get3A_693 = vector.shape_cast %get3A_692 : vector<16xi32> to vector<16xi32>
      %sub3A = vector.broadcast %mul3A_0 : i32 to vector<16xi32>
      %sub3A_694 = arith.subi %get3A_693, %sub3A : vector<16xi32>
      %bitcast3A = vector.bitcast %sub3A_694 : vector<16xi32> to vector<16xi32>
      %lt3A = arith.constant 25000 : i32
      %lt3A_695 = vector.broadcast %lt3A : i32 to vector<16xi32>
      %lt3A_696 = arith.cmpi ult, %bitcast3A, %lt3A_695 : vector<16xi32>
      %add3A_697 = arith.constant 25000 : i32
      %add3A_698 = vector.broadcast %add3A_697 : i32 to vector<16xi32>
      %add3A_699 = arith.addi %add3A_698, %iota3A_664 : vector<16xi32>
      %select_n3A = arith.select %lt3A_696, %sub3A_694, %add3A_699 : vector<16xi1>, vector<16xi32>
      %mul3A_700 = arith.constant 16 : i32
      %mul3A_701 = arith.muli %scan3A_689, %mul3A_700 : i32
      %swap3A = arith.index_cast %mul3A_701 : i32 to index
      %swap3A_702 = tpu.vector_load %arg11[%swap3A] {strides = array<i32>} : memref<400xi32, #tpu.memory_space<vmem>>, vector<16xi32>,
      %swap3A_703 = vector.shape_cast %swap3A_702 : vector<16xi32> to vector<16xi32>
      %swap3A_704 = vector.shape_cast %select_n3A : vector<16xi32> to vector<16xi32>
      tpu.vector_store %arg11[%swap3A], %swap3A_704 {strides = array<i32>} : memref<400xi32, #tpu.memory_space<vmem>>, vector<16xi32>,
    }
    %scan3A_670 = arith.constant 25 : i32
    "tpu.region"() ({
      %run_scoped3A = tpu.sem_alloc : memref<!tpu.dma_semaphore, #tpu.memory_space<semaphore_mem>>
      %dma_start3A_689 = arith.constant 0 : i32
      %dma_start3A_690 = arith.constant 0 : i32
      %dma_start3A_691 = tpu.memref_slice %arg5[%dma_start3A_689, %dma_start3A_690] : memref<50000x32xf32, #tpu.memory_space<hbm>> -> memref<50000x32xf32, #tpu.memory_space<hbm>>
      tpu.enqueue_indirect_dma source(%dma_start3A_691 : memref<50000x32xf32, #tpu.memory_space<hbm>>) target(%arg19 : memref<400x32xf32, #tpu.memory_space<vmem>>) offsets(%arg15 : memref<400xi32, #tpu.memory_space<vmem>>) semaphore(%run_scoped3A : memref<!tpu.dma_semaphore, #tpu.memory_space<semaphore_mem>>)
      %dma_wait3A_692 = arith.constant 0 : i32
      %dma_wait3A_693 = arith.constant 0 : i32
      %dma_wait3A_694 = tpu.memref_slice %arg5[%dma_wait3A_692, %dma_wait3A_693] : memref<50000x32xf32, #tpu.memory_space<hbm>> -> memref<50000x32xf32, #tpu.memory_space<hbm>>
      tpu.wait_indirect_dma semaphore(%run_scoped3A : memref<!tpu.dma_semaphore, #tpu.memory_space<semaphore_mem>>) src(%dma_wait3A_694 : memref<50000x32xf32, #tpu.memory_space<hbm>>) dst(%arg19 : memref<400x32xf32, #tpu.memory_space<vmem>>)
      tpu.yield
    }) : () -> ()
    "tpu.region"() ({
      %run_scoped3A = tpu.sem_alloc : memref<!tpu.dma_semaphore, #tpu.memory_space<semaphore_mem>>
      %dma_start3A_689 = arith.constant 0 : i32
      %dma_start3A_690 = arith.constant 0 : i32
      %dma_start3A_691 = tpu.memref_slice %arg22[%dma_start3A_689, %dma_start3A_690] : memref<25088x32xf32, #tpu.memory_space<vmem_shared>> -> memref<25088x32xf32, #tpu.memory_space<vmem_shared>>
      tpu.enqueue_indirect_dma source(%arg19 : memref<400x32xf32, #tpu.memory_space<vmem>>) target(%dma_start3A_691 : memref<25088x32xf32, #tpu.memory_space<vmem_shared>>) offsets(%arg11 : memref<400xi32, #tpu.memory_space<vmem>>) semaphore(%run_scoped3A : memref<!tpu.dma_semaphore, #tpu.memory_space<semaphore_mem>>) {add = true}
      %dma_wait3A_692 = arith.constant 0 : i32
      %dma_wait3A_693 = arith.constant 0 : i32
      %dma_wait3A_694 = tpu.memref_slice %arg22[%dma_wait3A_692, %dma_wait3A_693] : memref<25088x32xf32, #tpu.memory_space<vmem_shared>> -> memref<25088x32xf32, #tpu.memory_space<vmem_shared>>
      tpu.wait_indirect_dma semaphore(%run_scoped3A : memref<!tpu.dma_semaphore, #tpu.memory_space<semaphore_mem>>) src(%arg19 : memref<400x32xf32, #tpu.memory_space<vmem>>) dst(%dma_wait3A_694 : memref<25088x32xf32, #tpu.memory_space<vmem_shared>>)
      tpu.yield
    }) : () -> ()
    %barrier3A_671 = arith.constant 0 : index
    tpu.barrier barrier_id(%barrier3A_671)
    %mul3A_672 = arith.constant 1568 : i32
    %mul3A_673 = arith.muli %arg1, %mul3A_672 : i32
    %add3A_674 = arith.constant 0 : i32
    %add3A_675 = arith.addi %mul3A_673, %add3A_674 : i32
    "tpu.region"() ({
      %run_scoped3A = tpu.sem_alloc : memref<!tpu.dma_semaphore, #tpu.memory_space<semaphore_mem>>
      %dma_start3A_689 = arith.constant 0 : i32
      %dma_start3A_690 = tpu.memref_slice %arg22[%add3A_675, %dma_start3A_689] : memref<25088x32xf32, #tpu.memory_space<vmem_shared>> -> memref<392x32xf32, #tpu.memory_space<vmem_shared>>
      %dma_start3A_691 = arith.constant 0 : i32
      %dma_start3A_692 = tpu.memref_slice %arg22[%add3A_675, %dma_start3A_691] : memref<25088x32xf32, #tpu.memory_space<vmem_shared>> -> memref<392x32xf32, #tpu.memory_space<vmem_shared>>
      tpu.enqueue_dma source(%dma_start3A_692 : memref<392x32xf32, #tpu.memory_space<vmem_shared>>) target(%arg21 : memref<392x32xf32, #tpu.memory_space<vmem>>) target_semaphore(%run_scoped3A : memref<!tpu.dma_semaphore, #tpu.memory_space<semaphore_mem>>)
      %dma_wait3A_693 = arith.constant 0 : i32
      %dma_wait3A_694 = tpu.memref_slice %arg22[%add3A_675, %dma_wait3A_693] : memref<25088x32xf32, #tpu.memory_space<vmem_shared>> -> memref<392x32xf32, #tpu.memory_space<vmem_shared>>
      %dma_wait3A_695 = arith.constant 0 : i32
      %dma_wait3A_696 = tpu.memref_slice %arg22[%add3A_675, %dma_wait3A_695] : memref<25088x32xf32, #tpu.memory_space<vmem_shared>> -> memref<392x32xf32, #tpu.memory_space<vmem_shared>>
      tpu.wait_dma2 semaphore(%run_scoped3A : memref<!tpu.dma_semaphore, #tpu.memory_space<semaphore_mem>>) src(%dma_wait3A_696 : memref<392x32xf32, #tpu.memory_space<vmem_shared>>) dst(%arg21 : memref<392x32xf32, #tpu.memory_space<vmem>>)
      tpu.yield
    }) : () -> ()
    "tpu.region"() ({
      %run_scoped3A = tpu.sem_alloc : memref<!tpu.dma_semaphore, #tpu.memory_space<semaphore_mem>>
      %dma_start3A_689 = arith.constant 0 : i32
      %dma_start3A_690 = arith.constant 0 : i32
      %dma_start3A_691 = tpu.memref_slice %arg8[%arg0, %arg1, %dma_start3A_689, %dma_start3A_690] : memref<2x16x1568x32xf32, #tpu.memory_space<hbm>> -> memref<1x1x392x32xf32, #tpu.memory_space<hbm>>
      %dma_start3A_692 = tpu.memref_squeeze %dma_start3A_691 : memref<1x1x392x32xf32, #tpu.memory_space<hbm>> -> memref<392x32xf32, #tpu.memory_space<hbm>>
      %dma_start3A_693 = arith.constant 0 : i32
      %dma_start3A_694 = arith.constant 0 : i32
      %dma_start3A_695 = tpu.memref_slice %arg8[%arg0, %arg1, %dma_start3A_693, %dma_start3A_694] : memref<2x16x1568x32xf32, #tpu.memory_space<hbm>> -> memref<1x1x392x32xf32, #tpu.memory_space<hbm>>
      %dma_start3A_696 = tpu.memref_squeeze %dma_start3A_695 : memref<1x1x392x32xf32, #tpu.memory_space<hbm>> -> memref<392x32xf32, #tpu.memory_space<hbm>>
      tpu.enqueue_dma source(%arg21 : memref<392x32xf32, #tpu.memory_space<vmem>>) target(%dma_start3A_696 : memref<392x32xf32, #tpu.memory_space<hbm>>) target_semaphore(%run_scoped3A : memref<!tpu.dma_semaphore, #tpu.memory_space<semaphore_mem>>)
      %dma_wait3A_697 = arith.constant 0 : i32
      %dma_wait3A_698 = arith.constant 0 : i32
      %dma_wait3A_699 = tpu.memref_slice %arg8[%arg0, %arg1, %dma_wait3A_697, %dma_wait3A_698] : memref<2x16x1568x32xf32, #tpu.memory_space<hbm>> -> memref<1x1x392x32xf32, #tpu.memory_space<hbm>>
      %dma_wait3A_700 = tpu.memref_squeeze %dma_wait3A_699 : memref<1x1x392x32xf32, #tpu.memory_space<hbm>> -> memref<392x32xf32, #tpu.memory_space<hbm>>
      %dma_wait3A_701 = arith.constant 0 : i32
      %dma_wait3A_702 = arith.constant 0 : i32
      %dma_wait3A_703 = tpu.memref_slice %arg8[%arg0, %arg1, %dma_wait3A_701, %dma_wait3A_702] : memref<2x16x1568x32xf32, #tpu.memory_space<hbm>> -> memref<1x1x392x32xf32, #tpu.memory_space<hbm>>
      %dma_wait3A_704 = tpu.memref_squeeze %dma_wait3A_703 : memref<1x1x392x32xf32, #tpu.memory_space<hbm>> -> memref<392x32xf32, #tpu.memory_space<hbm>>
      tpu.wait_dma2 semaphore(%run_scoped3A : memref<!tpu.dma_semaphore, #tpu.memory_space<semaphore_mem>>) src(%arg21 : memref<392x32xf32, #tpu.memory_space<vmem>>) dst(%dma_wait3A_704 : memref<392x32xf32, #tpu.memory_space<hbm>>)
      tpu.yield
    }) : () -> ()
    %mul3A_676 = arith.constant 1568 : i32
    %mul3A_677 = arith.muli %arg1, %mul3A_676 : i32
    %add3A_678 = arith.constant 392 : i32
    %add3A_679 = arith.addi %mul3A_677, %add3A_678 : i32
    "tpu.region"() ({
      %run_scoped3A = tpu.sem_alloc : memref<!tpu.dma_semaphore, #tpu.memory_space<semaphore_mem>>
      %dma_start3A_689 = arith.constant 0 : i32
      %dma_start3A_690 = tpu.memref_slice %arg22[%add3A_679, %dma_start3A_689] : memref<25088x32xf32, #tpu.memory_space<vmem_shared>> -> memref<392x32xf32, #tpu.memory_space<vmem_shared>>
      %dma_start3A_691 = arith.constant 0 : i32
      %dma_start3A_692 = tpu.memref_slice %arg22[%add3A_679, %dma_start3A_691] : memref<25088x32xf32, #tpu.memory_space<vmem_shared>> -> memref<392x32xf32, #tpu.memory_space<vmem_shared>>
      tpu.enqueue_dma source(%dma_start3A_692 : memref<392x32xf32, #tpu.memory_space<vmem_shared>>) target(%arg21 : memref<392x32xf32, #tpu.memory_space<vmem>>) target_semaphore(%run_scoped3A : memref<!tpu.dma_semaphore, #tpu.memory_space<semaphore_mem>>)
      %dma_wait3A_693 = arith.constant 0 : i32
      %dma_wait3A_694 = tpu.memref_slice %arg22[%add3A_679, %dma_wait3A_693] : memref<25088x32xf32, #tpu.memory_space<vmem_shared>> -> memref<392x32xf32, #tpu.memory_space<vmem_shared>>
      %dma_wait3A_695 = arith.constant 0 : i32
      %dma_wait3A_696 = tpu.memref_slice %arg22[%add3A_679, %dma_wait3A_695] : memref<25088x32xf32, #tpu.memory_space<vmem_shared>> -> memref<392x32xf32, #tpu.memory_space<vmem_shared>>
      tpu.wait_dma2 semaphore(%run_scoped3A : memref<!tpu.dma_semaphore, #tpu.memory_space<semaphore_mem>>) src(%dma_wait3A_696 : memref<392x32xf32, #tpu.memory_space<vmem_shared>>) dst(%arg21 : memref<392x32xf32, #tpu.memory_space<vmem>>)
      tpu.yield
    }) : () -> ()
    "tpu.region"() ({
      %run_scoped3A = tpu.sem_alloc : memref<!tpu.dma_semaphore, #tpu.memory_space<semaphore_mem>>
      %dma_start3A_689 = arith.constant 392 : i32
      %dma_start3A_690 = arith.constant 0 : i32
      %dma_start3A_691 = tpu.memref_slice %arg8[%arg0, %arg1, %dma_start3A_689, %dma_start3A_690] : memref<2x16x1568x32xf32, #tpu.memory_space<hbm>> -> memref<1x1x392x32xf32, #tpu.memory_space<hbm>>
      %dma_start3A_692 = tpu.memref_squeeze %dma_start3A_691 : memref<1x1x392x32xf32, #tpu.memory_space<hbm>> -> memref<392x32xf32, #tpu.memory_space<hbm>>
      %dma_start3A_693 = arith.constant 392 : i32
      %dma_start3A_694 = arith.constant 0 : i32
      %dma_start3A_695 = tpu.memref_slice %arg8[%arg0, %arg1, %dma_start3A_693, %dma_start3A_694] : memref<2x16x1568x32xf32, #tpu.memory_space<hbm>> -> memref<1x1x392x32xf32, #tpu.memory_space<hbm>>
      %dma_start3A_696 = tpu.memref_squeeze %dma_start3A_695 : memref<1x1x392x32xf32, #tpu.memory_space<hbm>> -> memref<392x32xf32, #tpu.memory_space<hbm>>
      tpu.enqueue_dma source(%arg21 : memref<392x32xf32, #tpu.memory_space<vmem>>) target(%dma_start3A_696 : memref<392x32xf32, #tpu.memory_space<hbm>>) target_semaphore(%run_scoped3A : memref<!tpu.dma_semaphore, #tpu.memory_space<semaphore_mem>>)
      %dma_wait3A_697 = arith.constant 392 : i32
      %dma_wait3A_698 = arith.constant 0 : i32
      %dma_wait3A_699 = tpu.memref_slice %arg8[%arg0, %arg1, %dma_wait3A_697, %dma_wait3A_698] : memref<2x16x1568x32xf32, #tpu.memory_space<hbm>> -> memref<1x1x392x32xf32, #tpu.memory_space<hbm>>
      %dma_wait3A_700 = tpu.memref_squeeze %dma_wait3A_699 : memref<1x1x392x32xf32, #tpu.memory_space<hbm>> -> memref<392x32xf32, #tpu.memory_space<hbm>>
      %dma_wait3A_701 = arith.constant 392 : i32
      %dma_wait3A_702 = arith.constant 0 : i32
      %dma_wait3A_703 = tpu.memref_slice %arg8[%arg0, %arg1, %dma_wait3A_701, %dma_wait3A_702] : memref<2x16x1568x32xf32, #tpu.memory_space<hbm>> -> memref<1x1x392x32xf32, #tpu.memory_space<hbm>>
      %dma_wait3A_704 = tpu.memref_squeeze %dma_wait3A_703 : memref<1x1x392x32xf32, #tpu.memory_space<hbm>> -> memref<392x32xf32, #tpu.memory_space<hbm>>
      tpu.wait_dma2 semaphore(%run_scoped3A : memref<!tpu.dma_semaphore, #tpu.memory_space<semaphore_mem>>) src(%arg21 : memref<392x32xf32, #tpu.memory_space<vmem>>) dst(%dma_wait3A_704 : memref<392x32xf32, #tpu.memory_space<hbm>>)
      tpu.yield
    }) : () -> ()
    %mul3A_680 = arith.constant 1568 : i32
    %mul3A_681 = arith.muli %arg1, %mul3A_680 : i32
    %add3A_682 = arith.constant 784 : i32
    %add3A_683 = arith.addi %mul3A_681, %add3A_682 : i32
    "tpu.region"() ({
      %run_scoped3A = tpu.sem_alloc : memref<!tpu.dma_semaphore, #tpu.memory_space<semaphore_mem>>
      %dma_start3A_689 = arith.constant 0 : i32
      %dma_start3A_690 = tpu.memref_slice %arg22[%add3A_683, %dma_start3A_689] : memref<25088x32xf32, #tpu.memory_space<vmem_shared>> -> memref<392x32xf32, #tpu.memory_space<vmem_shared>>
      %dma_start3A_691 = arith.constant 0 : i32
      %dma_start3A_692 = tpu.memref_slice %arg22[%add3A_683, %dma_start3A_691] : memref<25088x32xf32, #tpu.memory_space<vmem_shared>> -> memref<392x32xf32, #tpu.memory_space<vmem_shared>>
      tpu.enqueue_dma source(%dma_start3A_692 : memref<392x32xf32, #tpu.memory_space<vmem_shared>>) target(%arg21 : memref<392x32xf32, #tpu.memory_space<vmem>>) target_semaphore(%run_scoped3A : memref<!tpu.dma_semaphore, #tpu.memory_space<semaphore_mem>>)
      %dma_wait3A_693 = arith.constant 0 : i32
      %dma_wait3A_694 = tpu.memref_slice %arg22[%add3A_683, %dma_wait3A_693] : memref<25088x32xf32, #tpu.memory_space<vmem_shared>> -> memref<392x32xf32, #tpu.memory_space<vmem_shared>>
      %dma_wait3A_695 = arith.constant 0 : i32
      %dma_wait3A_696 = tpu.memref_slice %arg22[%add3A_683, %dma_wait3A_695] : memref<25088x32xf32, #tpu.memory_space<vmem_shared>> -> memref<392x32xf32, #tpu.memory_space<vmem_shared>>
      tpu.wait_dma2 semaphore(%run_scoped3A : memref<!tpu.dma_semaphore, #tpu.memory_space<semaphore_mem>>) src(%dma_wait3A_696 : memref<392x32xf32, #tpu.memory_space<vmem_shared>>) dst(%arg21 : memref<392x32xf32, #tpu.memory_space<vmem>>)
      tpu.yield
    }) : () -> ()
    "tpu.region"() ({
      %run_scoped3A = tpu.sem_alloc : memref<!tpu.dma_semaphore, #tpu.memory_space<semaphore_mem>>
      %dma_start3A_689 = arith.constant 784 : i32
      %dma_start3A_690 = arith.constant 0 : i32
      %dma_start3A_691 = tpu.memref_slice %arg8[%arg0, %arg1, %dma_start3A_689, %dma_start3A_690] : memref<2x16x1568x32xf32, #tpu.memory_space<hbm>> -> memref<1x1x392x32xf32, #tpu.memory_space<hbm>>
      %dma_start3A_692 = tpu.memref_squeeze %dma_start3A_691 : memref<1x1x392x32xf32, #tpu.memory_space<hbm>> -> memref<392x32xf32, #tpu.memory_space<hbm>>
      %dma_start3A_693 = arith.constant 784 : i32
      %dma_start3A_694 = arith.constant 0 : i32
      %dma_start3A_695 = tpu.memref_slice %arg8[%arg0, %arg1, %dma_start3A_693, %dma_start3A_694] : memref<2x16x1568x32xf32, #tpu.memory_space<hbm>> -> memref<1x1x392x32xf32, #tpu.memory_space<hbm>>
      %dma_start3A_696 = tpu.memref_squeeze %dma_start3A_695 : memref<1x1x392x32xf32, #tpu.memory_space<hbm>> -> memref<392x32xf32, #tpu.memory_space<hbm>>
      tpu.enqueue_dma source(%arg21 : memref<392x32xf32, #tpu.memory_space<vmem>>) target(%dma_start3A_696 : memref<392x32xf32, #tpu.memory_space<hbm>>) target_semaphore(%run_scoped3A : memref<!tpu.dma_semaphore, #tpu.memory_space<semaphore_mem>>)
      %dma_wait3A_697 = arith.constant 784 : i32
      %dma_wait3A_698 = arith.constant 0 : i32
      %dma_wait3A_699 = tpu.memref_slice %arg8[%arg0, %arg1, %dma_wait3A_697, %dma_wait3A_698] : memref<2x16x1568x32xf32, #tpu.memory_space<hbm>> -> memref<1x1x392x32xf32, #tpu.memory_space<hbm>>
      %dma_wait3A_700 = tpu.memref_squeeze %dma_wait3A_699 : memref<1x1x392x32xf32, #tpu.memory_space<hbm>> -> memref<392x32xf32, #tpu.memory_space<hbm>>
      %dma_wait3A_701 = arith.constant 784 : i32
      %dma_wait3A_702 = arith.constant 0 : i32
      %dma_wait3A_703 = tpu.memref_slice %arg8[%arg0, %arg1, %dma_wait3A_701, %dma_wait3A_702] : memref<2x16x1568x32xf32, #tpu.memory_space<hbm>> -> memref<1x1x392x32xf32, #tpu.memory_space<hbm>>
      %dma_wait3A_704 = tpu.memref_squeeze %dma_wait3A_703 : memref<1x1x392x32xf32, #tpu.memory_space<hbm>> -> memref<392x32xf32, #tpu.memory_space<hbm>>
      tpu.wait_dma2 semaphore(%run_scoped3A : memref<!tpu.dma_semaphore, #tpu.memory_space<semaphore_mem>>) src(%arg21 : memref<392x32xf32, #tpu.memory_space<vmem>>) dst(%dma_wait3A_704 : memref<392x32xf32, #tpu.memory_space<hbm>>)
      tpu.yield
    }) : () -> ()
    %mul3A_684 = arith.constant 1568 : i32
    %mul3A_685 = arith.muli %arg1, %mul3A_684 : i32
    %add3A_686 = arith.constant 1176 : i32
    %add3A_687 = arith.addi %mul3A_685, %add3A_686 : i32
    "tpu.region"() ({
      %run_scoped3A = tpu.sem_alloc : memref<!tpu.dma_semaphore, #tpu.memory_space<semaphore_mem>>
      %dma_start3A_689 = arith.constant 0 : i32
      %dma_start3A_690 = tpu.memref_slice %arg22[%add3A_687, %dma_start3A_689] : memref<25088x32xf32, #tpu.memory_space<vmem_shared>> -> memref<392x32xf32, #tpu.memory_space<vmem_shared>>
      %dma_start3A_691 = arith.constant 0 : i32
      %dma_start3A_692 = tpu.memref_slice %arg22[%add3A_687, %dma_start3A_691] : memref<25088x32xf32, #tpu.memory_space<vmem_shared>> -> memref<392x32xf32, #tpu.memory_space<vmem_shared>>
      tpu.enqueue_dma source(%dma_start3A_692 : memref<392x32xf32, #tpu.memory_space<vmem_shared>>) target(%arg21 : memref<392x32xf32, #tpu.memory_space<vmem>>) target_semaphore(%run_scoped3A : memref<!tpu.dma_semaphore, #tpu.memory_space<semaphore_mem>>)
      %dma_wait3A_693 = arith.constant 0 : i32
      %dma_wait3A_694 = tpu.memref_slice %arg22[%add3A_687, %dma_wait3A_693] : memref<25088x32xf32, #tpu.memory_space<vmem_shared>> -> memref<392x32xf32, #tpu.memory_space<vmem_shared>>
      %dma_wait3A_695 = arith.constant 0 : i32
      %dma_wait3A_696 = tpu.memref_slice %arg22[%add3A_687, %dma_wait3A_695] : memref<25088x32xf32, #tpu.memory_space<vmem_shared>> -> memref<392x32xf32, #tpu.memory_space<vmem_shared>>
      tpu.wait_dma2 semaphore(%run_scoped3A : memref<!tpu.dma_semaphore, #tpu.memory_space<semaphore_mem>>) src(%dma_wait3A_696 : memref<392x32xf32, #tpu.memory_space<vmem_shared>>) dst(%arg21 : memref<392x32xf32, #tpu.memory_space<vmem>>)
      tpu.yield
    }) : () -> ()
    "tpu.region"() ({
      %run_scoped3A = tpu.sem_alloc : memref<!tpu.dma_semaphore, #tpu.memory_space<semaphore_mem>>
      %dma_start3A_689 = arith.constant 1176 : i32
      %dma_start3A_690 = arith.constant 0 : i32
      %dma_start3A_691 = tpu.memref_slice %arg8[%arg0, %arg1, %dma_start3A_689, %dma_start3A_690] : memref<2x16x1568x32xf32, #tpu.memory_space<hbm>> -> memref<1x1x392x32xf32, #tpu.memory_space<hbm>>
      %dma_start3A_692 = tpu.memref_squeeze %dma_start3A_691 : memref<1x1x392x32xf32, #tpu.memory_space<hbm>> -> memref<392x32xf32, #tpu.memory_space<hbm>>
      %dma_start3A_693 = arith.constant 1176 : i32
      %dma_start3A_694 = arith.constant 0 : i32
      %dma_start3A_695 = tpu.memref_slice %arg8[%arg0, %arg1, %dma_start3A_693, %dma_start3A_694] : memref<2x16x1568x32xf32, #tpu.memory_space<hbm>> -> memref<1x1x392x32xf32, #tpu.memory_space<hbm>>
      %dma_start3A_696 = tpu.memref_squeeze %dma_start3A_695 : memref<1x1x392x32xf32, #tpu.memory_space<hbm>> -> memref<392x32xf32, #tpu.memory_space<hbm>>
      tpu.enqueue_dma source(%arg21 : memref<392x32xf32, #tpu.memory_space<vmem>>) target(%dma_start3A_696 : memref<392x32xf32, #tpu.memory_space<hbm>>) target_semaphore(%run_scoped3A : memref<!tpu.dma_semaphore, #tpu.memory_space<semaphore_mem>>)
      %dma_wait3A_697 = arith.constant 1176 : i32
      %dma_wait3A_698 = arith.constant 0 : i32
      %dma_wait3A_699 = tpu.memref_slice %arg8[%arg0, %arg1, %dma_wait3A_697, %dma_wait3A_698] : memref<2x16x1568x32xf32, #tpu.memory_space<hbm>> -> memref<1x1x392x32xf32, #tpu.memory_space<hbm>>
      %dma_wait3A_700 = tpu.memref_squeeze %dma_wait3A_699 : memref<1x1x392x32xf32, #tpu.memory_space<hbm>> -> memref<392x32xf32, #tpu.memory_space<hbm>>
      %dma_wait3A_701 = arith.constant 1176 : i32
      %dma_wait3A_702 = arith.constant 0 : i32
      %dma_wait3A_703 = tpu.memref_slice %arg8[%arg0, %arg1, %dma_wait3A_701, %dma_wait3A_702] : memref<2x16x1568x32xf32, #tpu.memory_space<hbm>> -> memref<1x1x392x32xf32, #tpu.memory_space<hbm>>
      %dma_wait3A_704 = tpu.memref_squeeze %dma_wait3A_703 : memref<1x1x392x32xf32, #tpu.memory_space<hbm>> -> memref<392x32xf32, #tpu.memory_space<hbm>>
      tpu.wait_dma2 semaphore(%run_scoped3A : memref<!tpu.dma_semaphore, #tpu.memory_space<semaphore_mem>>) src(%arg21 : memref<392x32xf32, #tpu.memory_space<vmem>>) dst(%dma_wait3A_704 : memref<392x32xf32, #tpu.memory_space<hbm>>)
      tpu.yield
    }) : () -> ()
    %barrier3A_688 = arith.constant 0 : index
    tpu.barrier barrier_id(%barrier3A_688)
    return
  }
}

#map = affine_map<(d0, d1) -> (0)>
#map1 = affine_map<(d0, d1) -> (0, 0, 0)>
module attributes {stable_mosaic.version = 14 : i64} {
  func.func @_sc_deg_body(%arg0: i32, %arg1: i32, %arg2: memref<800000xi32, #tpu.memory_space<hbm>>, %arg3: memref<1568xf32, #tpu.memory_space<hbm>>, %arg4: memref<2x16x1568xf32, #tpu.memory_space<hbm>>, %arg5: memref<2000xi32, #tpu.memory_space<vmem>>, %arg6: memref<2000xi32, #tpu.memory_space<vmem>>, %arg7: memref<2000xi32, #tpu.memory_space<vmem>>, %arg8: memref<2000xi32, #tpu.memory_space<vmem>>, %arg9: memref<2000xf32, #tpu.memory_space<vmem>>, %arg10: memref<1568xf32, #tpu.memory_space<vmem>>, %arg11: memref<25088xf32, #tpu.memory_space<vmem_shared>>, %arg12: memref<!tpu.dma_semaphore, #tpu.memory_space<semaphore_mem>>, %arg13: memref<!tpu.dma_semaphore, #tpu.memory_space<semaphore_mem>>, %arg14: memref<!tpu.dma_semaphore, #tpu.memory_space<semaphore_mem>>, %arg15: memref<!tpu.dma_semaphore, #tpu.memory_space<semaphore_mem>>, %arg16: memref<!tpu.dma_semaphore, #tpu.memory_space<semaphore_mem>>, %arg17: memref<!tpu.dma_semaphore, #tpu.memory_space<semaphore_mem>>) attributes {dimension_semantics = [#tpu.dimension_semantics<core_parallel>, #tpu.dimension_semantics<subcore_parallel>], iteration_bounds = array<i64: 2, 16>, scalar_prefetch = 0 : i64, scratch_operands = 13 : i64, tpu.core_type = #tpu.core_type<sc_vector_subcore>, window_params = [{transform_indices = #map}, {transform_indices = #map}, {transform_indices = #map1}]} {
    %mul3A = arith.constant 25000 : i32
    %mul3A_0 = arith.muli %arg0, %mul3A : i32
    %mul3A_1 = arith.constant 50000 : i32
    %mul3A_2 = arith.muli %arg1, %mul3A_1 : i32
    %scan3A = arith.constant 0 : i32
    %scan3A_3 = arith.constant 0 : i32
    %scan3A_4 = arith.constant 125 : i32
    %scan3A_5 = arith.addi %scan3A_3, %scan3A_4 : i32
    %scan3A_6 = arith.constant 1 : i32
    scf.for %scan3A_192 = %scan3A_3 to %scan3A_5 step %scan3A_6  : i32 {
      %broadcast_in_dim3A = arith.constant 1.000000e+00 : f32
      %broadcast_in_dim3A_193 = vector.broadcast %broadcast_in_dim3A : f32 to vector<16xf32>
      %mul3A_194 = arith.constant 16 : i32
      %mul3A_195 = arith.muli %scan3A_192, %mul3A_194 : i32
      %swap3A = arith.index_cast %mul3A_195 : i32 to index
      %swap3A_196 = tpu.vector_load %arg9[%swap3A] {strides = array<i32>} : memref<2000xf32, #tpu.memory_space<vmem>>, vector<16xf32>,
      %swap3A_197 = vector.shape_cast %swap3A_196 : vector<16xf32> to vector<16xf32>
      %swap3A_198 = vector.shape_cast %broadcast_in_dim3A_193 : vector<16xf32> to vector<16xf32>
      tpu.vector_store %arg9[%swap3A], %swap3A_198 {strides = array<i32>} : memref<2000xf32, #tpu.memory_space<vmem>>, vector<16xf32>,
    }
    %scan3A_7 = arith.constant 125 : i32
    "tpu.region"() ({
      %run_scoped3A = tpu.sem_alloc : memref<!tpu.dma_semaphore, #tpu.memory_space<semaphore_mem>>
      tpu.enqueue_dma source(%arg3 : memref<1568xf32, #tpu.memory_space<hbm>>) target(%arg10 : memref<1568xf32, #tpu.memory_space<vmem>>) target_semaphore(%run_scoped3A : memref<!tpu.dma_semaphore, #tpu.memory_space<semaphore_mem>>)
      tpu.wait_dma2 semaphore(%run_scoped3A : memref<!tpu.dma_semaphore, #tpu.memory_space<semaphore_mem>>) src(%arg3 : memref<1568xf32, #tpu.memory_space<hbm>>) dst(%arg10 : memref<1568xf32, #tpu.memory_space<vmem>>)
      tpu.yield
    }) : () -> ()
    %mul3A_8 = arith.constant 1568 : i32
    %mul3A_9 = arith.muli %arg1, %mul3A_8 : i32
    "tpu.region"() ({
      %run_scoped3A = tpu.sem_alloc : memref<!tpu.dma_semaphore, #tpu.memory_space<semaphore_mem>>
      %dma_start3A_192 = tpu.memref_slice %arg11[%mul3A_9] : memref<25088xf32, #tpu.memory_space<vmem_shared>> -> memref<1568xf32, #tpu.memory_space<vmem_shared>>
      %dma_start3A_193 = tpu.memref_slice %arg11[%mul3A_9] : memref<25088xf32, #tpu.memory_space<vmem_shared>> -> memref<1568xf32, #tpu.memory_space<vmem_shared>>
      tpu.enqueue_dma source(%arg10 : memref<1568xf32, #tpu.memory_space<vmem>>) target(%dma_start3A_193 : memref<1568xf32, #tpu.memory_space<vmem_shared>>) target_semaphore(%run_scoped3A : memref<!tpu.dma_semaphore, #tpu.memory_space<semaphore_mem>>)
      %dma_wait3A_194 = tpu.memref_slice %arg11[%mul3A_9] : memref<25088xf32, #tpu.memory_space<vmem_shared>> -> memref<1568xf32, #tpu.memory_space<vmem_shared>>
      %dma_wait3A_195 = tpu.memref_slice %arg11[%mul3A_9] : memref<25088xf32, #tpu.memory_space<vmem_shared>> -> memref<1568xf32, #tpu.memory_space<vmem_shared>>
      tpu.wait_dma2 semaphore(%run_scoped3A : memref<!tpu.dma_semaphore, #tpu.memory_space<semaphore_mem>>) src(%arg10 : memref<1568xf32, #tpu.memory_space<vmem>>) dst(%dma_wait3A_195 : memref<1568xf32, #tpu.memory_space<vmem_shared>>)
      tpu.yield
    }) : () -> ()
    %barrier3A = arith.constant 0 : index
    tpu.barrier barrier_id(%barrier3A)
    %add3A = arith.constant 0 : i32
    %add3A_10 = arith.addi %mul3A_2, %add3A : i32
    %add3A_11 = arith.constant 0 : i32
    %add3A_12 = arith.addi %add3A_10, %add3A_11 : i32
    %dma_start3A = tpu.memref_slice %arg2[%add3A_12] : memref<800000xi32, #tpu.memory_space<hbm>> -> memref<2000xi32, #tpu.memory_space<hbm>>
    %dma_start3A_13 = tpu.memref_slice %arg2[%add3A_12] : memref<800000xi32, #tpu.memory_space<hbm>> -> memref<2000xi32, #tpu.memory_space<hbm>>
    tpu.enqueue_dma source(%dma_start3A_13 : memref<2000xi32, #tpu.memory_space<hbm>>) target(%arg5 : memref<2000xi32, #tpu.memory_space<vmem>>) target_semaphore(%arg12 : memref<!tpu.dma_semaphore, #tpu.memory_space<semaphore_mem>>)
    %add3A_14 = arith.constant 2000 : i32
    %add3A_15 = arith.addi %add3A_10, %add3A_14 : i32
    %dma_start3A_16 = tpu.memref_slice %arg2[%add3A_15] : memref<800000xi32, #tpu.memory_space<hbm>> -> memref<2000xi32, #tpu.memory_space<hbm>>
    %dma_start3A_17 = tpu.memref_slice %arg2[%add3A_15] : memref<800000xi32, #tpu.memory_space<hbm>> -> memref<2000xi32, #tpu.memory_space<hbm>>
    tpu.enqueue_dma source(%dma_start3A_17 : memref<2000xi32, #tpu.memory_space<hbm>>) target(%arg6 : memref<2000xi32, #tpu.memory_space<vmem>>) target_semaphore(%arg12 : memref<!tpu.dma_semaphore, #tpu.memory_space<semaphore_mem>>)
    %add3A_18 = arith.constant 0 : i32
    %add3A_19 = arith.addi %mul3A_2, %add3A_18 : i32
    %add3A_20 = arith.constant 0 : i32
    %add3A_21 = arith.addi %add3A_19, %add3A_20 : i32
    %dma_wait3A = tpu.memref_slice %arg2[%add3A_21] : memref<800000xi32, #tpu.memory_space<hbm>> -> memref<2000xi32, #tpu.memory_space<hbm>>
    %dma_wait3A_22 = tpu.memref_slice %arg2[%add3A_21] : memref<800000xi32, #tpu.memory_space<hbm>> -> memref<2000xi32, #tpu.memory_space<hbm>>
    tpu.wait_dma2 semaphore(%arg12 : memref<!tpu.dma_semaphore, #tpu.memory_space<semaphore_mem>>) src(%dma_wait3A_22 : memref<2000xi32, #tpu.memory_space<hbm>>) dst(%arg5 : memref<2000xi32, #tpu.memory_space<vmem>>)
    %add3A_23 = arith.constant 2000 : i32
    %add3A_24 = arith.addi %add3A_19, %add3A_23 : i32
    %dma_wait3A_25 = tpu.memref_slice %arg2[%add3A_24] : memref<800000xi32, #tpu.memory_space<hbm>> -> memref<2000xi32, #tpu.memory_space<hbm>>
    %dma_wait3A_26 = tpu.memref_slice %arg2[%add3A_24] : memref<800000xi32, #tpu.memory_space<hbm>> -> memref<2000xi32, #tpu.memory_space<hbm>>
    tpu.wait_dma2 semaphore(%arg12 : memref<!tpu.dma_semaphore, #tpu.memory_space<semaphore_mem>>) src(%dma_wait3A_26 : memref<2000xi32, #tpu.memory_space<hbm>>) dst(%arg6 : memref<2000xi32, #tpu.memory_space<vmem>>)
    %iota3A = tpu.iota {dimensions = array<i32: 0>} : vector<16xi32>
    %scan3A_27 = arith.constant 0 : i32
    %scan3A_28 = arith.constant 0 : i32
    %scan3A_29 = arith.constant 125 : i32
    %scan3A_30 = arith.addi %scan3A_28, %scan3A_29 : i32
    %scan3A_31 = arith.constant 1 : i32
    scf.for %scan3A_192 = %scan3A_28 to %scan3A_30 step %scan3A_31  : i32 {
      %mul3A_193 = arith.constant 16 : i32
      %mul3A_194 = arith.muli %scan3A_192, %mul3A_193 : i32
      %get3A = arith.index_cast %mul3A_194 : i32 to index
      %get3A_195 = tpu.vector_load %arg5[%get3A] {strides = array<i32>} : memref<2000xi32, #tpu.memory_space<vmem>>, vector<16xi32>,
      %get3A_196 = vector.shape_cast %get3A_195 : vector<16xi32> to vector<16xi32>
      %sub3A = vector.broadcast %mul3A_0 : i32 to vector<16xi32>
      %sub3A_197 = arith.subi %get3A_196, %sub3A : vector<16xi32>
      %bitcast3A = vector.bitcast %sub3A_197 : vector<16xi32> to vector<16xi32>
      %lt3A = arith.constant 25000 : i32
      %lt3A_198 = vector.broadcast %lt3A : i32 to vector<16xi32>
      %lt3A_199 = arith.cmpi ult, %bitcast3A, %lt3A_198 : vector<16xi32>
      %add3A_200 = arith.constant 25000 : i32
      %add3A_201 = vector.broadcast %add3A_200 : i32 to vector<16xi32>
      %add3A_202 = arith.addi %add3A_201, %iota3A : vector<16xi32>
      %select_n3A = arith.select %lt3A_199, %sub3A_197, %add3A_202 : vector<16xi1>, vector<16xi32>
      %mul3A_203 = arith.constant 16 : i32
      %mul3A_204 = arith.muli %scan3A_192, %mul3A_203 : i32
      %swap3A = arith.index_cast %mul3A_204 : i32 to index
      %swap3A_205 = tpu.vector_load %arg5[%swap3A] {strides = array<i32>} : memref<2000xi32, #tpu.memory_space<vmem>>, vector<16xi32>,
      %swap3A_206 = vector.shape_cast %swap3A_205 : vector<16xi32> to vector<16xi32>
      %swap3A_207 = vector.shape_cast %select_n3A : vector<16xi32> to vector<16xi32>
      tpu.vector_store %arg5[%swap3A], %swap3A_207 {strides = array<i32>} : memref<2000xi32, #tpu.memory_space<vmem>>, vector<16xi32>,
    }
    %scan3A_32 = arith.constant 125 : i32
    %iota3A_33 = tpu.iota {dimensions = array<i32: 0>} : vector<16xi32>
    %scan3A_34 = arith.constant 0 : i32
    %scan3A_35 = arith.constant 0 : i32
    %scan3A_36 = arith.constant 125 : i32
    %scan3A_37 = arith.addi %scan3A_35, %scan3A_36 : i32
    %scan3A_38 = arith.constant 1 : i32
    scf.for %scan3A_192 = %scan3A_35 to %scan3A_37 step %scan3A_38  : i32 {
      %mul3A_193 = arith.constant 16 : i32
      %mul3A_194 = arith.muli %scan3A_192, %mul3A_193 : i32
      %get3A = arith.index_cast %mul3A_194 : i32 to index
      %get3A_195 = tpu.vector_load %arg6[%get3A] {strides = array<i32>} : memref<2000xi32, #tpu.memory_space<vmem>>, vector<16xi32>,
      %get3A_196 = vector.shape_cast %get3A_195 : vector<16xi32> to vector<16xi32>
      %sub3A = vector.broadcast %mul3A_0 : i32 to vector<16xi32>
      %sub3A_197 = arith.subi %get3A_196, %sub3A : vector<16xi32>
      %bitcast3A = vector.bitcast %sub3A_197 : vector<16xi32> to vector<16xi32>
      %lt3A = arith.constant 25000 : i32
      %lt3A_198 = vector.broadcast %lt3A : i32 to vector<16xi32>
      %lt3A_199 = arith.cmpi ult, %bitcast3A, %lt3A_198 : vector<16xi32>
      %add3A_200 = arith.constant 25000 : i32
      %add3A_201 = vector.broadcast %add3A_200 : i32 to vector<16xi32>
      %add3A_202 = arith.addi %add3A_201, %iota3A_33 : vector<16xi32>
      %select_n3A = arith.select %lt3A_199, %sub3A_197, %add3A_202 : vector<16xi1>, vector<16xi32>
      %mul3A_203 = arith.constant 16 : i32
      %mul3A_204 = arith.muli %scan3A_192, %mul3A_203 : i32
      %swap3A = arith.index_cast %mul3A_204 : i32 to index
      %swap3A_205 = tpu.vector_load %arg6[%swap3A] {strides = array<i32>} : memref<2000xi32, #tpu.memory_space<vmem>>, vector<16xi32>,
      %swap3A_206 = vector.shape_cast %swap3A_205 : vector<16xi32> to vector<16xi32>
      %swap3A_207 = vector.shape_cast %select_n3A : vector<16xi32> to vector<16xi32>
      tpu.vector_store %arg6[%swap3A], %swap3A_207 {strides = array<i32>} : memref<2000xi32, #tpu.memory_space<vmem>>, vector<16xi32>,
    }
    %scan3A_39 = arith.constant 125 : i32
    %add3A_40 = arith.constant 4000 : i32
    %add3A_41 = arith.addi %mul3A_2, %add3A_40 : i32
    %add3A_42 = arith.constant 0 : i32
    %add3A_43 = arith.addi %add3A_41, %add3A_42 : i32
    %dma_start3A_44 = tpu.memref_slice %arg2[%add3A_43] : memref<800000xi32, #tpu.memory_space<hbm>> -> memref<2000xi32, #tpu.memory_space<hbm>>
    %dma_start3A_45 = tpu.memref_slice %arg2[%add3A_43] : memref<800000xi32, #tpu.memory_space<hbm>> -> memref<2000xi32, #tpu.memory_space<hbm>>
    tpu.enqueue_dma source(%dma_start3A_45 : memref<2000xi32, #tpu.memory_space<hbm>>) target(%arg7 : memref<2000xi32, #tpu.memory_space<vmem>>) target_semaphore(%arg13 : memref<!tpu.dma_semaphore, #tpu.memory_space<semaphore_mem>>)
    %add3A_46 = arith.constant 2000 : i32
    %add3A_47 = arith.addi %add3A_41, %add3A_46 : i32
    %dma_start3A_48 = tpu.memref_slice %arg2[%add3A_47] : memref<800000xi32, #tpu.memory_space<hbm>> -> memref<2000xi32, #tpu.memory_space<hbm>>
    %dma_start3A_49 = tpu.memref_slice %arg2[%add3A_47] : memref<800000xi32, #tpu.memory_space<hbm>> -> memref<2000xi32, #tpu.memory_space<hbm>>
    tpu.enqueue_dma source(%dma_start3A_49 : memref<2000xi32, #tpu.memory_space<hbm>>) target(%arg8 : memref<2000xi32, #tpu.memory_space<vmem>>) target_semaphore(%arg13 : memref<!tpu.dma_semaphore, #tpu.memory_space<semaphore_mem>>)
    %dma_start3A_50 = arith.constant 0 : i32
    %dma_start3A_51 = tpu.memref_slice %arg11[%dma_start3A_50] : memref<25088xf32, #tpu.memory_space<vmem_shared>> -> memref<25088xf32, #tpu.memory_space<vmem_shared>>
    tpu.enqueue_indirect_dma source(%arg9 : memref<2000xf32, #tpu.memory_space<vmem>>) target(%dma_start3A_51 : memref<25088xf32, #tpu.memory_space<vmem_shared>>) offsets(%arg5 : memref<2000xi32, #tpu.memory_space<vmem>>) semaphore(%arg14 : memref<!tpu.dma_semaphore, #tpu.memory_space<semaphore_mem>>) {add = true}
    %dma_start3A_52 = arith.constant 0 : i32
    %dma_start3A_53 = tpu.memref_slice %arg11[%dma_start3A_52] : memref<25088xf32, #tpu.memory_space<vmem_shared>> -> memref<25088xf32, #tpu.memory_space<vmem_shared>>
    tpu.enqueue_indirect_dma source(%arg9 : memref<2000xf32, #tpu.memory_space<vmem>>) target(%dma_start3A_53 : memref<25088xf32, #tpu.memory_space<vmem_shared>>) offsets(%arg6 : memref<2000xi32, #tpu.memory_space<vmem>>) semaphore(%arg15 : memref<!tpu.dma_semaphore, #tpu.memory_space<semaphore_mem>>) {add = true}
    %add3A_54 = arith.constant 4000 : i32
    %add3A_55 = arith.addi %mul3A_2, %add3A_54 : i32
    %add3A_56 = arith.constant 0 : i32
    %add3A_57 = arith.addi %add3A_55, %add3A_56 : i32
    %dma_wait3A_58 = tpu.memref_slice %arg2[%add3A_57] : memref<800000xi32, #tpu.memory_space<hbm>> -> memref<2000xi32, #tpu.memory_space<hbm>>
    %dma_wait3A_59 = tpu.memref_slice %arg2[%add3A_57] : memref<800000xi32, #tpu.memory_space<hbm>> -> memref<2000xi32, #tpu.memory_space<hbm>>
    tpu.wait_dma2 semaphore(%arg13 : memref<!tpu.dma_semaphore, #tpu.memory_space<semaphore_mem>>) src(%dma_wait3A_59 : memref<2000xi32, #tpu.memory_space<hbm>>) dst(%arg7 : memref<2000xi32, #tpu.memory_space<vmem>>)
    %add3A_60 = arith.constant 2000 : i32
    %add3A_61 = arith.addi %add3A_55, %add3A_60 : i32
    %dma_wait3A_62 = tpu.memref_slice %arg2[%add3A_61] : memref<800000xi32, #tpu.memory_space<hbm>> -> memref<2000xi32, #tpu.memory_space<hbm>>
    %dma_wait3A_63 = tpu.memref_slice %arg2[%add3A_61] : memref<800000xi32, #tpu.memory_space<hbm>> -> memref<2000xi32, #tpu.memory_space<hbm>>
    tpu.wait_dma2 semaphore(%arg13 : memref<!tpu.dma_semaphore, #tpu.memory_space<semaphore_mem>>) src(%dma_wait3A_63 : memref<2000xi32, #tpu.memory_space<hbm>>) dst(%arg8 : memref<2000xi32, #tpu.memory_space<vmem>>)
    %iota3A_64 = tpu.iota {dimensions = array<i32: 0>} : vector<16xi32>
    %scan3A_65 = arith.constant 0 : i32
    %scan3A_66 = arith.constant 0 : i32
    %scan3A_67 = arith.constant 125 : i32
    %scan3A_68 = arith.addi %scan3A_66, %scan3A_67 : i32
    %scan3A_69 = arith.constant 1 : i32
    scf.for %scan3A_192 = %scan3A_66 to %scan3A_68 step %scan3A_69  : i32 {
      %mul3A_193 = arith.constant 16 : i32
      %mul3A_194 = arith.muli %scan3A_192, %mul3A_193 : i32
      %get3A = arith.index_cast %mul3A_194 : i32 to index
      %get3A_195 = tpu.vector_load %arg7[%get3A] {strides = array<i32>} : memref<2000xi32, #tpu.memory_space<vmem>>, vector<16xi32>,
      %get3A_196 = vector.shape_cast %get3A_195 : vector<16xi32> to vector<16xi32>
      %sub3A = vector.broadcast %mul3A_0 : i32 to vector<16xi32>
      %sub3A_197 = arith.subi %get3A_196, %sub3A : vector<16xi32>
      %bitcast3A = vector.bitcast %sub3A_197 : vector<16xi32> to vector<16xi32>
      %lt3A = arith.constant 25000 : i32
      %lt3A_198 = vector.broadcast %lt3A : i32 to vector<16xi32>
      %lt3A_199 = arith.cmpi ult, %bitcast3A, %lt3A_198 : vector<16xi32>
      %add3A_200 = arith.constant 25000 : i32
      %add3A_201 = vector.broadcast %add3A_200 : i32 to vector<16xi32>
      %add3A_202 = arith.addi %add3A_201, %iota3A_64 : vector<16xi32>
      %select_n3A = arith.select %lt3A_199, %sub3A_197, %add3A_202 : vector<16xi1>, vector<16xi32>
      %mul3A_203 = arith.constant 16 : i32
      %mul3A_204 = arith.muli %scan3A_192, %mul3A_203 : i32
      %swap3A = arith.index_cast %mul3A_204 : i32 to index
      %swap3A_205 = tpu.vector_load %arg7[%swap3A] {strides = array<i32>} : memref<2000xi32, #tpu.memory_space<vmem>>, vector<16xi32>,
      %swap3A_206 = vector.shape_cast %swap3A_205 : vector<16xi32> to vector<16xi32>
      %swap3A_207 = vector.shape_cast %select_n3A : vector<16xi32> to vector<16xi32>
      tpu.vector_store %arg7[%swap3A], %swap3A_207 {strides = array<i32>} : memref<2000xi32, #tpu.memory_space<vmem>>, vector<16xi32>,
    }
    %scan3A_70 = arith.constant 125 : i32
    %iota3A_71 = tpu.iota {dimensions = array<i32: 0>} : vector<16xi32>
    %scan3A_72 = arith.constant 0 : i32
    %scan3A_73 = arith.constant 0 : i32
    %scan3A_74 = arith.constant 125 : i32
    %scan3A_75 = arith.addi %scan3A_73, %scan3A_74 : i32
    %scan3A_76 = arith.constant 1 : i32
    scf.for %scan3A_192 = %scan3A_73 to %scan3A_75 step %scan3A_76  : i32 {
      %mul3A_193 = arith.constant 16 : i32
      %mul3A_194 = arith.muli %scan3A_192, %mul3A_193 : i32
      %get3A = arith.index_cast %mul3A_194 : i32 to index
      %get3A_195 = tpu.vector_load %arg8[%get3A] {strides = array<i32>} : memref<2000xi32, #tpu.memory_space<vmem>>, vector<16xi32>,
      %get3A_196 = vector.shape_cast %get3A_195 : vector<16xi32> to vector<16xi32>
      %sub3A = vector.broadcast %mul3A_0 : i32 to vector<16xi32>
      %sub3A_197 = arith.subi %get3A_196, %sub3A : vector<16xi32>
      %bitcast3A = vector.bitcast %sub3A_197 : vector<16xi32> to vector<16xi32>
      %lt3A = arith.constant 25000 : i32
      %lt3A_198 = vector.broadcast %lt3A : i32 to vector<16xi32>
      %lt3A_199 = arith.cmpi ult, %bitcast3A, %lt3A_198 : vector<16xi32>
      %add3A_200 = arith.constant 25000 : i32
      %add3A_201 = vector.broadcast %add3A_200 : i32 to vector<16xi32>
      %add3A_202 = arith.addi %add3A_201, %iota3A_71 : vector<16xi32>
      %select_n3A = arith.select %lt3A_199, %sub3A_197, %add3A_202 : vector<16xi1>, vector<16xi32>
      %mul3A_203 = arith.constant 16 : i32
      %mul3A_204 = arith.muli %scan3A_192, %mul3A_203 : i32
      %swap3A = arith.index_cast %mul3A_204 : i32 to index
      %swap3A_205 = tpu.vector_load %arg8[%swap3A] {strides = array<i32>} : memref<2000xi32, #tpu.memory_space<vmem>>, vector<16xi32>,
      %swap3A_206 = vector.shape_cast %swap3A_205 : vector<16xi32> to vector<16xi32>
      %swap3A_207 = vector.shape_cast %select_n3A : vector<16xi32> to vector<16xi32>
      tpu.vector_store %arg8[%swap3A], %swap3A_207 {strides = array<i32>} : memref<2000xi32, #tpu.memory_space<vmem>>, vector<16xi32>,
    }
    %scan3A_77 = arith.constant 125 : i32
    %dma_wait3A_78 = arith.constant 0 : i32
    %dma_wait3A_79 = tpu.memref_slice %arg11[%dma_wait3A_78] : memref<25088xf32, #tpu.memory_space<vmem_shared>> -> memref<25088xf32, #tpu.memory_space<vmem_shared>>
    tpu.wait_indirect_dma semaphore(%arg14 : memref<!tpu.dma_semaphore, #tpu.memory_space<semaphore_mem>>) src(%arg9 : memref<2000xf32, #tpu.memory_space<vmem>>) dst(%dma_wait3A_79 : memref<25088xf32, #tpu.memory_space<vmem_shared>>)
    %dma_wait3A_80 = arith.constant 0 : i32
    %dma_wait3A_81 = tpu.memref_slice %arg11[%dma_wait3A_80] : memref<25088xf32, #tpu.memory_space<vmem_shared>> -> memref<25088xf32, #tpu.memory_space<vmem_shared>>
    tpu.wait_indirect_dma semaphore(%arg15 : memref<!tpu.dma_semaphore, #tpu.memory_space<semaphore_mem>>) src(%arg9 : memref<2000xf32, #tpu.memory_space<vmem>>) dst(%dma_wait3A_81 : memref<25088xf32, #tpu.memory_space<vmem_shared>>)
    %add3A_82 = arith.constant 8000 : i32
    %add3A_83 = arith.addi %mul3A_2, %add3A_82 : i32
    %add3A_84 = arith.constant 0 : i32
    %add3A_85 = arith.addi %add3A_83, %add3A_84 : i32
    %dma_start3A_86 = tpu.memref_slice %arg2[%add3A_85] : memref<800000xi32, #tpu.memory_space<hbm>> -> memref<2000xi32, #tpu.memory_space<hbm>>
    %dma_start3A_87 = tpu.memref_slice %arg2[%add3A_85] : memref<800000xi32, #tpu.memory_space<hbm>> -> memref<2000xi32, #tpu.memory_space<hbm>>
    tpu.enqueue_dma source(%dma_start3A_87 : memref<2000xi32, #tpu.memory_space<hbm>>) target(%arg5 : memref<2000xi32, #tpu.memory_space<vmem>>) target_semaphore(%arg12 : memref<!tpu.dma_semaphore, #tpu.memory_space<semaphore_mem>>)
    %add3A_88 = arith.constant 2000 : i32
    %add3A_89 = arith.addi %add3A_83, %add3A_88 : i32
    %dma_start3A_90 = tpu.memref_slice %arg2[%add3A_89] : memref<800000xi32, #tpu.memory_space<hbm>> -> memref<2000xi32, #tpu.memory_space<hbm>>
    %dma_start3A_91 = tpu.memref_slice %arg2[%add3A_89] : memref<800000xi32, #tpu.memory_space<hbm>> -> memref<2000xi32, #tpu.memory_space<hbm>>
    tpu.enqueue_dma source(%dma_start3A_91 : memref<2000xi32, #tpu.memory_space<hbm>>) target(%arg6 : memref<2000xi32, #tpu.memory_space<vmem>>) target_semaphore(%arg12 : memref<!tpu.dma_semaphore, #tpu.memory_space<semaphore_mem>>)
    %dma_start3A_92 = arith.constant 0 : i32
    %dma_start3A_93 = tpu.memref_slice %arg11[%dma_start3A_92] : memref<25088xf32, #tpu.memory_space<vmem_shared>> -> memref<25088xf32, #tpu.memory_space<vmem_shared>>
    tpu.enqueue_indirect_dma source(%arg9 : memref<2000xf32, #tpu.memory_space<vmem>>) target(%dma_start3A_93 : memref<25088xf32, #tpu.memory_space<vmem_shared>>) offsets(%arg7 : memref<2000xi32, #tpu.memory_space<vmem>>) semaphore(%arg16 : memref<!tpu.dma_semaphore, #tpu.memory_space<semaphore_mem>>) {add = true}
    %dma_start3A_94 = arith.constant 0 : i32
    %dma_start3A_95 = tpu.memref_slice %arg11[%dma_start3A_94] : memref<25088xf32, #tpu.memory_space<vmem_shared>> -> memref<25088xf32, #tpu.memory_space<vmem_shared>>
    tpu.enqueue_indirect_dma source(%arg9 : memref<2000xf32, #tpu.memory_space<vmem>>) target(%dma_start3A_95 : memref<25088xf32, #tpu.memory_space<vmem_shared>>) offsets(%arg8 : memref<2000xi32, #tpu.memory_space<vmem>>) semaphore(%arg17 : memref<!tpu.dma_semaphore, #tpu.memory_space<semaphore_mem>>) {add = true}
    %scan3A_96 = arith.constant 0 : i32
    %scan3A_97 = arith.constant 0 : i32
    %scan3A_98 = arith.constant 4 : i32
    %scan3A_99 = arith.addi %scan3A_97, %scan3A_98 : i32
    %scan3A_100 = arith.constant 1 : i32
    scf.for %scan3A_192 = %scan3A_97 to %scan3A_99 step %scan3A_100  : i32 {
      %mul3A_193 = arith.constant 2 : i32
      %mul3A_194 = arith.muli %mul3A_193, %scan3A_192 : i32
      %add3A_195 = arith.constant 2 : i32
      %add3A_196 = arith.addi %add3A_195, %mul3A_194 : i32
      %mul3A_197 = arith.constant 4000 : i32
      %mul3A_198 = arith.muli %add3A_196, %mul3A_197 : i32
      %add3A_199 = arith.addi %mul3A_2, %mul3A_198 : i32
      %add3A_200 = arith.constant 0 : i32
      %add3A_201 = arith.addi %add3A_199, %add3A_200 : i32
      %dma_wait3A_202 = tpu.memref_slice %arg2[%add3A_201] : memref<800000xi32, #tpu.memory_space<hbm>> -> memref<2000xi32, #tpu.memory_space<hbm>>
      %dma_wait3A_203 = tpu.memref_slice %arg2[%add3A_201] : memref<800000xi32, #tpu.memory_space<hbm>> -> memref<2000xi32, #tpu.memory_space<hbm>>
      tpu.wait_dma2 semaphore(%arg12 : memref<!tpu.dma_semaphore, #tpu.memory_space<semaphore_mem>>) src(%dma_wait3A_203 : memref<2000xi32, #tpu.memory_space<hbm>>) dst(%arg5 : memref<2000xi32, #tpu.memory_space<vmem>>)
      %add3A_204 = arith.constant 2000 : i32
      %add3A_205 = arith.addi %add3A_199, %add3A_204 : i32
      %dma_wait3A_206 = tpu.memref_slice %arg2[%add3A_205] : memref<800000xi32, #tpu.memory_space<hbm>> -> memref<2000xi32, #tpu.memory_space<hbm>>
      %dma_wait3A_207 = tpu.memref_slice %arg2[%add3A_205] : memref<800000xi32, #tpu.memory_space<hbm>> -> memref<2000xi32, #tpu.memory_space<hbm>>
      tpu.wait_dma2 semaphore(%arg12 : memref<!tpu.dma_semaphore, #tpu.memory_space<semaphore_mem>>) src(%dma_wait3A_207 : memref<2000xi32, #tpu.memory_space<hbm>>) dst(%arg6 : memref<2000xi32, #tpu.memory_space<vmem>>)
      %iota3A_208 = tpu.iota {dimensions = array<i32: 0>} : vector<16xi32>
      %scan3A_209 = arith.constant 0 : i32
      %scan3A_210 = arith.constant 0 : i32
      %scan3A_211 = arith.constant 125 : i32
      %scan3A_212 = arith.addi %scan3A_210, %scan3A_211 : i32
      %scan3A_213 = arith.constant 1 : i32
      scf.for %scan3A_291 = %scan3A_210 to %scan3A_212 step %scan3A_213  : i32 {
        %mul3A_292 = arith.constant 16 : i32
        %mul3A_293 = arith.muli %scan3A_291, %mul3A_292 : i32
        %get3A = arith.index_cast %mul3A_293 : i32 to index
        %get3A_294 = tpu.vector_load %arg5[%get3A] {strides = array<i32>} : memref<2000xi32, #tpu.memory_space<vmem>>, vector<16xi32>,
        %get3A_295 = vector.shape_cast %get3A_294 : vector<16xi32> to vector<16xi32>
        %sub3A = vector.broadcast %mul3A_0 : i32 to vector<16xi32>
        %sub3A_296 = arith.subi %get3A_295, %sub3A : vector<16xi32>
        %bitcast3A = vector.bitcast %sub3A_296 : vector<16xi32> to vector<16xi32>
        %lt3A = arith.constant 25000 : i32
        %lt3A_297 = vector.broadcast %lt3A : i32 to vector<16xi32>
        %lt3A_298 = arith.cmpi ult, %bitcast3A, %lt3A_297 : vector<16xi32>
        %add3A_299 = arith.constant 25000 : i32
        %add3A_300 = vector.broadcast %add3A_299 : i32 to vector<16xi32>
        %add3A_301 = arith.addi %add3A_300, %iota3A_208 : vector<16xi32>
        %select_n3A = arith.select %lt3A_298, %sub3A_296, %add3A_301 : vector<16xi1>, vector<16xi32>
        %mul3A_302 = arith.constant 16 : i32
        %mul3A_303 = arith.muli %scan3A_291, %mul3A_302 : i32
        %swap3A = arith.index_cast %mul3A_303 : i32 to index
        %swap3A_304 = tpu.vector_load %arg5[%swap3A] {strides = array<i32>} : memref<2000xi32, #tpu.memory_space<vmem>>, vector<16xi32>,
        %swap3A_305 = vector.shape_cast %swap3A_304 : vector<16xi32> to vector<16xi32>
        %swap3A_306 = vector.shape_cast %select_n3A : vector<16xi32> to vector<16xi32>
        tpu.vector_store %arg5[%swap3A], %swap3A_306 {strides = array<i32>} : memref<2000xi32, #tpu.memory_space<vmem>>, vector<16xi32>,
      }
      %scan3A_214 = arith.constant 125 : i32
      %iota3A_215 = tpu.iota {dimensions = array<i32: 0>} : vector<16xi32>
      %scan3A_216 = arith.constant 0 : i32
      %scan3A_217 = arith.constant 0 : i32
      %scan3A_218 = arith.constant 125 : i32
      %scan3A_219 = arith.addi %scan3A_217, %scan3A_218 : i32
      %scan3A_220 = arith.constant 1 : i32
      scf.for %scan3A_291 = %scan3A_217 to %scan3A_219 step %scan3A_220  : i32 {
        %mul3A_292 = arith.constant 16 : i32
        %mul3A_293 = arith.muli %scan3A_291, %mul3A_292 : i32
        %get3A = arith.index_cast %mul3A_293 : i32 to index
        %get3A_294 = tpu.vector_load %arg6[%get3A] {strides = array<i32>} : memref<2000xi32, #tpu.memory_space<vmem>>, vector<16xi32>,
        %get3A_295 = vector.shape_cast %get3A_294 : vector<16xi32> to vector<16xi32>
        %sub3A = vector.broadcast %mul3A_0 : i32 to vector<16xi32>
        %sub3A_296 = arith.subi %get3A_295, %sub3A : vector<16xi32>
        %bitcast3A = vector.bitcast %sub3A_296 : vector<16xi32> to vector<16xi32>
        %lt3A = arith.constant 25000 : i32
        %lt3A_297 = vector.broadcast %lt3A : i32 to vector<16xi32>
        %lt3A_298 = arith.cmpi ult, %bitcast3A, %lt3A_297 : vector<16xi32>
        %add3A_299 = arith.constant 25000 : i32
        %add3A_300 = vector.broadcast %add3A_299 : i32 to vector<16xi32>
        %add3A_301 = arith.addi %add3A_300, %iota3A_215 : vector<16xi32>
        %select_n3A = arith.select %lt3A_298, %sub3A_296, %add3A_301 : vector<16xi1>, vector<16xi32>
        %mul3A_302 = arith.constant 16 : i32
        %mul3A_303 = arith.muli %scan3A_291, %mul3A_302 : i32
        %swap3A = arith.index_cast %mul3A_303 : i32 to index
        %swap3A_304 = tpu.vector_load %arg6[%swap3A] {strides = array<i32>} : memref<2000xi32, #tpu.memory_space<vmem>>, vector<16xi32>,
        %swap3A_305 = vector.shape_cast %swap3A_304 : vector<16xi32> to vector<16xi32>
        %swap3A_306 = vector.shape_cast %select_n3A : vector<16xi32> to vector<16xi32>
        tpu.vector_store %arg6[%swap3A], %swap3A_306 {strides = array<i32>} : memref<2000xi32, #tpu.memory_space<vmem>>, vector<16xi32>,
      }
      %scan3A_221 = arith.constant 125 : i32
      %dma_wait3A_222 = arith.constant 0 : i32
      %dma_wait3A_223 = tpu.memref_slice %arg11[%dma_wait3A_222] : memref<25088xf32, #tpu.memory_space<vmem_shared>> -> memref<25088xf32, #tpu.memory_space<vmem_shared>>
      tpu.wait_indirect_dma semaphore(%arg16 : memref<!tpu.dma_semaphore, #tpu.memory_space<semaphore_mem>>) src(%arg9 : memref<2000xf32, #tpu.memory_space<vmem>>) dst(%dma_wait3A_223 : memref<25088xf32, #tpu.memory_space<vmem_shared>>)
      %dma_wait3A_224 = arith.constant 0 : i32
      %dma_wait3A_225 = tpu.memref_slice %arg11[%dma_wait3A_224] : memref<25088xf32, #tpu.memory_space<vmem_shared>> -> memref<25088xf32, #tpu.memory_space<vmem_shared>>
      tpu.wait_indirect_dma semaphore(%arg17 : memref<!tpu.dma_semaphore, #tpu.memory_space<semaphore_mem>>) src(%arg9 : memref<2000xf32, #tpu.memory_space<vmem>>) dst(%dma_wait3A_225 : memref<25088xf32, #tpu.memory_space<vmem_shared>>)
      %add3A_226 = arith.constant 1 : i32
      %add3A_227 = arith.addi %add3A_196, %add3A_226 : i32
      %mul3A_228 = arith.constant 4000 : i32
      %mul3A_229 = arith.muli %add3A_227, %mul3A_228 : i32
      %add3A_230 = arith.addi %mul3A_2, %mul3A_229 : i32
      %add3A_231 = arith.constant 0 : i32
      %add3A_232 = arith.addi %add3A_230, %add3A_231 : i32
      %dma_start3A_233 = tpu.memref_slice %arg2[%add3A_232] : memref<800000xi32, #tpu.memory_space<hbm>> -> memref<2000xi32, #tpu.memory_space<hbm>>
      %dma_start3A_234 = tpu.memref_slice %arg2[%add3A_232] : memref<800000xi32, #tpu.memory_space<hbm>> -> memref<2000xi32, #tpu.memory_space<hbm>>
      tpu.enqueue_dma source(%dma_start3A_234 : memref<2000xi32, #tpu.memory_space<hbm>>) target(%arg7 : memref<2000xi32, #tpu.memory_space<vmem>>) target_semaphore(%arg13 : memref<!tpu.dma_semaphore, #tpu.memory_space<semaphore_mem>>)
      %add3A_235 = arith.constant 2000 : i32
      %add3A_236 = arith.addi %add3A_230, %add3A_235 : i32
      %dma_start3A_237 = tpu.memref_slice %arg2[%add3A_236] : memref<800000xi32, #tpu.memory_space<hbm>> -> memref<2000xi32, #tpu.memory_space<hbm>>
      %dma_start3A_238 = tpu.memref_slice %arg2[%add3A_236] : memref<800000xi32, #tpu.memory_space<hbm>> -> memref<2000xi32, #tpu.memory_space<hbm>>
      tpu.enqueue_dma source(%dma_start3A_238 : memref<2000xi32, #tpu.memory_space<hbm>>) target(%arg8 : memref<2000xi32, #tpu.memory_space<vmem>>) target_semaphore(%arg13 : memref<!tpu.dma_semaphore, #tpu.memory_space<semaphore_mem>>)
      %dma_start3A_239 = arith.constant 0 : i32
      %dma_start3A_240 = tpu.memref_slice %arg11[%dma_start3A_239] : memref<25088xf32, #tpu.memory_space<vmem_shared>> -> memref<25088xf32, #tpu.memory_space<vmem_shared>>
      tpu.enqueue_indirect_dma source(%arg9 : memref<2000xf32, #tpu.memory_space<vmem>>) target(%dma_start3A_240 : memref<25088xf32, #tpu.memory_space<vmem_shared>>) offsets(%arg5 : memref<2000xi32, #tpu.memory_space<vmem>>) semaphore(%arg14 : memref<!tpu.dma_semaphore, #tpu.memory_space<semaphore_mem>>) {add = true}
      %dma_start3A_241 = arith.constant 0 : i32
      %dma_start3A_242 = tpu.memref_slice %arg11[%dma_start3A_241] : memref<25088xf32, #tpu.memory_space<vmem_shared>> -> memref<25088xf32, #tpu.memory_space<vmem_shared>>
      tpu.enqueue_indirect_dma source(%arg9 : memref<2000xf32, #tpu.memory_space<vmem>>) target(%dma_start3A_242 : memref<25088xf32, #tpu.memory_space<vmem_shared>>) offsets(%arg6 : memref<2000xi32, #tpu.memory_space<vmem>>) semaphore(%arg15 : memref<!tpu.dma_semaphore, #tpu.memory_space<semaphore_mem>>) {add = true}
      %add3A_243 = arith.constant 1 : i32
      %add3A_244 = arith.addi %add3A_196, %add3A_243 : i32
      %mul3A_245 = arith.constant 4000 : i32
      %mul3A_246 = arith.muli %add3A_244, %mul3A_245 : i32
      %add3A_247 = arith.addi %mul3A_2, %mul3A_246 : i32
      %add3A_248 = arith.constant 0 : i32
      %add3A_249 = arith.addi %add3A_247, %add3A_248 : i32
      %dma_wait3A_250 = tpu.memref_slice %arg2[%add3A_249] : memref<800000xi32, #tpu.memory_space<hbm>> -> memref<2000xi32, #tpu.memory_space<hbm>>
      %dma_wait3A_251 = tpu.memref_slice %arg2[%add3A_249] : memref<800000xi32, #tpu.memory_space<hbm>> -> memref<2000xi32, #tpu.memory_space<hbm>>
      tpu.wait_dma2 semaphore(%arg13 : memref<!tpu.dma_semaphore, #tpu.memory_space<semaphore_mem>>) src(%dma_wait3A_251 : memref<2000xi32, #tpu.memory_space<hbm>>) dst(%arg7 : memref<2000xi32, #tpu.memory_space<vmem>>)
      %add3A_252 = arith.constant 2000 : i32
      %add3A_253 = arith.addi %add3A_247, %add3A_252 : i32
      %dma_wait3A_254 = tpu.memref_slice %arg2[%add3A_253] : memref<800000xi32, #tpu.memory_space<hbm>> -> memref<2000xi32, #tpu.memory_space<hbm>>
      %dma_wait3A_255 = tpu.memref_slice %arg2[%add3A_253] : memref<800000xi32, #tpu.memory_space<hbm>> -> memref<2000xi32, #tpu.memory_space<hbm>>
      tpu.wait_dma2 semaphore(%arg13 : memref<!tpu.dma_semaphore, #tpu.memory_space<semaphore_mem>>) src(%dma_wait3A_255 : memref<2000xi32, #tpu.memory_space<hbm>>) dst(%arg8 : memref<2000xi32, #tpu.memory_space<vmem>>)
      %iota3A_256 = tpu.iota {dimensions = array<i32: 0>} : vector<16xi32>
      %scan3A_257 = arith.constant 0 : i32
      %scan3A_258 = arith.constant 0 : i32
      %scan3A_259 = arith.constant 125 : i32
      %scan3A_260 = arith.addi %scan3A_258, %scan3A_259 : i32
      %scan3A_261 = arith.constant 1 : i32
      scf.for %scan3A_291 = %scan3A_258 to %scan3A_260 step %scan3A_261  : i32 {
        %mul3A_292 = arith.constant 16 : i32
        %mul3A_293 = arith.muli %scan3A_291, %mul3A_292 : i32
        %get3A = arith.index_cast %mul3A_293 : i32 to index
        %get3A_294 = tpu.vector_load %arg7[%get3A] {strides = array<i32>} : memref<2000xi32, #tpu.memory_space<vmem>>, vector<16xi32>,
        %get3A_295 = vector.shape_cast %get3A_294 : vector<16xi32> to vector<16xi32>
        %sub3A = vector.broadcast %mul3A_0 : i32 to vector<16xi32>
        %sub3A_296 = arith.subi %get3A_295, %sub3A : vector<16xi32>
        %bitcast3A = vector.bitcast %sub3A_296 : vector<16xi32> to vector<16xi32>
        %lt3A = arith.constant 25000 : i32
        %lt3A_297 = vector.broadcast %lt3A : i32 to vector<16xi32>
        %lt3A_298 = arith.cmpi ult, %bitcast3A, %lt3A_297 : vector<16xi32>
        %add3A_299 = arith.constant 25000 : i32
        %add3A_300 = vector.broadcast %add3A_299 : i32 to vector<16xi32>
        %add3A_301 = arith.addi %add3A_300, %iota3A_256 : vector<16xi32>
        %select_n3A = arith.select %lt3A_298, %sub3A_296, %add3A_301 : vector<16xi1>, vector<16xi32>
        %mul3A_302 = arith.constant 16 : i32
        %mul3A_303 = arith.muli %scan3A_291, %mul3A_302 : i32
        %swap3A = arith.index_cast %mul3A_303 : i32 to index
        %swap3A_304 = tpu.vector_load %arg7[%swap3A] {strides = array<i32>} : memref<2000xi32, #tpu.memory_space<vmem>>, vector<16xi32>,
        %swap3A_305 = vector.shape_cast %swap3A_304 : vector<16xi32> to vector<16xi32>
        %swap3A_306 = vector.shape_cast %select_n3A : vector<16xi32> to vector<16xi32>
        tpu.vector_store %arg7[%swap3A], %swap3A_306 {strides = array<i32>} : memref<2000xi32, #tpu.memory_space<vmem>>, vector<16xi32>,
      }
      %scan3A_262 = arith.constant 125 : i32
      %iota3A_263 = tpu.iota {dimensions = array<i32: 0>} : vector<16xi32>
      %scan3A_264 = arith.constant 0 : i32
      %scan3A_265 = arith.constant 0 : i32
      %scan3A_266 = arith.constant 125 : i32
      %scan3A_267 = arith.addi %scan3A_265, %scan3A_266 : i32
      %scan3A_268 = arith.constant 1 : i32
      scf.for %scan3A_291 = %scan3A_265 to %scan3A_267 step %scan3A_268  : i32 {
        %mul3A_292 = arith.constant 16 : i32
        %mul3A_293 = arith.muli %scan3A_291, %mul3A_292 : i32
        %get3A = arith.index_cast %mul3A_293 : i32 to index
        %get3A_294 = tpu.vector_load %arg8[%get3A] {strides = array<i32>} : memref<2000xi32, #tpu.memory_space<vmem>>, vector<16xi32>,
        %get3A_295 = vector.shape_cast %get3A_294 : vector<16xi32> to vector<16xi32>
        %sub3A = vector.broadcast %mul3A_0 : i32 to vector<16xi32>
        %sub3A_296 = arith.subi %get3A_295, %sub3A : vector<16xi32>
        %bitcast3A = vector.bitcast %sub3A_296 : vector<16xi32> to vector<16xi32>
        %lt3A = arith.constant 25000 : i32
        %lt3A_297 = vector.broadcast %lt3A : i32 to vector<16xi32>
        %lt3A_298 = arith.cmpi ult, %bitcast3A, %lt3A_297 : vector<16xi32>
        %add3A_299 = arith.constant 25000 : i32
        %add3A_300 = vector.broadcast %add3A_299 : i32 to vector<16xi32>
        %add3A_301 = arith.addi %add3A_300, %iota3A_263 : vector<16xi32>
        %select_n3A = arith.select %lt3A_298, %sub3A_296, %add3A_301 : vector<16xi1>, vector<16xi32>
        %mul3A_302 = arith.constant 16 : i32
        %mul3A_303 = arith.muli %scan3A_291, %mul3A_302 : i32
        %swap3A = arith.index_cast %mul3A_303 : i32 to index
        %swap3A_304 = tpu.vector_load %arg8[%swap3A] {strides = array<i32>} : memref<2000xi32, #tpu.memory_space<vmem>>, vector<16xi32>,
        %swap3A_305 = vector.shape_cast %swap3A_304 : vector<16xi32> to vector<16xi32>
        %swap3A_306 = vector.shape_cast %select_n3A : vector<16xi32> to vector<16xi32>
        tpu.vector_store %arg8[%swap3A], %swap3A_306 {strides = array<i32>} : memref<2000xi32, #tpu.memory_space<vmem>>, vector<16xi32>,
      }
      %scan3A_269 = arith.constant 125 : i32
      %dma_wait3A_270 = arith.constant 0 : i32
      %dma_wait3A_271 = tpu.memref_slice %arg11[%dma_wait3A_270] : memref<25088xf32, #tpu.memory_space<vmem_shared>> -> memref<25088xf32, #tpu.memory_space<vmem_shared>>
      tpu.wait_indirect_dma semaphore(%arg14 : memref<!tpu.dma_semaphore, #tpu.memory_space<semaphore_mem>>) src(%arg9 : memref<2000xf32, #tpu.memory_space<vmem>>) dst(%dma_wait3A_271 : memref<25088xf32, #tpu.memory_space<vmem_shared>>)
      %dma_wait3A_272 = arith.constant 0 : i32
      %dma_wait3A_273 = tpu.memref_slice %arg11[%dma_wait3A_272] : memref<25088xf32, #tpu.memory_space<vmem_shared>> -> memref<25088xf32, #tpu.memory_space<vmem_shared>>
      tpu.wait_indirect_dma semaphore(%arg15 : memref<!tpu.dma_semaphore, #tpu.memory_space<semaphore_mem>>) src(%arg9 : memref<2000xf32, #tpu.memory_space<vmem>>) dst(%dma_wait3A_273 : memref<25088xf32, #tpu.memory_space<vmem_shared>>)
      %add3A_274 = arith.constant 1 : i32
      %add3A_275 = arith.addi %add3A_244, %add3A_274 : i32
      %mul3A_276 = arith.constant 4000 : i32
      %mul3A_277 = arith.muli %add3A_275, %mul3A_276 : i32
      %add3A_278 = arith.addi %mul3A_2, %mul3A_277 : i32
      %add3A_279 = arith.constant 0 : i32
      %add3A_280 = arith.addi %add3A_278, %add3A_279 : i32
      %dma_start3A_281 = tpu.memref_slice %arg2[%add3A_280] : memref<800000xi32, #tpu.memory_space<hbm>> -> memref<2000xi32, #tpu.memory_space<hbm>>
      %dma_start3A_282 = tpu.memref_slice %arg2[%add3A_280] : memref<800000xi32, #tpu.memory_space<hbm>> -> memref<2000xi32, #tpu.memory_space<hbm>>
      tpu.enqueue_dma source(%dma_start3A_282 : memref<2000xi32, #tpu.memory_space<hbm>>) target(%arg5 : memref<2000xi32, #tpu.memory_space<vmem>>) target_semaphore(%arg12 : memref<!tpu.dma_semaphore, #tpu.memory_space<semaphore_mem>>)
      %add3A_283 = arith.constant 2000 : i32
      %add3A_284 = arith.addi %add3A_278, %add3A_283 : i32
      %dma_start3A_285 = tpu.memref_slice %arg2[%add3A_284] : memref<800000xi32, #tpu.memory_space<hbm>> -> memref<2000xi32, #tpu.memory_space<hbm>>
      %dma_start3A_286 = tpu.memref_slice %arg2[%add3A_284] : memref<800000xi32, #tpu.memory_space<hbm>> -> memref<2000xi32, #tpu.memory_space<hbm>>
      tpu.enqueue_dma source(%dma_start3A_286 : memref<2000xi32, #tpu.memory_space<hbm>>) target(%arg6 : memref<2000xi32, #tpu.memory_space<vmem>>) target_semaphore(%arg12 : memref<!tpu.dma_semaphore, #tpu.memory_space<semaphore_mem>>)
      %dma_start3A_287 = arith.constant 0 : i32
      %dma_start3A_288 = tpu.memref_slice %arg11[%dma_start3A_287] : memref<25088xf32, #tpu.memory_space<vmem_shared>> -> memref<25088xf32, #tpu.memory_space<vmem_shared>>
      tpu.enqueue_indirect_dma source(%arg9 : memref<2000xf32, #tpu.memory_space<vmem>>) target(%dma_start3A_288 : memref<25088xf32, #tpu.memory_space<vmem_shared>>) offsets(%arg7 : memref<2000xi32, #tpu.memory_space<vmem>>) semaphore(%arg16 : memref<!tpu.dma_semaphore, #tpu.memory_space<semaphore_mem>>) {add = true}
      %dma_start3A_289 = arith.constant 0 : i32
      %dma_start3A_290 = tpu.memref_slice %arg11[%dma_start3A_289] : memref<25088xf32, #tpu.memory_space<vmem_shared>> -> memref<25088xf32, #tpu.memory_space<vmem_shared>>
      tpu.enqueue_indirect_dma source(%arg9 : memref<2000xf32, #tpu.memory_space<vmem>>) target(%dma_start3A_290 : memref<25088xf32, #tpu.memory_space<vmem_shared>>) offsets(%arg8 : memref<2000xi32, #tpu.memory_space<vmem>>) semaphore(%arg17 : memref<!tpu.dma_semaphore, #tpu.memory_space<semaphore_mem>>) {add = true}
    }
    %scan3A_101 = arith.constant 4 : i32
    %add3A_102 = arith.constant 40000 : i32
    %add3A_103 = arith.addi %mul3A_2, %add3A_102 : i32
    %add3A_104 = arith.constant 0 : i32
    %add3A_105 = arith.addi %add3A_103, %add3A_104 : i32
    %dma_wait3A_106 = tpu.memref_slice %arg2[%add3A_105] : memref<800000xi32, #tpu.memory_space<hbm>> -> memref<2000xi32, #tpu.memory_space<hbm>>
    %dma_wait3A_107 = tpu.memref_slice %arg2[%add3A_105] : memref<800000xi32, #tpu.memory_space<hbm>> -> memref<2000xi32, #tpu.memory_space<hbm>>
    tpu.wait_dma2 semaphore(%arg12 : memref<!tpu.dma_semaphore, #tpu.memory_space<semaphore_mem>>) src(%dma_wait3A_107 : memref<2000xi32, #tpu.memory_space<hbm>>) dst(%arg5 : memref<2000xi32, #tpu.memory_space<vmem>>)
    %add3A_108 = arith.constant 2000 : i32
    %add3A_109 = arith.addi %add3A_103, %add3A_108 : i32
    %dma_wait3A_110 = tpu.memref_slice %arg2[%add3A_109] : memref<800000xi32, #tpu.memory_space<hbm>> -> memref<2000xi32, #tpu.memory_space<hbm>>
    %dma_wait3A_111 = tpu.memref_slice %arg2[%add3A_109] : memref<800000xi32, #tpu.memory_space<hbm>> -> memref<2000xi32, #tpu.memory_space<hbm>>
    tpu.wait_dma2 semaphore(%arg12 : memref<!tpu.dma_semaphore, #tpu.memory_space<semaphore_mem>>) src(%dma_wait3A_111 : memref<2000xi32, #tpu.memory_space<hbm>>) dst(%arg6 : memref<2000xi32, #tpu.memory_space<vmem>>)
    %iota3A_112 = tpu.iota {dimensions = array<i32: 0>} : vector<16xi32>
    %scan3A_113 = arith.constant 0 : i32
    %scan3A_114 = arith.constant 0 : i32
    %scan3A_115 = arith.constant 125 : i32
    %scan3A_116 = arith.addi %scan3A_114, %scan3A_115 : i32
    %scan3A_117 = arith.constant 1 : i32
    scf.for %scan3A_192 = %scan3A_114 to %scan3A_116 step %scan3A_117  : i32 {
      %mul3A_193 = arith.constant 16 : i32
      %mul3A_194 = arith.muli %scan3A_192, %mul3A_193 : i32
      %get3A = arith.index_cast %mul3A_194 : i32 to index
      %get3A_195 = tpu.vector_load %arg5[%get3A] {strides = array<i32>} : memref<2000xi32, #tpu.memory_space<vmem>>, vector<16xi32>,
      %get3A_196 = vector.shape_cast %get3A_195 : vector<16xi32> to vector<16xi32>
      %sub3A = vector.broadcast %mul3A_0 : i32 to vector<16xi32>
      %sub3A_197 = arith.subi %get3A_196, %sub3A : vector<16xi32>
      %bitcast3A = vector.bitcast %sub3A_197 : vector<16xi32> to vector<16xi32>
      %lt3A = arith.constant 25000 : i32
      %lt3A_198 = vector.broadcast %lt3A : i32 to vector<16xi32>
      %lt3A_199 = arith.cmpi ult, %bitcast3A, %lt3A_198 : vector<16xi32>
      %add3A_200 = arith.constant 25000 : i32
      %add3A_201 = vector.broadcast %add3A_200 : i32 to vector<16xi32>
      %add3A_202 = arith.addi %add3A_201, %iota3A_112 : vector<16xi32>
      %select_n3A = arith.select %lt3A_199, %sub3A_197, %add3A_202 : vector<16xi1>, vector<16xi32>
      %mul3A_203 = arith.constant 16 : i32
      %mul3A_204 = arith.muli %scan3A_192, %mul3A_203 : i32
      %swap3A = arith.index_cast %mul3A_204 : i32 to index
      %swap3A_205 = tpu.vector_load %arg5[%swap3A] {strides = array<i32>} : memref<2000xi32, #tpu.memory_space<vmem>>, vector<16xi32>,
      %swap3A_206 = vector.shape_cast %swap3A_205 : vector<16xi32> to vector<16xi32>
      %swap3A_207 = vector.shape_cast %select_n3A : vector<16xi32> to vector<16xi32>
      tpu.vector_store %arg5[%swap3A], %swap3A_207 {strides = array<i32>} : memref<2000xi32, #tpu.memory_space<vmem>>, vector<16xi32>,
    }
    %scan3A_118 = arith.constant 125 : i32
    %iota3A_119 = tpu.iota {dimensions = array<i32: 0>} : vector<16xi32>
    %scan3A_120 = arith.constant 0 : i32
    %scan3A_121 = arith.constant 0 : i32
    %scan3A_122 = arith.constant 125 : i32
    %scan3A_123 = arith.addi %scan3A_121, %scan3A_122 : i32
    %scan3A_124 = arith.constant 1 : i32
    scf.for %scan3A_192 = %scan3A_121 to %scan3A_123 step %scan3A_124  : i32 {
      %mul3A_193 = arith.constant 16 : i32
      %mul3A_194 = arith.muli %scan3A_192, %mul3A_193 : i32
      %get3A = arith.index_cast %mul3A_194 : i32 to index
      %get3A_195 = tpu.vector_load %arg6[%get3A] {strides = array<i32>} : memref<2000xi32, #tpu.memory_space<vmem>>, vector<16xi32>,
      %get3A_196 = vector.shape_cast %get3A_195 : vector<16xi32> to vector<16xi32>
      %sub3A = vector.broadcast %mul3A_0 : i32 to vector<16xi32>
      %sub3A_197 = arith.subi %get3A_196, %sub3A : vector<16xi32>
      %bitcast3A = vector.bitcast %sub3A_197 : vector<16xi32> to vector<16xi32>
      %lt3A = arith.constant 25000 : i32
      %lt3A_198 = vector.broadcast %lt3A : i32 to vector<16xi32>
      %lt3A_199 = arith.cmpi ult, %bitcast3A, %lt3A_198 : vector<16xi32>
      %add3A_200 = arith.constant 25000 : i32
      %add3A_201 = vector.broadcast %add3A_200 : i32 to vector<16xi32>
      %add3A_202 = arith.addi %add3A_201, %iota3A_119 : vector<16xi32>
      %select_n3A = arith.select %lt3A_199, %sub3A_197, %add3A_202 : vector<16xi1>, vector<16xi32>
      %mul3A_203 = arith.constant 16 : i32
      %mul3A_204 = arith.muli %scan3A_192, %mul3A_203 : i32
      %swap3A = arith.index_cast %mul3A_204 : i32 to index
      %swap3A_205 = tpu.vector_load %arg6[%swap3A] {strides = array<i32>} : memref<2000xi32, #tpu.memory_space<vmem>>, vector<16xi32>,
      %swap3A_206 = vector.shape_cast %swap3A_205 : vector<16xi32> to vector<16xi32>
      %swap3A_207 = vector.shape_cast %select_n3A : vector<16xi32> to vector<16xi32>
      tpu.vector_store %arg6[%swap3A], %swap3A_207 {strides = array<i32>} : memref<2000xi32, #tpu.memory_space<vmem>>, vector<16xi32>,
    }
    %scan3A_125 = arith.constant 125 : i32
    %dma_wait3A_126 = arith.constant 0 : i32
    %dma_wait3A_127 = tpu.memref_slice %arg11[%dma_wait3A_126] : memref<25088xf32, #tpu.memory_space<vmem_shared>> -> memref<25088xf32, #tpu.memory_space<vmem_shared>>
    tpu.wait_indirect_dma semaphore(%arg16 : memref<!tpu.dma_semaphore, #tpu.memory_space<semaphore_mem>>) src(%arg9 : memref<2000xf32, #tpu.memory_space<vmem>>) dst(%dma_wait3A_127 : memref<25088xf32, #tpu.memory_space<vmem_shared>>)
    %dma_wait3A_128 = arith.constant 0 : i32
    %dma_wait3A_129 = tpu.memref_slice %arg11[%dma_wait3A_128] : memref<25088xf32, #tpu.memory_space<vmem_shared>> -> memref<25088xf32, #tpu.memory_space<vmem_shared>>
    tpu.wait_indirect_dma semaphore(%arg17 : memref<!tpu.dma_semaphore, #tpu.memory_space<semaphore_mem>>) src(%arg9 : memref<2000xf32, #tpu.memory_space<vmem>>) dst(%dma_wait3A_129 : memref<25088xf32, #tpu.memory_space<vmem_shared>>)
    %add3A_130 = arith.constant 44000 : i32
    %add3A_131 = arith.addi %mul3A_2, %add3A_130 : i32
    %add3A_132 = arith.constant 0 : i32
    %add3A_133 = arith.addi %add3A_131, %add3A_132 : i32
    %dma_start3A_134 = tpu.memref_slice %arg2[%add3A_133] : memref<800000xi32, #tpu.memory_space<hbm>> -> memref<2000xi32, #tpu.memory_space<hbm>>
    %dma_start3A_135 = tpu.memref_slice %arg2[%add3A_133] : memref<800000xi32, #tpu.memory_space<hbm>> -> memref<2000xi32, #tpu.memory_space<hbm>>
    tpu.enqueue_dma source(%dma_start3A_135 : memref<2000xi32, #tpu.memory_space<hbm>>) target(%arg7 : memref<2000xi32, #tpu.memory_space<vmem>>) target_semaphore(%arg13 : memref<!tpu.dma_semaphore, #tpu.memory_space<semaphore_mem>>)
    %add3A_136 = arith.constant 2000 : i32
    %add3A_137 = arith.addi %add3A_131, %add3A_136 : i32
    %dma_start3A_138 = tpu.memref_slice %arg2[%add3A_137] : memref<800000xi32, #tpu.memory_space<hbm>> -> memref<2000xi32, #tpu.memory_space<hbm>>
    %dma_start3A_139 = tpu.memref_slice %arg2[%add3A_137] : memref<800000xi32, #tpu.memory_space<hbm>> -> memref<2000xi32, #tpu.memory_space<hbm>>
    tpu.enqueue_dma source(%dma_start3A_139 : memref<2000xi32, #tpu.memory_space<hbm>>) target(%arg8 : memref<2000xi32, #tpu.memory_space<vmem>>) target_semaphore(%arg13 : memref<!tpu.dma_semaphore, #tpu.memory_space<semaphore_mem>>)
    %dma_start3A_140 = arith.constant 0 : i32
    %dma_start3A_141 = tpu.memref_slice %arg11[%dma_start3A_140] : memref<25088xf32, #tpu.memory_space<vmem_shared>> -> memref<25088xf32, #tpu.memory_space<vmem_shared>>
    tpu.enqueue_indirect_dma source(%arg9 : memref<2000xf32, #tpu.memory_space<vmem>>) target(%dma_start3A_141 : memref<25088xf32, #tpu.memory_space<vmem_shared>>) offsets(%arg5 : memref<2000xi32, #tpu.memory_space<vmem>>) semaphore(%arg14 : memref<!tpu.dma_semaphore, #tpu.memory_space<semaphore_mem>>) {add = true}
    %dma_start3A_142 = arith.constant 0 : i32
    %dma_start3A_143 = tpu.memref_slice %arg11[%dma_start3A_142] : memref<25088xf32, #tpu.memory_space<vmem_shared>> -> memref<25088xf32, #tpu.memory_space<vmem_shared>>
    tpu.enqueue_indirect_dma source(%arg9 : memref<2000xf32, #tpu.memory_space<vmem>>) target(%dma_start3A_143 : memref<25088xf32, #tpu.memory_space<vmem_shared>>) offsets(%arg6 : memref<2000xi32, #tpu.memory_space<vmem>>) semaphore(%arg15 : memref<!tpu.dma_semaphore, #tpu.memory_space<semaphore_mem>>) {add = true}
    %add3A_144 = arith.constant 44000 : i32
    %add3A_145 = arith.addi %mul3A_2, %add3A_144 : i32
    %add3A_146 = arith.constant 0 : i32
    %add3A_147 = arith.addi %add3A_145, %add3A_146 : i32
    %dma_wait3A_148 = tpu.memref_slice %arg2[%add3A_147] : memref<800000xi32, #tpu.memory_space<hbm>> -> memref<2000xi32, #tpu.memory_space<hbm>>
    %dma_wait3A_149 = tpu.memref_slice %arg2[%add3A_147] : memref<800000xi32, #tpu.memory_space<hbm>> -> memref<2000xi32, #tpu.memory_space<hbm>>
    tpu.wait_dma2 semaphore(%arg13 : memref<!tpu.dma_semaphore, #tpu.memory_space<semaphore_mem>>) src(%dma_wait3A_149 : memref<2000xi32, #tpu.memory_space<hbm>>) dst(%arg7 : memref<2000xi32, #tpu.memory_space<vmem>>)
    %add3A_150 = arith.constant 2000 : i32
    %add3A_151 = arith.addi %add3A_145, %add3A_150 : i32
    %dma_wait3A_152 = tpu.memref_slice %arg2[%add3A_151] : memref<800000xi32, #tpu.memory_space<hbm>> -> memref<2000xi32, #tpu.memory_space<hbm>>
    %dma_wait3A_153 = tpu.memref_slice %arg2[%add3A_151] : memref<800000xi32, #tpu.memory_space<hbm>> -> memref<2000xi32, #tpu.memory_space<hbm>>
    tpu.wait_dma2 semaphore(%arg13 : memref<!tpu.dma_semaphore, #tpu.memory_space<semaphore_mem>>) src(%dma_wait3A_153 : memref<2000xi32, #tpu.memory_space<hbm>>) dst(%arg8 : memref<2000xi32, #tpu.memory_space<vmem>>)
    %iota3A_154 = tpu.iota {dimensions = array<i32: 0>} : vector<16xi32>
    %scan3A_155 = arith.constant 0 : i32
    %scan3A_156 = arith.constant 0 : i32
    %scan3A_157 = arith.constant 125 : i32
    %scan3A_158 = arith.addi %scan3A_156, %scan3A_157 : i32
    %scan3A_159 = arith.constant 1 : i32
    scf.for %scan3A_192 = %scan3A_156 to %scan3A_158 step %scan3A_159  : i32 {
      %mul3A_193 = arith.constant 16 : i32
      %mul3A_194 = arith.muli %scan3A_192, %mul3A_193 : i32
      %get3A = arith.index_cast %mul3A_194 : i32 to index
      %get3A_195 = tpu.vector_load %arg7[%get3A] {strides = array<i32>} : memref<2000xi32, #tpu.memory_space<vmem>>, vector<16xi32>,
      %get3A_196 = vector.shape_cast %get3A_195 : vector<16xi32> to vector<16xi32>
      %sub3A = vector.broadcast %mul3A_0 : i32 to vector<16xi32>
      %sub3A_197 = arith.subi %get3A_196, %sub3A : vector<16xi32>
      %bitcast3A = vector.bitcast %sub3A_197 : vector<16xi32> to vector<16xi32>
      %lt3A = arith.constant 25000 : i32
      %lt3A_198 = vector.broadcast %lt3A : i32 to vector<16xi32>
      %lt3A_199 = arith.cmpi ult, %bitcast3A, %lt3A_198 : vector<16xi32>
      %add3A_200 = arith.constant 25000 : i32
      %add3A_201 = vector.broadcast %add3A_200 : i32 to vector<16xi32>
      %add3A_202 = arith.addi %add3A_201, %iota3A_154 : vector<16xi32>
      %select_n3A = arith.select %lt3A_199, %sub3A_197, %add3A_202 : vector<16xi1>, vector<16xi32>
      %mul3A_203 = arith.constant 16 : i32
      %mul3A_204 = arith.muli %scan3A_192, %mul3A_203 : i32
      %swap3A = arith.index_cast %mul3A_204 : i32 to index
      %swap3A_205 = tpu.vector_load %arg7[%swap3A] {strides = array<i32>} : memref<2000xi32, #tpu.memory_space<vmem>>, vector<16xi32>,
      %swap3A_206 = vector.shape_cast %swap3A_205 : vector<16xi32> to vector<16xi32>
      %swap3A_207 = vector.shape_cast %select_n3A : vector<16xi32> to vector<16xi32>
      tpu.vector_store %arg7[%swap3A], %swap3A_207 {strides = array<i32>} : memref<2000xi32, #tpu.memory_space<vmem>>, vector<16xi32>,
    }
    %scan3A_160 = arith.constant 125 : i32
    %iota3A_161 = tpu.iota {dimensions = array<i32: 0>} : vector<16xi32>
    %scan3A_162 = arith.constant 0 : i32
    %scan3A_163 = arith.constant 0 : i32
    %scan3A_164 = arith.constant 125 : i32
    %scan3A_165 = arith.addi %scan3A_163, %scan3A_164 : i32
    %scan3A_166 = arith.constant 1 : i32
    scf.for %scan3A_192 = %scan3A_163 to %scan3A_165 step %scan3A_166  : i32 {
      %mul3A_193 = arith.constant 16 : i32
      %mul3A_194 = arith.muli %scan3A_192, %mul3A_193 : i32
      %get3A = arith.index_cast %mul3A_194 : i32 to index
      %get3A_195 = tpu.vector_load %arg8[%get3A] {strides = array<i32>} : memref<2000xi32, #tpu.memory_space<vmem>>, vector<16xi32>,
      %get3A_196 = vector.shape_cast %get3A_195 : vector<16xi32> to vector<16xi32>
      %sub3A = vector.broadcast %mul3A_0 : i32 to vector<16xi32>
      %sub3A_197 = arith.subi %get3A_196, %sub3A : vector<16xi32>
      %bitcast3A = vector.bitcast %sub3A_197 : vector<16xi32> to vector<16xi32>
      %lt3A = arith.constant 25000 : i32
      %lt3A_198 = vector.broadcast %lt3A : i32 to vector<16xi32>
      %lt3A_199 = arith.cmpi ult, %bitcast3A, %lt3A_198 : vector<16xi32>
      %add3A_200 = arith.constant 25000 : i32
      %add3A_201 = vector.broadcast %add3A_200 : i32 to vector<16xi32>
      %add3A_202 = arith.addi %add3A_201, %iota3A_161 : vector<16xi32>
      %select_n3A = arith.select %lt3A_199, %sub3A_197, %add3A_202 : vector<16xi1>, vector<16xi32>
      %mul3A_203 = arith.constant 16 : i32
      %mul3A_204 = arith.muli %scan3A_192, %mul3A_203 : i32
      %swap3A = arith.index_cast %mul3A_204 : i32 to index
      %swap3A_205 = tpu.vector_load %arg8[%swap3A] {strides = array<i32>} : memref<2000xi32, #tpu.memory_space<vmem>>, vector<16xi32>,
      %swap3A_206 = vector.shape_cast %swap3A_205 : vector<16xi32> to vector<16xi32>
      %swap3A_207 = vector.shape_cast %select_n3A : vector<16xi32> to vector<16xi32>
      tpu.vector_store %arg8[%swap3A], %swap3A_207 {strides = array<i32>} : memref<2000xi32, #tpu.memory_space<vmem>>, vector<16xi32>,
    }
    %scan3A_167 = arith.constant 125 : i32
    %dma_wait3A_168 = arith.constant 0 : i32
    %dma_wait3A_169 = tpu.memref_slice %arg11[%dma_wait3A_168] : memref<25088xf32, #tpu.memory_space<vmem_shared>> -> memref<25088xf32, #tpu.memory_space<vmem_shared>>
    tpu.wait_indirect_dma semaphore(%arg14 : memref<!tpu.dma_semaphore, #tpu.memory_space<semaphore_mem>>) src(%arg9 : memref<2000xf32, #tpu.memory_space<vmem>>) dst(%dma_wait3A_169 : memref<25088xf32, #tpu.memory_space<vmem_shared>>)
    %dma_wait3A_170 = arith.constant 0 : i32
    %dma_wait3A_171 = tpu.memref_slice %arg11[%dma_wait3A_170] : memref<25088xf32, #tpu.memory_space<vmem_shared>> -> memref<25088xf32, #tpu.memory_space<vmem_shared>>
    tpu.wait_indirect_dma semaphore(%arg15 : memref<!tpu.dma_semaphore, #tpu.memory_space<semaphore_mem>>) src(%arg9 : memref<2000xf32, #tpu.memory_space<vmem>>) dst(%dma_wait3A_171 : memref<25088xf32, #tpu.memory_space<vmem_shared>>)
    %dma_start3A_172 = arith.constant 0 : i32
    %dma_start3A_173 = tpu.memref_slice %arg11[%dma_start3A_172] : memref<25088xf32, #tpu.memory_space<vmem_shared>> -> memref<25088xf32, #tpu.memory_space<vmem_shared>>
    tpu.enqueue_indirect_dma source(%arg9 : memref<2000xf32, #tpu.memory_space<vmem>>) target(%dma_start3A_173 : memref<25088xf32, #tpu.memory_space<vmem_shared>>) offsets(%arg7 : memref<2000xi32, #tpu.memory_space<vmem>>) semaphore(%arg16 : memref<!tpu.dma_semaphore, #tpu.memory_space<semaphore_mem>>) {add = true}
    %dma_start3A_174 = arith.constant 0 : i32
    %dma_start3A_175 = tpu.memref_slice %arg11[%dma_start3A_174] : memref<25088xf32, #tpu.memory_space<vmem_shared>> -> memref<25088xf32, #tpu.memory_space<vmem_shared>>
    tpu.enqueue_indirect_dma source(%arg9 : memref<2000xf32, #tpu.memory_space<vmem>>) target(%dma_start3A_175 : memref<25088xf32, #tpu.memory_space<vmem_shared>>) offsets(%arg8 : memref<2000xi32, #tpu.memory_space<vmem>>) semaphore(%arg17 : memref<!tpu.dma_semaphore, #tpu.memory_space<semaphore_mem>>) {add = true}
    %dma_wait3A_176 = arith.constant 0 : i32
    %dma_wait3A_177 = tpu.memref_slice %arg11[%dma_wait3A_176] : memref<25088xf32, #tpu.memory_space<vmem_shared>> -> memref<25088xf32, #tpu.memory_space<vmem_shared>>
    tpu.wait_indirect_dma semaphore(%arg16 : memref<!tpu.dma_semaphore, #tpu.memory_space<semaphore_mem>>) src(%arg9 : memref<2000xf32, #tpu.memory_space<vmem>>) dst(%dma_wait3A_177 : memref<25088xf32, #tpu.memory_space<vmem_shared>>)
    %dma_wait3A_178 = arith.constant 0 : i32
    %dma_wait3A_179 = tpu.memref_slice %arg11[%dma_wait3A_178] : memref<25088xf32, #tpu.memory_space<vmem_shared>> -> memref<25088xf32, #tpu.memory_space<vmem_shared>>
    tpu.wait_indirect_dma semaphore(%arg17 : memref<!tpu.dma_semaphore, #tpu.memory_space<semaphore_mem>>) src(%arg9 : memref<2000xf32, #tpu.memory_space<vmem>>) dst(%dma_wait3A_179 : memref<25088xf32, #tpu.memory_space<vmem_shared>>)
    %add3A_180 = arith.constant 48000 : i32
    %add3A_181 = arith.addi %mul3A_2, %add3A_180 : i32
    "tpu.region"() ({
      %run_scoped3A = tpu.sem_alloc : memref<!tpu.dma_semaphore, #tpu.memory_space<semaphore_mem>>
      %dma_start3A_192 = tpu.memref_slice %arg2[%add3A_181] : memref<800000xi32, #tpu.memory_space<hbm>> -> memref<2000xi32, #tpu.memory_space<hbm>>
      %dma_start3A_193 = tpu.memref_slice %arg2[%add3A_181] : memref<800000xi32, #tpu.memory_space<hbm>> -> memref<2000xi32, #tpu.memory_space<hbm>>
      tpu.enqueue_dma source(%dma_start3A_193 : memref<2000xi32, #tpu.memory_space<hbm>>) target(%arg7 : memref<2000xi32, #tpu.memory_space<vmem>>) target_semaphore(%run_scoped3A : memref<!tpu.dma_semaphore, #tpu.memory_space<semaphore_mem>>)
      %dma_wait3A_194 = tpu.memref_slice %arg2[%add3A_181] : memref<800000xi32, #tpu.memory_space<hbm>> -> memref<2000xi32, #tpu.memory_space<hbm>>
      %dma_wait3A_195 = tpu.memref_slice %arg2[%add3A_181] : memref<800000xi32, #tpu.memory_space<hbm>> -> memref<2000xi32, #tpu.memory_space<hbm>>
      tpu.wait_dma2 semaphore(%run_scoped3A : memref<!tpu.dma_semaphore, #tpu.memory_space<semaphore_mem>>) src(%dma_wait3A_195 : memref<2000xi32, #tpu.memory_space<hbm>>) dst(%arg7 : memref<2000xi32, #tpu.memory_space<vmem>>)
      tpu.yield
    }) : () -> ()
    %iota3A_182 = tpu.iota {dimensions = array<i32: 0>} : vector<16xi32>
    %scan3A_183 = arith.constant 0 : i32
    %scan3A_184 = arith.constant 0 : i32
    %scan3A_185 = arith.constant 125 : i32
    %scan3A_186 = arith.addi %scan3A_184, %scan3A_185 : i32
    %scan3A_187 = arith.constant 1 : i32
    scf.for %scan3A_192 = %scan3A_184 to %scan3A_186 step %scan3A_187  : i32 {
      %mul3A_193 = arith.constant 16 : i32
      %mul3A_194 = arith.muli %scan3A_192, %mul3A_193 : i32
      %get3A = arith.index_cast %mul3A_194 : i32 to index
      %get3A_195 = tpu.vector_load %arg7[%get3A] {strides = array<i32>} : memref<2000xi32, #tpu.memory_space<vmem>>, vector<16xi32>,
      %get3A_196 = vector.shape_cast %get3A_195 : vector<16xi32> to vector<16xi32>
      %sub3A = vector.broadcast %mul3A_0 : i32 to vector<16xi32>
      %sub3A_197 = arith.subi %get3A_196, %sub3A : vector<16xi32>
      %bitcast3A = vector.bitcast %sub3A_197 : vector<16xi32> to vector<16xi32>
      %lt3A = arith.constant 25000 : i32
      %lt3A_198 = vector.broadcast %lt3A : i32 to vector<16xi32>
      %lt3A_199 = arith.cmpi ult, %bitcast3A, %lt3A_198 : vector<16xi32>
      %add3A_200 = arith.constant 25000 : i32
      %add3A_201 = vector.broadcast %add3A_200 : i32 to vector<16xi32>
      %add3A_202 = arith.addi %add3A_201, %iota3A_182 : vector<16xi32>
      %select_n3A = arith.select %lt3A_199, %sub3A_197, %add3A_202 : vector<16xi1>, vector<16xi32>
      %mul3A_203 = arith.constant 16 : i32
      %mul3A_204 = arith.muli %scan3A_192, %mul3A_203 : i32
      %swap3A = arith.index_cast %mul3A_204 : i32 to index
      %swap3A_205 = tpu.vector_load %arg7[%swap3A] {strides = array<i32>} : memref<2000xi32, #tpu.memory_space<vmem>>, vector<16xi32>,
      %swap3A_206 = vector.shape_cast %swap3A_205 : vector<16xi32> to vector<16xi32>
      %swap3A_207 = vector.shape_cast %select_n3A : vector<16xi32> to vector<16xi32>
      tpu.vector_store %arg7[%swap3A], %swap3A_207 {strides = array<i32>} : memref<2000xi32, #tpu.memory_space<vmem>>, vector<16xi32>,
    }
    %scan3A_188 = arith.constant 125 : i32
    "tpu.region"() ({
      %run_scoped3A = tpu.sem_alloc : memref<!tpu.dma_semaphore, #tpu.memory_space<semaphore_mem>>
      %dma_start3A_192 = arith.constant 0 : i32
      %dma_start3A_193 = tpu.memref_slice %arg11[%dma_start3A_192] : memref<25088xf32, #tpu.memory_space<vmem_shared>> -> memref<25088xf32, #tpu.memory_space<vmem_shared>>
      tpu.enqueue_indirect_dma source(%arg9 : memref<2000xf32, #tpu.memory_space<vmem>>) target(%dma_start3A_193 : memref<25088xf32, #tpu.memory_space<vmem_shared>>) offsets(%arg7 : memref<2000xi32, #tpu.memory_space<vmem>>) semaphore(%run_scoped3A : memref<!tpu.dma_semaphore, #tpu.memory_space<semaphore_mem>>) {add = true}
      %dma_wait3A_194 = arith.constant 0 : i32
      %dma_wait3A_195 = tpu.memref_slice %arg11[%dma_wait3A_194] : memref<25088xf32, #tpu.memory_space<vmem_shared>> -> memref<25088xf32, #tpu.memory_space<vmem_shared>>
      tpu.wait_indirect_dma semaphore(%run_scoped3A : memref<!tpu.dma_semaphore, #tpu.memory_space<semaphore_mem>>) src(%arg9 : memref<2000xf32, #tpu.memory_space<vmem>>) dst(%dma_wait3A_195 : memref<25088xf32, #tpu.memory_space<vmem_shared>>)
      tpu.yield
    }) : () -> ()
    %barrier3A_189 = arith.constant 0 : index
    tpu.barrier barrier_id(%barrier3A_189)
    %mul3A_190 = arith.constant 1568 : i32
    %mul3A_191 = arith.muli %arg1, %mul3A_190 : i32
    "tpu.region"() ({
      %run_scoped3A = tpu.sem_alloc : memref<!tpu.dma_semaphore, #tpu.memory_space<semaphore_mem>>
      %dma_start3A_192 = tpu.memref_slice %arg11[%mul3A_191] : memref<25088xf32, #tpu.memory_space<vmem_shared>> -> memref<1568xf32, #tpu.memory_space<vmem_shared>>
      %dma_start3A_193 = tpu.memref_slice %arg11[%mul3A_191] : memref<25088xf32, #tpu.memory_space<vmem_shared>> -> memref<1568xf32, #tpu.memory_space<vmem_shared>>
      tpu.enqueue_dma source(%dma_start3A_193 : memref<1568xf32, #tpu.memory_space<vmem_shared>>) target(%arg10 : memref<1568xf32, #tpu.memory_space<vmem>>) target_semaphore(%run_scoped3A : memref<!tpu.dma_semaphore, #tpu.memory_space<semaphore_mem>>)
      %dma_wait3A_194 = tpu.memref_slice %arg11[%mul3A_191] : memref<25088xf32, #tpu.memory_space<vmem_shared>> -> memref<1568xf32, #tpu.memory_space<vmem_shared>>
      %dma_wait3A_195 = tpu.memref_slice %arg11[%mul3A_191] : memref<25088xf32, #tpu.memory_space<vmem_shared>> -> memref<1568xf32, #tpu.memory_space<vmem_shared>>
      tpu.wait_dma2 semaphore(%run_scoped3A : memref<!tpu.dma_semaphore, #tpu.memory_space<semaphore_mem>>) src(%dma_wait3A_195 : memref<1568xf32, #tpu.memory_space<vmem_shared>>) dst(%arg10 : memref<1568xf32, #tpu.memory_space<vmem>>)
      tpu.yield
    }) : () -> ()
    "tpu.region"() ({
      %run_scoped3A = tpu.sem_alloc : memref<!tpu.dma_semaphore, #tpu.memory_space<semaphore_mem>>
      %dma_start3A_192 = arith.constant 0 : i32
      %dma_start3A_193 = tpu.memref_slice %arg4[%arg0, %arg1, %dma_start3A_192] : memref<2x16x1568xf32, #tpu.memory_space<hbm>> -> memref<1x1x1568xf32, #tpu.memory_space<hbm>>
      %dma_start3A_194 = tpu.memref_squeeze %dma_start3A_193 : memref<1x1x1568xf32, #tpu.memory_space<hbm>> -> memref<1568xf32, #tpu.memory_space<hbm>>
      %dma_start3A_195 = arith.constant 0 : i32
      %dma_start3A_196 = tpu.memref_slice %arg4[%arg0, %arg1, %dma_start3A_195] : memref<2x16x1568xf32, #tpu.memory_space<hbm>> -> memref<1x1x1568xf32, #tpu.memory_space<hbm>>
      %dma_start3A_197 = tpu.memref_squeeze %dma_start3A_196 : memref<1x1x1568xf32, #tpu.memory_space<hbm>> -> memref<1568xf32, #tpu.memory_space<hbm>>
      tpu.enqueue_dma source(%arg10 : memref<1568xf32, #tpu.memory_space<vmem>>) target(%dma_start3A_197 : memref<1568xf32, #tpu.memory_space<hbm>>) target_semaphore(%run_scoped3A : memref<!tpu.dma_semaphore, #tpu.memory_space<semaphore_mem>>)
      %dma_wait3A_198 = arith.constant 0 : i32
      %dma_wait3A_199 = tpu.memref_slice %arg4[%arg0, %arg1, %dma_wait3A_198] : memref<2x16x1568xf32, #tpu.memory_space<hbm>> -> memref<1x1x1568xf32, #tpu.memory_space<hbm>>
      %dma_wait3A_200 = tpu.memref_squeeze %dma_wait3A_199 : memref<1x1x1568xf32, #tpu.memory_space<hbm>> -> memref<1568xf32, #tpu.memory_space<hbm>>
      %dma_wait3A_201 = arith.constant 0 : i32
      %dma_wait3A_202 = tpu.memref_slice %arg4[%arg0, %arg1, %dma_wait3A_201] : memref<2x16x1568xf32, #tpu.memory_space<hbm>> -> memref<1x1x1568xf32, #tpu.memory_space<hbm>>
      %dma_wait3A_203 = tpu.memref_squeeze %dma_wait3A_202 : memref<1x1x1568xf32, #tpu.memory_space<hbm>> -> memref<1568xf32, #tpu.memory_space<hbm>>
      tpu.wait_dma2 semaphore(%run_scoped3A : memref<!tpu.dma_semaphore, #tpu.memory_space<semaphore_mem>>) src(%arg10 : memref<1568xf32, #tpu.memory_space<vmem>>) dst(%dma_wait3A_203 : memref<1568xf32, #tpu.memory_space<hbm>>)
      tpu.yield
    }) : () -> ()
    return
  }
}

module attributes {stable_mosaic.version = 14 : i64} {
  func.func @_tc1a_body(%arg0: i32, %arg1: memref<2000x128xf32, #tpu.memory_space<vmem>>, %arg2: memref<128x128xf32, #tpu.memory_space<vmem>>, %arg3: memref<1x128xf32, #tpu.memory_space<vmem>>, %arg4: memref<64x128xf32, #tpu.memory_space<vmem>>, %arg5: memref<1x64xf32, #tpu.memory_space<vmem>>, %arg6: memref<64x64xf32, #tpu.memory_space<vmem>>, %arg7: memref<2000x64xf32, #tpu.memory_space<vmem>>, %arg8: memref<2000x64xf32, #tpu.memory_space<vmem>>) attributes {dimension_semantics = [#tpu.dimension_semantics<arbitrary>], iteration_bounds = array<i64: 25>, scalar_prefetch = 0 : i64, scratch_operands = 0 : i64, tpu.core_type = #tpu.core_type<tc>, window_params = [{transform_indices = @transform_0, window_bounds = array<i64: 2000, 128>}, {pipeline_mode = #tpu.pipeline_mode<synchronous>, transform_indices = @transform_1, window_bounds = array<i64: 128, 128>}, {pipeline_mode = #tpu.pipeline_mode<synchronous>, transform_indices = @transform_2, window_bounds = array<i64: 1, 128>}, {pipeline_mode = #tpu.pipeline_mode<synchronous>, transform_indices = @transform_3, window_bounds = array<i64: 64, 128>}, {pipeline_mode = #tpu.pipeline_mode<synchronous>, transform_indices = @transform_4, window_bounds = array<i64: 1, 64>}, {pipeline_mode = #tpu.pipeline_mode<synchronous>, transform_indices = @transform_5, window_bounds = array<i64: 64, 64>}, {transform_indices = @transform_6, window_bounds = array<i64: 2000, 64>}, {transform_indices = @transform_7, window_bounds = array<i64: 2000, 64>}]} {
    %get3A = arith.constant 0 : index
    %get3A_0 = arith.constant 0 : index
    %get3A_1 = vector.load %arg1[%get3A, %get3A_0] : memref<2000x128xf32, #tpu.memory_space<vmem>>, vector<2000x128xf32>
    %get3A_2 = arith.constant 0 : index
    %get3A_3 = arith.constant 0 : index
    %get3A_4 = vector.load %arg2[%get3A_2, %get3A_3] : memref<128x128xf32, #tpu.memory_space<vmem>>, vector<128x128xf32>
    %dot_general3A = arith.constant dense<0.000000e+00> : vector<2000x128xf32>
    %dot_general3A_5 = tpu.matmul %get3A_1, %get3A_4, %dot_general3A {dimension_numbers = #tpu.dot_dimension_numbers<[1], [1], [0], [0], [0, 0, 1, 0], [], []>, transpose_lhs_hint = false} : vector<2000x128xf32>, vector<128x128xf32>, vector<2000x128xf32> -> vector<2000x128xf32>
    %get3A_6 = arith.constant 0 : index
    %get3A_7 = arith.constant 0 : index
    %get3A_8 = vector.load %arg3[%get3A_6, %get3A_7] : memref<1x128xf32, #tpu.memory_space<vmem>>, vector<1x128xf32>
    %add3A = vector.broadcast %get3A_8 : vector<1x128xf32> to vector<2000x128xf32>
    %add3A_9 = arith.addf %dot_general3A_5, %add3A : vector<2000x128xf32>
    %get3A_10 = arith.constant 0 : index
    %get3A_11 = arith.constant 0 : index
    %get3A_12 = vector.load %arg4[%get3A_10, %get3A_11] : memref<64x128xf32, #tpu.memory_space<vmem>>, vector<64x128xf32>
    %dot_general3A_13 = arith.constant dense<0.000000e+00> : vector<2000x64xf32>
    %dot_general3A_14 = tpu.matmul %add3A_9, %get3A_12, %dot_general3A_13 {dimension_numbers = #tpu.dot_dimension_numbers<[1], [1], [0], [0], [0, 0, 1, 0], [], []>, transpose_lhs_hint = false} : vector<2000x128xf32>, vector<64x128xf32>, vector<2000x64xf32> -> vector<2000x64xf32>
    %get3A_15 = arith.constant 0 : index
    %get3A_16 = arith.constant 0 : index
    %get3A_17 = vector.load %arg5[%get3A_15, %get3A_16] : memref<1x64xf32, #tpu.memory_space<vmem>>, vector<1x64xf32>
    %add3A_18 = vector.broadcast %get3A_17 : vector<1x64xf32> to vector<2000x64xf32>
    %add3A_19 = arith.addf %dot_general3A_14, %add3A_18 : vector<2000x64xf32>
    %swap3A = arith.constant 0 : index
    %swap3A_20 = arith.constant 0 : index
    %swap3A_21 = vector.load %arg7[%swap3A, %swap3A_20] : memref<2000x64xf32, #tpu.memory_space<vmem>>, vector<2000x64xf32>
    tpu.vector_store %arg7[%swap3A, %swap3A_20], %add3A_19 {strides = array<i32>} : memref<2000x64xf32, #tpu.memory_space<vmem>>, vector<2000x64xf32>,
    %get3A_22 = arith.constant 0 : index
    %get3A_23 = arith.constant 0 : index
    %get3A_24 = vector.load %arg6[%get3A_22, %get3A_23] : memref<64x64xf32, #tpu.memory_space<vmem>>, vector<64x64xf32>
    %dot_general3A_25 = arith.constant dense<0.000000e+00> : vector<2000x64xf32>
    %dot_general3A_26 = tpu.matmul %add3A_19, %get3A_24, %dot_general3A_25 {dimension_numbers = #tpu.dot_dimension_numbers<[1], [1], [0], [0], [0, 0, 1, 0], [], []>, transpose_lhs_hint = false} : vector<2000x64xf32>, vector<64x64xf32>, vector<2000x64xf32> -> vector<2000x64xf32>
    %swap3A_27 = arith.constant 0 : index
    %swap3A_28 = arith.constant 0 : index
    %swap3A_29 = vector.load %arg8[%swap3A_27, %swap3A_28] : memref<2000x64xf32, #tpu.memory_space<vmem>>, vector<2000x64xf32>
    tpu.vector_store %arg8[%swap3A_27, %swap3A_28], %dot_general3A_26 {strides = array<i32>} : memref<2000x64xf32, #tpu.memory_space<vmem>>, vector<2000x64xf32>,
    return
  }
  func.func @transform_0(%arg0: i32) -> (i32, i32) {
    %c0_i32 = arith.constant 0 : i32
    %c0_i32_0 = arith.constant 0 : i32
    return %arg0, %c0_i32 : i32, i32
  }
  func.func @transform_1(%arg0: i32) -> (i32, i32) {
    %c0_i32 = arith.constant 0 : i32
    %c0_i32_0 = arith.constant 0 : i32
    %c0_i32_1 = arith.constant 0 : i32
    return %c0_i32, %c0_i32_0 : i32, i32
  }
  func.func @transform_2(%arg0: i32) -> (i32, i32) {
    %c0_i32 = arith.constant 0 : i32
    %c0_i32_0 = arith.constant 0 : i32
    %c0_i32_1 = arith.constant 0 : i32
    return %c0_i32, %c0_i32_0 : i32, i32
  }
  func.func @transform_3(%arg0: i32) -> (i32, i32) {
    %c0_i32 = arith.constant 0 : i32
    %c0_i32_0 = arith.constant 0 : i32
    %c0_i32_1 = arith.constant 0 : i32
    return %c0_i32, %c0_i32_0 : i32, i32
  }
  func.func @transform_4(%arg0: i32) -> (i32, i32) {
    %c0_i32 = arith.constant 0 : i32
    %c0_i32_0 = arith.constant 0 : i32
    %c0_i32_1 = arith.constant 0 : i32
    return %c0_i32, %c0_i32_0 : i32, i32
  }
  func.func @transform_5(%arg0: i32) -> (i32, i32) {
    %c0_i32 = arith.constant 0 : i32
    %c0_i32_0 = arith.constant 0 : i32
    %c0_i32_1 = arith.constant 0 : i32
    return %c0_i32, %c0_i32_0 : i32, i32
  }
  func.func @transform_6(%arg0: i32) -> (i32, i32) {
    %c0_i32 = arith.constant 0 : i32
    %c0_i32_0 = arith.constant 0 : i32
    return %arg0, %c0_i32 : i32, i32
  }
  func.func @transform_7(%arg0: i32) -> (i32, i32) {
    %c0_i32 = arith.constant 0 : i32
    %c0_i32_0 = arith.constant 0 : i32
    return %arg0, %c0_i32 : i32, i32
  }
}

module attributes {stable_mosaic.version = 14 : i64} {
  func.func @_tc1b_body(%arg0: i32, %arg1: memref<2000x64xf32, #tpu.memory_space<vmem>>, %arg2: memref<2000x1xf32, #tpu.memory_space<vmem>>, %arg3: memref<2000x64xf32, #tpu.memory_space<vmem>>) attributes {dimension_semantics = [#tpu.dimension_semantics<arbitrary>], iteration_bounds = array<i64: 25>, scalar_prefetch = 0 : i64, scratch_operands = 0 : i64, tpu.core_type = #tpu.core_type<tc>, window_params = [{transform_indices = @transform_0, window_bounds = array<i64: 2000, 64>}, {transform_indices = @transform_1, window_bounds = array<i64: 2000, 1>}, {transform_indices = @transform_2, window_bounds = array<i64: 2000, 64>}]} {
    %get3A = arith.constant 0 : index
    %get3A_0 = arith.constant 0 : index
    %get3A_1 = vector.load %arg1[%get3A, %get3A_0] : memref<2000x64xf32, #tpu.memory_space<vmem>>, vector<2000x64xf32>
    %get3A_2 = arith.constant 0 : index
    %get3A_3 = arith.constant 0 : index
    %get3A_4 = vector.load %arg2[%get3A_2, %get3A_3] : memref<2000x1xf32, #tpu.memory_space<vmem>>, vector<2000x1xf32>
    %add3A = arith.constant 1.000000e+00 : f32
    %add3A_5 = vector.broadcast %add3A : f32 to vector<2000x1xf32>
    %add3A_6 = arith.addf %get3A_4, %add3A_5 : vector<2000x1xf32>
    %rsqrt3A = math.rsqrt %add3A_6 : vector<2000x1xf32>
    %mul3A = vector.broadcast %rsqrt3A : vector<2000x1xf32> to vector<2000x64xf32>
    %mul3A_7 = arith.mulf %get3A_1, %mul3A : vector<2000x64xf32>
    %swap3A = arith.constant 0 : index
    %swap3A_8 = arith.constant 0 : index
    %swap3A_9 = vector.load %arg3[%swap3A, %swap3A_8] : memref<2000x64xf32, #tpu.memory_space<vmem>>, vector<2000x64xf32>
    tpu.vector_store %arg3[%swap3A, %swap3A_8], %mul3A_7 {strides = array<i32>} : memref<2000x64xf32, #tpu.memory_space<vmem>>, vector<2000x64xf32>,
    return
  }
  func.func @transform_0(%arg0: i32) -> (i32, i32) {
    %c0_i32 = arith.constant 0 : i32
    %c0_i32_0 = arith.constant 0 : i32
    return %arg0, %c0_i32 : i32, i32
  }
  func.func @transform_1(%arg0: i32) -> (i32, i32) {
    %c0_i32 = arith.constant 0 : i32
    %c0_i32_0 = arith.constant 0 : i32
    return %arg0, %c0_i32 : i32, i32
  }
  func.func @transform_2(%arg0: i32) -> (i32, i32) {
    %c0_i32 = arith.constant 0 : i32
    %c0_i32_0 = arith.constant 0 : i32
    return %arg0, %c0_i32 : i32, i32
  }
}

module attributes {stable_mosaic.version = 14 : i64} {
  func.func @_tc2_body(%arg0: i32, %arg1: memref<2000x64xf32, #tpu.memory_space<vmem>>, %arg2: memref<2000x64xf32, #tpu.memory_space<vmem>>, %arg3: memref<2000x64xf32, #tpu.memory_space<vmem>>, %arg4: memref<2000x1xf32, #tpu.memory_space<vmem>>, %arg5: memref<128x64xf32, #tpu.memory_space<vmem>>, %arg6: memref<128x64xf32, #tpu.memory_space<vmem>>, %arg7: memref<1x128xf32, #tpu.memory_space<vmem>>, %arg8: memref<1x64xf32, #tpu.memory_space<vmem>>, %arg9: memref<2000x128xf32, #tpu.memory_space<vmem>>) attributes {dimension_semantics = [#tpu.dimension_semantics<arbitrary>], iteration_bounds = array<i64: 25>, scalar_prefetch = 0 : i64, scratch_operands = 0 : i64, tpu.core_type = #tpu.core_type<tc>, window_params = [{transform_indices = @transform_0, window_bounds = array<i64: 2000, 64>}, {transform_indices = @transform_1, window_bounds = array<i64: 2000, 64>}, {transform_indices = @transform_2, window_bounds = array<i64: 2000, 64>}, {transform_indices = @transform_3, window_bounds = array<i64: 2000, 1>}, {pipeline_mode = #tpu.pipeline_mode<synchronous>, transform_indices = @transform_4, window_bounds = array<i64: 128, 64>}, {pipeline_mode = #tpu.pipeline_mode<synchronous>, transform_indices = @transform_5, window_bounds = array<i64: 128, 64>}, {pipeline_mode = #tpu.pipeline_mode<synchronous>, transform_indices = @transform_6, window_bounds = array<i64: 1, 128>}, {pipeline_mode = #tpu.pipeline_mode<synchronous>, transform_indices = @transform_7, window_bounds = array<i64: 1, 64>}, {transform_indices = @transform_8, window_bounds = array<i64: 2000, 128>}]} {
    %get3A = arith.constant 0 : index
    %get3A_0 = arith.constant 0 : index
    %get3A_1 = vector.load %arg4[%get3A, %get3A_0] : memref<2000x1xf32, #tpu.memory_space<vmem>>, vector<2000x1xf32>
    %add3A = arith.constant 1.000000e+00 : f32
    %add3A_2 = vector.broadcast %add3A : f32 to vector<2000x1xf32>
    %add3A_3 = arith.addf %get3A_1, %add3A_2 : vector<2000x1xf32>
    %rsqrt3A = math.rsqrt %add3A_3 : vector<2000x1xf32>
    %get3A_4 = arith.constant 0 : index
    %get3A_5 = arith.constant 0 : index
    %get3A_6 = vector.load %arg3[%get3A_4, %get3A_5] : memref<2000x64xf32, #tpu.memory_space<vmem>>, vector<2000x64xf32>
    %get3A_7 = arith.constant 0 : index
    %get3A_8 = arith.constant 0 : index
    %get3A_9 = vector.load %arg2[%get3A_7, %get3A_8] : memref<2000x64xf32, #tpu.memory_space<vmem>>, vector<2000x64xf32>
    %add3A_10 = arith.addf %get3A_6, %get3A_9 : vector<2000x64xf32>
    %mul3A = vector.broadcast %rsqrt3A : vector<2000x1xf32> to vector<2000x64xf32>
    %mul3A_11 = arith.mulf %mul3A, %add3A_10 : vector<2000x64xf32>
    %get3A_12 = arith.constant 0 : index
    %get3A_13 = arith.constant 0 : index
    %get3A_14 = vector.load %arg8[%get3A_12, %get3A_13] : memref<1x64xf32, #tpu.memory_space<vmem>>, vector<1x64xf32>
    %add3A_15 = vector.broadcast %get3A_14 : vector<1x64xf32> to vector<2000x64xf32>
    %add3A_16 = arith.addf %mul3A_11, %add3A_15 : vector<2000x64xf32>
    %get3A_17 = arith.constant 0 : index
    %get3A_18 = arith.constant 0 : index
    %get3A_19 = vector.load %arg1[%get3A_17, %get3A_18] : memref<2000x64xf32, #tpu.memory_space<vmem>>, vector<2000x64xf32>
    %get3A_20 = arith.constant 0 : index
    %get3A_21 = arith.constant 0 : index
    %get3A_22 = vector.load %arg5[%get3A_20, %get3A_21] : memref<128x64xf32, #tpu.memory_space<vmem>>, vector<128x64xf32>
    %dot_general3A = arith.constant dense<0.000000e+00> : vector<2000x128xf32>
    %dot_general3A_23 = tpu.matmul %get3A_19, %get3A_22, %dot_general3A {dimension_numbers = #tpu.dot_dimension_numbers<[1], [1], [0], [0], [0, 0, 1, 0], [], []>, transpose_lhs_hint = false} : vector<2000x64xf32>, vector<128x64xf32>, vector<2000x128xf32> -> vector<2000x128xf32>
    %get3A_24 = arith.constant 0 : index
    %get3A_25 = arith.constant 0 : index
    %get3A_26 = vector.load %arg6[%get3A_24, %get3A_25] : memref<128x64xf32, #tpu.memory_space<vmem>>, vector<128x64xf32>
    %dot_general3A_27 = arith.constant dense<0.000000e+00> : vector<2000x128xf32>
    %dot_general3A_28 = tpu.matmul %add3A_16, %get3A_26, %dot_general3A_27 {dimension_numbers = #tpu.dot_dimension_numbers<[1], [1], [0], [0], [0, 0, 1, 0], [], []>, transpose_lhs_hint = false} : vector<2000x64xf32>, vector<128x64xf32>, vector<2000x128xf32> -> vector<2000x128xf32>
    %add3A_29 = arith.addf %dot_general3A_23, %dot_general3A_28 : vector<2000x128xf32>
    %get3A_30 = arith.constant 0 : index
    %get3A_31 = arith.constant 0 : index
    %get3A_32 = vector.load %arg7[%get3A_30, %get3A_31] : memref<1x128xf32, #tpu.memory_space<vmem>>, vector<1x128xf32>
    %add3A_33 = vector.broadcast %get3A_32 : vector<1x128xf32> to vector<2000x128xf32>
    %add3A_34 = arith.addf %add3A_29, %add3A_33 : vector<2000x128xf32>
    %swap3A = arith.constant 0 : index
    %swap3A_35 = arith.constant 0 : index
    %swap3A_36 = vector.load %arg9[%swap3A, %swap3A_35] : memref<2000x128xf32, #tpu.memory_space<vmem>>, vector<2000x128xf32>
    tpu.vector_store %arg9[%swap3A, %swap3A_35], %add3A_34 {strides = array<i32>} : memref<2000x128xf32, #tpu.memory_space<vmem>>, vector<2000x128xf32>,
    return
  }
  func.func @transform_0(%arg0: i32) -> (i32, i32) {
    %c0_i32 = arith.constant 0 : i32
    %c0_i32_0 = arith.constant 0 : i32
    return %arg0, %c0_i32 : i32, i32
  }
  func.func @transform_1(%arg0: i32) -> (i32, i32) {
    %c0_i32 = arith.constant 0 : i32
    %c0_i32_0 = arith.constant 0 : i32
    return %arg0, %c0_i32 : i32, i32
  }
  func.func @transform_2(%arg0: i32) -> (i32, i32) {
    %c0_i32 = arith.constant 0 : i32
    %c0_i32_0 = arith.constant 0 : i32
    return %arg0, %c0_i32 : i32, i32
  }
  func.func @transform_3(%arg0: i32) -> (i32, i32) {
    %c0_i32 = arith.constant 0 : i32
    %c0_i32_0 = arith.constant 0 : i32
    return %arg0, %c0_i32 : i32, i32
  }
  func.func @transform_4(%arg0: i32) -> (i32, i32) {
    %c0_i32 = arith.constant 0 : i32
    %c0_i32_0 = arith.constant 0 : i32
    %c0_i32_1 = arith.constant 0 : i32
    return %c0_i32, %c0_i32_0 : i32, i32
  }
  func.func @transform_5(%arg0: i32) -> (i32, i32) {
    %c0_i32 = arith.constant 0 : i32
    %c0_i32_0 = arith.constant 0 : i32
    %c0_i32_1 = arith.constant 0 : i32
    return %c0_i32, %c0_i32_0 : i32, i32
  }
  func.func @transform_6(%arg0: i32) -> (i32, i32) {
    %c0_i32 = arith.constant 0 : i32
    %c0_i32_0 = arith.constant 0 : i32
    %c0_i32_1 = arith.constant 0 : i32
    return %c0_i32, %c0_i32_0 : i32, i32
  }
  func.func @transform_7(%arg0: i32) -> (i32, i32) {
    %c0_i32 = arith.constant 0 : i32
    %c0_i32_0 = arith.constant 0 : i32
    %c0_i32_1 = arith.constant 0 : i32
    return %c0_i32, %c0_i32_0 : i32, i32
  }
  func.func @transform_8(%arg0: i32) -> (i32, i32) {
    %c0_i32 = arith.constant 0 : i32
    %c0_i32_0 = arith.constant 0 : i32
    return %arg0, %c0_i32 : i32, i32
  }
}

</mosaic_0001>

<sc_bundles>
// kernel: kernel.10.cloned.1.call-start
scs
__scs_entry_jumppad:
0x0: {  	(pc) =	sbr.rel $0x88, $3  }
0x1: {  	(tag) =	ssettag $0x0;
	lr =	simm.s32 $0x1  }
0x2: {  	[smem:$0x3F96] =	sst lr;
	_ =	strace $0xD0000000  }
0x3: {  	_ = 	snop  }
0x4: {  	_ = 	snop  }
0x5: {  	_ = 	snop  }
0x6: {  	_ = 	snop  }
0x7: {  	_ = 	snop  }
__scs_overlays_trampoline_lowered:
0x8: {  	[smem:$0x3FA5] =	sst s0  }
0x9: {  	[smem:$0x3FA6] =	sst s1  }
0xa: {  	[smem:$0x3FA7] =	sst s2  }
0xb: {  	[smem:$0x3FA8] =	sst s3  }
0xc: {  	[smem:$0x3FA9] =	sst s4  }
0xd: {  	[smem:$0x3FAA] =	sst s5  }
0xe: {  	[smem:$0x3FAB] =	sst s6  }
0xf: {  	[smem:$0x3FAC] =	sst s7  }
0x10: {  	[smem:$0x3FAD] =	sst s8  }
0x11: {  	[smem:$0x3FAE] =	sst s9;
	s0 =	simm.s32 @!p0 $0x0  }
0x12: {  	s1 =	sld [smem:$0x3F94];
	s0 =	simm.s32 @p0 $0x1  }
0x13: {  	[smem:$0x3FAF] =	sst s0;
	s0 =	simm.s32 @!p1 $0x0  }
0x14: {  	s2 =	sld [smem:$0x3F93];
	s0 =	simm.s32 @p1 $0x1  }
0x15: {  	[smem:$0x3FB0] =	sst s0;
	s0 =	simm.s32 @!p2 $0x0  }
0x16: {  	s3 =	sld [smem:$0x3FDB];
	s0 =	simm.s32 @p2 $0x1  }
0x17: {  	s4 =	simm.s32 $0x1BF5;
	[smem:$0x3FB2] =	sst s0  }
0x18: {  	s0 =	sld [smem:$0x3F95];
	_ =	swait.ge [sflag:s4], $0x0  }
0x19: {  	s7 =	sld [smem:$0x3F96]  }
0x1a: {  	s8 =	sadd.s32 $0xFFFFE003, lr  }
0x1b: {  	s9 =	sadd.s32 $0xFFFFFEF7, lr;
	s5 =	simm.s32 $0xFFFFFFFF;
	p2 =	slt.u32 s8, $0xFFFFF086  }
0x1c: {  	p1 =	slt.u32 s9, $0xF7A;
	s5 =	simm.s32 @!p2 $0x0  }
0x1d: {  	s5 =	simm.s32 @p1 $0x1;
	p0 =	seq.s32 s7, s2  }
0x1e: {  	s7 =	smul.u32 @!p0 $0xF7A, s2;
	p2 =	seq.s32 @!p0 s5, $0x0  }
0x1f: {  	s9 =	smul.u32 $0xF7A, s1;
	s8 =	simm.s32 @!p0 $0x1BF5;
	p2 =	por !p2, p0  }
0x20: {  	[sflag:s8] =	ssyncset.s32 @!p0 $0xFFFFF086;
	s6 =	sadd.s32 @!p0 s3, s7;
	s7 =	simm.s32 @!p0 $0x108  }
0x21: {  	s3 =	sadd.s32 s3, s9;
	s6 =	sadd.s32 @!p0 $0x88, s6;
	s7 =	simm.s32 @p2 $0x1082  }
0x22: {  	[simem:s7], [sflag:s8] =	dma.local @!p0 [hbm:s6], $0xF7A  }
0x23: {  	s9 =	sor.u32 $0xD0000000, s2;
	s6 =	simm.s32 $0x108;
	_ =	swait.ge @!p0 [sflag:s8], $0x0  }
0x24: {  	s3 =	sadd.s32 $0x88, s3;
	s6 =	simm.s32 @!p1 $0x1082;
	[sflag:s4] =	ssyncset.s32 $0xFFFFF086  }
0x25: {  	[simem:s6], [sflag:s4] =	dma.local [hbm:s3], $0xF7A  }
0x26: {  	[smem:$0x3F96] =	sst s1;
	(tag) =	ssettag s2;
	_ =	strace s9  }
0x27: {  	s1 =	sld [smem:$0x3FA6]  }
0x28: {  	s2 =	sld [smem:$0x3FA7]  }
0x29: {  	s4 =	sld [smem:$0x3FA9]  }
0x2a: {  	p0 =	seq.s32 s5, $0x0;
	s5 =	sld [smem:$0x3FAA]  }
0x2b: {  	s6 =	sld [smem:$0x3FAB]  }
0x2c: {  	s7 =	sld [smem:$0x3FAC]  }
0x2d: {  	s3 =	simm.s32 $0x108;
	s8 =	sld [smem:$0x3FAD]  }
0x2e: {  	s3 =	simm.s32 @!p0 $0x1082;
	s9 =	sld [smem:$0x3FAE]  }
0x2f: {  	lr =	sadd.s32 s0, s3;
	s0 =	sld [smem:$0x3FA5]  }
0x30: {  	s3 =	sld [smem:$0x3FA8]  }
0x31: {  	[smem:$0x3FB1] =	sst s10  }
0x32: {  	s10 =	sld [smem:$0x3FAF];
	_ =	sdelay $0x3  }
0x33: {  	p0 =	seq.s32 s10, $0x1;
	s10 =	sld [smem:$0x3FB1];
	_ =	sdelay $0x3  }
0x34: {  	[smem:$0x3FB1] =	sst s10  }
0x35: {  	s10 =	sld [smem:$0x3FB0];
	_ =	sdelay $0x3  }
0x36: {  	p1 =	seq.s32 s10, $0x1;
	s10 =	sld [smem:$0x3FB1];
	_ =	sdelay $0x3  }
0x37: {  	[smem:$0x3FB1] =	sst s10  }
0x38: {  	s10 =	sld [smem:$0x3FB2]  }
0x39: {  	_ = 	snop;
	(pc) =	sbr.ind lr, $3  }
0x3a: {  	_ = 	snop  }
0x3b: {  	_ = 	snop  }
0x3c: {  	p2 =	seq.s32 s10, $0x1;
	s10 =	sld [smem:$0x3FB1]  }
0x3d: {  	_ =	shalt  }
0x3e: {  	_ =	shalt  }
0x3f: {  	_ =	shalt  }
0x40: {  	_ =	shalt  }
0x41: {  	_ =	shalt  }
0x42: {  	_ =	shalt  }
0x43: {  	_ =	shalt  }
0x44: {  	_ =	shalt  }
0x45: {  	_ =	shalt  }
0x46: {  	_ =	shalt  }
0x47: {  	_ =	shalt  }
0x48: {  	_ =	shalt  }
0x49: {  	_ =	shalt  }
0x4a: {  	_ =	shalt  }
0x4b: {  	_ =	shalt  }
0x4c: {  	_ =	shalt  }
0x4d: {  	_ =	shalt  }
0x4e: {  	_ =	shalt  }
0x4f: {  	_ =	shalt  }
0x50: {  	_ =	shalt  }
0x51: {  	_ =	shalt  }
0x52: {  	_ =	shalt  }
0x53: {  	_ =	shalt  }
0x54: {  	_ =	shalt  }
0x55: {  	_ =	shalt  }
0x56: {  	_ =	shalt  }
0x57: {  	_ =	shalt  }
0x58: {  	_ =	shalt  }
0x59: {  	_ =	shalt  }
0x5a: {  	_ =	shalt  }
0x5b: {  	_ =	shalt  }
0x5c: {  	_ =	shalt  }
0x5d: {  	_ =	shalt  }
0x5e: {  	_ =	shalt  }
0x5f: {  	_ =	shalt  }
0x60: {  	_ =	shalt  }
0x61: {  	_ =	shalt  }
0x62: {  	_ =	shalt  }
0x63: {  	_ =	shalt  }
0x64: {  	_ =	shalt  }
0x65: {  	_ =	shalt  }
0x66: {  	_ =	shalt  }
0x67: {  	_ =	shalt  }
0x68: {  	_ =	shalt  }
0x69: {  	_ =	shalt  }
0x6a: {  	_ =	shalt  }
0x6b: {  	_ =	shalt  }
0x6c: {  	_ =	shalt  }
0x6d: {  	_ =	shalt  }
0x6e: {  	_ =	shalt  }
0x6f: {  	_ =	shalt  }
0x70: {  	_ =	shalt  }
0x71: {  	_ =	shalt  }
0x72: {  	_ =	shalt  }
0x73: {  	_ =	shalt  }
0x74: {  	_ =	shalt  }
0x75: {  	_ =	shalt  }
0x76: {  	_ =	shalt  }
0x77: {  	_ =	shalt  }
0x78: {  	_ =	shalt  }
0x79: {  	_ =	shalt  }
0x7a: {  	_ =	shalt  }
0x7b: {  	_ =	shalt  }
0x7c: {  	_ =	shalt  }
0x7d: {  	_ =	shalt  }
0x7e: {  	_ =	shalt  }
0x7f: {  	_ =	shalt  }
0x80: {  	_ =	shalt  }
0x81: {  	_ =	shalt  }
0x82: {  	_ =	shalt  }
0x83: {  	_ =	shalt  }
0x84: {  	_ =	shalt  }
0x85: {  	_ =	shalt  }
0x86: {  	_ =	shalt  }
0x87: {  	_ =	shalt  }
.Lfunc_end0:
.L_simem_size_0:
called_computation.1_lowered:
.L_overlay_start_0:
0x88: {  	s2 =	sld [smem:$0x3FD9]  }
0x89: {  	s3 =	sld [smem:$0x3FFE];
	_ =	sdelay $0x1  }
0x8a: {  	s1 =	srdreg.scid  }
0x8b: {  	s0 =	sand.u32 $0x1, s1  }
0x8c: {  	s14 =	sshll.u32 s0, $0xA;
	s2 =	sadd.s32 s3, s2  }
0x8d: {  	s2 =	sadd.s32 s2, s14  }
0x8e: {  	[smem:$0x3FBD] =	sst s2  }
0x8f: {  	_ = 	snop  }
0x90: {  	s2 =	sld [smem:$0x3FD0];
	_ =	sdelay $0x2  }
0x91: {  	s15 =	simm.s32 $0xA;
	s4 =	simm.s32 $0x10  }
0x92: {  	[smem:s4], [sflag:s15] =	dma.local [hbm:s2], $0x1  }
0x93: {  	_ =	swait.eq [sflag:s15], $0x1  }
0x94: {  	s16 =	sld [smem:$0x10];
	[sflag:s15] =	ssyncset.done $0x0  }
0x95: {  	s17 =	sld [smem:$0x11];
	[sflag:s15] =	ssyncadd.s32 $0xFFFFFFFF  }
0x96: {  	s18 =	sld [smem:$0x12];
	(tm) =	ssettm $0x1  }
0x97: {  	s5 =	sld [smem:$0x3FFB];
	_ =	sdelay $0x3  }
0x98: {  	_ =	strace s5  }
0x99: {  	s5 =	sld [smem:$0x3FFC];
	_ =	sdelay $0x3  }
0x9a: {  	_ =	strace s5  }
0x9b: {  	s5 =	sld [smem:$0x3FFD];
	_ =	sdelay $0x3  }
0x9c: {  	_ =	strace s5  }
0x9d: {  	_ =	strace $0x8FFFFFFF  }
0x9e: {  	s19 =	sld [smem:$0x3FDB];
	_ =	sdelay $0x1  }
0x9f: {  	s6 =	simm.s32 $_scs_section_size  }
0xa0: {  	s7 =	simm.s32 $_size__tile_overlayer_lowered;
	s8 =	simm.s32 $_tile_overlayer_lowered  }
0xa1: {  	s22 =	simm.s32 $0x1BFF;
	s21 =	sshll.u32 s8, $0x1;
	s5 =	sadd.s32 s6, s19  }
0xa2: {  	s9 =	simm.s32 $0x0;
	s20 =	sshll.u32 s7, $0x1;
	s7 =	sadd.s32 s21, s5  }
0xa3: {  	[timem:s9], [sflag:s22] =	dma.local [hbm:s7], s20  }
0xa4: {  	_ =	swait.ge [sflag:s22], s20  }
0xa5: {  	s6 =	ssub.s32 $0x0, s20;
	[sflag:s22] =	ssyncset.done $0x0  }
0xa6: {  	[sflag:s22] =	ssyncadd.s32 s6;
	_ =	sdelay $0x1  }
0xa7: {  	s23 =	simm.s32 $0x1B8B  }
0xa8: {  	_ =	swait.ge [sflag:s23], $0x1  }
0xa9: {  	[sflag:s23] =	ssyncset.done $0x0  }
0xaa: {  	s25 =	simm.s32 $0x1B8E;
	s24 =	sld [smem:$0x3FFE];
	[sflag:s23] =	ssyncadd.s32 $0xFFFFFFFF  }
0xab: {  	s26 =	simm.s32 $execute0_lowered;
	[smem:$0x3FD2] =	sst s25  }
0xac: {  	s7 =	sshll.u32 s26, $0x1;
	_ =	strace $0x80000049;
	[dreg:$0x1] =	wrdreg $0xFFFFFFFF  }
0xad: {  	s28 =	simm.s32 $_size_execute0_lowered;
	s5 =	sadd.s32 s5, s7;
	[dreg:$0x0] =	wrdreg $0x0  }
0xae: {  	s7 =	sshll.u32 s28, $0x1;
	[dreg:$0x2] =	wrdreg s5  }
0xaf: {  	[dreg:$0x3] =	wrdreg s7  }
0xb0: {  	[dreg:$0x4] =	wrdreg $0xC0  }
0xb1: {  	_ =	task [dreg:s9], $0x5FFFF  }
0xb2: {  	[dreg:$0x1] =	wrdreg $0xFFFFFFFF  }
0xb3: {  	[dreg:$0x0] =	wrdreg $0x60  }
0xb4: {  	[dreg:$0x2] =	wrdreg s17  }
0xb5: {  	[dreg:$0x3] =	wrdreg s24  }
0xb6: {  	[dreg:$0x4] =	wrdreg s18  }
0xb7: {  	[dreg:$0x5] =	wrdreg s16  }
0xb8: {  	[dreg:$0x6] =	wrdreg $0x105800  }
0xb9: {  	[dreg:$0x7] =	wrdreg $0x9  }
0xba: {  	_ =	task.clear_ibuf [dreg:s9], $0x8FFFF;
	_ =	strace $0x90000049  }
0xbb: {  	s29 =	simm.s32 $0x9;
	_ =	strace $0x8000004B  }
0xbc: {  	_ =	swait.ge [sflag:s29], $0x1  }
0xbd: {  	[sflag:s29] =	ssyncadd.s32 $0xFFFFFFFF  }
0xbe: {  	_ =	strace $0x9000004B  }
0xbf: {  	_ =	sfence  }
0xc0: {  	s30 =	sld [smem:$0x0];
	_ =	sdelay $0x2  }
0xc1: {  	s31 =	sshll.u32 s1, $0xD;
	s1 =	sshrl.u32 s1, $0x2  }
0xc2: {  	s3 =	sand.u32 $0x4000, s31;
	s1 =	sadd.s32 s1, s30  }
0xc3: {  	s0 =	sor.u32 s3, s0;
	s1 =	sshll.u32 s1, $0x11  }
0xc4: {  	s0 =	sor.u32 s1, s0  }
0xc5: {  	s0 =	sadd.s32 $0x8F2B, s0  }
0xc6: {  	[sflag:s0] =	ssyncadd.remote.s32 $0x1  }
0xc7: {  	_ =	sfence.sel $0xFFFF  }
0xc8: {  	[dreg:$0x0] =	wrdreg $0xFFFFFFFF;
	(pc) =	sbr.abs _section_cstart, $3  }
0xc9: {  	[dreg:$0x1] =	wrdreg $0xFFFFFFFF  }
0xca: {  	_ =	task.clear_ibuf [dreg:s9], $0x2FFFF;
	_ =	strace $0x9FFFFFFF  }
0xcb: {  	(tm) =	ssettm $0x7FFFFFFF  }
tec
execute0_lowered:
.L_overlay_start_1:
0x0: {  	(tag) =	ssettag $0x1  }
0x1: {  	s1 =	rddreg [dreg:$0x0]  }
0x2: {  	s0 =	rddreg [dreg:$0x1]  }
0x3: {  	s17 =	rddreg [dreg:$0x2]  }
0x4: {  	s2 =	rddreg [dreg:$0x3]  }
0x5: {  	s3 =	rddreg [dreg:$0x4]  }
0x6: {  	s4 =	simm.s32 $0x0;
	s5 =	srdreg.scid;
	s15 =	stileid.u32  }
0x7: {  	[smem:$0x7FF] =	sst s4;
	s6 =	sadd.s32 $0x5C00, s0;
	s9 =	smul.u32 $0xC350, s15  }
0x8: {  	s7 =	sadd.s32 $0x268800, s0;
	s5 =	sand.u32 $0x1, s5;
	s12 =	smul.u32 $0x31000, s15  }
0x9: {  	s8 =	sadd.s32 $0x299600, s0;
	s15 =	smul.u32 $0xC400, s15;
	s10 =	ssub.s32 $0x2, s5  }
0xa: {  	_ =	strace $0x8000004A;
	s13 =	smul.u32 $0xC4000, s5;
	s11 =	sshrl.u32 s10, $0x1  }
0xb: {  	s14 =	sshrl.u32 s9, $0x3;
	s16 =	sshrl.u32 s12, $0x2;
	s10 =	ssub.s32 s10, s11  }
0xc: {  	s11 =	smul.u32 $0x61A8, s5;
	s18 =	sadd.s32 $0x32, s14;
	s28 =	sadd.s32 s16, s3  }
0xd: {  	s20 =	sadd.s32 s15, s13;
	s19 =	sadd.s32 s6, s18;
	[dreg:$0x6] =	wrdreg s28  }
0xe: {  	s21 =	sadd.s32 $0x64, s14;
	s12 =	sadd.s32 s1, s18;
	[dreg:$0x7] =	wrdreg s19  }
0xf: {  	s5 =	sshrl.u32 s20, $0x3;
	s20 =	sadd.s32 s1, s21;
	[dreg:$0x8] =	wrdreg s12  }
0x10: {  	s0 =	sadd.s32 $0x2CA400, s0;
	s29 =	sadd.s32 $0x6200, s28;
	[dreg:$0x12] =	wrdreg s20  }
0x11: {  	s30 =	sadd.s32 $0x9300, s28;
	s22 =	sadd.s32 s0, s5;
	[smem:$0x7FC] =	sst s29  }
0x12: {  	s23 =	sadd.s32 $0x620, s5;
	s24 =	sadd.s32 $0xC40, s5;
	[smem:$0x7FD] =	sst s30  }
0x13: {  	s26 =	sadd.s32 $0x1260, s5;
	s5 =	sadd.s32 s2, s5;
	[dreg:$0x9] =	wrdreg s22  }
0x14: {  	s18 =	sadd.s32 $0x96, s14;
	s19 =	sadd.s32 s6, s21;
	[dreg:$0xd] =	wrdreg s5  }
0x15: {  	s21 =	sadd.s32 s6, s18;
	[dreg:$0x11] =	wrdreg s19  }
0x16: {  	s12 =	sadd.s32 $0xC80, s9;
	[dreg:$0x13] =	wrdreg s21  }
0x17: {  	s20 =	sadd.s32 s1, s14;
	[dreg:$0x1a] =	wrdreg s12  }
0x18: {  	s16 =	sadd.s32 s0, s23;
	[smem:$0x7F4] =	sst s20  }
0x19: {  	s25 =	sadd.s32 s0, s24;
	[dreg:$0xa] =	wrdreg s16  }
0x1a: {  	s0 =	sadd.s32 s0, s26;
	[dreg:$0xb] =	wrdreg s25  }
0x1b: {  	s13 =	sadd.s32 s2, s23;
	[dreg:$0xc] =	wrdreg s0  }
0x1c: {  	s15 =	sadd.s32 s2, s24;
	[dreg:$0xe] =	wrdreg s13  }
0x1d: {  	s31 =	simm.s32 $0x320;
	s19 =	sadd.s32 s6, s14;
	[dreg:$0xf] =	wrdreg s15  }
0x1e: {  	v0 =	vmov s11;
	s11 =	simm.s32 $0xA;
	s16 =	sadd.s32 s2, s26;
	[dreg:$0x1f] =	wrdreg s19  }
0x1f: {  	s22 =	sadd.s32 $0xC8, s14;
	s0 =	sadd.s32 s1, s18;
	[dreg:$0x10] =	wrdreg s16  }
0x20: {  	s23 =	sadd.s32 $0xFA, s14;
	s24 =	sadd.s32 s6, s22;
	[dreg:$0x14] =	wrdreg s0  }
0x21: {  	s5 =	sadd.s32 $0x17D4, s14;
	s25 =	sadd.s32 s6, s23;
	[dreg:$0x15] =	wrdreg s24  }
0x22: {  	s21 =	sadd.s32 $0x1838, s14;
	s26 =	sadd.s32 s1, s23;
	[dreg:$0x17] =	wrdreg s25  }
0x23: {  	s2 =	sadd.s32 $0x960, s9;
	s13 =	sadd.s32 s6, s5;
	[dreg:$0x18] =	wrdreg s26  }
0x24: {  	s15 =	sadd.s32 $0x1806, s14;
	s23 =	smax.u32 s10, $0x1;
	[dreg:$0x19] =	wrdreg s2  }
0x25: {  	s14 =	simm.s32 $0x4;
	s10 =	simm.s32 $0x8;
	[dreg:$0x1b] =	wrdreg s13  }
0x26: {  	s9 =	simm.s32 $0x5;
	s0 =	sadd.s32 s1, s22;
	[smem:$0x7F7] =	sst s23  }
0x27: {  	s19 =	simm.s32 $0x6;
	s16 =	sadd.s32 s6, s15;
	[dreg:$0x16] =	wrdreg s0  }
0x28: {  	s18 =	sadd.s32 s1, s15;
	s22 =	sadd.s32 s6, s21;
	[dreg:$0x1d] =	wrdreg s16  }
0x29: {  	s24 =	sadd.s32 $0x620, s17;
	s25 =	sadd.s32 $0xC40, s17;
	[dreg:$0x1e] =	wrdreg s18  }
0x2a: {  	s26 =	sadd.s32 $0x1260, s17;
	s23 =	simm.s32 $0x190;
	[smem:$0x7F5] =	sst s22  }
0x2b: {  	s13 =	simm.s32 $0x3;
	s15 =	simm.s32 $0x2;
	[smem:$0x7F8] =	sst s24  }
0x2c: {  	s2 =	simm.s32 $0x7;
	s17 =	simm.s32 $0x9;
	[smem:$0x7F9] =	sst s25  }
0x2d: {  	s0 =	sadd.s32 s1, s5;
	[smem:$0x7FA] =	sst s26;
	s22 =	simm.s32 $0xD480  }
0x2e: {  	s24 =	simm.s32 $0xB;
	s26 =	simm.s32 $0x640;
	s25 =	simm.s32 $0x1  }
0x2f: {  	s16 =	simm.s32 $0x7080;
	[dreg:$0x1c] =	wrdreg s0;
	s0 =	sadd.s32 s1, s21  }
0x30: {  	v1 =	vlaneseq.u32;
	s18 =	simm.s32 $0xA280;
	s21 =	sadd.s32 $0x3100, s28;
	[smem:$0x7F6] =	sst s0  }
0x31: {  	v1 =	vadd.s32 $0x61A8, v1;
	s5 =	simm.s32 $0x0;
	s0 =	simm.s32 $0x960;
	[smem:$0x7FB] =	sst s21  }
.LBB2_1:
0x32: {  	s20 =	rddreg [dreg:$0x2]  }
0x33: {  	[tilespmem:s22], [sflag:$0xB] =	stream.linear.gather [hbm4b:s20+s4], $0x3100, $0x38;
	[tilespmem:$0x1C980] =	vst v63  }
0x34: {  	_ =	swait.ge [sflag:s24], $0x3100  }
0x35: {  	[sflag:s24] =	ssyncset.done $0x0  }
0x36: {  	[sflag:s24] =	ssyncadd.s32 $0xFFFFCF00  }
0x37: {  	[spmem:s28] =	stream.linear.scatter [tilespmem:s22], [sflag:$0xB], $0x3100, $0x38;
	[tilespmem:$0x1C980] =	vst v63  }
0x38: {  	_ =	swait.ge [sflag:s24], $0x3100  }
0x39: {  	s12 =	sld [smem:$0x7F8]  }
0x3a: {  	[sflag:s24] =	ssyncset.done $0x0  }
0x3b: {  	[sflag:s24] =	ssyncadd.s32 $0xFFFFCF00  }
0x3c: {  	[tilespmem:s22], [sflag:$0xB] =	stream.linear.gather [hbm4b:s12+s4], $0x3100, $0x38;
	[tilespmem:$0x1C980] =	vst v63  }
0x3d: {  	_ =	swait.ge [sflag:s24], $0x3100  }
0x3e: {  	[sflag:s24] =	ssyncset.done $0x0  }
0x3f: {  	[sflag:s24] =	ssyncadd.s32 $0xFFFFCF00  }
0x40: {  	[spmem:s21] =	stream.linear.scatter [tilespmem:s22], [sflag:$0xB], $0x3100, $0x38;
	[tilespmem:$0x1C980] =	vst v63  }
0x41: {  	_ =	swait.ge [sflag:s24], $0x3100  }
0x42: {  	s28 =	sld [smem:$0x7F9]  }
0x43: {  	[sflag:s24] =	ssyncset.done $0x0  }
0x44: {  	[sflag:s24] =	ssyncadd.s32 $0xFFFFCF00  }
0x45: {  	[tilespmem:s22], [sflag:$0xB] =	stream.linear.gather [hbm4b:s28+s4], $0x3100, $0x38;
	[tilespmem:$0x1C980] =	vst v63  }
0x46: {  	_ =	swait.ge [sflag:s24], $0x3100  }
0x47: {  	[sflag:s24] =	ssyncset.done $0x0  }
0x48: {  	[sflag:s24] =	ssyncadd.s32 $0xFFFFCF00  }
0x49: {  	[spmem:s29] =	stream.linear.scatter [tilespmem:s22], [sflag:$0xB], $0x3100, $0x38;
	[tilespmem:$0x1C980] =	vst v63  }
0x4a: {  	_ =	swait.ge [sflag:s24], $0x3100  }
0x4b: {  	s12 =	sld [smem:$0x7FA]  }
0x4c: {  	[sflag:s24] =	ssyncset.done $0x0  }
0x4d: {  	[sflag:s24] =	ssyncadd.s32 $0xFFFFCF00  }
0x4e: {  	[tilespmem:s22], [sflag:$0xB] =	stream.linear.gather [hbm4b:s12+s4], $0x3100, $0x38;
	[tilespmem:$0x1C980] =	vst v63  }
0x4f: {  	_ =	swait.ge [sflag:s24], $0x3100  }
0x50: {  	[sflag:s24] =	ssyncset.done $0x0  }
0x51: {  	[sflag:s24] =	ssyncadd.s32 $0xFFFFCF00  }
0x52: {  	[spmem:s30] =	stream.linear.scatter [tilespmem:s22], [sflag:$0xB], $0x3100, $0x38;
	[tilespmem:$0x1C980] =	vst v63  }
0x53: {  	_ =	swait.ge [sflag:s24], $0x3100  }
0x54: {  	[sflag:s24] =	ssyncset.done $0x0  }
0x55: {  	[sflag:s24] =	ssyncadd.s32 $0xFFFFCF00  }
0x56: {  	[bflag:$0x0] =	sbarrier.arrive $0xFFFF  }
0x57: {  	s21 =	rddreg [dreg:$0x1f]  }
0x58: {  	s22 =	sld [smem:$0x7F4]  }
0x59: {  	[tilespmem:s4], [sflag:$0x1] =	stream.linear.gather [hbm4b:s21+s4], $0x190, $0x38;
	[tilespmem:$0x1C980] =	vst v63  }
0x5a: {  	_ = 	snop  }
0x5b: {  	[tilespmem:s26], [sflag:$0x1] =	stream.linear.gather [hbm4b:s22+s4], $0x190, $0x38;
	[tilespmem:$0x1C980] =	vst v63  }
0x5c: {  	s28 =	rddreg [dreg:$0x7]  }
0x5d: {  	[tilespmem:s23], [sflag:$0x1] =	stream.linear.gather [hbm4b:s28+s4], $0x190, $0x38;
	[tilespmem:$0x1C980] =	vst v63  }
0x5e: {  	s30 =	simm.s32 $0x7D0;
	s29 =	rddreg [dreg:$0x8]  }
0x5f: {  	[tilespmem:s30], [sflag:$0x1] =	stream.linear.gather [hbm4b:s29+s4], $0x190, $0x38;
	[tilespmem:$0x1C980] =	vst v63  }
0x60: {  	_ =	swait.ge [sflag:s25], $0x190  }
0x61: {  	[sflag:s25] =	ssyncset.done $0x0  }
0x62: {  	[sflag:s25] =	ssyncadd.s32 $0xFFFFFE70  }
0x63: {  	_ =	swait.ge [sflag:s25], $0x190  }
0x64: {  	[sflag:s25] =	ssyncset.done $0x0  }
0x65: {  	[sflag:s25] =	ssyncadd.s32 $0xFFFFFE70  }
0x66: {  	_ =	swait.ge [sflag:s25], $0x190  }
0x67: {  	[sflag:s25] =	ssyncset.done $0x0  }
0x68: {  	[sflag:s25] =	ssyncadd.s32 $0xFFFFFE70  }
0x69: {  	_ =	swait.ge [sflag:s25], $0x190  }
0x6a: {  	[sflag:s25] =	ssyncset.done $0x0  }
0x6b: {  	s20 =	simm.s32 $0x0;
	s21 =	simm.s32 $0x40;
	[sflag:s25] =	ssyncadd.s32 $0xFFFFFE70  }
.LBB2_2:
0x6c: {  	p0 =	sne.s32 s21, $0x600;
	v2 =	vld [tilespmem:s20+$0x0];
	_ =	sdelay $0x3  }
.Ltmp0:
0x6d: {  	(pc) =	sbr.rel @p0 .LBB2_2-.Ltmp0, $4  }
0x6e: {  	v2 =	vsub.s32 v2, v0  }
0x6f: {  	vm0 =	vlt.u32 v2, $0x61A8  }
0x70: {  	v2 =	vsel vm0, v2, v1  }
0x71: {  	[tilespmem:s20+$0x0] =	vst v2;
	s20 =	sshra.s32 s21, $0x2;
	s21 =	sadd.s32 $0x40, s21  }
0x72: {  	v2 =	vld [tilespmem:s20+$0x0];
	_ =	sdelay $0x4  }
0x73: {  	v2 =	vsub.s32 v2, v0  }
0x74: {  	vm0 =	vlt.u32 v2, $0x61A8  }
0x75: {  	v2 =	vsel vm0, v2, v1  }
0x76: {  	[smem:$0x7F3] =	sst s5;
	s21 =	simm.s32 $0x40;
	[tilespmem:s20+$0x0] =	vst v2;
	s20 =	simm.s32 $0x0  }
.LBB2_4:
0x77: {  	p0 =	sne.s32 s21, $0x600;
	v2 =	vld [tilespmem:s20+$0x190];
	_ =	sdelay $0x3  }
.Ltmp1:
0x78: {  	(pc) =	sbr.rel @p0 .LBB2_4-.Ltmp1, $4  }
0x79: {  	v2 =	vsub.s32 v2, v0  }
0x7a: {  	vm0 =	vlt.u32 v2, $0x61A8  }
0x7b: {  	v2 =	vsel vm0, v2, v1  }
0x7c: {  	[tilespmem:s20+$0x190] =	vst v2;
	s20 =	sshra.s32 s21, $0x2;
	s21 =	sadd.s32 $0x40, s21  }
0x7d: {  	v2 =	vld [tilespmem:s20+$0x190];
	_ =	sdelay $0x4  }
0x7e: {  	v2 =	vsub.s32 v2, v0  }
0x7f: {  	vm0 =	vlt.u32 v2, $0x61A8  }
0x80: {  	v2 =	vsel vm0, v2, v1  }
0x81: {  	s22 =	simm.s32 $0xC80;
	[tilespmem:s20+$0x190] =	vst v2  }
0x82: {  	[tilespmem:s22], [sflag:$0x3] =	stream.indirect.gather [hbm4b:s7+s23], $0x20, s26, s23, $0xb8;
	[tilespmem:$0x1C980] =	vst v63  }
0x83: {  	s28 =	simm.s32 $0x3E80  }
0x84: {  	[tilespmem:s28], [sflag:$0x4] =	stream.indirect.gather [hbm4b:s7+s23], $0x20, s30, s23, $0xb8;
	[tilespmem:$0x1C980] =	vst v63  }
0x85: {  	s21 =	rddreg [dreg:$0x11];
	s20 =	simm.s32 $0x0  }
0x86: {  	[tilespmem:s31], [sflag:$0x2] =	stream.linear.gather [hbm4b:s21+s20], $0x190, $0x38;
	[tilespmem:$0x1C980] =	vst v63  }
0x87: {  	s12 =	rddreg [dreg:$0x12]  }
0x88: {  	[tilespmem:s0], [sflag:$0x2] =	stream.linear.gather [hbm4b:s12+s20], $0x190, $0x38;
	[tilespmem:$0x1C980] =	vst v63  }
0x89: {  	s29 =	rddreg [dreg:$0x13];
	s5 =	simm.s32 $0x4B0  }
0x8a: {  	[tilespmem:s5], [sflag:$0x2] =	stream.linear.gather [hbm4b:s29+s20], $0x190, $0x38;
	[tilespmem:$0x1C980] =	vst v63  }
0x8b: {  	s12 =	rddreg [dreg:$0x14];
	s29 =	simm.s32 $0xAF0  }
0x8c: {  	[tilespmem:s29], [sflag:$0x2] =	stream.linear.gather [hbm4b:s12+s20], $0x190, $0x38;
	[tilespmem:$0x1C980] =	vst v63  }
0x8d: {  	_ =	swait.ge [sflag:s13], $0x3200  }
0x8e: {  	[sflag:s13] =	ssyncset.done $0x0  }
0x8f: {  	[sflag:s13] =	ssyncadd.s32 $0xFFFFCE00  }
0x90: {  	[spmem:s3] =	stream.indirect.scatter.add.f32 [tilespmem:s22], [sflag:$0x7], $0x20, s20, s23, $0xb8;
	[tilespmem:$0x1C980] =	vst v63  }
0x91: {  	_ =	swait.ge [sflag:s14], $0x3200  }
0x92: {  	[sflag:s14] =	ssyncset.done $0x0  }
0x93: {  	[sflag:s14] =	ssyncadd.s32 $0xFFFFCE00  }
0x94: {  	[spmem:s3] =	stream.indirect.scatter.add.f32 [tilespmem:s28], [sflag:$0x8], $0x20, s23, s23, $0xb8;
	[tilespmem:$0x1C980] =	vst v63  }
0x95: {  	_ =	swait.ge [sflag:s15], $0x190  }
0x96: {  	[sflag:s15] =	ssyncset.done $0x0  }
0x97: {  	[sflag:s15] =	ssyncadd.s32 $0xFFFFFE70  }
0x98: {  	_ =	swait.ge [sflag:s15], $0x190  }
0x99: {  	[sflag:s15] =	ssyncset.done $0x0  }
0x9a: {  	[sflag:s15] =	ssyncadd.s32 $0xFFFFFE70  }
0x9b: {  	_ =	swait.ge [sflag:s15], $0x190  }
0x9c: {  	[sflag:s15] =	ssyncset.done $0x0  }
0x9d: {  	[sflag:s15] =	ssyncadd.s32 $0xFFFFFE70  }
0x9e: {  	_ =	swait.ge [sflag:s15], $0x190  }
0x9f: {  	[sflag:s15] =	ssyncset.done $0x0  }
0xa0: {  	s21 =	simm.s32 $0x40;
	s20 =	simm.s32 $0x0;
	[sflag:s15] =	ssyncadd.s32 $0xFFFFFE70  }
.LBB2_6:
0xa1: {  	p0 =	sne.s32 s21, $0x600;
	v2 =	vld [tilespmem:s20+$0x320];
	_ =	sdelay $0x3  }
.Ltmp2:
0xa2: {  	(pc) =	sbr.rel @p0 .LBB2_6-.Ltmp2, $4  }
0xa3: {  	v2 =	vsub.s32 v2, v0  }
0xa4: {  	vm0 =	vlt.u32 v2, $0x61A8  }
0xa5: {  	v2 =	vsel vm0, v2, v1  }
0xa6: {  	[tilespmem:s20+$0x320] =	vst v2;
	s20 =	sshra.s32 s21, $0x2;
	s21 =	sadd.s32 $0x40, s21  }
0xa7: {  	v2 =	vld [tilespmem:s20+$0x320];
	_ =	sdelay $0x4  }
0xa8: {  	v2 =	vsub.s32 v2, v0  }
0xa9: {  	vm0 =	vlt.u32 v2, $0x61A8  }
0xaa: {  	v2 =	vsel vm0, v2, v1  }
0xab: {  	s21 =	simm.s32 $0x40;
	[tilespmem:s20+$0x320] =	vst v2;
	s20 =	simm.s32 $0x0  }
.LBB2_8:
0xac: {  	p0 =	sne.s32 s21, $0x600;
	v2 =	vld [tilespmem:s20+$0x4B0];
	_ =	sdelay $0x3  }
.Ltmp3:
0xad: {  	(pc) =	sbr.rel @p0 .LBB2_8-.Ltmp3, $4  }
0xae: {  	v2 =	vsub.s32 v2, v0  }
0xaf: {  	vm0 =	vlt.u32 v2, $0x61A8  }
0xb0: {  	v2 =	vsel vm0, v2, v1  }
0xb1: {  	[tilespmem:s20+$0x4B0] =	vst v2;
	s20 =	sshra.s32 s21, $0x2;
	s21 =	sadd.s32 $0x40, s21  }
0xb2: {  	v2 =	vld [tilespmem:s20+$0x4B0];
	_ =	sdelay $0x4  }
0xb3: {  	v2 =	vsub.s32 v2, v0  }
0xb4: {  	vm0 =	vlt.u32 v2, $0x61A8  }
0xb5: {  	v2 =	vsel vm0, v2, v1  }
0xb6: {  	[tilespmem:s20+$0x4B0] =	vst v2  }
0xb7: {  	[tilespmem:s16], [sflag:$0x5] =	stream.indirect.gather [hbm4b:s7+s23], $0x20, s0, s23, $0xb8;
	[tilespmem:$0x1C980] =	vst v63  }
0xb8: {  	s5 =	simm.s32 $0xAF0  }
0xb9: {  	[tilespmem:s18], [sflag:$0x6] =	stream.indirect.gather [hbm4b:s7+s23], $0x20, s5, s23, $0xb8;
	[tilespmem:$0x1C980] =	vst v63  }
0xba: {  	_ =	swait.ge [sflag:s2], $0x3200  }
0xbb: {  	[sflag:s2] =	ssyncset.done $0x0  }
0xbc: {  	[sflag:s2] =	ssyncadd.s32 $0xFFFFCE00  }
0xbd: {  	_ =	swait.ge [sflag:s10], $0x3200  }
0xbe: {  	[sflag:s10] =	ssyncset.done $0x0  }
0xbf: {  	s20 =	simm.s32 $0x0;
	s21 =	rddreg [dreg:$0x15];
	[sflag:s10] =	ssyncadd.s32 $0xFFFFCE00  }
0xc0: {  	[tilespmem:s20], [sflag:$0x1] =	stream.linear.gather [hbm4b:s21+s20], $0x190, $0x38;
	[tilespmem:$0x1C980] =	vst v63  }
0xc1: {  	s12 =	rddreg [dreg:$0x16]  }
0xc2: {  	[tilespmem:s26], [sflag:$0x1] =	stream.linear.gather [hbm4b:s12+s20], $0x190, $0x38;
	[tilespmem:$0x1C980] =	vst v63  }
0xc3: {  	s22 =	rddreg [dreg:$0x17]  }
0xc4: {  	[tilespmem:s23], [sflag:$0x1] =	stream.linear.gather [hbm4b:s22+s20], $0x190, $0x38;
	[tilespmem:$0x1C980] =	vst v63  }
0xc5: {  	s28 =	rddreg [dreg:$0x18]  }
0xc6: {  	[tilespmem:s30], [sflag:$0x1] =	stream.linear.gather [hbm4b:s28+s20], $0x190, $0x38;
	[tilespmem:$0x1C980] =	vst v63  }
0xc7: {  	_ =	swait.ge [sflag:s9], $0x3200  }
0xc8: {  	[sflag:s9] =	ssyncset.done $0x0  }
0xc9: {  	[sflag:s9] =	ssyncadd.s32 $0xFFFFCE00  }
0xca: {  	[spmem:s3] =	stream.indirect.scatter.add.f32 [tilespmem:s16], [sflag:$0x9], $0x20, s31, s23, $0xb8;
	[tilespmem:$0x1C980] =	vst v63  }
0xcb: {  	_ =	swait.ge [sflag:s19], $0x3200  }
0xcc: {  	[sflag:s19] =	ssyncset.done $0x0  }
0xcd: {  	s29 =	simm.s32 $0x4B0;
	[sflag:s19] =	ssyncadd.s32 $0xFFFFCE00  }
0xce: {  	[spmem:s3] =	stream.indirect.scatter.add.f32 [tilespmem:s18], [sflag:$0xA], $0x20, s29, s23, $0xb8;
	[tilespmem:$0x1C980] =	vst v63  }
.LBB2_10:
0xcf: {  	_ =	swait.ge [sflag:s25], $0x190  }
0xd0: {  	[sflag:s25] =	ssyncset.done $0x0  }
0xd1: {  	[sflag:s25] =	ssyncadd.s32 $0xFFFFFE70  }
0xd2: {  	_ =	swait.ge [sflag:s25], $0x190  }
0xd3: {  	[sflag:s25] =	ssyncset.done $0x0  }
0xd4: {  	[sflag:s25] =	ssyncadd.s32 $0xFFFFFE70  }
0xd5: {  	_ =	swait.ge [sflag:s25], $0x190  }
0xd6: {  	[sflag:s25] =	ssyncset.done $0x0  }
0xd7: {  	[sflag:s25] =	ssyncadd.s32 $0xFFFFFE70  }
0xd8: {  	_ =	swait.ge [sflag:s25], $0x190  }
0xd9: {  	[sflag:s25] =	ssyncset.done $0x0  }
0xda: {  	s21 =	simm.s32 $0x0;
	s29 =	simm.s32 $0x40;
	[sflag:s25] =	ssyncadd.s32 $0xFFFFFE70  }
.LBB2_11:
0xdb: {  	p0 =	sne.s32 s29, $0x600;
	v2 =	vld [tilespmem:s21+$0x0];
	_ =	sdelay $0x3  }
.Ltmp4:
0xdc: {  	(pc) =	sbr.rel @p0 .LBB2_11-.Ltmp4, $4  }
0xdd: {  	v2 =	vsub.s32 v2, v0  }
0xde: {  	vm0 =	vlt.u32 v2, $0x61A8  }
0xdf: {  	v2 =	vsel vm0, v2, v1  }
0xe0: {  	[tilespmem:s21+$0x0] =	vst v2;
	s21 =	sshra.s32 s29, $0x2;
	s29 =	sadd.s32 $0x40, s29  }
0xe1: {  	v2 =	vld [tilespmem:s21+$0x0];
	_ =	sdelay $0x4  }
0xe2: {  	v2 =	vsub.s32 v2, v0  }
0xe3: {  	vm0 =	vlt.u32 v2, $0x61A8  }
0xe4: {  	v2 =	vsel vm0, v2, v1  }
0xe5: {  	s29 =	simm.s32 $0x40;
	[tilespmem:s21+$0x0] =	vst v2;
	s21 =	simm.s32 $0x0  }
.LBB2_13:
0xe6: {  	p0 =	sne.s32 s29, $0x600;
	v2 =	vld [tilespmem:s21+$0x190];
	_ =	sdelay $0x3  }
.Ltmp5:
0xe7: {  	(pc) =	sbr.rel @p0 .LBB2_13-.Ltmp5, $4  }
0xe8: {  	v2 =	vsub.s32 v2, v0  }
0xe9: {  	vm0 =	vlt.u32 v2, $0x61A8  }
0xea: {  	v2 =	vsel vm0, v2, v1  }
0xeb: {  	[tilespmem:s21+$0x190] =	vst v2;
	s21 =	sshra.s32 s29, $0x2;
	s29 =	sadd.s32 $0x40, s29  }
0xec: {  	v2 =	vld [tilespmem:s21+$0x190];
	_ =	sdelay $0x4  }
0xed: {  	v2 =	vsub.s32 v2, v0  }
0xee: {  	vm0 =	vlt.u32 v2, $0x61A8  }
0xef: {  	v2 =	vsel vm0, v2, v1  }
0xf0: {  	s28 =	simm.s32 $0xC80;
	[tilespmem:s21+$0x190] =	vst v2  }
0xf1: {  	[tilespmem:s28], [sflag:$0x3] =	stream.indirect.gather [hbm4b:s7+s23], $0x20, s26, s23, $0xb8;
	[tilespmem:$0x1C980] =	vst v63  }
0xf2: {  	s5 =	simm.s32 $0x3E80  }
0xf3: {  	[tilespmem:s5], [sflag:$0x4] =	stream.indirect.gather [hbm4b:s7+s23], $0x20, s30, s23, $0xb8;
	[tilespmem:$0x1C980] =	vst v63  }
0xf4: {  	_ =	swait.ge [sflag:s17], $0x3200  }
0xf5: {  	[sflag:s17] =	ssyncset.done $0x0  }
0xf6: {  	[sflag:s17] =	ssyncadd.s32 $0xFFFFCE00  }
0xf7: {  	s21 =	smul.u32 $0x640, s20;
	_ =	swait.ge [sflag:s11], $0x3200  }
0xf8: {  	s22 =	rddreg [dreg:$0x19]  }
0xf9: {  	s29 =	sadd.s32 s21, s22  }
0xfa: {  	[sflag:s11] =	ssyncset.done $0x0;
	s29 =	sshrl.u32 s29, $0x3  }
0xfb: {  	[sflag:s11] =	ssyncadd.s32 $0xFFFFCE00;
	s22 =	simm.s32 $0x0;
	s30 =	sadd.s32 s6, s29  }
0xfc: {  	[tilespmem:s31], [sflag:$0x2] =	stream.linear.gather [hbm4b:s30+s22], $0x190, $0x38;
	[tilespmem:$0x1C980] =	vst v63  }
0xfd: {  	s30 =	sadd.s32 s1, s29;
	s29 =	sadd.s32 $0x32, s29  }
0xfe: {  	[tilespmem:s0], [sflag:$0x2] =	stream.linear.gather [hbm4b:s30+s22], $0x190, $0x38;
	[tilespmem:$0x1C980] =	vst v63  }
0xff: {  	s12 =	simm.s32 $0x4B0;
	s30 =	sadd.s32 s6, s29  }
0x100: {  	[tilespmem:s12], [sflag:$0x2] =	stream.linear.gather [hbm4b:s30+s22], $0x190, $0x38;
	[tilespmem:$0x1C980] =	vst v63  }
0x101: {  	s29 =	sadd.s32 s1, s29;
	s12 =	simm.s32 $0xAF0  }
0x102: {  	[tilespmem:s12], [sflag:$0x2] =	stream.linear.gather [hbm4b:s29+s22], $0x190, $0x38;
	[tilespmem:$0x1C980] =	vst v63  }
0x103: {  	_ =	swait.ge [sflag:s13], $0x3200  }
0x104: {  	[sflag:s13] =	ssyncset.done $0x0  }
0x105: {  	[sflag:s13] =	ssyncadd.s32 $0xFFFFCE00  }
0x106: {  	[spmem:s3] =	stream.indirect.scatter.add.f32 [tilespmem:s28], [sflag:$0x7], $0x20, s22, s23, $0xb8;
	[tilespmem:$0x1C980] =	vst v63  }
0x107: {  	_ =	swait.ge [sflag:s14], $0x3200  }
0x108: {  	[sflag:s14] =	ssyncset.done $0x0  }
0x109: {  	[sflag:s14] =	ssyncadd.s32 $0xFFFFCE00  }
0x10a: {  	[spmem:s3] =	stream.indirect.scatter.add.f32 [tilespmem:s5], [sflag:$0x8], $0x20, s23, s23, $0xb8;
	[tilespmem:$0x1C980] =	vst v63  }
0x10b: {  	_ =	swait.ge [sflag:s15], $0x190  }
0x10c: {  	[sflag:s15] =	ssyncset.done $0x0  }
0x10d: {  	[sflag:s15] =	ssyncadd.s32 $0xFFFFFE70  }
0x10e: {  	_ =	swait.ge [sflag:s15], $0x190  }
0x10f: {  	[sflag:s15] =	ssyncset.done $0x0  }
0x110: {  	[sflag:s15] =	ssyncadd.s32 $0xFFFFFE70  }
0x111: {  	_ =	swait.ge [sflag:s15], $0x190  }
0x112: {  	[sflag:s15] =	ssyncset.done $0x0  }
0x113: {  	[sflag:s15] =	ssyncadd.s32 $0xFFFFFE70  }
0x114: {  	_ =	swait.ge [sflag:s15], $0x190  }
0x115: {  	[sflag:s15] =	ssyncset.done $0x0  }
0x116: {  	s30 =	simm.s32 $0x40;
	s29 =	simm.s32 $0x0;
	[sflag:s15] =	ssyncadd.s32 $0xFFFFFE70  }
.LBB2_15:
0x117: {  	p0 =	sne.s32 s30, $0x600;
	v2 =	vld [tilespmem:s29+$0x320];
	_ =	sdelay $0x3  }
.Ltmp6:
0x118: {  	(pc) =	sbr.rel @p0 .LBB2_15-.Ltmp6, $4  }
0x119: {  	v2 =	vsub.s32 v2, v0  }
0x11a: {  	vm0 =	vlt.u32 v2, $0x61A8  }
0x11b: {  	v2 =	vsel vm0, v2, v1  }
0x11c: {  	[tilespmem:s29+$0x320] =	vst v2;
	s29 =	sshra.s32 s30, $0x2;
	s30 =	sadd.s32 $0x40, s30  }
0x11d: {  	v2 =	vld [tilespmem:s29+$0x320];
	_ =	sdelay $0x4  }
0x11e: {  	v2 =	vsub.s32 v2, v0  }
0x11f: {  	vm0 =	vlt.u32 v2, $0x61A8  }
0x120: {  	v2 =	vsel vm0, v2, v1  }
0x121: {  	s30 =	simm.s32 $0x40;
	[tilespmem:s29+$0x320] =	vst v2;
	s29 =	simm.s32 $0x0  }
.LBB2_17:
0x122: {  	p0 =	sne.s32 s30, $0x600;
	v2 =	vld [tilespmem:s29+$0x4B0];
	_ =	sdelay $0x3  }
.Ltmp7:
0x123: {  	(pc) =	sbr.rel @p0 .LBB2_17-.Ltmp7, $4  }
0x124: {  	v2 =	vsub.s32 v2, v0  }
0x125: {  	vm0 =	vlt.u32 v2, $0x61A8  }
0x126: {  	v2 =	vsel vm0, v2, v1  }
0x127: {  	[tilespmem:s29+$0x4B0] =	vst v2;
	s29 =	sshra.s32 s30, $0x2;
	s30 =	sadd.s32 $0x40, s30  }
0x128: {  	v2 =	vld [tilespmem:s29+$0x4B0];
	_ =	sdelay $0x4  }
0x129: {  	v2 =	vsub.s32 v2, v0  }
0x12a: {  	vm0 =	vlt.u32 v2, $0x61A8  }
0x12b: {  	v2 =	vsel vm0, v2, v1  }
0x12c: {  	[tilespmem:s29+$0x4B0] =	vst v2  }
0x12d: {  	[tilespmem:s16], [sflag:$0x5] =	stream.indirect.gather [hbm4b:s7+s23], $0x20, s0, s23, $0xb8;
	[tilespmem:$0x1C980] =	vst v63  }
0x12e: {  	_ = 	snop  }
0x12f: {  	[tilespmem:s18], [sflag:$0x6] =	stream.indirect.gather [hbm4b:s7+s23], $0x20, s12, s23, $0xb8;
	[tilespmem:$0x1C980] =	vst v63  }
0x130: {  	_ =	swait.ge [sflag:s2], $0x3200  }
0x131: {  	[sflag:s2] =	ssyncset.done $0x0  }
0x132: {  	[sflag:s2] =	ssyncadd.s32 $0xFFFFCE00  }
0x133: {  	_ =	swait.ge [sflag:s10], $0x3200  }
0x134: {  	s22 =	rddreg [dreg:$0x1a]  }
0x135: {  	s21 =	sadd.s32 s21, s22  }
0x136: {  	[sflag:s10] =	ssyncset.done $0x0;
	s21 =	sshrl.u32 s21, $0x3  }
0x137: {  	[sflag:s10] =	ssyncadd.s32 $0xFFFFCE00;
	s12 =	sadd.s32 s6, s21  }
0x138: {  	[tilespmem:s4], [sflag:$0x1] =	stream.linear.gather [hbm4b:s12+s4], $0x190, $0x38;
	[tilespmem:$0x1C980] =	vst v63  }
0x139: {  	s28 =	sadd.s32 s1, s21;
	s21 =	sadd.s32 $0x32, s21  }
0x13a: {  	[tilespmem:s26], [sflag:$0x1] =	stream.linear.gather [hbm4b:s28+s4], $0x190, $0x38;
	[tilespmem:$0x1C980] =	vst v63  }
0x13b: {  	s29 =	sadd.s32 s6, s21  }
0x13c: {  	[tilespmem:s23], [sflag:$0x1] =	stream.linear.gather [hbm4b:s29+s4], $0x190, $0x38;
	[tilespmem:$0x1C980] =	vst v63  }
0x13d: {  	s30 =	simm.s32 $0x7D0;
	s21 =	sadd.s32 s1, s21  }
0x13e: {  	[tilespmem:s30], [sflag:$0x1] =	stream.linear.gather [hbm4b:s21+s4], $0x190, $0x38;
	[tilespmem:$0x1C980] =	vst v63  }
0x13f: {  	_ =	swait.ge [sflag:s9], $0x3200  }
0x140: {  	s20 =	sadd.s32 $0x1, s20;
	[sflag:s9] =	ssyncset.done $0x0  }
0x141: {  	p0 =	sne.s32 s20, $0x1D;
	[sflag:s9] =	ssyncadd.s32 $0xFFFFCE00  }
0x142: {  	[spmem:s3] =	stream.indirect.scatter.add.f32 [tilespmem:s16], [sflag:$0x9], $0x20, s31, s23, $0xb8;
	[tilespmem:$0x1C980] =	vst v63  }
.Ltmp8:
0x143: {  	_ = 	snop;
	(pc) =	sbr.rel @p0 .LBB2_10-.Ltmp8, $4  }
0x144: {  	_ =	swait.ge [sflag:s19], $0x3200  }
0x145: {  	[sflag:s19] =	ssyncset.done $0x0  }
0x146: {  	s5 =	simm.s32 $0x4B0;
	[sflag:s19] =	ssyncadd.s32 $0xFFFFCE00  }
0x147: {  	[spmem:s3] =	stream.indirect.scatter.add.f32 [tilespmem:s18], [sflag:$0xA], $0x20, s5, s23, $0xb8;
	[tilespmem:$0x1C980] =	vst v63  }
0x148: {  	_ =	swait.ge [sflag:s25], $0x190  }
0x149: {  	[sflag:s25] =	ssyncset.done $0x0  }
0x14a: {  	[sflag:s25] =	ssyncadd.s32 $0xFFFFFE70  }
0x14b: {  	_ =	swait.ge [sflag:s25], $0x190  }
0x14c: {  	[sflag:s25] =	ssyncset.done $0x0  }
0x14d: {  	[sflag:s25] =	ssyncadd.s32 $0xFFFFFE70  }
0x14e: {  	_ =	swait.ge [sflag:s25], $0x190  }
0x14f: {  	[sflag:s25] =	ssyncset.done $0x0  }
0x150: {  	[sflag:s25] =	ssyncadd.s32 $0xFFFFFE70  }
0x151: {  	_ =	swait.ge [sflag:s25], $0x190  }
0x152: {  	[sflag:s25] =	ssyncset.done $0x0  }
0x153: {  	s20 =	simm.s32 $0x0;
	s21 =	simm.s32 $0x40;
	[sflag:s25] =	ssyncadd.s32 $0xFFFFFE70  }
.LBB2_20:
0x154: {  	p0 =	sne.s32 s21, $0x600;
	v2 =	vld [tilespmem:s20+$0x0];
	_ =	sdelay $0x3  }
.Ltmp9:
0x155: {  	(pc) =	sbr.rel @p0 .LBB2_20-.Ltmp9, $4  }
0x156: {  	v2 =	vsub.s32 v2, v0  }
0x157: {  	vm0 =	vlt.u32 v2, $0x61A8  }
0x158: {  	v2 =	vsel vm0, v2, v1  }
0x159: {  	[tilespmem:s20+$0x0] =	vst v2;
	s20 =	sshra.s32 s21, $0x2;
	s21 =	sadd.s32 $0x40, s21  }
0x15a: {  	v2 =	vld [tilespmem:s20+$0x0];
	_ =	sdelay $0x4  }
0x15b: {  	v2 =	vsub.s32 v2, v0  }
0x15c: {  	vm0 =	vlt.u32 v2, $0x61A8  }
0x15d: {  	s21 =	simm.s32 $0x40;
	v2 =	vsel vm0, v2, v1  }
0x15e: {  	s29 =	rddreg [dreg:$0x6];
	s22 =	simm.s32 $0xD480;
	[tilespmem:s20+$0x0] =	vst v2;
	s20 =	simm.s32 $0x0  }
.LBB2_22:
0x15f: {  	p0 =	sne.s32 s21, $0x600;
	v2 =	vld [tilespmem:s20+$0x190];
	_ =	sdelay $0x3  }
.Ltmp10:
0x160: {  	(pc) =	sbr.rel @p0 .LBB2_22-.Ltmp10, $4  }
0x161: {  	v2 =	vsub.s32 v2, v0  }
0x162: {  	vm0 =	vlt.u32 v2, $0x61A8  }
0x163: {  	v2 =	vsel vm0, v2, v1  }
0x164: {  	[tilespmem:s20+$0x190] =	vst v2;
	s20 =	sshra.s32 s21, $0x2;
	s21 =	sadd.s32 $0x40, s21  }
0x165: {  	v2 =	vld [tilespmem:s20+$0x190];
	_ =	sdelay $0x4  }
0x166: {  	v2 =	vsub.s32 v2, v0  }
0x167: {  	vm0 =	vlt.u32 v2, $0x61A8  }
0x168: {  	v2 =	vsel vm0, v2, v1  }
0x169: {  	s28 =	simm.s32 $0xC80;
	[tilespmem:s20+$0x190] =	vst v2  }
0x16a: {  	[tilespmem:s28], [sflag:$0x3] =	stream.indirect.gather [hbm4b:s7+s23], $0x20, s26, s23, $0xb8;
	[tilespmem:$0x1C980] =	vst v63  }
0x16b: {  	s5 =	simm.s32 $0x3E80  }
0x16c: {  	[tilespmem:s5], [sflag:$0x4] =	stream.indirect.gather [hbm4b:s7+s23], $0x20, s30, s23, $0xb8;
	[tilespmem:$0x1C980] =	vst v63  }
0x16d: {  	_ =	swait.ge [sflag:s17], $0x3200  }
0x16e: {  	[sflag:s17] =	ssyncset.done $0x0  }
0x16f: {  	[sflag:s17] =	ssyncadd.s32 $0xFFFFCE00  }
0x170: {  	_ =	swait.ge [sflag:s11], $0x3200  }
0x171: {  	[sflag:s11] =	ssyncset.done $0x0  }
0x172: {  	s20 =	simm.s32 $0x0;
	s21 =	rddreg [dreg:$0x1b];
	[sflag:s11] =	ssyncadd.s32 $0xFFFFCE00  }
0x173: {  	[tilespmem:s31], [sflag:$0x2] =	stream.linear.gather [hbm4b:s21+s20], $0x190, $0x38;
	[tilespmem:$0x1C980] =	vst v63  }
0x174: {  	s12 =	rddreg [dreg:$0x1c]  }
0x175: {  	[tilespmem:s0], [sflag:$0x2] =	stream.linear.gather [hbm4b:s12+s20], $0x190, $0x38;
	[tilespmem:$0x1C980] =	vst v63  }
0x176: {  	s26 =	rddreg [dreg:$0x1d];
	s12 =	simm.s32 $0x4B0  }
0x177: {  	[tilespmem:s12], [sflag:$0x2] =	stream.linear.gather [hbm4b:s26+s20], $0x190, $0x38;
	[tilespmem:$0x1C980] =	vst v63  }
0x178: {  	s30 =	rddreg [dreg:$0x1e];
	s12 =	simm.s32 $0xAF0  }
0x179: {  	[tilespmem:s12], [sflag:$0x2] =	stream.linear.gather [hbm4b:s30+s20], $0x190, $0x38;
	[tilespmem:$0x1C980] =	vst v63  }
0x17a: {  	_ =	swait.ge [sflag:s13], $0x3200  }
0x17b: {  	[sflag:s13] =	ssyncset.done $0x0  }
0x17c: {  	[sflag:s13] =	ssyncadd.s32 $0xFFFFCE00  }
0x17d: {  	[spmem:s3] =	stream.indirect.scatter.add.f32 [tilespmem:s28], [sflag:$0x7], $0x20, s20, s23, $0xb8;
	[tilespmem:$0x1C980] =	vst v63  }
0x17e: {  	_ =	swait.ge [sflag:s14], $0x3200  }
0x17f: {  	[sflag:s14] =	ssyncset.done $0x0  }
0x180: {  	[sflag:s14] =	ssyncadd.s32 $0xFFFFCE00  }
0x181: {  	[spmem:s3] =	stream.indirect.scatter.add.f32 [tilespmem:s5], [sflag:$0x8], $0x20, s23, s23, $0xb8;
	[tilespmem:$0x1C980] =	vst v63  }
0x182: {  	_ =	swait.ge [sflag:s15], $0x190  }
0x183: {  	[sflag:s15] =	ssyncset.done $0x0  }
0x184: {  	[sflag:s15] =	ssyncadd.s32 $0xFFFFFE70  }
0x185: {  	_ =	swait.ge [sflag:s15], $0x190  }
0x186: {  	[sflag:s15] =	ssyncset.done $0x0  }
0x187: {  	[sflag:s15] =	ssyncadd.s32 $0xFFFFFE70  }
0x188: {  	_ =	swait.ge [sflag:s15], $0x190  }
0x189: {  	[sflag:s15] =	ssyncset.done $0x0  }
0x18a: {  	[sflag:s15] =	ssyncadd.s32 $0xFFFFFE70  }
0x18b: {  	_ =	swait.ge [sflag:s15], $0x190  }
0x18c: {  	[sflag:s15] =	ssyncset.done $0x0  }
0x18d: {  	s21 =	simm.s32 $0x40;
	s20 =	simm.s32 $0x0;
	[sflag:s15] =	ssyncadd.s32 $0xFFFFFE70  }
.LBB2_24:
0x18e: {  	p0 =	sne.s32 s21, $0x600;
	v2 =	vld [tilespmem:s20+$0x320];
	_ =	sdelay $0x3  }
.Ltmp11:
0x18f: {  	(pc) =	sbr.rel @p0 .LBB2_24-.Ltmp11, $4  }
0x190: {  	v2 =	vsub.s32 v2, v0  }
0x191: {  	vm0 =	vlt.u32 v2, $0x61A8  }
0x192: {  	v2 =	vsel vm0, v2, v1  }
0x193: {  	[tilespmem:s20+$0x320] =	vst v2;
	s20 =	sshra.s32 s21, $0x2;
	s21 =	sadd.s32 $0x40, s21  }
0x194: {  	v2 =	vld [tilespmem:s20+$0x320];
	_ =	sdelay $0x4  }
0x195: {  	v2 =	vsub.s32 v2, v0  }
0x196: {  	vm0 =	vlt.u32 v2, $0x61A8  }
0x197: {  	v2 =	vsel vm0, v2, v1  }
0x198: {  	s21 =	simm.s32 $0x40;
	[tilespmem:s20+$0x320] =	vst v2;
	s20 =	simm.s32 $0x0  }
.LBB2_26:
0x199: {  	p0 =	sne.s32 s21, $0x600;
	v2 =	vld [tilespmem:s20+$0x4B0];
	_ =	sdelay $0x3  }
.Ltmp12:
0x19a: {  	(pc) =	sbr.rel @p0 .LBB2_26-.Ltmp12, $4  }
0x19b: {  	v2 =	vsub.s32 v2, v0  }
0x19c: {  	vm0 =	vlt.u32 v2, $0x61A8  }
0x19d: {  	v2 =	vsel vm0, v2, v1  }
0x19e: {  	[tilespmem:s20+$0x4B0] =	vst v2;
	s20 =	sshra.s32 s21, $0x2;
	s21 =	sadd.s32 $0x40, s21  }
0x19f: {  	v2 =	vld [tilespmem:s20+$0x4B0];
	_ =	sdelay $0x4  }
0x1a0: {  	v2 =	vsub.s32 v2, v0  }
0x1a1: {  	vm0 =	vlt.u32 v2, $0x61A8  }
0x1a2: {  	v2 =	vsel vm0, v2, v1  }
0x1a3: {  	[tilespmem:s20+$0x4B0] =	vst v2  }
0x1a4: {  	[tilespmem:s16], [sflag:$0x5] =	stream.indirect.gather [hbm4b:s7+s23], $0x20, s0, s23, $0xb8;
	[tilespmem:$0x1C980] =	vst v63  }
0x1a5: {  	_ = 	snop  }
0x1a6: {  	[tilespmem:s18], [sflag:$0x6] =	stream.indirect.gather [hbm4b:s7+s23], $0x20, s12, s23, $0xb8;
	[tilespmem:$0x1C980] =	vst v63  }
0x1a7: {  	_ =	swait.ge [sflag:s2], $0x3200  }
0x1a8: {  	[sflag:s2] =	ssyncset.done $0x0  }
0x1a9: {  	[sflag:s2] =	ssyncadd.s32 $0xFFFFCE00  }
0x1aa: {  	_ =	swait.ge [sflag:s10], $0x3200  }
0x1ab: {  	[sflag:s10] =	ssyncset.done $0x0  }
0x1ac: {  	[sflag:s10] =	ssyncadd.s32 $0xFFFFCE00  }
0x1ad: {  	_ =	swait.ge [sflag:s9], $0x3200  }
0x1ae: {  	[sflag:s9] =	ssyncset.done $0x0  }
0x1af: {  	[sflag:s9] =	ssyncadd.s32 $0xFFFFCE00  }
0x1b0: {  	[spmem:s3] =	stream.indirect.scatter.add.f32 [tilespmem:s16], [sflag:$0x9], $0x20, s31, s23, $0xb8;
	[tilespmem:$0x1C980] =	vst v63  }
0x1b1: {  	_ =	swait.ge [sflag:s19], $0x3200  }
0x1b2: {  	[sflag:s19] =	ssyncset.done $0x0  }
0x1b3: {  	s5 =	simm.s32 $0x4B0;
	[sflag:s19] =	ssyncadd.s32 $0xFFFFCE00  }
0x1b4: {  	[spmem:s3] =	stream.indirect.scatter.add.f32 [tilespmem:s18], [sflag:$0xA], $0x20, s5, s23, $0xb8;
	[tilespmem:$0x1C980] =	vst v63  }
0x1b5: {  	_ =	swait.ge [sflag:s17], $0x3200  }
0x1b6: {  	[sflag:s17] =	ssyncset.done $0x0  }
0x1b7: {  	[sflag:s17] =	ssyncadd.s32 $0xFFFFCE00  }
0x1b8: {  	_ =	swait.ge [sflag:s11], $0x3200  }
0x1b9: {  	s21 =	sld [smem:$0x7F5]  }
0x1ba: {  	[sflag:s11] =	ssyncset.done $0x0  }
0x1bb: {  	s28 =	simm.s32 $0x0;
	[sflag:s11] =	ssyncadd.s32 $0xFFFFCE00  }
0x1bc: {  	[tilespmem:s31], [sflag:$0xB] =	stream.linear.gather [hbm4b:s21+s28], $0x190, $0x38;
	[tilespmem:$0x1C980] =	vst v63  }
0x1bd: {  	_ =	swait.ge [sflag:s24], $0x190  }
0x1be: {  	s30 =	sld [smem:$0x7F6]  }
0x1bf: {  	[sflag:s24] =	ssyncset.done $0x0  }
0x1c0: {  	[sflag:s24] =	ssyncadd.s32 $0xFFFFFE70  }
0x1c1: {  	[tilespmem:s0], [sflag:$0xB] =	stream.linear.gather [hbm4b:s30+s28], $0x190, $0x38;
	[tilespmem:$0x1C980] =	vst v63  }
0x1c2: {  	_ =	swait.ge [sflag:s24], $0x190  }
0x1c3: {  	[sflag:s24] =	ssyncset.done $0x0  }
0x1c4: {  	s20 =	simm.s32 $0x0;
	s21 =	simm.s32 $0x40;
	[sflag:s24] =	ssyncadd.s32 $0xFFFFFE70  }
.LBB2_28:
0x1c5: {  	p0 =	sne.s32 s21, $0x600;
	v2 =	vld [tilespmem:s20+$0x320];
	_ =	sdelay $0x3  }
.Ltmp13:
0x1c6: {  	(pc) =	sbr.rel @p0 .LBB2_28-.Ltmp13, $4  }
0x1c7: {  	v2 =	vsub.s32 v2, v0  }
0x1c8: {  	vm0 =	vlt.u32 v2, $0x61A8  }
0x1c9: {  	v2 =	vsel vm0, v2, v1  }
0x1ca: {  	[tilespmem:s20+$0x320] =	vst v2;
	s20 =	sshra.s32 s21, $0x2;
	s21 =	sadd.s32 $0x40, s21  }
0x1cb: {  	v2 =	vld [tilespmem:s20+$0x320];
	_ =	sdelay $0x4  }
0x1cc: {  	v2 =	vsub.s32 v2, v0  }
0x1cd: {  	vm0 =	vlt.u32 v2, $0x61A8  }
0x1ce: {  	v2 =	vsel vm0, v2, v1  }
0x1cf: {  	[tilespmem:s20+$0x320] =	vst v2  }
0x1d0: {  	[tilespmem:s16], [sflag:$0xB] =	stream.indirect.gather [hbm4b:s7+s23], $0x20, s0, s23, $0xb8;
	[tilespmem:$0x1C980] =	vst v63  }
0x1d1: {  	_ =	swait.ge [sflag:s24], $0x3200  }
0x1d2: {  	[sflag:s24] =	ssyncset.done $0x0  }
0x1d3: {  	[sflag:s24] =	ssyncadd.s32 $0xFFFFCE00  }
0x1d4: {  	[spmem:s3] =	stream.indirect.scatter.add.f32 [tilespmem:s16], [sflag:$0xB], $0x20, s31, s23, $0xb8;
	[tilespmem:$0x1C980] =	vst v63  }
0x1d5: {  	_ =	swait.ge [sflag:s24], $0x3200  }
0x1d6: {  	[sflag:s24] =	ssyncset.done $0x0  }
0x1d7: {  	[sflag:s24] =	ssyncadd.s32 $0xFFFFCE00  }
0x1d8: {  	[bflag:$0x0] =	sbarrier.arrive $0xFFFF  }
0x1d9: {  	[tilespmem:s22], [sflag:$0xB] =	stream.linear.gather [spmem:s29], $0x3100, $0x38;
	[tilespmem:$0x1C980] =	vst v63  }
0x1da: {  	_ =	swait.ge [sflag:s24], $0x3100  }
0x1db: {  	[sflag:s24] =	ssyncset.done $0x0  }
0x1dc: {  	s20 =	simm.s32 $0x0;
	s21 =	rddreg [dreg:$0x9];
	[sflag:s24] =	ssyncadd.s32 $0xFFFFCF00  }
0x1dd: {  	[hbm4b:s21+s20] =	stream.linear.scatter [tilespmem:s22], [sflag:$0xB], $0x3100, $0x38;
	[tilespmem:$0x1C980] =	vst v63  }
0x1de: {  	_ =	swait.ge [sflag:s24], $0x3100  }
0x1df: {  	s5 =	smov.u32 s29;
	s29 =	sld [smem:$0x7FB]  }
0x1e0: {  	[sflag:s24] =	ssyncset.done $0x0  }
0x1e1: {  	s26 =	simm.s32 $0xB;
	[sflag:s24] =	ssyncadd.s32 $0xFFFFCF00;
	s24 =	simm.s32 $0xD480  }
0x1e2: {  	[tilespmem:s24], [sflag:$0xB] =	stream.linear.gather [spmem:s29], $0x3100, $0x38;
	[tilespmem:$0x1C980] =	vst v63  }
0x1e3: {  	_ =	swait.ge [sflag:s26], $0x3100  }
0x1e4: {  	[sflag:s26] =	ssyncset.done $0x0  }
0x1e5: {  	s12 =	rddreg [dreg:$0xa];
	[sflag:s26] =	ssyncadd.s32 $0xFFFFCF00  }
0x1e6: {  	[hbm4b:s12+s20] =	stream.linear.scatter [tilespmem:s24], [sflag:$0xB], $0x3100, $0x38;
	[tilespmem:$0x1C980] =	vst v63  }
0x1e7: {  	_ =	swait.ge [sflag:s26], $0x3100  }
0x1e8: {  	s30 =	sld [smem:$0x7FC]  }
0x1e9: {  	[sflag:s26] =	ssyncset.done $0x0  }
0x1ea: {  	[sflag:s26] =	ssyncadd.s32 $0xFFFFCF00  }
0x1eb: {  	[tilespmem:s24], [sflag:$0xB] =	stream.linear.gather [spmem:s30], $0x3100, $0x38;
	[tilespmem:$0x1C980] =	vst v63  }
0x1ec: {  	_ =	swait.ge [sflag:s26], $0x3100  }
0x1ed: {  	[sflag:s26] =	ssyncset.done $0x0  }
0x1ee: {  	s22 =	rddreg [dreg:$0xb];
	[sflag:s26] =	ssyncadd.s32 $0xFFFFCF00  }
0x1ef: {  	[hbm4b:s22+s20] =	stream.linear.scatter [tilespmem:s24], [sflag:$0xB], $0x3100, $0x38;
	[tilespmem:$0x1C980] =	vst v63  }
0x1f0: {  	_ =	swait.ge [sflag:s26], $0x3100  }
0x1f1: {  	s22 =	sld [smem:$0x7FD]  }
0x1f2: {  	[sflag:s26] =	ssyncset.done $0x0  }
0x1f3: {  	[sflag:s26] =	ssyncadd.s32 $0xFFFFCF00  }
0x1f4: {  	[tilespmem:s24], [sflag:$0xB] =	stream.linear.gather [spmem:s22], $0x3100, $0x38;
	[tilespmem:$0x1C980] =	vst v63  }
0x1f5: {  	_ =	swait.ge [sflag:s26], $0x3100  }
0x1f6: {  	[sflag:s26] =	ssyncset.done $0x0  }
0x1f7: {  	s28 =	rddreg [dreg:$0xc];
	[sflag:s26] =	ssyncadd.s32 $0xFFFFCF00  }
0x1f8: {  	[hbm4b:s28+s20] =	stream.linear.scatter [tilespmem:s24], [sflag:$0xB], $0x3100, $0x38;
	[tilespmem:$0x1C980] =	vst v63  }
0x1f9: {  	_ =	swait.ge [sflag:s26], $0x3100  }
0x1fa: {  	[sflag:s26] =	ssyncset.done $0x0  }
0x1fb: {  	[sflag:s26] =	ssyncadd.s32 $0xFFFFCF00  }
0x1fc: {  	[bflag:$0x0] =	sbarrier.arrive $0xFFFF  }
0x1fd: {  	s12 =	rddreg [dreg:$0x2]  }
0x1fe: {  	[tilespmem:s24], [sflag:$0xB] =	stream.linear.gather [hbm4b:s12+s20], $0x3100, $0x38;
	[tilespmem:$0x1C980] =	vst v63  }
0x1ff: {  	_ =	swait.ge [sflag:s26], $0x3100  }
0x200: {  	[sflag:s26] =	ssyncset.done $0x0  }
0x201: {  	[sflag:s26] =	ssyncadd.s32 $0xFFFFCF00  }
0x202: {  	[spmem:s5] =	stream.linear.scatter [tilespmem:s24], [sflag:$0xB], $0x3100, $0x38;
	[tilespmem:$0x1C980] =	vst v63  }
0x203: {  	_ =	swait.ge [sflag:s26], $0x3100  }
0x204: {  	s28 =	sld [smem:$0x7F8]  }
0x205: {  	[sflag:s26] =	ssyncset.done $0x0  }
0x206: {  	[sflag:s26] =	ssyncadd.s32 $0xFFFFCF00  }
0x207: {  	[tilespmem:s24], [sflag:$0xB] =	stream.linear.gather [hbm4b:s28+s20], $0x3100, $0x38;
	[tilespmem:$0x1C980] =	vst v63  }
0x208: {  	_ =	swait.ge [sflag:s26], $0x3100  }
0x209: {  	[sflag:s26] =	ssyncset.done $0x0  }
0x20a: {  	[sflag:s26] =	ssyncadd.s32 $0xFFFFCF00  }
0x20b: {  	[spmem:s29] =	stream.linear.scatter [tilespmem:s24], [sflag:$0xB], $0x3100, $0x38;
	[tilespmem:$0x1C980] =	vst v63  }
0x20c: {  	_ =	swait.ge [sflag:s26], $0x3100  }
0x20d: {  	s5 =	sld [smem:$0x7F9]  }
0x20e: {  	[sflag:s26] =	ssyncset.done $0x0  }
0x20f: {  	s29 =	simm.s32 $0xD480;
	[sflag:s26] =	ssyncadd.s32 $0xFFFFCF00  }
0x210: {  	[tilespmem:s29], [sflag:$0xB] =	stream.linear.gather [hbm4b:s5+s20], $0x3100, $0x38;
	[tilespmem:$0x1C980] =	vst v63  }
0x211: {  	_ =	swait.ge [sflag:s26], $0x3100  }
0x212: {  	[sflag:s26] =	ssyncset.done $0x0  }
0x213: {  	[sflag:s26] =	ssyncadd.s32 $0xFFFFCF00  }
0x214: {  	[spmem:s30] =	stream.linear.scatter [tilespmem:s29], [sflag:$0xB], $0x3100, $0x38;
	[tilespmem:$0x1C980] =	vst v63  }
0x215: {  	_ =	swait.ge [sflag:s26], $0x3100  }
0x216: {  	s12 =	sld [smem:$0x7FA]  }
0x217: {  	[sflag:s26] =	ssyncset.done $0x0  }
0x218: {  	[sflag:s26] =	ssyncadd.s32 $0xFFFFCF00  }
0x219: {  	[tilespmem:s29], [sflag:$0xB] =	stream.linear.gather [hbm4b:s12+s20], $0x3100, $0x38;
	[tilespmem:$0x1C980] =	vst v63  }
0x21a: {  	_ =	swait.ge [sflag:s26], $0x3100  }
0x21b: {  	[sflag:s26] =	ssyncset.done $0x0  }
0x21c: {  	s24 =	simm.s32 $0xB;
	[sflag:s26] =	ssyncadd.s32 $0xFFFFCF00  }
0x21d: {  	[spmem:s22] =	stream.linear.scatter [tilespmem:s29], [sflag:$0xB], $0x3100, $0x38;
	[tilespmem:$0x1C980] =	vst v63  }
0x21e: {  	_ =	swait.ge [sflag:s24], $0x3100  }
0x21f: {  	[sflag:s24] =	ssyncset.done $0x0  }
0x220: {  	[sflag:s24] =	ssyncadd.s32 $0xFFFFCF00  }
0x221: {  	[bflag:$0x0] =	sbarrier.arrive $0xFFFF  }
0x222: {  	s26 =	rddreg [dreg:$0x1f]  }
0x223: {  	s28 =	sld [smem:$0x7F4]  }
0x224: {  	[tilespmem:s20], [sflag:$0x1] =	stream.linear.gather [hbm4b:s26+s20], $0x190, $0x38;
	[tilespmem:$0x1C980] =	vst v63  }
0x225: {  	s26 =	simm.s32 $0x640  }
0x226: {  	[tilespmem:s26], [sflag:$0x1] =	stream.linear.gather [hbm4b:s28+s20], $0x190, $0x38;
	[tilespmem:$0x1C980] =	vst v63  }
0x227: {  	s29 =	rddreg [dreg:$0x7]  }
0x228: {  	[tilespmem:s23], [sflag:$0x1] =	stream.linear.gather [hbm4b:s29+s20], $0x190, $0x38;
	[tilespmem:$0x1C980] =	vst v63  }
0x229: {  	s22 =	simm.s32 $0x7D0;
	s30 =	rddreg [dreg:$0x8]  }
0x22a: {  	[tilespmem:s22], [sflag:$0x1] =	stream.linear.gather [hbm4b:s30+s20], $0x190, $0x38;
	[tilespmem:$0x1C980] =	vst v63  }
0x22b: {  	_ =	swait.ge [sflag:s25], $0x190  }
0x22c: {  	[sflag:s25] =	ssyncset.done $0x0  }
0x22d: {  	[sflag:s25] =	ssyncadd.s32 $0xFFFFFE70  }
0x22e: {  	_ =	swait.ge [sflag:s25], $0x190  }
0x22f: {  	[sflag:s25] =	ssyncset.done $0x0  }
0x230: {  	[sflag:s25] =	ssyncadd.s32 $0xFFFFFE70  }
0x231: {  	_ =	swait.ge [sflag:s25], $0x190  }
0x232: {  	[sflag:s25] =	ssyncset.done $0x0  }
0x233: {  	[sflag:s25] =	ssyncadd.s32 $0xFFFFFE70  }
0x234: {  	_ =	swait.ge [sflag:s25], $0x190  }
0x235: {  	[sflag:s25] =	ssyncset.done $0x0  }
0x236: {  	s21 =	simm.s32 $0x40;
	s20 =	simm.s32 $0x0;
	[sflag:s25] =	ssyncadd.s32 $0xFFFFFE70  }
.LBB2_30:
0x237: {  	p0 =	sne.s32 s21, $0x600;
	v2 =	vld [tilespmem:s20+$0x0];
	_ =	sdelay $0x3  }
.Ltmp14:
0x238: {  	(pc) =	sbr.rel @p0 .LBB2_30-.Ltmp14, $4  }
0x239: {  	v2 =	vsub.s32 v2, v0  }
0x23a: {  	vm0 =	vlt.u32 v2, $0x61A8  }
0x23b: {  	v2 =	vsel vm0, v2, v1  }
0x23c: {  	[tilespmem:s20+$0x0] =	vst v2;
	s20 =	sshra.s32 s21, $0x2;
	s21 =	sadd.s32 $0x40, s21  }
0x23d: {  	v2 =	vld [tilespmem:s20+$0x0];
	_ =	sdelay $0x4  }
0x23e: {  	v2 =	vsub.s32 v2, v0  }
0x23f: {  	vm0 =	vlt.u32 v2, $0x61A8  }
0x240: {  	v2 =	vsel vm0, v2, v1  }
0x241: {  	s21 =	simm.s32 $0x40;
	[tilespmem:s20+$0x0] =	vst v2;
	s20 =	simm.s32 $0x0  }
.LBB2_32:
0x242: {  	p0 =	sne.s32 s21, $0x600;
	v2 =	vld [tilespmem:s20+$0x190];
	_ =	sdelay $0x3  }
.Ltmp15:
0x243: {  	(pc) =	sbr.rel @p0 .LBB2_32-.Ltmp15, $4  }
0x244: {  	v2 =	vsub.s32 v2, v0  }
0x245: {  	vm0 =	vlt.u32 v2, $0x61A8  }
0x246: {  	v2 =	vsel vm0, v2, v1  }
0x247: {  	[tilespmem:s20+$0x190] =	vst v2;
	s20 =	sshra.s32 s21, $0x2;
	s21 =	sadd.s32 $0x40, s21  }
0x248: {  	v2 =	vld [tilespmem:s20+$0x190];
	_ =	sdelay $0x4  }
0x249: {  	v2 =	vsub.s32 v2, v0  }
0x24a: {  	vm0 =	vlt.u32 v2, $0x61A8  }
0x24b: {  	v2 =	vsel vm0, v2, v1  }
0x24c: {  	s28 =	simm.s32 $0xC80;
	[tilespmem:s20+$0x190] =	vst v2  }
0x24d: {  	[tilespmem:s28], [sflag:$0x3] =	stream.indirect.gather [hbm4b:s8+s23], $0x20, s26, s23, $0xb8;
	[tilespmem:$0x1C980] =	vst v63  }
0x24e: {  	s5 =	simm.s32 $0x3E80  }
0x24f: {  	[tilespmem:s5], [sflag:$0x4] =	stream.indirect.gather [hbm4b:s8+s23], $0x20, s22, s23, $0xb8;
	[tilespmem:$0x1C980] =	vst v63  }
0x250: {  	s21 =	rddreg [dreg:$0x11];
	s20 =	simm.s32 $0x0  }
0x251: {  	[tilespmem:s31], [sflag:$0x2] =	stream.linear.gather [hbm4b:s21+s20], $0x190, $0x38;
	[tilespmem:$0x1C980] =	vst v63  }
0x252: {  	s12 =	rddreg [dreg:$0x12]  }
0x253: {  	[tilespmem:s0], [sflag:$0x2] =	stream.linear.gather [hbm4b:s12+s20], $0x190, $0x38;
	[tilespmem:$0x1C980] =	vst v63  }
0x254: {  	s29 =	rddreg [dreg:$0x13];
	s12 =	simm.s32 $0x4B0  }
0x255: {  	[tilespmem:s12], [sflag:$0x2] =	stream.linear.gather [hbm4b:s29+s20], $0x190, $0x38;
	[tilespmem:$0x1C980] =	vst v63  }
0x256: {  	s30 =	rddreg [dreg:$0x14];
	s12 =	simm.s32 $0xAF0  }
0x257: {  	[tilespmem:s12], [sflag:$0x2] =	stream.linear.gather [hbm4b:s30+s20], $0x190, $0x38;
	[tilespmem:$0x1C980] =	vst v63  }
0x258: {  	_ =	swait.ge [sflag:s13], $0x3200  }
0x259: {  	[sflag:s13] =	ssyncset.done $0x0  }
0x25a: {  	[sflag:s13] =	ssyncadd.s32 $0xFFFFCE00  }
0x25b: {  	[spmem:s3] =	stream.indirect.scatter.add.f32 [tilespmem:s28], [sflag:$0x7], $0x20, s20, s23, $0xb8;
	[tilespmem:$0x1C980] =	vst v63  }
0x25c: {  	_ =	swait.ge [sflag:s14], $0x3200  }
0x25d: {  	[sflag:s14] =	ssyncset.done $0x0  }
0x25e: {  	[sflag:s14] =	ssyncadd.s32 $0xFFFFCE00  }
0x25f: {  	[spmem:s3] =	stream.indirect.scatter.add.f32 [tilespmem:s5], [sflag:$0x8], $0x20, s23, s23, $0xb8;
	[tilespmem:$0x1C980] =	vst v63  }
0x260: {  	_ =	swait.ge [sflag:s15], $0x190  }
0x261: {  	[sflag:s15] =	ssyncset.done $0x0  }
0x262: {  	[sflag:s15] =	ssyncadd.s32 $0xFFFFFE70  }
0x263: {  	_ =	swait.ge [sflag:s15], $0x190  }
0x264: {  	[sflag:s15] =	ssyncset.done $0x0  }
0x265: {  	[sflag:s15] =	ssyncadd.s32 $0xFFFFFE70  }
0x266: {  	_ =	swait.ge [sflag:s15], $0x190  }
0x267: {  	[sflag:s15] =	ssyncset.done $0x0  }
0x268: {  	[sflag:s15] =	ssyncadd.s32 $0xFFFFFE70  }
0x269: {  	_ =	swait.ge [sflag:s15], $0x190  }
0x26a: {  	[sflag:s15] =	ssyncset.done $0x0  }
0x26b: {  	s21 =	simm.s32 $0x40;
	s20 =	simm.s32 $0x0;
	[sflag:s15] =	ssyncadd.s32 $0xFFFFFE70  }
.LBB2_34:
0x26c: {  	p0 =	sne.s32 s21, $0x600;
	v2 =	vld [tilespmem:s20+$0x320];
	_ =	sdelay $0x3  }
.Ltmp16:
0x26d: {  	(pc) =	sbr.rel @p0 .LBB2_34-.Ltmp16, $4  }
0x26e: {  	v2 =	vsub.s32 v2, v0  }
0x26f: {  	vm0 =	vlt.u32 v2, $0x61A8  }
0x270: {  	v2 =	vsel vm0, v2, v1  }
0x271: {  	[tilespmem:s20+$0x320] =	vst v2;
	s20 =	sshra.s32 s21, $0x2;
	s21 =	sadd.s32 $0x40, s21  }
0x272: {  	v2 =	vld [tilespmem:s20+$0x320];
	_ =	sdelay $0x4  }
0x273: {  	v2 =	vsub.s32 v2, v0  }
0x274: {  	vm0 =	vlt.u32 v2, $0x61A8  }
0x275: {  	v2 =	vsel vm0, v2, v1  }
0x276: {  	s21 =	simm.s32 $0x40;
	[tilespmem:s20+$0x320] =	vst v2;
	s20 =	simm.s32 $0x0  }
.LBB2_36:
0x277: {  	p0 =	sne.s32 s21, $0x600;
	v2 =	vld [tilespmem:s20+$0x4B0];
	_ =	sdelay $0x3  }
.Ltmp17:
0x278: {  	(pc) =	sbr.rel @p0 .LBB2_36-.Ltmp17, $4  }
0x279: {  	v2 =	vsub.s32 v2, v0  }
0x27a: {  	vm0 =	vlt.u32 v2, $0x61A8  }
0x27b: {  	v2 =	vsel vm0, v2, v1  }
0x27c: {  	[tilespmem:s20+$0x4B0] =	vst v2;
	s20 =	sshra.s32 s21, $0x2;
	s21 =	sadd.s32 $0x40, s21  }
0x27d: {  	v2 =	vld [tilespmem:s20+$0x4B0];
	_ =	sdelay $0x4  }
0x27e: {  	v2 =	vsub.s32 v2, v0  }
0x27f: {  	vm0 =	vlt.u32 v2, $0x61A8  }
0x280: {  	v2 =	vsel vm0, v2, v1  }
0x281: {  	[tilespmem:s20+$0x4B0] =	vst v2  }
0x282: {  	[tilespmem:s16], [sflag:$0x5] =	stream.indirect.gather [hbm4b:s8+s23], $0x20, s0, s23, $0xb8;
	[tilespmem:$0x1C980] =	vst v63  }
0x283: {  	_ = 	snop  }
0x284: {  	[tilespmem:s18], [sflag:$0x6] =	stream.indirect.gather [hbm4b:s8+s23], $0x20, s12, s23, $0xb8;
	[tilespmem:$0x1C980] =	vst v63  }
0x285: {  	_ =	swait.ge [sflag:s2], $0x3200  }
0x286: {  	[sflag:s2] =	ssyncset.done $0x0  }
0x287: {  	[sflag:s2] =	ssyncadd.s32 $0xFFFFCE00  }
0x288: {  	_ =	swait.ge [sflag:s10], $0x3200  }
0x289: {  	[sflag:s10] =	ssyncset.done $0x0  }
0x28a: {  	s20 =	simm.s32 $0x0;
	s21 =	rddreg [dreg:$0x15];
	[sflag:s10] =	ssyncadd.s32 $0xFFFFCE00  }
0x28b: {  	[tilespmem:s20], [sflag:$0x1] =	stream.linear.gather [hbm4b:s21+s20], $0x190, $0x38;
	[tilespmem:$0x1C980] =	vst v63  }
0x28c: {  	s28 =	rddreg [dreg:$0x16]  }
0x28d: {  	[tilespmem:s26], [sflag:$0x1] =	stream.linear.gather [hbm4b:s28+s20], $0x190, $0x38;
	[tilespmem:$0x1C980] =	vst v63  }
0x28e: {  	s29 =	rddreg [dreg:$0x17]  }
0x28f: {  	[tilespmem:s23], [sflag:$0x1] =	stream.linear.gather [hbm4b:s29+s20], $0x190, $0x38;
	[tilespmem:$0x1C980] =	vst v63  }
0x290: {  	s30 =	rddreg [dreg:$0x18]  }
0x291: {  	[tilespmem:s22], [sflag:$0x1] =	stream.linear.gather [hbm4b:s30+s20], $0x190, $0x38;
	[tilespmem:$0x1C980] =	vst v63  }
0x292: {  	_ =	swait.ge [sflag:s9], $0x3200  }
0x293: {  	[sflag:s9] =	ssyncset.done $0x0  }
0x294: {  	[sflag:s9] =	ssyncadd.s32 $0xFFFFCE00  }
0x295: {  	[spmem:s3] =	stream.indirect.scatter.add.f32 [tilespmem:s16], [sflag:$0x9], $0x20, s31, s23, $0xb8;
	[tilespmem:$0x1C980] =	vst v63  }
0x296: {  	_ =	swait.ge [sflag:s19], $0x3200  }
0x297: {  	[sflag:s19] =	ssyncset.done $0x0  }
0x298: {  	s5 =	simm.s32 $0x4B0;
	[sflag:s19] =	ssyncadd.s32 $0xFFFFCE00  }
0x299: {  	[spmem:s3] =	stream.indirect.scatter.add.f32 [tilespmem:s18], [sflag:$0xA], $0x20, s5, s23, $0xb8;
	[tilespmem:$0x1C980] =	vst v63  }
.LBB2_38:
0x29a: {  	_ =	swait.ge [sflag:s25], $0x190  }
0x29b: {  	[sflag:s25] =	ssyncset.done $0x0  }
0x29c: {  	[sflag:s25] =	ssyncadd.s32 $0xFFFFFE70  }
0x29d: {  	_ =	swait.ge [sflag:s25], $0x190  }
0x29e: {  	[sflag:s25] =	ssyncset.done $0x0  }
0x29f: {  	[sflag:s25] =	ssyncadd.s32 $0xFFFFFE70  }
0x2a0: {  	_ =	swait.ge [sflag:s25], $0x190  }
0x2a1: {  	[sflag:s25] =	ssyncset.done $0x0  }
0x2a2: {  	[sflag:s25] =	ssyncadd.s32 $0xFFFFFE70  }
0x2a3: {  	_ =	swait.ge [sflag:s25], $0x190  }
0x2a4: {  	[sflag:s25] =	ssyncset.done $0x0  }
0x2a5: {  	s21 =	simm.s32 $0x0;
	s29 =	simm.s32 $0x40;
	[sflag:s25] =	ssyncadd.s32 $0xFFFFFE70  }
.LBB2_39:
0x2a6: {  	p0 =	sne.s32 s29, $0x600;
	v2 =	vld [tilespmem:s21+$0x0];
	_ =	sdelay $0x3  }
.Ltmp18:
0x2a7: {  	(pc) =	sbr.rel @p0 .LBB2_39-.Ltmp18, $4  }
0x2a8: {  	v2 =	vsub.s32 v2, v0  }
0x2a9: {  	vm0 =	vlt.u32 v2, $0x61A8  }
0x2aa: {  	v2 =	vsel vm0, v2, v1  }
0x2ab: {  	[tilespmem:s21+$0x0] =	vst v2;
	s21 =	sshra.s32 s29, $0x2;
	s29 =	sadd.s32 $0x40, s29  }
0x2ac: {  	v2 =	vld [tilespmem:s21+$0x0];
	_ =	sdelay $0x4  }
0x2ad: {  	v2 =	vsub.s32 v2, v0  }
0x2ae: {  	vm0 =	vlt.u32 v2, $0x61A8  }
0x2af: {  	v2 =	vsel vm0, v2, v1  }
0x2b0: {  	s29 =	simm.s32 $0x40;
	[tilespmem:s21+$0x0] =	vst v2;
	s21 =	simm.s32 $0x0  }
.LBB2_41:
0x2b1: {  	p0 =	sne.s32 s29, $0x600;
	v2 =	vld [tilespmem:s21+$0x190];
	_ =	sdelay $0x3  }
.Ltmp19:
0x2b2: {  	(pc) =	sbr.rel @p0 .LBB2_41-.Ltmp19, $4  }
0x2b3: {  	v2 =	vsub.s32 v2, v0  }
0x2b4: {  	vm0 =	vlt.u32 v2, $0x61A8  }
0x2b5: {  	v2 =	vsel vm0, v2, v1  }
0x2b6: {  	[tilespmem:s21+$0x190] =	vst v2;
	s21 =	sshra.s32 s29, $0x2;
	s29 =	sadd.s32 $0x40, s29  }
0x2b7: {  	v2 =	vld [tilespmem:s21+$0x190];
	_ =	sdelay $0x4  }
0x2b8: {  	v2 =	vsub.s32 v2, v0  }
0x2b9: {  	vm0 =	vlt.u32 v2, $0x61A8  }
0x2ba: {  	v2 =	vsel vm0, v2, v1  }
0x2bb: {  	s28 =	simm.s32 $0xC80;
	[tilespmem:s21+$0x190] =	vst v2  }
0x2bc: {  	[tilespmem:s28], [sflag:$0x3] =	stream.indirect.gather [hbm4b:s8+s23], $0x20, s26, s23, $0xb8;
	[tilespmem:$0x1C980] =	vst v63  }
0x2bd: {  	s5 =	simm.s32 $0x3E80  }
0x2be: {  	[tilespmem:s5], [sflag:$0x4] =	stream.indirect.gather [hbm4b:s8+s23], $0x20, s22, s23, $0xb8;
	[tilespmem:$0x1C980] =	vst v63  }
0x2bf: {  	_ =	swait.ge [sflag:s17], $0x3200  }
0x2c0: {  	[sflag:s17] =	ssyncset.done $0x0  }
0x2c1: {  	[sflag:s17] =	ssyncadd.s32 $0xFFFFCE00  }
0x2c2: {  	s21 =	smul.u32 $0x640, s20;
	_ =	swait.ge [sflag:s11], $0x3200  }
0x2c3: {  	s12 =	rddreg [dreg:$0x19]  }
0x2c4: {  	s22 =	sadd.s32 s21, s12  }
0x2c5: {  	[sflag:s11] =	ssyncset.done $0x0;
	s22 =	sshrl.u32 s22, $0x3  }
0x2c6: {  	s30 =	simm.s32 $0x0;
	[sflag:s11] =	ssyncadd.s32 $0xFFFFCE00;
	s29 =	sadd.s32 s6, s22  }
0x2c7: {  	[tilespmem:s31], [sflag:$0x2] =	stream.linear.gather [hbm4b:s29+s30], $0x190, $0x38;
	[tilespmem:$0x1C980] =	vst v63  }
0x2c8: {  	s29 =	sadd.s32 s1, s22;
	s22 =	sadd.s32 $0x32, s22  }
0x2c9: {  	[tilespmem:s0], [sflag:$0x2] =	stream.linear.gather [hbm4b:s29+s30], $0x190, $0x38;
	[tilespmem:$0x1C980] =	vst v63  }
0x2ca: {  	s12 =	simm.s32 $0x4B0;
	s29 =	sadd.s32 s6, s22  }
0x2cb: {  	[tilespmem:s12], [sflag:$0x2] =	stream.linear.gather [hbm4b:s29+s30], $0x190, $0x38;
	[tilespmem:$0x1C980] =	vst v63  }
0x2cc: {  	s22 =	sadd.s32 s1, s22;
	s12 =	simm.s32 $0xAF0  }
0x2cd: {  	[tilespmem:s12], [sflag:$0x2] =	stream.linear.gather [hbm4b:s22+s30], $0x190, $0x38;
	[tilespmem:$0x1C980] =	vst v63  }
0x2ce: {  	_ =	swait.ge [sflag:s13], $0x3200  }
0x2cf: {  	[sflag:s13] =	ssyncset.done $0x0  }
0x2d0: {  	[sflag:s13] =	ssyncadd.s32 $0xFFFFCE00  }
0x2d1: {  	[spmem:s3] =	stream.indirect.scatter.add.f32 [tilespmem:s28], [sflag:$0x7], $0x20, s30, s23, $0xb8;
	[tilespmem:$0x1C980] =	vst v63  }
0x2d2: {  	_ =	swait.ge [sflag:s14], $0x3200  }
0x2d3: {  	[sflag:s14] =	ssyncset.done $0x0  }
0x2d4: {  	[sflag:s14] =	ssyncadd.s32 $0xFFFFCE00  }
0x2d5: {  	[spmem:s3] =	stream.indirect.scatter.add.f32 [tilespmem:s5], [sflag:$0x8], $0x20, s23, s23, $0xb8;
	[tilespmem:$0x1C980] =	vst v63  }
0x2d6: {  	_ =	swait.ge [sflag:s15], $0x190  }
0x2d7: {  	[sflag:s15] =	ssyncset.done $0x0  }
0x2d8: {  	[sflag:s15] =	ssyncadd.s32 $0xFFFFFE70  }
0x2d9: {  	_ =	swait.ge [sflag:s15], $0x190  }
0x2da: {  	[sflag:s15] =	ssyncset.done $0x0  }
0x2db: {  	[sflag:s15] =	ssyncadd.s32 $0xFFFFFE70  }
0x2dc: {  	_ =	swait.ge [sflag:s15], $0x190  }
0x2dd: {  	[sflag:s15] =	ssyncset.done $0x0  }
0x2de: {  	[sflag:s15] =	ssyncadd.s32 $0xFFFFFE70  }
0x2df: {  	_ =	swait.ge [sflag:s15], $0x190  }
0x2e0: {  	[sflag:s15] =	ssyncset.done $0x0  }
0x2e1: {  	s29 =	simm.s32 $0x0;
	s30 =	simm.s32 $0x40;
	[sflag:s15] =	ssyncadd.s32 $0xFFFFFE70  }
.LBB2_43:
0x2e2: {  	p0 =	sne.s32 s30, $0x600;
	v2 =	vld [tilespmem:s29+$0x320];
	_ =	sdelay $0x3  }
.Ltmp20:
0x2e3: {  	(pc) =	sbr.rel @p0 .LBB2_43-.Ltmp20, $4  }
0x2e4: {  	v2 =	vsub.s32 v2, v0  }
0x2e5: {  	vm0 =	vlt.u32 v2, $0x61A8  }
0x2e6: {  	v2 =	vsel vm0, v2, v1  }
0x2e7: {  	[tilespmem:s29+$0x320] =	vst v2;
	s29 =	sshra.s32 s30, $0x2;
	s30 =	sadd.s32 $0x40, s30  }
0x2e8: {  	v2 =	vld [tilespmem:s29+$0x320];
	_ =	sdelay $0x4  }
0x2e9: {  	v2 =	vsub.s32 v2, v0  }
0x2ea: {  	vm0 =	vlt.u32 v2, $0x61A8  }
0x2eb: {  	v2 =	vsel vm0, v2, v1  }
0x2ec: {  	s30 =	simm.s32 $0x40;
	[tilespmem:s29+$0x320] =	vst v2;
	s29 =	simm.s32 $0x0  }
.LBB2_45:
0x2ed: {  	p0 =	sne.s32 s30, $0x600;
	v2 =	vld [tilespmem:s29+$0x4B0];
	_ =	sdelay $0x3  }
.Ltmp21:
0x2ee: {  	(pc) =	sbr.rel @p0 .LBB2_45-.Ltmp21, $4  }
0x2ef: {  	v2 =	vsub.s32 v2, v0  }
0x2f0: {  	vm0 =	vlt.u32 v2, $0x61A8  }
0x2f1: {  	v2 =	vsel vm0, v2, v1  }
0x2f2: {  	[tilespmem:s29+$0x4B0] =	vst v2;
	s29 =	sshra.s32 s30, $0x2;
	s30 =	sadd.s32 $0x40, s30  }
0x2f3: {  	v2 =	vld [tilespmem:s29+$0x4B0];
	_ =	sdelay $0x4  }
0x2f4: {  	v2 =	vsub.s32 v2, v0  }
0x2f5: {  	vm0 =	vlt.u32 v2, $0x61A8  }
0x2f6: {  	v2 =	vsel vm0, v2, v1  }
0x2f7: {  	[tilespmem:s29+$0x4B0] =	vst v2  }
0x2f8: {  	[tilespmem:s16], [sflag:$0x5] =	stream.indirect.gather [hbm4b:s8+s23], $0x20, s0, s23, $0xb8;
	[tilespmem:$0x1C980] =	vst v63  }
0x2f9: {  	_ = 	snop  }
0x2fa: {  	[tilespmem:s18], [sflag:$0x6] =	stream.indirect.gather [hbm4b:s8+s23], $0x20, s12, s23, $0xb8;
	[tilespmem:$0x1C980] =	vst v63  }
0x2fb: {  	_ =	swait.ge [sflag:s2], $0x3200  }
0x2fc: {  	[sflag:s2] =	ssyncset.done $0x0  }
0x2fd: {  	[sflag:s2] =	ssyncadd.s32 $0xFFFFCE00  }
0x2fe: {  	_ =	swait.ge [sflag:s10], $0x3200  }
0x2ff: {  	s22 =	rddreg [dreg:$0x1a]  }
0x300: {  	s21 =	sadd.s32 s21, s22  }
0x301: {  	[sflag:s10] =	ssyncset.done $0x0;
	s21 =	sshrl.u32 s21, $0x3  }
0x302: {  	[sflag:s10] =	ssyncadd.s32 $0xFFFFCE00;
	s28 =	sadd.s32 s6, s21  }
0x303: {  	[tilespmem:s4], [sflag:$0x1] =	stream.linear.gather [hbm4b:s28+s4], $0x190, $0x38;
	[tilespmem:$0x1C980] =	vst v63  }
0x304: {  	s29 =	sadd.s32 s1, s21;
	s21 =	sadd.s32 $0x32, s21  }
0x305: {  	[tilespmem:s26], [sflag:$0x1] =	stream.linear.gather [hbm4b:s29+s4], $0x190, $0x38;
	[tilespmem:$0x1C980] =	vst v63  }
0x306: {  	s30 =	sadd.s32 s6, s21  }
0x307: {  	[tilespmem:s23], [sflag:$0x1] =	stream.linear.gather [hbm4b:s30+s4], $0x190, $0x38;
	[tilespmem:$0x1C980] =	vst v63  }
0x308: {  	s22 =	simm.s32 $0x7D0;
	s21 =	sadd.s32 s1, s21  }
0x309: {  	[tilespmem:s22], [sflag:$0x1] =	stream.linear.gather [hbm4b:s21+s4], $0x190, $0x38;
	[tilespmem:$0x1C980] =	vst v63  }
0x30a: {  	_ =	swait.ge [sflag:s9], $0x3200  }
0x30b: {  	s20 =	sadd.s32 $0x1, s20;
	[sflag:s9] =	ssyncset.done $0x0  }
0x30c: {  	p0 =	sne.s32 s20, $0x1D;
	[sflag:s9] =	ssyncadd.s32 $0xFFFFCE00  }
0x30d: {  	[spmem:s3] =	stream.indirect.scatter.add.f32 [tilespmem:s16], [sflag:$0x9], $0x20, s31, s23, $0xb8;
	[tilespmem:$0x1C980] =	vst v63  }
.Ltmp22:
0x30e: {  	_ = 	snop;
	(pc) =	sbr.rel @p0 .LBB2_38-.Ltmp22, $4  }
0x30f: {  	_ =	swait.ge [sflag:s19], $0x3200  }
0x310: {  	[sflag:s19] =	ssyncset.done $0x0  }
0x311: {  	s5 =	simm.s32 $0x4B0;
	[sflag:s19] =	ssyncadd.s32 $0xFFFFCE00  }
0x312: {  	[spmem:s3] =	stream.indirect.scatter.add.f32 [tilespmem:s18], [sflag:$0xA], $0x20, s5, s23, $0xb8;
	[tilespmem:$0x1C980] =	vst v63  }
0x313: {  	_ =	swait.ge [sflag:s25], $0x190  }
0x314: {  	[sflag:s25] =	ssyncset.done $0x0  }
0x315: {  	[sflag:s25] =	ssyncadd.s32 $0xFFFFFE70  }
0x316: {  	_ =	swait.ge [sflag:s25], $0x190  }
0x317: {  	[sflag:s25] =	ssyncset.done $0x0  }
0x318: {  	[sflag:s25] =	ssyncadd.s32 $0xFFFFFE70  }
0x319: {  	_ =	swait.ge [sflag:s25], $0x190  }
0x31a: {  	[sflag:s25] =	ssyncset.done $0x0  }
0x31b: {  	[sflag:s25] =	ssyncadd.s32 $0xFFFFFE70  }
0x31c: {  	_ =	swait.ge [sflag:s25], $0x190  }
0x31d: {  	[sflag:s25] =	ssyncset.done $0x0  }
0x31e: {  	s20 =	simm.s32 $0x0;
	s21 =	simm.s32 $0x40;
	[sflag:s25] =	ssyncadd.s32 $0xFFFFFE70  }
.LBB2_48:
0x31f: {  	p0 =	sne.s32 s21, $0x600;
	v2 =	vld [tilespmem:s20+$0x0];
	_ =	sdelay $0x3  }
.Ltmp23:
0x320: {  	(pc) =	sbr.rel @p0 .LBB2_48-.Ltmp23, $4  }
0x321: {  	v2 =	vsub.s32 v2, v0  }
0x322: {  	vm0 =	vlt.u32 v2, $0x61A8  }
0x323: {  	v2 =	vsel vm0, v2, v1  }
0x324: {  	[tilespmem:s20+$0x0] =	vst v2;
	s20 =	sshra.s32 s21, $0x2;
	s21 =	sadd.s32 $0x40, s21  }
0x325: {  	v2 =	vld [tilespmem:s20+$0x0];
	_ =	sdelay $0x4  }
0x326: {  	v2 =	vsub.s32 v2, v0  }
0x327: {  	vm0 =	vlt.u32 v2, $0x61A8  }
0x328: {  	s30 =	rddreg [dreg:$0x6];
	v2 =	vsel vm0, v2, v1  }
0x329: {  	s21 =	simm.s32 $0x40;
	s29 =	sld [smem:$0x7FC];
	[tilespmem:s20+$0x0] =	vst v2;
	s20 =	simm.s32 $0x0  }
.LBB2_50:
0x32a: {  	p0 =	sne.s32 s21, $0x600;
	v2 =	vld [tilespmem:s20+$0x190];
	_ =	sdelay $0x3  }
.Ltmp24:
0x32b: {  	(pc) =	sbr.rel @p0 .LBB2_50-.Ltmp24, $4  }
0x32c: {  	v2 =	vsub.s32 v2, v0  }
0x32d: {  	vm0 =	vlt.u32 v2, $0x61A8  }
0x32e: {  	v2 =	vsel vm0, v2, v1  }
0x32f: {  	[tilespmem:s20+$0x190] =	vst v2;
	s20 =	sshra.s32 s21, $0x2;
	s21 =	sadd.s32 $0x40, s21  }
0x330: {  	v2 =	vld [tilespmem:s20+$0x190];
	_ =	sdelay $0x4  }
0x331: {  	v2 =	vsub.s32 v2, v0  }
0x332: {  	vm0 =	vlt.u32 v2, $0x61A8  }
0x333: {  	v2 =	vsel vm0, v2, v1  }
0x334: {  	s28 =	simm.s32 $0xC80;
	[tilespmem:s20+$0x190] =	vst v2  }
0x335: {  	[tilespmem:s28], [sflag:$0x3] =	stream.indirect.gather [hbm4b:s8+s23], $0x20, s26, s23, $0xb8;
	[tilespmem:$0x1C980] =	vst v63  }
0x336: {  	s5 =	simm.s32 $0x3E80  }
0x337: {  	[tilespmem:s5], [sflag:$0x4] =	stream.indirect.gather [hbm4b:s8+s23], $0x20, s22, s23, $0xb8;
	[tilespmem:$0x1C980] =	vst v63  }
0x338: {  	_ =	swait.ge [sflag:s17], $0x3200  }
0x339: {  	[sflag:s17] =	ssyncset.done $0x0  }
0x33a: {  	[sflag:s17] =	ssyncadd.s32 $0xFFFFCE00  }
0x33b: {  	_ =	swait.ge [sflag:s11], $0x3200  }
0x33c: {  	[sflag:s11] =	ssyncset.done $0x0  }
0x33d: {  	s20 =	simm.s32 $0x0;
	s21 =	rddreg [dreg:$0x1b];
	[sflag:s11] =	ssyncadd.s32 $0xFFFFCE00  }
0x33e: {  	[tilespmem:s31], [sflag:$0x2] =	stream.linear.gather [hbm4b:s21+s20], $0x190, $0x38;
	[tilespmem:$0x1C980] =	vst v63  }
0x33f: {  	s12 =	rddreg [dreg:$0x1c]  }
0x340: {  	[tilespmem:s0], [sflag:$0x2] =	stream.linear.gather [hbm4b:s12+s20], $0x190, $0x38;
	[tilespmem:$0x1C980] =	vst v63  }
0x341: {  	s22 =	rddreg [dreg:$0x1d];
	s12 =	simm.s32 $0x4B0  }
0x342: {  	[tilespmem:s12], [sflag:$0x2] =	stream.linear.gather [hbm4b:s22+s20], $0x190, $0x38;
	[tilespmem:$0x1C980] =	vst v63  }
0x343: {  	s22 =	rddreg [dreg:$0x1e];
	s12 =	simm.s32 $0xAF0  }
0x344: {  	[tilespmem:s12], [sflag:$0x2] =	stream.linear.gather [hbm4b:s22+s20], $0x190, $0x38;
	[tilespmem:$0x1C980] =	vst v63  }
0x345: {  	_ =	swait.ge [sflag:s13], $0x3200  }
0x346: {  	[sflag:s13] =	ssyncset.done $0x0  }
0x347: {  	[sflag:s13] =	ssyncadd.s32 $0xFFFFCE00  }
0x348: {  	[spmem:s3] =	stream.indirect.scatter.add.f32 [tilespmem:s28], [sflag:$0x7], $0x20, s20, s23, $0xb8;
	[tilespmem:$0x1C980] =	vst v63  }
0x349: {  	_ =	swait.ge [sflag:s14], $0x3200  }
0x34a: {  	[sflag:s14] =	ssyncset.done $0x0  }
0x34b: {  	[sflag:s14] =	ssyncadd.s32 $0xFFFFCE00  }
0x34c: {  	[spmem:s3] =	stream.indirect.scatter.add.f32 [tilespmem:s5], [sflag:$0x8], $0x20, s23, s23, $0xb8;
	[tilespmem:$0x1C980] =	vst v63  }
0x34d: {  	_ =	swait.ge [sflag:s15], $0x190  }
0x34e: {  	[sflag:s15] =	ssyncset.done $0x0  }
0x34f: {  	[sflag:s15] =	ssyncadd.s32 $0xFFFFFE70  }
0x350: {  	_ =	swait.ge [sflag:s15], $0x190  }
0x351: {  	[sflag:s15] =	ssyncset.done $0x0  }
0x352: {  	[sflag:s15] =	ssyncadd.s32 $0xFFFFFE70  }
0x353: {  	_ =	swait.ge [sflag:s15], $0x190  }
0x354: {  	[sflag:s15] =	ssyncset.done $0x0  }
0x355: {  	[sflag:s15] =	ssyncadd.s32 $0xFFFFFE70  }
0x356: {  	_ =	swait.ge [sflag:s15], $0x190  }
0x357: {  	[sflag:s15] =	ssyncset.done $0x0  }
0x358: {  	s21 =	simm.s32 $0x40;
	s20 =	simm.s32 $0x0;
	[sflag:s15] =	ssyncadd.s32 $0xFFFFFE70  }
.LBB2_52:
0x359: {  	p0 =	sne.s32 s21, $0x600;
	v2 =	vld [tilespmem:s20+$0x320];
	_ =	sdelay $0x3  }
.Ltmp25:
0x35a: {  	(pc) =	sbr.rel @p0 .LBB2_52-.Ltmp25, $4  }
0x35b: {  	v2 =	vsub.s32 v2, v0  }
0x35c: {  	vm0 =	vlt.u32 v2, $0x61A8  }
0x35d: {  	v2 =	vsel vm0, v2, v1  }
0x35e: {  	[tilespmem:s20+$0x320] =	vst v2;
	s20 =	sshra.s32 s21, $0x2;
	s21 =	sadd.s32 $0x40, s21  }
0x35f: {  	v2 =	vld [tilespmem:s20+$0x320];
	_ =	sdelay $0x4  }
0x360: {  	v2 =	vsub.s32 v2, v0  }
0x361: {  	vm0 =	vlt.u32 v2, $0x61A8  }
0x362: {  	v2 =	vsel vm0, v2, v1  }
0x363: {  	s21 =	simm.s32 $0x40;
	[tilespmem:s20+$0x320] =	vst v2;
	s20 =	simm.s32 $0x0  }
.LBB2_54:
0x364: {  	p0 =	sne.s32 s21, $0x600;
	v2 =	vld [tilespmem:s20+$0x4B0];
	_ =	sdelay $0x3  }
.Ltmp26:
0x365: {  	(pc) =	sbr.rel @p0 .LBB2_54-.Ltmp26, $4  }
0x366: {  	v2 =	vsub.s32 v2, v0  }
0x367: {  	vm0 =	vlt.u32 v2, $0x61A8  }
0x368: {  	v2 =	vsel vm0, v2, v1  }
0x369: {  	[tilespmem:s20+$0x4B0] =	vst v2;
	s20 =	sshra.s32 s21, $0x2;
	s21 =	sadd.s32 $0x40, s21  }
0x36a: {  	v2 =	vld [tilespmem:s20+$0x4B0];
	_ =	sdelay $0x4  }
0x36b: {  	v2 =	vsub.s32 v2, v0  }
0x36c: {  	vm0 =	vlt.u32 v2, $0x61A8  }
0x36d: {  	v2 =	vsel vm0, v2, v1  }
0x36e: {  	[tilespmem:s20+$0x4B0] =	vst v2  }
0x36f: {  	[tilespmem:s16], [sflag:$0x5] =	stream.indirect.gather [hbm4b:s8+s23], $0x20, s0, s23, $0xb8;
	[tilespmem:$0x1C980] =	vst v63  }
0x370: {  	_ = 	snop  }
0x371: {  	[tilespmem:s18], [sflag:$0x6] =	stream.indirect.gather [hbm4b:s8+s23], $0x20, s12, s23, $0xb8;
	[tilespmem:$0x1C980] =	vst v63  }
0x372: {  	_ =	swait.ge [sflag:s2], $0x3200  }
0x373: {  	[sflag:s2] =	ssyncset.done $0x0  }
0x374: {  	[sflag:s2] =	ssyncadd.s32 $0xFFFFCE00  }
0x375: {  	_ =	swait.ge [sflag:s10], $0x3200  }
0x376: {  	[sflag:s10] =	ssyncset.done $0x0  }
0x377: {  	[sflag:s10] =	ssyncadd.s32 $0xFFFFCE00  }
0x378: {  	_ =	swait.ge [sflag:s9], $0x3200  }
0x379: {  	[sflag:s9] =	ssyncset.done $0x0  }
0x37a: {  	[sflag:s9] =	ssyncadd.s32 $0xFFFFCE00  }
0x37b: {  	[spmem:s3] =	stream.indirect.scatter.add.f32 [tilespmem:s16], [sflag:$0x9], $0x20, s31, s23, $0xb8;
	[tilespmem:$0x1C980] =	vst v63  }
0x37c: {  	_ =	swait.ge [sflag:s19], $0x3200  }
0x37d: {  	[sflag:s19] =	ssyncset.done $0x0  }
0x37e: {  	s5 =	simm.s32 $0x4B0;
	[sflag:s19] =	ssyncadd.s32 $0xFFFFCE00  }
0x37f: {  	[spmem:s3] =	stream.indirect.scatter.add.f32 [tilespmem:s18], [sflag:$0xA], $0x20, s5, s23, $0xb8;
	[tilespmem:$0x1C980] =	vst v63  }
0x380: {  	_ =	swait.ge [sflag:s17], $0x3200  }
0x381: {  	[sflag:s17] =	ssyncset.done $0x0  }
0x382: {  	[sflag:s17] =	ssyncadd.s32 $0xFFFFCE00  }
0x383: {  	_ =	swait.ge [sflag:s11], $0x3200  }
0x384: {  	s21 =	sld [smem:$0x7F5]  }
0x385: {  	[sflag:s11] =	ssyncset.done $0x0  }
0x386: {  	s12 =	simm.s32 $0x0;
	[sflag:s11] =	ssyncadd.s32 $0xFFFFCE00  }
0x387: {  	[tilespmem:s31], [sflag:$0xB] =	stream.linear.gather [hbm4b:s21+s12], $0x190, $0x38;
	[tilespmem:$0x1C980] =	vst v63  }
0x388: {  	_ =	swait.ge [sflag:s24], $0x190  }
0x389: {  	s22 =	sld [smem:$0x7F6]  }
0x38a: {  	[sflag:s24] =	ssyncset.done $0x0  }
0x38b: {  	[sflag:s24] =	ssyncadd.s32 $0xFFFFFE70  }
0x38c: {  	[tilespmem:s0], [sflag:$0xB] =	stream.linear.gather [hbm4b:s22+s12], $0x190, $0x38;
	[tilespmem:$0x1C980] =	vst v63  }
0x38d: {  	_ =	swait.ge [sflag:s24], $0x190  }
0x38e: {  	s28 =	smov.u32 s30;
	[sflag:s24] =	ssyncset.done $0x0  }
0x38f: {  	s20 =	simm.s32 $0x0;
	s21 =	simm.s32 $0x40;
	[sflag:s24] =	ssyncadd.s32 $0xFFFFFE70  }
.LBB2_56:
0x390: {  	p0 =	sne.s32 s21, $0x600;
	v2 =	vld [tilespmem:s20+$0x320];
	_ =	sdelay $0x3  }
.Ltmp27:
0x391: {  	(pc) =	sbr.rel @p0 .LBB2_56-.Ltmp27, $4  }
0x392: {  	v2 =	vsub.s32 v2, v0  }
0x393: {  	vm0 =	vlt.u32 v2, $0x61A8  }
0x394: {  	v2 =	vsel vm0, v2, v1  }
0x395: {  	[tilespmem:s20+$0x320] =	vst v2;
	s20 =	sshra.s32 s21, $0x2;
	s21 =	sadd.s32 $0x40, s21  }
0x396: {  	v2 =	vld [tilespmem:s20+$0x320];
	_ =	sdelay $0x4  }
0x397: {  	v2 =	vsub.s32 v2, v0  }
0x398: {  	vm0 =	vlt.u32 v2, $0x61A8  }
0x399: {  	v2 =	vsel vm0, v2, v1  }
0x39a: {  	[tilespmem:s20+$0x320] =	vst v2  }
0x39b: {  	[tilespmem:s16], [sflag:$0xB] =	stream.indirect.gather [hbm4b:s8+s23], $0x20, s0, s23, $0xb8;
	[tilespmem:$0x1C980] =	vst v63  }
0x39c: {  	_ =	swait.ge [sflag:s24], $0x3200  }
0x39d: {  	[sflag:s24] =	ssyncset.done $0x0  }
0x39e: {  	[sflag:s24] =	ssyncadd.s32 $0xFFFFCE00  }
0x39f: {  	[spmem:s3] =	stream.indirect.scatter.add.f32 [tilespmem:s16], [sflag:$0xB], $0x20, s31, s23, $0xb8;
	[tilespmem:$0x1C980] =	vst v63  }
0x3a0: {  	_ =	swait.ge [sflag:s24], $0x3200  }
0x3a1: {  	[sflag:s24] =	ssyncset.done $0x0  }
0x3a2: {  	[sflag:s24] =	ssyncadd.s32 $0xFFFFCE00  }
0x3a3: {  	s22 =	simm.s32 $0xD480;
	[bflag:$0x0] =	sbarrier.arrive $0xFFFF  }
0x3a4: {  	[tilespmem:s22], [sflag:$0xB] =	stream.linear.gather [spmem:s28], $0x3100, $0x38;
	[tilespmem:$0x1C980] =	vst v63  }
0x3a5: {  	_ =	swait.ge [sflag:s24], $0x3100  }
0x3a6: {  	[sflag:s24] =	ssyncset.done $0x0  }
0x3a7: {  	s21 =	rddreg [dreg:$0xd];
	[sflag:s24] =	ssyncadd.s32 $0xFFFFCF00  }
0x3a8: {  	[hbm4b:s21+s4] =	stream.linear.scatter [tilespmem:s22], [sflag:$0xB], $0x3100, $0x38;
	[tilespmem:$0x1C980] =	vst v63  }
0x3a9: {  	_ =	swait.ge [sflag:s24], $0x3100  }
0x3aa: {  	s21 =	sld [smem:$0x7FB]  }
0x3ab: {  	[sflag:s24] =	ssyncset.done $0x0  }
0x3ac: {  	[sflag:s24] =	ssyncadd.s32 $0xFFFFCF00  }
0x3ad: {  	[tilespmem:s22], [sflag:$0xB] =	stream.linear.gather [spmem:s21], $0x3100, $0x38;
	[tilespmem:$0x1C980] =	vst v63  }
0x3ae: {  	_ =	swait.ge [sflag:s24], $0x3100  }
0x3af: {  	[sflag:s24] =	ssyncset.done $0x0  }
0x3b0: {  	s5 =	rddreg [dreg:$0xe];
	[sflag:s24] =	ssyncadd.s32 $0xFFFFCF00  }
0x3b1: {  	[hbm4b:s5+s4] =	stream.linear.scatter [tilespmem:s22], [sflag:$0xB], $0x3100, $0x38;
	[tilespmem:$0x1C980] =	vst v63  }
0x3b2: {  	_ =	swait.ge [sflag:s24], $0x3100  }
0x3b3: {  	[sflag:s24] =	ssyncset.done $0x0  }
0x3b4: {  	[sflag:s24] =	ssyncadd.s32 $0xFFFFCF00  }
0x3b5: {  	[tilespmem:s22], [sflag:$0xB] =	stream.linear.gather [spmem:s29], $0x3100, $0x38;
	[tilespmem:$0x1C980] =	vst v63  }
0x3b6: {  	_ =	swait.ge [sflag:s24], $0x3100  }
0x3b7: {  	[sflag:s24] =	ssyncset.done $0x0  }
0x3b8: {  	s12 =	rddreg [dreg:$0xf];
	[sflag:s24] =	ssyncadd.s32 $0xFFFFCF00  }
0x3b9: {  	[hbm4b:s12+s4] =	stream.linear.scatter [tilespmem:s22], [sflag:$0xB], $0x3100, $0x38;
	[tilespmem:$0x1C980] =	vst v63  }
0x3ba: {  	_ =	swait.ge [sflag:s24], $0x3100  }
0x3bb: {  	s30 =	sld [smem:$0x7FD]  }
0x3bc: {  	[sflag:s24] =	ssyncset.done $0x0  }
0x3bd: {  	[sflag:s24] =	ssyncadd.s32 $0xFFFFCF00  }
0x3be: {  	[tilespmem:s22], [sflag:$0xB] =	stream.linear.gather [spmem:s30], $0x3100, $0x38;
	[tilespmem:$0x1C980] =	vst v63  }
0x3bf: {  	_ =	swait.ge [sflag:s24], $0x3100  }
0x3c0: {  	[sflag:s24] =	ssyncset.done $0x0  }
0x3c1: {  	s5 =	rddreg [dreg:$0x10];
	[sflag:s24] =	ssyncadd.s32 $0xFFFFCF00  }
0x3c2: {  	[hbm4b:s5+s4] =	stream.linear.scatter [tilespmem:s22], [sflag:$0xB], $0x3100, $0x38;
	[tilespmem:$0x1C980] =	vst v63  }
0x3c3: {  	_ =	swait.ge [sflag:s24], $0x3100  }
0x3c4: {  	s5 =	sld [smem:$0x7F3]  }
0x3c5: {  	s12 =	sld [smem:$0x7F7];
	_ =	sdelay $0x1  }
0x3c6: {  	s5 =	sadd.s32 $0x1, s5  }
0x3c7: {  	p0 =	sne.s32 s5, s12  }
.Ltmp28:
0x3c8: {  	_ = 	snop;
	(pc) =	sbr.rel @p0 .LBB2_1-.Ltmp28, $3  }
0x3c9: {  	[sflag:s24] =	ssyncset.done $0x0  }
0x3ca: {  	[sflag:s24] =	ssyncadd.s32 $0xFFFFCF00  }
0x3cb: {  	[bflag:$0x0] =	sbarrier.arrive $0xFFFF;
	_ =	sdelay $0x1  }
0x3cc: {  	_ =	sfence.sel $0x180000  }
0x3cd: {  	[bflag:$0x0] =	sbarrier.arrive $0xFFFF  }
0x3ce: {  	_ =	strace $0x9000004A  }
0x3cf: {  	s0 =	stileid.u32;
	[bflag:$0x2] =	sbarrier.arrive $0xFFFF  }
0x3d0: {  	p0 =	sne.s32 s0, $0x0;
	s0 =	rddreg [dreg:$0x5]  }
0x3d1: {  	s0 =	sadd.s32 @!p0 $0x100000, s0  }
0x3d2: {  	[sflag:s0] =	ssyncadd.tile.s32 @!p0 $0x1;
	_ =	shalt  }
.Lfunc_end2:
_tile_overlayer_lowered:
.L_overlay_start_2:
0x3d3: {  	(tag) =	ssettag $0x2  }
0x3d4: {  	s0 =	rddreg [dreg:$0x0];
	s2 =	stileid.u32  }
0x3d5: {  	s1 =	rddreg [dreg:$0x1];
	p0 =	sne.s32 s2, $0x0  }
0x3d6: {  	s3 =	rddreg [dreg:$0x2];
	[bflag:$0x3] =	sbarrier.arrive $0xFFFF;
	s2 =	simm.s32 @!p0 $0x1C0B  }
0x3d7: {  	[timem:s3], [sflag:s2] =	dma.local @!p0 [hbm:s0], s1  }
0x3d8: {  	s0 =	simm.s32 @!p0 $0xB  }
0x3d9: {  	_ =	swait.ge @!p0 [sflag:s0], s1  }
0x3da: {  	s1 =	ssub.s32 @!p0 $0x0, s1;
	[sflag:s0] =	ssyncset.done @!p0 $0x0  }
0x3db: {  	[sflag:s0] =	ssyncadd.s32 @!p0 s1  }
0x3dc: {  	[bflag:$0x3] =	sbarrier.arrive $0xFFFF  }
0x3dd: {  	_ =	shalt  }

// kernel: kernel.7.cloned.1.call-start
scs
__scs_entry_jumppad:
0x0: {  	(pc) =	sbr.rel $0x88, $3  }
0x1: {  	(tag) =	ssettag $0x0;
	lr =	simm.s32 $0x1  }
0x2: {  	[smem:$0x3F96] =	sst lr;
	_ =	strace $0xD0000000  }
0x3: {  	_ = 	snop  }
0x4: {  	_ = 	snop  }
0x5: {  	_ = 	snop  }
0x6: {  	_ = 	snop  }
0x7: {  	_ = 	snop  }
__scs_overlays_trampoline_lowered:
0x8: {  	[smem:$0x3FA5] =	sst s0  }
0x9: {  	[smem:$0x3FA6] =	sst s1  }
0xa: {  	[smem:$0x3FA7] =	sst s2  }
0xb: {  	[smem:$0x3FA8] =	sst s3  }
0xc: {  	[smem:$0x3FA9] =	sst s4  }
0xd: {  	[smem:$0x3FAA] =	sst s5  }
0xe: {  	[smem:$0x3FAB] =	sst s6  }
0xf: {  	[smem:$0x3FAC] =	sst s7  }
0x10: {  	[smem:$0x3FAD] =	sst s8  }
0x11: {  	[smem:$0x3FAE] =	sst s9;
	s0 =	simm.s32 @!p0 $0x0  }
0x12: {  	s1 =	sld [smem:$0x3F94];
	s0 =	simm.s32 @p0 $0x1  }
0x13: {  	[smem:$0x3FAF] =	sst s0;
	s0 =	simm.s32 @!p1 $0x0  }
0x14: {  	s2 =	sld [smem:$0x3F93];
	s0 =	simm.s32 @p1 $0x1  }
0x15: {  	[smem:$0x3FB0] =	sst s0;
	s0 =	simm.s32 @!p2 $0x0  }
0x16: {  	s3 =	sld [smem:$0x3FDB];
	s0 =	simm.s32 @p2 $0x1  }
0x17: {  	s4 =	simm.s32 $0x1BF5;
	[smem:$0x3FB2] =	sst s0  }
0x18: {  	s0 =	sld [smem:$0x3F95];
	_ =	swait.ge [sflag:s4], $0x0  }
0x19: {  	s7 =	sld [smem:$0x3F96]  }
0x1a: {  	s8 =	sadd.s32 $0xFFFFE003, lr  }
0x1b: {  	s9 =	sadd.s32 $0xFFFFFEF7, lr;
	s5 =	simm.s32 $0xFFFFFFFF;
	p2 =	slt.u32 s8, $0xFFFFF086  }
0x1c: {  	p1 =	slt.u32 s9, $0xF7A;
	s5 =	simm.s32 @!p2 $0x0  }
0x1d: {  	s5 =	simm.s32 @p1 $0x1;
	p0 =	seq.s32 s7, s2  }
0x1e: {  	s7 =	smul.u32 @!p0 $0xF7A, s2;
	p2 =	seq.s32 @!p0 s5, $0x0  }
0x1f: {  	s9 =	smul.u32 $0xF7A, s1;
	s8 =	simm.s32 @!p0 $0x1BF5;
	p2 =	por !p2, p0  }
0x20: {  	[sflag:s8] =	ssyncset.s32 @!p0 $0xFFFFF086;
	s6 =	sadd.s32 @!p0 s3, s7;
	s7 =	simm.s32 @!p0 $0x108  }
0x21: {  	s3 =	sadd.s32 s3, s9;
	s6 =	sadd.s32 @!p0 $0x88, s6;
	s7 =	simm.s32 @p2 $0x1082  }
0x22: {  	[simem:s7], [sflag:s8] =	dma.local @!p0 [hbm:s6], $0xF7A  }
0x23: {  	s9 =	sor.u32 $0xD0000000, s2;
	s6 =	simm.s32 $0x108;
	_ =	swait.ge @!p0 [sflag:s8], $0x0  }
0x24: {  	s3 =	sadd.s32 $0x88, s3;
	s6 =	simm.s32 @!p1 $0x1082;
	[sflag:s4] =	ssyncset.s32 $0xFFFFF086  }
0x25: {  	[simem:s6], [sflag:s4] =	dma.local [hbm:s3], $0xF7A  }
0x26: {  	[smem:$0x3F96] =	sst s1;
	(tag) =	ssettag s2;
	_ =	strace s9  }
0x27: {  	s1 =	sld [smem:$0x3FA6]  }
0x28: {  	s2 =	sld [smem:$0x3FA7]  }
0x29: {  	s4 =	sld [smem:$0x3FA9]  }
0x2a: {  	p0 =	seq.s32 s5, $0x0;
	s5 =	sld [smem:$0x3FAA]  }
0x2b: {  	s6 =	sld [smem:$0x3FAB]  }
0x2c: {  	s7 =	sld [smem:$0x3FAC]  }
0x2d: {  	s3 =	simm.s32 $0x108;
	s8 =	sld [smem:$0x3FAD]  }
0x2e: {  	s3 =	simm.s32 @!p0 $0x1082;
	s9 =	sld [smem:$0x3FAE]  }
0x2f: {  	lr =	sadd.s32 s0, s3;
	s0 =	sld [smem:$0x3FA5]  }
0x30: {  	s3 =	sld [smem:$0x3FA8]  }
0x31: {  	[smem:$0x3FB1] =	sst s10  }
0x32: {  	s10 =	sld [smem:$0x3FAF];
	_ =	sdelay $0x3  }
0x33: {  	p0 =	seq.s32 s10, $0x1;
	s10 =	sld [smem:$0x3FB1];
	_ =	sdelay $0x3  }
0x34: {  	[smem:$0x3FB1] =	sst s10  }
0x35: {  	s10 =	sld [smem:$0x3FB0];
	_ =	sdelay $0x3  }
0x36: {  	p1 =	seq.s32 s10, $0x1;
	s10 =	sld [smem:$0x3FB1];
	_ =	sdelay $0x3  }
0x37: {  	[smem:$0x3FB1] =	sst s10  }
0x38: {  	s10 =	sld [smem:$0x3FB2]  }
0x39: {  	_ = 	snop;
	(pc) =	sbr.ind lr, $3  }
0x3a: {  	_ = 	snop  }
0x3b: {  	_ = 	snop  }
0x3c: {  	p2 =	seq.s32 s10, $0x1;
	s10 =	sld [smem:$0x3FB1]  }
0x3d: {  	_ =	shalt  }
0x3e: {  	_ =	shalt  }
0x3f: {  	_ =	shalt  }
0x40: {  	_ =	shalt  }
0x41: {  	_ =	shalt  }
0x42: {  	_ =	shalt  }
0x43: {  	_ =	shalt  }
0x44: {  	_ =	shalt  }
0x45: {  	_ =	shalt  }
0x46: {  	_ =	shalt  }
0x47: {  	_ =	shalt  }
0x48: {  	_ =	shalt  }
0x49: {  	_ =	shalt  }
0x4a: {  	_ =	shalt  }
0x4b: {  	_ =	shalt  }
0x4c: {  	_ =	shalt  }
0x4d: {  	_ =	shalt  }
0x4e: {  	_ =	shalt  }
0x4f: {  	_ =	shalt  }
0x50: {  	_ =	shalt  }
0x51: {  	_ =	shalt  }
0x52: {  	_ =	shalt  }
0x53: {  	_ =	shalt  }
0x54: {  	_ =	shalt  }
0x55: {  	_ =	shalt  }
0x56: {  	_ =	shalt  }
0x57: {  	_ =	shalt  }
0x58: {  	_ =	shalt  }
0x59: {  	_ =	shalt  }
0x5a: {  	_ =	shalt  }
0x5b: {  	_ =	shalt  }
0x5c: {  	_ =	shalt  }
0x5d: {  	_ =	shalt  }
0x5e: {  	_ =	shalt  }
0x5f: {  	_ =	shalt  }
0x60: {  	_ =	shalt  }
0x61: {  	_ =	shalt  }
0x62: {  	_ =	shalt  }
0x63: {  	_ =	shalt  }
0x64: {  	_ =	shalt  }
0x65: {  	_ =	shalt  }
0x66: {  	_ =	shalt  }
0x67: {  	_ =	shalt  }
0x68: {  	_ =	shalt  }
0x69: {  	_ =	shalt  }
0x6a: {  	_ =	shalt  }
0x6b: {  	_ =	shalt  }
0x6c: {  	_ =	shalt  }
0x6d: {  	_ =	shalt  }
0x6e: {  	_ =	shalt  }
0x6f: {  	_ =	shalt  }
0x70: {  	_ =	shalt  }
0x71: {  	_ =	shalt  }
0x72: {  	_ =	shalt  }
0x73: {  	_ =	shalt  }
0x74: {  	_ =	shalt  }
0x75: {  	_ =	shalt  }
0x76: {  	_ =	shalt  }
0x77: {  	_ =	shalt  }
0x78: {  	_ =	shalt  }
0x79: {  	_ =	shalt  }
0x7a: {  	_ =	shalt  }
0x7b: {  	_ =	shalt  }
0x7c: {  	_ =	shalt  }
0x7d: {  	_ =	shalt  }
0x7e: {  	_ =	shalt  }
0x7f: {  	_ =	shalt  }
0x80: {  	_ =	shalt  }
0x81: {  	_ =	shalt  }
0x82: {  	_ =	shalt  }
0x83: {  	_ =	shalt  }
0x84: {  	_ =	shalt  }
0x85: {  	_ =	shalt  }
0x86: {  	_ =	shalt  }
0x87: {  	_ =	shalt  }
.Lfunc_end0:
.L_simem_size_0:
called_computation_lowered:
.L_overlay_start_0:
0x88: {  	s2 =	sld [smem:$0x3FD9]  }
0x89: {  	s3 =	sld [smem:$0x3FFE];
	_ =	sdelay $0x1  }
0x8a: {  	s1 =	srdreg.scid  }
0x8b: {  	s0 =	sand.u32 $0x1, s1  }
0x8c: {  	s14 =	sshll.u32 s0, $0xA;
	s2 =	sadd.s32 s3, s2  }
0x8d: {  	s2 =	sadd.s32 s2, s14  }
0x8e: {  	[smem:$0x3FBD] =	sst s2  }
0x8f: {  	_ = 	snop  }
0x90: {  	s2 =	sld [smem:$0x3FD0];
	_ =	sdelay $0x2  }
0x91: {  	s15 =	simm.s32 $0xA;
	s4 =	simm.s32 $0x10  }
0x92: {  	[smem:s4], [sflag:s15] =	dma.local [hbm:s2], $0x1  }
0x93: {  	_ =	swait.eq [sflag:s15], $0x1  }
0x94: {  	[sflag:s15] =	ssyncset.done $0x0  }
0x95: {  	[sflag:s15] =	ssyncadd.s32 $0xFFFFFFFF  }
0x96: {  	s16 =	sld [smem:$0x12];
	(tm) =	ssettm $0x1  }
0x97: {  	s17 =	sld [smem:$0x3FFB];
	_ =	sdelay $0x3  }
0x98: {  	_ =	strace s17  }
0x99: {  	s3 =	sld [smem:$0x3FFC];
	_ =	sdelay $0x3  }
0x9a: {  	_ =	strace s3  }
0x9b: {  	s3 =	sld [smem:$0x3FFD];
	_ =	sdelay $0x3  }
0x9c: {  	_ =	strace s3  }
0x9d: {  	_ =	strace $0x8FFFFFFF  }
0x9e: {  	s18 =	sld [smem:$0x3FDB];
	_ =	sdelay $0x1  }
0x9f: {  	s19 =	simm.s32 $_scs_section_size  }
0xa0: {  	s5 =	simm.s32 $_size__tile_overlayer_lowered;
	s6 =	simm.s32 $_tile_overlayer_lowered  }
0xa1: {  	s22 =	simm.s32 $0x1BFF;
	s21 =	sshll.u32 s6, $0x1;
	s3 =	sadd.s32 s19, s18  }
0xa2: {  	s7 =	simm.s32 $0x0;
	s20 =	sshll.u32 s5, $0x1;
	s5 =	sadd.s32 s21, s3  }
0xa3: {  	[timem:s7], [sflag:s22] =	dma.local [hbm:s5], s20  }
0xa4: {  	_ =	swait.ge [sflag:s22], s20  }
0xa5: {  	s4 =	ssub.s32 $0x0, s20;
	[sflag:s22] =	ssyncset.done $0x0  }
0xa6: {  	[sflag:s22] =	ssyncadd.s32 s4;
	_ =	sdelay $0x1  }
0xa7: {  	s23 =	simm.s32 $0x1B8B  }
0xa8: {  	_ =	swait.ge [sflag:s23], $0x1  }
0xa9: {  	[sflag:s23] =	ssyncset.done $0x0  }
0xaa: {  	s25 =	simm.s32 $0x1B8E;
	s24 =	sld [smem:$0x3FFE];
	[sflag:s23] =	ssyncadd.s32 $0xFFFFFFFF  }
0xab: {  	s26 =	simm.s32 $execute0_lowered;
	[smem:$0x3FD2] =	sst s25  }
0xac: {  	s5 =	sshll.u32 s26, $0x1;
	_ =	strace $0x80000046;
	[dreg:$0x1] =	wrdreg $0xFFFFFFFF  }
0xad: {  	s28 =	simm.s32 $_size_execute0_lowered;
	s3 =	sadd.s32 s3, s5;
	[dreg:$0x0] =	wrdreg $0x0  }
0xae: {  	s5 =	sshll.u32 s28, $0x1;
	[dreg:$0x2] =	wrdreg s3  }
0xaf: {  	[dreg:$0x3] =	wrdreg s5  }
0xb0: {  	[dreg:$0x4] =	wrdreg $0xC0  }
0xb1: {  	_ =	task [dreg:s7], $0x5FFFF  }
0xb2: {  	[dreg:$0x1] =	wrdreg $0xFFFFFFFF  }
0xb3: {  	[dreg:$0x0] =	wrdreg $0x60  }
0xb4: {  	[dreg:$0x2] =	wrdreg s24  }
0xb5: {  	[dreg:$0x3] =	wrdreg s16  }
0xb6: {  	[dreg:$0x4] =	wrdreg $0x2D300  }
0xb7: {  	[dreg:$0x5] =	wrdreg $0x9  }
0xb8: {  	_ =	task.clear_ibuf [dreg:s7], $0x6FFFF;
	_ =	strace $0x90000046  }
0xb9: {  	s29 =	simm.s32 $0x9;
	_ =	strace $0x80000048  }
0xba: {  	_ =	swait.ge [sflag:s29], $0x1  }
0xbb: {  	[sflag:s29] =	ssyncadd.s32 $0xFFFFFFFF  }
0xbc: {  	_ =	strace $0x90000048  }
0xbd: {  	_ =	sfence  }
0xbe: {  	s30 =	sld [smem:$0x0];
	_ =	sdelay $0x2  }
0xbf: {  	s31 =	sshll.u32 s1, $0xD;
	s1 =	sshrl.u32 s1, $0x2  }
0xc0: {  	s3 =	sand.u32 $0x4000, s31;
	s1 =	sadd.s32 s1, s30  }
0xc1: {  	s0 =	sor.u32 s3, s0;
	s1 =	sshll.u32 s1, $0x11  }
0xc2: {  	s0 =	sor.u32 s1, s0  }
0xc3: {  	s0 =	sadd.s32 $0x8F2B, s0  }
0xc4: {  	[sflag:s0] =	ssyncadd.remote.s32 $0x1  }
0xc5: {  	_ =	sfence.sel $0xFFFF  }
0xc6: {  	[dreg:$0x0] =	wrdreg $0xFFFFFFFF;
	(pc) =	sbr.abs _section_cstart, $3  }
0xc7: {  	[dreg:$0x1] =	wrdreg $0xFFFFFFFF  }
0xc8: {  	_ =	task.clear_ibuf [dreg:s7], $0x2FFFF;
	_ =	strace $0x9FFFFFFF  }
0xc9: {  	(tm) =	ssettm $0x7FFFFFFF  }
tec
execute0_lowered:
.L_overlay_start_1:
0x0: {  	(tag) =	ssettag $0x1  }
0x1: {  	s0 =	rddreg [dreg:$0x0]  }
0x2: {  	s1 =	rddreg [dreg:$0x1]  }
0x3: {  	s2 =	rddreg [dreg:$0x2];
	s3 =	simm.s32 $0x0  }
0x4: {  	s4 =	srdreg.scid;
	s9 =	stileid.u32;
	s20 =	simm.s32 $0x2710  }
0x5: {  	s21 =	simm.s32 $0x7;
	s22 =	simm.s32 $0x7D0;
	s23 =	simm.s32 $0x1  }
0x6: {  	s28 =	simm.s32 $0x2;
	s29 =	simm.s32 $0x3;
	s30 =	simm.s32 $0x4  }
0x7: {  	s31 =	simm.s32 $0x5;
	[smem:$0x7FF] =	sst s3;
	s8 =	smul.u32 $0xC350, s9  }
0x8: {  	s5 =	sand.u32 $0x1, s4;
	s4 =	sadd.s32 $0x5C00, s0;
	s9 =	smul.u32 $0x620, s9  }
0x9: {  	s0 =	sadd.s32 $0x1E400, s0;
	_ =	strace $0x80000047;
	s6 =	ssub.s32 $0x2, s5  }
0xa: {  	[dreg:$0x4] =	wrdreg s0;
	s0 =	simm.s32 $0x6;
	s7 =	sshrl.u32 s6, $0x1  }
0xb: {  	s10 =	sshrl.u32 s8, $0x3;
	s13 =	sadd.s32 $0x2EE0, s8;
	s14 =	sadd.s32 $0x3E80, s8  }
0xc: {  	s24 =	ssub.s32 s6, s7;
	s6 =	sadd.s32 s4, s10;
	s10 =	smul.u32 $0x61A8, s5  }
0xd: {  	s7 =	sadd.s32 s9, s2;
	s5 =	smul.u32 $0x6200, s5;
	s11 =	sadd.s32 $0xFA, s6  }
0xe: {  	s25 =	sadd.s32 $0x1F4, s6;
	s26 =	sadd.s32 $0x2EE, s6;
	s12 =	sadd.s32 $0x4E2, s6  }
0xf: {  	s15 =	sadd.s32 $0x157C, s6;
	s16 =	sadd.s32 $0x1676, s6;
	[dreg:$0x5] =	wrdreg s11  }
0x10: {  	s17 =	sadd.s32 $0x1770, s6;
	s19 =	smax.u32 s24, $0x1;
	[dreg:$0x6] =	wrdreg s25  }
0x11: {  	s24 =	simm.s32 $0xFA0;
	[dreg:$0x7] =	wrdreg s26;
	s5 =	sadd.s32 s9, s5  }
0x12: {  	v2 =	vlaneseq.u32;
	s11 =	sadd.s32 $0x3E8, s6;
	s25 =	simm.s32 $0x1770;
	s5 =	sshrl.u32 s5, $0x3  }
0x13: {  	v1 =	vimm.f32 $1.000000000e+00;
	v2 =	vadd.s32 $0x61A8, v2;
	s26 =	simm.s32 $0x1F40;
	v0 =	vmov s10;
	s18 =	sadd.s32 s1, s5;
	s1 =	simm.s32 $0x0  }
.LBB2_1:
0x14: {  	s5 =	simm.s32 $0x40;
	s8 =	simm.s32 $0x0  }
.LBB2_2:
0x15: {  	p0 =	sne.s32 s5, $0x1F00;
	[tilespmem:s8+$0x1F40] =	vst v1;
	s8 =	smov.u32 s5;
	s5 =	sadd.s32 $0x40, s5  }
.Ltmp0:
0x16: {  	(pc) =	sbr.rel @p0 .LBB2_2-.Ltmp0, $2  }
0x17: {  	_ =	sdelay $0x2  }
0x18: {  	s8 =	sshra.s32 s8, $0x2  }
0x19: {  	[tilespmem:s8+$0x1F40] =	vst v1;
	s5 =	simm.s32 $0x0;
	s9 =	rddreg [dreg:$0x4]  }
0x1a: {  	[tilespmem:s20], [sflag:$0x7] =	stream.linear.gather [hbm4b:s9+s5], $0x620, $0x38;
	[tilespmem:$0x3350] =	vst v63  }
0x1b: {  	_ =	swait.ge [sflag:s21], $0x620  }
0x1c: {  	[sflag:s21] =	ssyncset.done $0x0  }
0x1d: {  	[sflag:s21] =	ssyncadd.s32 $0xFFFFF9E0  }
0x1e: {  	[spmem:s7] =	stream.linear.scatter [tilespmem:s20], [sflag:$0x7], $0x620, $0x38;
	[tilespmem:$0x3350] =	vst v63  }
0x1f: {  	_ =	swait.ge [sflag:s21], $0x620  }
0x20: {  	[sflag:s21] =	ssyncset.done $0x0  }
0x21: {  	[sflag:s21] =	ssyncadd.s32 $0xFFFFF9E0  }
0x22: {  	[bflag:$0x0] =	sbarrier.arrive $0xFFFF  }
0x23: {  	[tilespmem:s5], [sflag:$0x1] =	stream.linear.gather [hbm4b:s6+s5], $0x7D0, $0x38;
	[tilespmem:$0x3350] =	vst v63  }
0x24: {  	s10 =	rddreg [dreg:$0x5]  }
0x25: {  	[tilespmem:s22], [sflag:$0x1] =	stream.linear.gather [hbm4b:s10+s5], $0x7D0, $0x38;
	[tilespmem:$0x3350] =	vst v63  }
0x26: {  	_ =	swait.ge [sflag:s23], $0x7D0  }
0x27: {  	[sflag:s23] =	ssyncset.done $0x0  }
0x28: {  	[sflag:s23] =	ssyncadd.s32 $0xFFFFF830  }
0x29: {  	_ =	swait.ge [sflag:s23], $0x7D0  }
0x2a: {  	[sflag:s23] =	ssyncset.done $0x0  }
0x2b: {  	s8 =	simm.s32 $0x40;
	s5 =	simm.s32 $0x0;
	[sflag:s23] =	ssyncadd.s32 $0xFFFFF830  }
.LBB2_4:
0x2c: {  	p0 =	sne.s32 s8, $0x1F00;
	v3 =	vld [tilespmem:s5+$0x0];
	_ =	sdelay $0x3  }
.Ltmp1:
0x2d: {  	(pc) =	sbr.rel @p0 .LBB2_4-.Ltmp1, $4  }
0x2e: {  	v3 =	vsub.s32 v3, v0  }
0x2f: {  	vm0 =	vlt.u32 v3, $0x61A8  }
0x30: {  	v3 =	vsel vm0, v3, v2  }
0x31: {  	[tilespmem:s5+$0x0] =	vst v3;
	s5 =	sshra.s32 s8, $0x2;
	s8 =	sadd.s32 $0x40, s8  }
0x32: {  	v3 =	vld [tilespmem:s5+$0x0];
	_ =	sdelay $0x4  }
0x33: {  	v3 =	vsub.s32 v3, v0  }
0x34: {  	vm0 =	vlt.u32 v3, $0x61A8  }
0x35: {  	v3 =	vsel vm0, v3, v2  }
0x36: {  	s8 =	simm.s32 $0x40;
	[tilespmem:s5+$0x0] =	vst v3;
	s5 =	simm.s32 $0x0  }
.LBB2_6:
0x37: {  	p0 =	sne.s32 s8, $0x1F00;
	v3 =	vld [tilespmem:s5+$0x7D0];
	_ =	sdelay $0x3  }
.Ltmp2:
0x38: {  	(pc) =	sbr.rel @p0 .LBB2_6-.Ltmp2, $4  }
0x39: {  	v3 =	vsub.s32 v3, v0  }
0x3a: {  	vm0 =	vlt.u32 v3, $0x61A8  }
0x3b: {  	v3 =	vsel vm0, v3, v2  }
0x3c: {  	[tilespmem:s5+$0x7D0] =	vst v3;
	s5 =	sshra.s32 s8, $0x2;
	s8 =	sadd.s32 $0x40, s8  }
0x3d: {  	v3 =	vld [tilespmem:s5+$0x7D0];
	_ =	sdelay $0x4  }
0x3e: {  	v3 =	vsub.s32 v3, v0  }
0x3f: {  	vm0 =	vlt.u32 v3, $0x61A8  }
0x40: {  	v3 =	vsel vm0, v3, v2  }
0x41: {  	s9 =	simm.s32 $0x0;
	s8 =	rddreg [dreg:$0x6];
	[tilespmem:s5+$0x7D0] =	vst v3  }
0x42: {  	[tilespmem:s24], [sflag:$0x2] =	stream.linear.gather [hbm4b:s8+s9], $0x7D0, $0x38;
	[tilespmem:$0x3350] =	vst v63  }
0x43: {  	s10 =	rddreg [dreg:$0x7]  }
0x44: {  	[tilespmem:s25], [sflag:$0x2] =	stream.linear.gather [hbm4b:s10+s9], $0x7D0, $0x38;
	[tilespmem:$0x3350] =	vst v63  }
0x45: {  	_ = 	snop  }
0x46: {  	[spmem:s2] =	stream.indirect.scatter.add.f32 [tilespmem:s26], [sflag:$0x3], $0x1, s9, s22, $0xb8;
	[tilespmem:$0x3350] =	vst v63  }
0x47: {  	_ = 	snop  }
0x48: {  	[spmem:s2] =	stream.indirect.scatter.add.f32 [tilespmem:s26], [sflag:$0x4], $0x1, s22, s22, $0xb8;
	[tilespmem:$0x3350] =	vst v63  }
0x49: {  	_ =	swait.ge [sflag:s28], $0x7D0  }
0x4a: {  	[sflag:s28] =	ssyncset.done $0x0  }
0x4b: {  	[sflag:s28] =	ssyncadd.s32 $0xFFFFF830  }
0x4c: {  	_ =	swait.ge [sflag:s28], $0x7D0  }
0x4d: {  	[sflag:s28] =	ssyncset.done $0x0  }
0x4e: {  	s5 =	simm.s32 $0x0;
	s8 =	simm.s32 $0x40;
	[sflag:s28] =	ssyncadd.s32 $0xFFFFF830  }
.LBB2_8:
0x4f: {  	p0 =	sne.s32 s8, $0x1F00;
	v3 =	vld [tilespmem:s5+$0xFA0];
	_ =	sdelay $0x3  }
.Ltmp3:
0x50: {  	(pc) =	sbr.rel @p0 .LBB2_8-.Ltmp3, $4  }
0x51: {  	v3 =	vsub.s32 v3, v0  }
0x52: {  	vm0 =	vlt.u32 v3, $0x61A8  }
0x53: {  	v3 =	vsel vm0, v3, v2  }
0x54: {  	[tilespmem:s5+$0xFA0] =	vst v3;
	s5 =	sshra.s32 s8, $0x2;
	s8 =	sadd.s32 $0x40, s8  }
0x55: {  	v3 =	vld [tilespmem:s5+$0xFA0];
	_ =	sdelay $0x4  }
0x56: {  	v3 =	vsub.s32 v3, v0  }
0x57: {  	vm0 =	vlt.u32 v3, $0x61A8  }
0x58: {  	v3 =	vsel vm0, v3, v2  }
0x59: {  	s8 =	simm.s32 $0x40;
	[tilespmem:s5+$0xFA0] =	vst v3;
	s5 =	simm.s32 $0x0  }
.LBB2_10:
0x5a: {  	p0 =	sne.s32 s8, $0x1F00;
	v3 =	vld [tilespmem:s5+$0x1770];
	_ =	sdelay $0x3  }
.Ltmp4:
0x5b: {  	(pc) =	sbr.rel @p0 .LBB2_10-.Ltmp4, $4  }
0x5c: {  	v3 =	vsub.s32 v3, v0  }
0x5d: {  	vm0 =	vlt.u32 v3, $0x61A8  }
0x5e: {  	v3 =	vsel vm0, v3, v2  }
0x5f: {  	[tilespmem:s5+$0x1770] =	vst v3;
	s5 =	sshra.s32 s8, $0x2;
	s8 =	sadd.s32 $0x40, s8  }
0x60: {  	v3 =	vld [tilespmem:s5+$0x1770];
	_ =	sdelay $0x4  }
0x61: {  	v3 =	vsub.s32 v3, v0  }
0x62: {  	vm0 =	vlt.u32 v3, $0x61A8  }
0x63: {  	v3 =	vsel vm0, v3, v2  }
0x64: {  	[tilespmem:s5+$0x1770] =	vst v3  }
0x65: {  	_ =	swait.ge [sflag:s29], $0x7D0  }
0x66: {  	[sflag:s29] =	ssyncset.done $0x0  }
0x67: {  	[sflag:s29] =	ssyncadd.s32 $0xFFFFF830  }
0x68: {  	_ =	swait.ge [sflag:s30], $0x7D0  }
0x69: {  	[sflag:s30] =	ssyncset.done $0x0  }
0x6a: {  	s5 =	simm.s32 $0x0;
	[sflag:s30] =	ssyncadd.s32 $0xFFFFF830  }
0x6b: {  	[tilespmem:s5], [sflag:$0x1] =	stream.linear.gather [hbm4b:s11+s5], $0x7D0, $0x38;
	[tilespmem:$0x3350] =	vst v63  }
0x6c: {  	_ = 	snop  }
0x6d: {  	[tilespmem:s22], [sflag:$0x1] =	stream.linear.gather [hbm4b:s12+s5], $0x7D0, $0x38;
	[tilespmem:$0x3350] =	vst v63  }
0x6e: {  	_ = 	snop  }
0x6f: {  	[spmem:s2] =	stream.indirect.scatter.add.f32 [tilespmem:s26], [sflag:$0x5], $0x1, s24, s22, $0xb8;
	[tilespmem:$0x3350] =	vst v63  }
0x70: {  	_ = 	snop  }
0x71: {  	[spmem:s2] =	stream.indirect.scatter.add.f32 [tilespmem:s26], [sflag:$0x6], $0x1, s25, s22, $0xb8;
	[tilespmem:$0x3350] =	vst v63  }
.LBB2_12:
0x72: {  	_ =	swait.ge [sflag:s23], $0x7D0  }
0x73: {  	[sflag:s23] =	ssyncset.done $0x0  }
0x74: {  	[sflag:s23] =	ssyncadd.s32 $0xFFFFF830  }
0x75: {  	_ =	swait.ge [sflag:s23], $0x7D0  }
0x76: {  	[sflag:s23] =	ssyncset.done $0x0  }
0x77: {  	s8 =	simm.s32 $0x0;
	s9 =	simm.s32 $0x40;
	[sflag:s23] =	ssyncadd.s32 $0xFFFFF830  }
.LBB2_13:
0x78: {  	p0 =	sne.s32 s9, $0x1F00;
	v3 =	vld [tilespmem:s8+$0x0];
	_ =	sdelay $0x3  }
.Ltmp5:
0x79: {  	(pc) =	sbr.rel @p0 .LBB2_13-.Ltmp5, $4  }
0x7a: {  	v3 =	vsub.s32 v3, v0  }
0x7b: {  	vm0 =	vlt.u32 v3, $0x61A8  }
0x7c: {  	v3 =	vsel vm0, v3, v2  }
0x7d: {  	[tilespmem:s8+$0x0] =	vst v3;
	s8 =	sshra.s32 s9, $0x2;
	s9 =	sadd.s32 $0x40, s9  }
0x7e: {  	v3 =	vld [tilespmem:s8+$0x0];
	_ =	sdelay $0x4  }
0x7f: {  	v3 =	vsub.s32 v3, v0  }
0x80: {  	vm0 =	vlt.u32 v3, $0x61A8  }
0x81: {  	v3 =	vsel vm0, v3, v2  }
0x82: {  	s9 =	simm.s32 $0x40;
	[tilespmem:s8+$0x0] =	vst v3;
	s8 =	simm.s32 $0x0  }
.LBB2_15:
0x83: {  	p0 =	sne.s32 s9, $0x1F00;
	v3 =	vld [tilespmem:s8+$0x7D0];
	_ =	sdelay $0x3  }
.Ltmp6:
0x84: {  	(pc) =	sbr.rel @p0 .LBB2_15-.Ltmp6, $4  }
0x85: {  	v3 =	vsub.s32 v3, v0  }
0x86: {  	vm0 =	vlt.u32 v3, $0x61A8  }
0x87: {  	v3 =	vsel vm0, v3, v2  }
0x88: {  	[tilespmem:s8+$0x7D0] =	vst v3;
	s8 =	sshra.s32 s9, $0x2;
	s9 =	sadd.s32 $0x40, s9  }
0x89: {  	v3 =	vld [tilespmem:s8+$0x7D0];
	_ =	sdelay $0x4  }
0x8a: {  	v3 =	vsub.s32 v3, v0  }
0x8b: {  	vm0 =	vlt.u32 v3, $0x61A8  }
0x8c: {  	v3 =	vsel vm0, v3, v2  }
0x8d: {  	[tilespmem:s8+$0x7D0] =	vst v3  }
0x8e: {  	_ =	swait.ge [sflag:s31], $0x7D0  }
0x8f: {  	s8 =	smul.u32 $0x1F40, s5;
	[sflag:s31] =	ssyncset.done $0x0  }
0x90: {  	[sflag:s31] =	ssyncadd.s32 $0xFFFFF830  }
0x91: {  	s9 =	sadd.s32 s8, s13;
	_ =	swait.ge [sflag:s0], $0x7D0  }
0x92: {  	s9 =	sshrl.u32 s9, $0x3;
	[sflag:s0] =	ssyncset.done $0x0  }
0x93: {  	s10 =	simm.s32 $0x0;
	s9 =	sadd.s32 s4, s9;
	[sflag:s0] =	ssyncadd.s32 $0xFFFFF830  }
0x94: {  	[tilespmem:s24], [sflag:$0x2] =	stream.linear.gather [hbm4b:s9+s10], $0x7D0, $0x38;
	[tilespmem:$0x3350] =	vst v63  }
0x95: {  	s9 =	sadd.s32 $0xFA, s9  }
0x96: {  	[tilespmem:s25], [sflag:$0x2] =	stream.linear.gather [hbm4b:s9+s10], $0x7D0, $0x38;
	[tilespmem:$0x3350] =	vst v63  }
0x97: {  	_ = 	snop  }
0x98: {  	[spmem:s2] =	stream.indirect.scatter.add.f32 [tilespmem:s26], [sflag:$0x3], $0x1, s10, s22, $0xb8;
	[tilespmem:$0x3350] =	vst v63  }
0x99: {  	_ = 	snop  }
0x9a: {  	[spmem:s2] =	stream.indirect.scatter.add.f32 [tilespmem:s26], [sflag:$0x4], $0x1, s22, s22, $0xb8;
	[tilespmem:$0x3350] =	vst v63  }
0x9b: {  	_ =	swait.ge [sflag:s28], $0x7D0  }
0x9c: {  	[sflag:s28] =	ssyncset.done $0x0  }
0x9d: {  	[sflag:s28] =	ssyncadd.s32 $0xFFFFF830  }
0x9e: {  	_ =	swait.ge [sflag:s28], $0x7D0  }
0x9f: {  	[sflag:s28] =	ssyncset.done $0x0  }
0xa0: {  	s9 =	simm.s32 $0x0;
	s10 =	simm.s32 $0x40;
	[sflag:s28] =	ssyncadd.s32 $0xFFFFF830  }
.LBB2_17:
0xa1: {  	p0 =	sne.s32 s10, $0x1F00;
	v3 =	vld [tilespmem:s9+$0xFA0];
	_ =	sdelay $0x3  }
.Ltmp7:
0xa2: {  	(pc) =	sbr.rel @p0 .LBB2_17-.Ltmp7, $4  }
0xa3: {  	v3 =	vsub.s32 v3, v0  }
0xa4: {  	vm0 =	vlt.u32 v3, $0x61A8  }
0xa5: {  	v3 =	vsel vm0, v3, v2  }
0xa6: {  	[tilespmem:s9+$0xFA0] =	vst v3;
	s9 =	sshra.s32 s10, $0x2;
	s10 =	sadd.s32 $0x40, s10  }
0xa7: {  	v3 =	vld [tilespmem:s9+$0xFA0];
	_ =	sdelay $0x4  }
0xa8: {  	v3 =	vsub.s32 v3, v0  }
0xa9: {  	vm0 =	vlt.u32 v3, $0x61A8  }
0xaa: {  	v3 =	vsel vm0, v3, v2  }
0xab: {  	s10 =	simm.s32 $0x40;
	[tilespmem:s9+$0xFA0] =	vst v3;
	s9 =	simm.s32 $0x0  }
.LBB2_19:
0xac: {  	p0 =	sne.s32 s10, $0x1F00;
	v3 =	vld [tilespmem:s9+$0x1770];
	_ =	sdelay $0x3  }
.Ltmp8:
0xad: {  	(pc) =	sbr.rel @p0 .LBB2_19-.Ltmp8, $4  }
0xae: {  	v3 =	vsub.s32 v3, v0  }
0xaf: {  	vm0 =	vlt.u32 v3, $0x61A8  }
0xb0: {  	v3 =	vsel vm0, v3, v2  }
0xb1: {  	[tilespmem:s9+$0x1770] =	vst v3;
	s9 =	sshra.s32 s10, $0x2;
	s10 =	sadd.s32 $0x40, s10  }
0xb2: {  	v3 =	vld [tilespmem:s9+$0x1770];
	_ =	sdelay $0x4  }
0xb3: {  	v3 =	vsub.s32 v3, v0  }
0xb4: {  	vm0 =	vlt.u32 v3, $0x61A8  }
0xb5: {  	v3 =	vsel vm0, v3, v2  }
0xb6: {  	[tilespmem:s9+$0x1770] =	vst v3  }
0xb7: {  	_ =	swait.ge [sflag:s29], $0x7D0  }
0xb8: {  	[sflag:s29] =	ssyncset.done $0x0  }
0xb9: {  	[sflag:s29] =	ssyncadd.s32 $0xFFFFF830  }
0xba: {  	s8 =	sadd.s32 s8, s14;
	_ =	swait.ge [sflag:s30], $0x7D0  }
0xbb: {  	s8 =	sshrl.u32 s8, $0x3;
	[sflag:s30] =	ssyncset.done $0x0  }
0xbc: {  	s5 =	sadd.s32 $0x1, s5;
	s8 =	sadd.s32 s4, s8;
	[sflag:s30] =	ssyncadd.s32 $0xFFFFF830  }
0xbd: {  	[tilespmem:s3], [sflag:$0x1] =	stream.linear.gather [hbm4b:s8+s3], $0x7D0, $0x38;
	[tilespmem:$0x3350] =	vst v63  }
0xbe: {  	p0 =	sne.s32 s5, $0x4;
	s8 =	sadd.s32 $0xFA, s8  }
0xbf: {  	[tilespmem:s22], [sflag:$0x1] =	stream.linear.gather [hbm4b:s8+s3], $0x7D0, $0x38;
	[tilespmem:$0x3350] =	vst v63  }
.Ltmp9:
0xc0: {  	_ = 	snop;
	(pc) =	sbr.rel @p0 .LBB2_12-.Ltmp9, $4  }
0xc1: {  	_ = 	snop  }
0xc2: {  	[spmem:s2] =	stream.indirect.scatter.add.f32 [tilespmem:s26], [sflag:$0x5], $0x1, s24, s22, $0xb8;
	[tilespmem:$0x3350] =	vst v63  }
0xc3: {  	_ = 	snop  }
0xc4: {  	[spmem:s2] =	stream.indirect.scatter.add.f32 [tilespmem:s26], [sflag:$0x6], $0x1, s25, s22, $0xb8;
	[tilespmem:$0x3350] =	vst v63  }
0xc5: {  	_ =	swait.ge [sflag:s23], $0x7D0  }
0xc6: {  	[sflag:s23] =	ssyncset.done $0x0  }
0xc7: {  	[sflag:s23] =	ssyncadd.s32 $0xFFFFF830  }
0xc8: {  	_ =	swait.ge [sflag:s23], $0x7D0  }
0xc9: {  	[sflag:s23] =	ssyncset.done $0x0  }
0xca: {  	s5 =	simm.s32 $0x0;
	s8 =	simm.s32 $0x40;
	[sflag:s23] =	ssyncadd.s32 $0xFFFFF830  }
.LBB2_22:
0xcb: {  	p0 =	sne.s32 s8, $0x1F00;
	v3 =	vld [tilespmem:s5+$0x0];
	_ =	sdelay $0x3  }
.Ltmp10:
0xcc: {  	(pc) =	sbr.rel @p0 .LBB2_22-.Ltmp10, $4  }
0xcd: {  	v3 =	vsub.s32 v3, v0  }
0xce: {  	vm0 =	vlt.u32 v3, $0x61A8  }
0xcf: {  	v3 =	vsel vm0, v3, v2  }
0xd0: {  	[tilespmem:s5+$0x0] =	vst v3;
	s5 =	sshra.s32 s8, $0x2;
	s8 =	sadd.s32 $0x40, s8  }
0xd1: {  	v3 =	vld [tilespmem:s5+$0x0];
	_ =	sdelay $0x4  }
0xd2: {  	v3 =	vsub.s32 v3, v0  }
0xd3: {  	vm0 =	vlt.u32 v3, $0x61A8  }
0xd4: {  	v3 =	vsel vm0, v3, v2  }
0xd5: {  	s8 =	simm.s32 $0x40;
	[tilespmem:s5+$0x0] =	vst v3;
	s5 =	simm.s32 $0x0  }
.LBB2_24:
0xd6: {  	p0 =	sne.s32 s8, $0x1F00;
	v3 =	vld [tilespmem:s5+$0x7D0];
	_ =	sdelay $0x3  }
.Ltmp11:
0xd7: {  	(pc) =	sbr.rel @p0 .LBB2_24-.Ltmp11, $4  }
0xd8: {  	v3 =	vsub.s32 v3, v0  }
0xd9: {  	vm0 =	vlt.u32 v3, $0x61A8  }
0xda: {  	v3 =	vsel vm0, v3, v2  }
0xdb: {  	[tilespmem:s5+$0x7D0] =	vst v3;
	s5 =	sshra.s32 s8, $0x2;
	s8 =	sadd.s32 $0x40, s8  }
0xdc: {  	v3 =	vld [tilespmem:s5+$0x7D0];
	_ =	sdelay $0x4  }
0xdd: {  	v3 =	vsub.s32 v3, v0  }
0xde: {  	vm0 =	vlt.u32 v3, $0x61A8  }
0xdf: {  	v3 =	vsel vm0, v3, v2  }
0xe0: {  	[tilespmem:s5+$0x7D0] =	vst v3  }
0xe1: {  	_ =	swait.ge [sflag:s31], $0x7D0  }
0xe2: {  	[sflag:s31] =	ssyncset.done $0x0  }
0xe3: {  	[sflag:s31] =	ssyncadd.s32 $0xFFFFF830  }
0xe4: {  	_ =	swait.ge [sflag:s0], $0x7D0  }
0xe5: {  	[sflag:s0] =	ssyncset.done $0x0  }
0xe6: {  	s10 =	simm.s32 $0x0;
	[sflag:s0] =	ssyncadd.s32 $0xFFFFF830  }
0xe7: {  	[tilespmem:s24], [sflag:$0x2] =	stream.linear.gather [hbm4b:s15+s10], $0x7D0, $0x38;
	[tilespmem:$0x3350] =	vst v63  }
0xe8: {  	_ = 	snop  }
0xe9: {  	[tilespmem:s25], [sflag:$0x2] =	stream.linear.gather [hbm4b:s16+s10], $0x7D0, $0x38;
	[tilespmem:$0x3350] =	vst v63  }
0xea: {  	_ = 	snop  }
0xeb: {  	[spmem:s2] =	stream.indirect.scatter.add.f32 [tilespmem:s26], [sflag:$0x3], $0x1, s10, s22, $0xb8;
	[tilespmem:$0x3350] =	vst v63  }
0xec: {  	_ = 	snop  }
0xed: {  	[spmem:s2] =	stream.indirect.scatter.add.f32 [tilespmem:s26], [sflag:$0x4], $0x1, s22, s22, $0xb8;
	[tilespmem:$0x3350] =	vst v63  }
0xee: {  	_ =	swait.ge [sflag:s28], $0x7D0  }
0xef: {  	[sflag:s28] =	ssyncset.done $0x0  }
0xf0: {  	[sflag:s28] =	ssyncadd.s32 $0xFFFFF830  }
0xf1: {  	_ =	swait.ge [sflag:s28], $0x7D0  }
0xf2: {  	[sflag:s28] =	ssyncset.done $0x0  }
0xf3: {  	s8 =	simm.s32 $0x40;
	s5 =	simm.s32 $0x0;
	[sflag:s28] =	ssyncadd.s32 $0xFFFFF830  }
.LBB2_26:
0xf4: {  	p0 =	sne.s32 s8, $0x1F00;
	v3 =	vld [tilespmem:s5+$0xFA0];
	_ =	sdelay $0x3  }
.Ltmp12:
0xf5: {  	(pc) =	sbr.rel @p0 .LBB2_26-.Ltmp12, $4  }
0xf6: {  	v3 =	vsub.s32 v3, v0  }
0xf7: {  	vm0 =	vlt.u32 v3, $0x61A8  }
0xf8: {  	v3 =	vsel vm0, v3, v2  }
0xf9: {  	[tilespmem:s5+$0xFA0] =	vst v3;
	s5 =	sshra.s32 s8, $0x2;
	s8 =	sadd.s32 $0x40, s8  }
0xfa: {  	v3 =	vld [tilespmem:s5+$0xFA0];
	_ =	sdelay $0x4  }
0xfb: {  	v3 =	vsub.s32 v3, v0  }
0xfc: {  	vm0 =	vlt.u32 v3, $0x61A8  }
0xfd: {  	v3 =	vsel vm0, v3, v2  }
0xfe: {  	s8 =	simm.s32 $0x40;
	[tilespmem:s5+$0xFA0] =	vst v3;
	s5 =	simm.s32 $0x0  }
.LBB2_28:
0xff: {  	p0 =	sne.s32 s8, $0x1F00;
	v3 =	vld [tilespmem:s5+$0x1770];
	_ =	sdelay $0x3  }
.Ltmp13:
0x100: {  	(pc) =	sbr.rel @p0 .LBB2_28-.Ltmp13, $4  }
0x101: {  	v3 =	vsub.s32 v3, v0  }
0x102: {  	vm0 =	vlt.u32 v3, $0x61A8  }
0x103: {  	v3 =	vsel vm0, v3, v2  }
0x104: {  	[tilespmem:s5+$0x1770] =	vst v3;
	s5 =	sshra.s32 s8, $0x2;
	s8 =	sadd.s32 $0x40, s8  }
0x105: {  	v3 =	vld [tilespmem:s5+$0x1770];
	_ =	sdelay $0x4  }
0x106: {  	v3 =	vsub.s32 v3, v0  }
0x107: {  	vm0 =	vlt.u32 v3, $0x61A8  }
0x108: {  	v3 =	vsel vm0, v3, v2  }
0x109: {  	[tilespmem:s5+$0x1770] =	vst v3  }
0x10a: {  	_ =	swait.ge [sflag:s29], $0x7D0  }
0x10b: {  	[sflag:s29] =	ssyncset.done $0x0  }
0x10c: {  	[sflag:s29] =	ssyncadd.s32 $0xFFFFF830  }
0x10d: {  	_ =	swait.ge [sflag:s30], $0x7D0  }
0x10e: {  	[sflag:s30] =	ssyncset.done $0x0  }
0x10f: {  	[sflag:s30] =	ssyncadd.s32 $0xFFFFF830  }
0x110: {  	[spmem:s2] =	stream.indirect.scatter.add.f32 [tilespmem:s26], [sflag:$0x5], $0x1, s24, s22, $0xb8;
	[tilespmem:$0x3350] =	vst v63  }
0x111: {  	_ = 	snop  }
0x112: {  	[spmem:s2] =	stream.indirect.scatter.add.f32 [tilespmem:s26], [sflag:$0x6], $0x1, s25, s22, $0xb8;
	[tilespmem:$0x3350] =	vst v63  }
0x113: {  	_ =	swait.ge [sflag:s31], $0x7D0  }
0x114: {  	[sflag:s31] =	ssyncset.done $0x0  }
0x115: {  	[sflag:s31] =	ssyncadd.s32 $0xFFFFF830  }
0x116: {  	_ =	swait.ge [sflag:s0], $0x7D0  }
0x117: {  	[sflag:s0] =	ssyncset.done $0x0  }
0x118: {  	s10 =	simm.s32 $0x0;
	[sflag:s0] =	ssyncadd.s32 $0xFFFFF830  }
0x119: {  	[tilespmem:s24], [sflag:$0x7] =	stream.linear.gather [hbm4b:s17+s10], $0x7D0, $0x38;
	[tilespmem:$0x3350] =	vst v63  }
0x11a: {  	_ =	swait.ge [sflag:s21], $0x7D0  }
0x11b: {  	[sflag:s21] =	ssyncset.done $0x0  }
0x11c: {  	s8 =	simm.s32 $0x40;
	s5 =	simm.s32 $0x0;
	[sflag:s21] =	ssyncadd.s32 $0xFFFFF830  }
.LBB2_30:
0x11d: {  	p0 =	sne.s32 s8, $0x1F00;
	v3 =	vld [tilespmem:s5+$0xFA0];
	_ =	sdelay $0x3  }
.Ltmp14:
0x11e: {  	(pc) =	sbr.rel @p0 .LBB2_30-.Ltmp14, $4  }
0x11f: {  	v3 =	vsub.s32 v3, v0  }
0x120: {  	vm0 =	vlt.u32 v3, $0x61A8  }
0x121: {  	v3 =	vsel vm0, v3, v2  }
0x122: {  	[tilespmem:s5+$0xFA0] =	vst v3;
	s5 =	sshra.s32 s8, $0x2;
	s8 =	sadd.s32 $0x40, s8  }
0x123: {  	v3 =	vld [tilespmem:s5+$0xFA0];
	_ =	sdelay $0x4  }
0x124: {  	v3 =	vsub.s32 v3, v0  }
0x125: {  	vm0 =	vlt.u32 v3, $0x61A8  }
0x126: {  	v3 =	vsel vm0, v3, v2  }
0x127: {  	[tilespmem:s5+$0xFA0] =	vst v3  }
0x128: {  	[spmem:s2] =	stream.indirect.scatter.add.f32 [tilespmem:s26], [sflag:$0x7], $0x1, s24, s22, $0xb8;
	[tilespmem:$0x3350] =	vst v63  }
0x129: {  	_ =	swait.ge [sflag:s21], $0x7D0  }
0x12a: {  	[sflag:s21] =	ssyncset.done $0x0  }
0x12b: {  	[sflag:s21] =	ssyncadd.s32 $0xFFFFF830  }
0x12c: {  	[bflag:$0x0] =	sbarrier.arrive $0xFFFF  }
0x12d: {  	[tilespmem:s20], [sflag:$0x7] =	stream.linear.gather [spmem:s7], $0x620, $0x38;
	[tilespmem:$0x3350] =	vst v63  }
0x12e: {  	s1 =	sadd.s32 $0x1, s1;
	_ =	swait.ge [sflag:s21], $0x620  }
0x12f: {  	p0 =	sne.s32 s1, s19;
	[sflag:s21] =	ssyncset.done $0x0  }
.Ltmp15:
0x130: {  	[sflag:s21] =	ssyncadd.s32 $0xFFFFF9E0;
	(pc) =	sbr.rel @p0 .LBB2_1-.Ltmp15, $4  }
0x131: {  	[hbm4b:s18+s3] =	stream.linear.scatter [tilespmem:s20], [sflag:$0x7], $0x620, $0x38;
	[tilespmem:$0x3350] =	vst v63  }
0x132: {  	_ =	swait.ge [sflag:s21], $0x620  }
0x133: {  	[sflag:s21] =	ssyncset.done $0x0  }
0x134: {  	[sflag:s21] =	ssyncadd.s32 $0xFFFFF9E0  }
0x135: {  	_ =	sfence.sel $0x180000  }
0x136: {  	[bflag:$0x0] =	sbarrier.arrive $0xFFFF  }
0x137: {  	_ =	strace $0x90000047  }
0x138: {  	s0 =	stileid.u32;
	[bflag:$0x2] =	sbarrier.arrive $0xFFFF  }
0x139: {  	p0 =	sne.s32 s0, $0x0;
	s0 =	rddreg [dreg:$0x3]  }
0x13a: {  	s0 =	sadd.s32 @!p0 $0x100000, s0  }
0x13b: {  	[sflag:s0] =	ssyncadd.tile.s32 @!p0 $0x1;
	_ =	shalt  }
.Lfunc_end2:
_tile_overlayer_lowered:
.L_overlay_start_2:
0x13c: {  	(tag) =	ssettag $0x2  }
0x13d: {  	s0 =	rddreg [dreg:$0x0];
	s2 =	stileid.u32  }
0x13e: {  	s1 =	rddreg [dreg:$0x1];
	p0 =	sne.s32 s2, $0x0  }
0x13f: {  	s3 =	rddreg [dreg:$0x2];
	[bflag:$0x3] =	sbarrier.arrive $0xFFFF;
	s2 =	simm.s32 @!p0 $0x1C07  }
0x140: {  	[timem:s3], [sflag:s2] =	dma.local @!p0 [hbm:s0], s1  }
0x141: {  	s0 =	simm.s32 @!p0 $0x7  }
0x142: {  	_ =	swait.ge @!p0 [sflag:s0], s1  }
0x143: {  	s1 =	ssub.s32 @!p0 $0x0, s1;
	[sflag:s0] =	ssyncset.done @!p0 $0x0  }
0x144: {  	[sflag:s0] =	ssyncadd.s32 @!p0 s1  }
0x145: {  	[bflag:$0x3] =	sbarrier.arrive $0xFFFF  }
0x146: {  	_ =	shalt  }

</sc_bundles>
